<compile_context>
chip_gen: v7x
topology: tpu7x:2x2x1
jax: 0.10.2.dev20260603
libtpu: 0.0.44.dev20260713+nightly
codegen_flags: <defaults>
</compile_context>

<pallas_src>
import functools

import jax
import jax.numpy as jnp
from jax import lax
from jax.experimental import pallas as pl
from jax.experimental.pallas import tpu as pltpu
from jax.experimental.pallas import tpu_sc as plsc


@functools.lru_cache(maxsize=None)
def _build(B, D, V_u, V_i):
    info = plsc.get_sparse_core_info()
    NC, NS, L = info.num_cores, info.num_subcores, info.num_lanes
    NW = NC * NS
    BPW = B // NW
    assert V_u == V_i

    mesh = plsc.VectorSubcoreMesh(core_axis_name="c", subcore_axis_name="s")

    @functools.partial(
        pl.kernel,
        mesh=mesh,
        compiler_params=pltpu.CompilerParams(needs_layout_passes=False),
        out_type=(
            jax.ShapeDtypeStruct((B,), jnp.float32),
            jax.ShapeDtypeStruct((B,), jnp.float32),
        ),
        scratch_types=[
            pltpu.VMEM((BPW,), jnp.int32),
            pltpu.VMEM((BPW,), jnp.int32),
            pltpu.VMEM((BPW,), jnp.int32),
            pltpu.VMEM((8, D, 128), jnp.float32),
            pltpu.VMEM((8, D, 128), jnp.float32),
            pltpu.VMEM((8, D, 128), jnp.float32),
            pltpu.VMEM((BPW,), jnp.float32),
            pltpu.VMEM((BPW,), jnp.float32),
        ] + [pltpu.SemaphoreType.DMA] * 8,
    )
    def bpr(u_hbm, i_hbm, j_hbm, ut_hbm, it_hbm, pos_hbm, neg_hbm,
            uv, iv, jv, uwin, iwin, jwin, posv, negv,
            *sems):
        wid = lax.axis_index("s") * NC + lax.axis_index("c")
        base = wid * BPW
        sl = pl.ds(base, BPW)
        pltpu.sync_copy(u_hbm.at[sl], uv)
        pltpu.sync_copy(i_hbm.at[sl], iv)
        pltpu.sync_copy(j_hbm.at[sl], jv)

        NBUF = 8
        lanes = lax.iota(jnp.int32, L)
        lane0 = lanes == 0
        dreg = lax.iota(jnp.int32, D)

        def win(r):
            return pl.multiple_of((r >> 7) * 128, 128)

        def fire(ru, ri, rj, b):
            sem = sems[b]
            pltpu.async_copy(
                ut_hbm.at[:, pl.ds(win(ru), 128)], uwin.at[b], sem)
            pltpu.async_copy(
                it_hbm.at[:, pl.ds(win(ri), 128)], iwin.at[b], sem)
            pltpu.async_copy(
                it_hbm.at[:, pl.ds(win(rj), 128)], jwin.at[b], sem)

        def wait(b):
            sem = sems[b]
            pltpu.make_async_copy(
                ut_hbm.at[:, pl.ds(0, 128)], uwin.at[b], sem).wait()
            pltpu.make_async_copy(
                it_hbm.at[:, pl.ds(0, 128)], iwin.at[b], sem).wait()
            pltpu.make_async_copy(
                it_hbm.at[:, pl.ds(0, 128)], jwin.at[b], sem).wait()

        def compute(e, ru, ri, rj, b):
            urow = plsc.load_gather(
                uwin.at[b], [dreg, jnp.full((L,), ru & 127, jnp.int32)])
            irow = plsc.load_gather(
                iwin.at[b], [dreg, jnp.full((L,), ri & 127, jnp.int32)])
            jrow = plsc.load_gather(
                jwin.at[b], [dreg, jnp.full((L,), rj & 127, jnp.int32)])
            pos_e = jnp.sum(urow * irow)
            neg_e = jnp.sum(urow * jrow)
            ev = jnp.full((L,), e, jnp.int32)
            plsc.store_scatter(posv, [ev], jnp.full((L,), pos_e), mask=lane0)
            plsc.store_scatter(negv, [ev], jnp.full((L,), neg_e), mask=lane0)

        def block(k, carry):
            s = pl.ds(k * L, L)
            su = uv[s]
            si = iv[s]
            sj = jv[s]
            ru = [su[t] for t in range(L)]
            ri = [si[t] for t in range(L)]
            rj = [sj[t] for t in range(L)]
            for t in range(NBUF - 1):
                fire(ru[t], ri[t], rj[t], t)
            for t in range(L):
                if t + NBUF - 1 < L:
                    fire(ru[t + NBUF - 1], ri[t + NBUF - 1],
                         rj[t + NBUF - 1], (t + NBUF - 1) % NBUF)
                wait(t % NBUF)
                compute(k * L + t, ru[t], ri[t], rj[t], t % NBUF)
            return carry

        lax.fori_loop(0, BPW // L, block, 0)

        pltpu.sync_copy(posv, pos_hbm.at[sl])
        pltpu.sync_copy(negv, neg_hbm.at[sl])

    def run(u, i, j, user_table, item_table):
        return bpr(u, i, j, user_table.T, item_table.T)

    return run


def kernel(u, i, j, user_table, item_table):
    B = u.shape[0]
    D = user_table.shape[1]
    run = _build(B, D, user_table.shape[0], item_table.shape[0])
    return run(u, i, j, user_table, item_table)

# --- scband reference (transcript-rebuilt; emitter-appended) ---
"""Pipeline reference for scband-fast-bpr-24885040513087 (READ-ONLY COPY).

The authoritative reference and input builder live on the scoring server;
editing this copy changes nothing except your own understanding.
"""

import jax, jax.numpy as jnp
import numpy as np

NUM_USERS = 1000000
NUM_ITEMS = 1000000
DIM = 16
BATCH = 16384

def setup_inputs(seed: int = 0) -> dict:
    key = jax.random.key(seed)
    k1, k2, k3, k4, k5 = jax.random.split(key, 5)
    u = jax.random.randint(k1, (BATCH,), 0, NUM_USERS, dtype=jnp.int64 if jax.config.jax_enable_x64 else jnp.int32).astype(jnp.int32)
    i = jax.random.randint(k2, (BATCH,), 0, NUM_ITEMS).astype(jnp.int32)
    j = jax.random.randint(k3, (BATCH,), 0, NUM_ITEMS).astype(jnp.int32)
    user_table = jax.random.normal(k4, (NUM_USERS, DIM), dtype=jnp.float32) * 0.1
    item_table = jax.random.normal(k5, (NUM_ITEMS, DIM), dtype=jnp.float32) * 0.1
    return {"u": u, "i": i, "j": j, "user_table": user_table, "item_table": item_table}

def reference(u, i, j, user_table, item_table):
    u_emb = jnp.take(user_table, u, axis=0)
    i_emb = jnp.take(item_table, i, axis=0)
    j_emb = jnp.take(item_table, j, axis=0)
    pos_score = jnp.sum(u_emb * i_emb, axis=1)
    neg_score = jnp.sum(u_emb * j_emb, axis=1)
    return (pos_score, neg_score)

if __name__ == "__main__":
    import jax
    _d = setup_inputs()
    print(jax.jit(kernel)(*tuple(_d.values())))

</pallas_src>

<mosaic_0001>
#map = affine_map<(d0, d1) -> (0)>
#map1 = affine_map<(d0, d1) -> (0, 0)>
module attributes {stable_mosaic.version = 14 : i64} {
  func.func @bpr(%arg0: i32, %arg1: i32, %arg2: memref<16384xi32, #tpu.memory_space<hbm>>, %arg3: memref<16384xi32, #tpu.memory_space<hbm>>, %arg4: memref<16384xi32, #tpu.memory_space<hbm>>, %arg5: memref<16x1000000xf32, #tpu.memory_space<hbm>>, %arg6: memref<16x1000000xf32, #tpu.memory_space<hbm>>, %arg7: memref<16384xf32, #tpu.memory_space<hbm>>, %arg8: memref<16384xf32, #tpu.memory_space<hbm>>, %arg9: memref<512xi32, #tpu.memory_space<vmem>>, %arg10: memref<512xi32, #tpu.memory_space<vmem>>, %arg11: memref<512xi32, #tpu.memory_space<vmem>>, %arg12: memref<8x16x128xf32, #tpu.memory_space<vmem>>, %arg13: memref<8x16x128xf32, #tpu.memory_space<vmem>>, %arg14: memref<8x16x128xf32, #tpu.memory_space<vmem>>, %arg15: memref<512xf32, #tpu.memory_space<vmem>>, %arg16: memref<512xf32, #tpu.memory_space<vmem>>, %arg17: memref<!tpu.dma_semaphore, #tpu.memory_space<semaphore_mem>>, %arg18: memref<!tpu.dma_semaphore, #tpu.memory_space<semaphore_mem>>, %arg19: memref<!tpu.dma_semaphore, #tpu.memory_space<semaphore_mem>>, %arg20: memref<!tpu.dma_semaphore, #tpu.memory_space<semaphore_mem>>, %arg21: memref<!tpu.dma_semaphore, #tpu.memory_space<semaphore_mem>>, %arg22: memref<!tpu.dma_semaphore, #tpu.memory_space<semaphore_mem>>, %arg23: memref<!tpu.dma_semaphore, #tpu.memory_space<semaphore_mem>>, %arg24: memref<!tpu.dma_semaphore, #tpu.memory_space<semaphore_mem>>) attributes {dimension_semantics = [#tpu.dimension_semantics<core_parallel>, #tpu.dimension_semantics<subcore_parallel>], iteration_bounds = array<i64: 2, 16>, scalar_prefetch = 0 : i64, scratch_operands = 16 : i64, tpu.core_type = #tpu.core_type<sc_vector_subcore>, window_params = [{transform_indices = #map}, {transform_indices = #map}, {transform_indices = #map}, {transform_indices = #map1}, {transform_indices = #map1}, {transform_indices = #map}, {transform_indices = #map}]} {
    %mul3A = arith.constant 2 : i32
    %mul3A_0 = arith.muli %arg1, %mul3A : i32
    %add3A = arith.addi %mul3A_0, %arg0 : i32
    %mul3A_1 = arith.constant 512 : i32
    %mul3A_2 = arith.muli %add3A, %mul3A_1 : i32
    "tpu.region"() ({
      %run_scoped3A = tpu.sem_alloc : memref<!tpu.dma_semaphore, #tpu.memory_space<semaphore_mem>>
      %dma_start3A = tpu.memref_slice %arg2[%mul3A_2] : memref<16384xi32, #tpu.memory_space<hbm>> -> memref<512xi32, #tpu.memory_space<hbm>>
      %dma_start3A_11 = tpu.memref_slice %arg2[%mul3A_2] : memref<16384xi32, #tpu.memory_space<hbm>> -> memref<512xi32, #tpu.memory_space<hbm>>
      tpu.enqueue_dma source(%dma_start3A_11 : memref<512xi32, #tpu.memory_space<hbm>>) target(%arg9 : memref<512xi32, #tpu.memory_space<vmem>>) target_semaphore(%run_scoped3A : memref<!tpu.dma_semaphore, #tpu.memory_space<semaphore_mem>>)
      %dma_wait3A = tpu.memref_slice %arg2[%mul3A_2] : memref<16384xi32, #tpu.memory_space<hbm>> -> memref<512xi32, #tpu.memory_space<hbm>>
      %dma_wait3A_12 = tpu.memref_slice %arg2[%mul3A_2] : memref<16384xi32, #tpu.memory_space<hbm>> -> memref<512xi32, #tpu.memory_space<hbm>>
      tpu.wait_dma2 semaphore(%run_scoped3A : memref<!tpu.dma_semaphore, #tpu.memory_space<semaphore_mem>>) src(%dma_wait3A_12 : memref<512xi32, #tpu.memory_space<hbm>>) dst(%arg9 : memref<512xi32, #tpu.memory_space<vmem>>)
      tpu.yield
    }) : () -> ()
    "tpu.region"() ({
      %run_scoped3A = tpu.sem_alloc : memref<!tpu.dma_semaphore, #tpu.memory_space<semaphore_mem>>
      %dma_start3A = tpu.memref_slice %arg3[%mul3A_2] : memref<16384xi32, #tpu.memory_space<hbm>> -> memref<512xi32, #tpu.memory_space<hbm>>
      %dma_start3A_11 = tpu.memref_slice %arg3[%mul3A_2] : memref<16384xi32, #tpu.memory_space<hbm>> -> memref<512xi32, #tpu.memory_space<hbm>>
      tpu.enqueue_dma source(%dma_start3A_11 : memref<512xi32, #tpu.memory_space<hbm>>) target(%arg10 : memref<512xi32, #tpu.memory_space<vmem>>) target_semaphore(%run_scoped3A : memref<!tpu.dma_semaphore, #tpu.memory_space<semaphore_mem>>)
      %dma_wait3A = tpu.memref_slice %arg3[%mul3A_2] : memref<16384xi32, #tpu.memory_space<hbm>> -> memref<512xi32, #tpu.memory_space<hbm>>
      %dma_wait3A_12 = tpu.memref_slice %arg3[%mul3A_2] : memref<16384xi32, #tpu.memory_space<hbm>> -> memref<512xi32, #tpu.memory_space<hbm>>
      tpu.wait_dma2 semaphore(%run_scoped3A : memref<!tpu.dma_semaphore, #tpu.memory_space<semaphore_mem>>) src(%dma_wait3A_12 : memref<512xi32, #tpu.memory_space<hbm>>) dst(%arg10 : memref<512xi32, #tpu.memory_space<vmem>>)
      tpu.yield
    }) : () -> ()
    "tpu.region"() ({
      %run_scoped3A = tpu.sem_alloc : memref<!tpu.dma_semaphore, #tpu.memory_space<semaphore_mem>>
      %dma_start3A = tpu.memref_slice %arg4[%mul3A_2] : memref<16384xi32, #tpu.memory_space<hbm>> -> memref<512xi32, #tpu.memory_space<hbm>>
      %dma_start3A_11 = tpu.memref_slice %arg4[%mul3A_2] : memref<16384xi32, #tpu.memory_space<hbm>> -> memref<512xi32, #tpu.memory_space<hbm>>
      tpu.enqueue_dma source(%dma_start3A_11 : memref<512xi32, #tpu.memory_space<hbm>>) target(%arg11 : memref<512xi32, #tpu.memory_space<vmem>>) target_semaphore(%run_scoped3A : memref<!tpu.dma_semaphore, #tpu.memory_space<semaphore_mem>>)
      %dma_wait3A = tpu.memref_slice %arg4[%mul3A_2] : memref<16384xi32, #tpu.memory_space<hbm>> -> memref<512xi32, #tpu.memory_space<hbm>>
      %dma_wait3A_12 = tpu.memref_slice %arg4[%mul3A_2] : memref<16384xi32, #tpu.memory_space<hbm>> -> memref<512xi32, #tpu.memory_space<hbm>>
      tpu.wait_dma2 semaphore(%run_scoped3A : memref<!tpu.dma_semaphore, #tpu.memory_space<semaphore_mem>>) src(%dma_wait3A_12 : memref<512xi32, #tpu.memory_space<hbm>>) dst(%arg11 : memref<512xi32, #tpu.memory_space<vmem>>)
      tpu.yield
    }) : () -> ()
    %iota3A = tpu.iota {dimensions = array<i32: 0>} : vector<16xi32>
    %eq3A = arith.constant 0 : i32
    %eq3A_3 = vector.broadcast %eq3A : i32 to vector<16xi32>
    %eq3A_4 = arith.cmpi eq, %iota3A, %eq3A_3 : vector<16xi32>
    %iota3A_5 = tpu.iota {dimensions = array<i32: 0>} : vector<16xi32>
    %scan3A = arith.constant 0 : i32
    %scan3A_6 = arith.constant 0 : i32
    %scan3A_7 = arith.constant 32 : i32
    %scan3A_8 = arith.addi %scan3A_6, %scan3A_7 : i32
    %scan3A_9 = arith.constant 1 : i32
    scf.for %scan3A_11 = %scan3A_6 to %scan3A_8 step %scan3A_9  : i32 {
      %mul3A_12 = arith.constant 16 : i32
      %mul3A_13 = arith.muli %scan3A_11, %mul3A_12 : i32
      %get3A = arith.index_cast %mul3A_13 : i32 to index
      %get3A_14 = tpu.vector_load %arg9[%get3A] {strides = array<i32>} : memref<512xi32, #tpu.memory_space<vmem>>, vector<16xi32>,
      %get3A_15 = arith.index_cast %mul3A_13 : i32 to index
      %get3A_16 = tpu.vector_load %arg10[%get3A_15] {strides = array<i32>} : memref<512xi32, #tpu.memory_space<vmem>>, vector<16xi32>,
      %get3A_17 = arith.index_cast %mul3A_13 : i32 to index
      %get3A_18 = tpu.vector_load %arg11[%get3A_17] {strides = array<i32>} : memref<512xi32, #tpu.memory_space<vmem>>, vector<16xi32>,
      %slice3A = vector.extract_strided_slice %get3A_14 {offsets = [0], sizes = [1], strides = [1]} : vector<16xi32> to vector<1xi32>
      %squeeze3A = vector.extract %slice3A[0] : i32 from vector<1xi32>
      %slice3A_19 = vector.extract_strided_slice %get3A_14 {offsets = [1], sizes = [1], strides = [1]} : vector<16xi32> to vector<1xi32>
      %squeeze3A_20 = vector.extract %slice3A_19[0] : i32 from vector<1xi32>
      %slice3A_21 = vector.extract_strided_slice %get3A_14 {offsets = [2], sizes = [1], strides = [1]} : vector<16xi32> to vector<1xi32>
      %squeeze3A_22 = vector.extract %slice3A_21[0] : i32 from vector<1xi32>
      %slice3A_23 = vector.extract_strided_slice %get3A_14 {offsets = [3], sizes = [1], strides = [1]} : vector<16xi32> to vector<1xi32>
      %squeeze3A_24 = vector.extract %slice3A_23[0] : i32 from vector<1xi32>
      %slice3A_25 = vector.extract_strided_slice %get3A_14 {offsets = [4], sizes = [1], strides = [1]} : vector<16xi32> to vector<1xi32>
      %squeeze3A_26 = vector.extract %slice3A_25[0] : i32 from vector<1xi32>
      %slice3A_27 = vector.extract_strided_slice %get3A_14 {offsets = [5], sizes = [1], strides = [1]} : vector<16xi32> to vector<1xi32>
      %squeeze3A_28 = vector.extract %slice3A_27[0] : i32 from vector<1xi32>
      %slice3A_29 = vector.extract_strided_slice %get3A_14 {offsets = [6], sizes = [1], strides = [1]} : vector<16xi32> to vector<1xi32>
      %squeeze3A_30 = vector.extract %slice3A_29[0] : i32 from vector<1xi32>
      %slice3A_31 = vector.extract_strided_slice %get3A_14 {offsets = [7], sizes = [1], strides = [1]} : vector<16xi32> to vector<1xi32>
      %squeeze3A_32 = vector.extract %slice3A_31[0] : i32 from vector<1xi32>
      %slice3A_33 = vector.extract_strided_slice %get3A_14 {offsets = [8], sizes = [1], strides = [1]} : vector<16xi32> to vector<1xi32>
      %squeeze3A_34 = vector.extract %slice3A_33[0] : i32 from vector<1xi32>
      %slice3A_35 = vector.extract_strided_slice %get3A_14 {offsets = [9], sizes = [1], strides = [1]} : vector<16xi32> to vector<1xi32>
      %squeeze3A_36 = vector.extract %slice3A_35[0] : i32 from vector<1xi32>
      %slice3A_37 = vector.extract_strided_slice %get3A_14 {offsets = [10], sizes = [1], strides = [1]} : vector<16xi32> to vector<1xi32>
      %squeeze3A_38 = vector.extract %slice3A_37[0] : i32 from vector<1xi32>
      %slice3A_39 = vector.extract_strided_slice %get3A_14 {offsets = [11], sizes = [1], strides = [1]} : vector<16xi32> to vector<1xi32>
      %squeeze3A_40 = vector.extract %slice3A_39[0] : i32 from vector<1xi32>
      %slice3A_41 = vector.extract_strided_slice %get3A_14 {offsets = [12], sizes = [1], strides = [1]} : vector<16xi32> to vector<1xi32>
      %squeeze3A_42 = vector.extract %slice3A_41[0] : i32 from vector<1xi32>
      %slice3A_43 = vector.extract_strided_slice %get3A_14 {offsets = [13], sizes = [1], strides = [1]} : vector<16xi32> to vector<1xi32>
      %squeeze3A_44 = vector.extract %slice3A_43[0] : i32 from vector<1xi32>
      %slice3A_45 = vector.extract_strided_slice %get3A_14 {offsets = [14], sizes = [1], strides = [1]} : vector<16xi32> to vector<1xi32>
      %squeeze3A_46 = vector.extract %slice3A_45[0] : i32 from vector<1xi32>
      %slice3A_47 = vector.extract_strided_slice %get3A_14 {offsets = [15], sizes = [1], strides = [1]} : vector<16xi32> to vector<1xi32>
      %squeeze3A_48 = vector.extract %slice3A_47[0] : i32 from vector<1xi32>
      %slice3A_49 = vector.extract_strided_slice %get3A_16 {offsets = [0], sizes = [1], strides = [1]} : vector<16xi32> to vector<1xi32>
      %squeeze3A_50 = vector.extract %slice3A_49[0] : i32 from vector<1xi32>
      %slice3A_51 = vector.extract_strided_slice %get3A_16 {offsets = [1], sizes = [1], strides = [1]} : vector<16xi32> to vector<1xi32>
      %squeeze3A_52 = vector.extract %slice3A_51[0] : i32 from vector<1xi32>
      %slice3A_53 = vector.extract_strided_slice %get3A_16 {offsets = [2], sizes = [1], strides = [1]} : vector<16xi32> to vector<1xi32>
      %squeeze3A_54 = vector.extract %slice3A_53[0] : i32 from vector<1xi32>
      %slice3A_55 = vector.extract_strided_slice %get3A_16 {offsets = [3], sizes = [1], strides = [1]} : vector<16xi32> to vector<1xi32>
      %squeeze3A_56 = vector.extract %slice3A_55[0] : i32 from vector<1xi32>
      %slice3A_57 = vector.extract_strided_slice %get3A_16 {offsets = [4], sizes = [1], strides = [1]} : vector<16xi32> to vector<1xi32>
      %squeeze3A_58 = vector.extract %slice3A_57[0] : i32 from vector<1xi32>
      %slice3A_59 = vector.extract_strided_slice %get3A_16 {offsets = [5], sizes = [1], strides = [1]} : vector<16xi32> to vector<1xi32>
      %squeeze3A_60 = vector.extract %slice3A_59[0] : i32 from vector<1xi32>
      %slice3A_61 = vector.extract_strided_slice %get3A_16 {offsets = [6], sizes = [1], strides = [1]} : vector<16xi32> to vector<1xi32>
      %squeeze3A_62 = vector.extract %slice3A_61[0] : i32 from vector<1xi32>
      %slice3A_63 = vector.extract_strided_slice %get3A_16 {offsets = [7], sizes = [1], strides = [1]} : vector<16xi32> to vector<1xi32>
      %squeeze3A_64 = vector.extract %slice3A_63[0] : i32 from vector<1xi32>
      %slice3A_65 = vector.extract_strided_slice %get3A_16 {offsets = [8], sizes = [1], strides = [1]} : vector<16xi32> to vector<1xi32>
      %squeeze3A_66 = vector.extract %slice3A_65[0] : i32 from vector<1xi32>
      %slice3A_67 = vector.extract_strided_slice %get3A_16 {offsets = [9], sizes = [1], strides = [1]} : vector<16xi32> to vector<1xi32>
      %squeeze3A_68 = vector.extract %slice3A_67[0] : i32 from vector<1xi32>
      %slice3A_69 = vector.extract_strided_slice %get3A_16 {offsets = [10], sizes = [1], strides = [1]} : vector<16xi32> to vector<1xi32>
      %squeeze3A_70 = vector.extract %slice3A_69[0] : i32 from vector<1xi32>
      %slice3A_71 = vector.extract_strided_slice %get3A_16 {offsets = [11], sizes = [1], strides = [1]} : vector<16xi32> to vector<1xi32>
      %squeeze3A_72 = vector.extract %slice3A_71[0] : i32 from vector<1xi32>
      %slice3A_73 = vector.extract_strided_slice %get3A_16 {offsets = [12], sizes = [1], strides = [1]} : vector<16xi32> to vector<1xi32>
      %squeeze3A_74 = vector.extract %slice3A_73[0] : i32 from vector<1xi32>
      %slice3A_75 = vector.extract_strided_slice %get3A_16 {offsets = [13], sizes = [1], strides = [1]} : vector<16xi32> to vector<1xi32>
      %squeeze3A_76 = vector.extract %slice3A_75[0] : i32 from vector<1xi32>
      %slice3A_77 = vector.extract_strided_slice %get3A_16 {offsets = [14], sizes = [1], strides = [1]} : vector<16xi32> to vector<1xi32>
      %squeeze3A_78 = vector.extract %slice3A_77[0] : i32 from vector<1xi32>
      %slice3A_79 = vector.extract_strided_slice %get3A_16 {offsets = [15], sizes = [1], strides = [1]} : vector<16xi32> to vector<1xi32>
      %squeeze3A_80 = vector.extract %slice3A_79[0] : i32 from vector<1xi32>
      %slice3A_81 = vector.extract_strided_slice %get3A_18 {offsets = [0], sizes = [1], strides = [1]} : vector<16xi32> to vector<1xi32>
      %squeeze3A_82 = vector.extract %slice3A_81[0] : i32 from vector<1xi32>
      %slice3A_83 = vector.extract_strided_slice %get3A_18 {offsets = [1], sizes = [1], strides = [1]} : vector<16xi32> to vector<1xi32>
      %squeeze3A_84 = vector.extract %slice3A_83[0] : i32 from vector<1xi32>
      %slice3A_85 = vector.extract_strided_slice %get3A_18 {offsets = [2], sizes = [1], strides = [1]} : vector<16xi32> to vector<1xi32>
      %squeeze3A_86 = vector.extract %slice3A_85[0] : i32 from vector<1xi32>
      %slice3A_87 = vector.extract_strided_slice %get3A_18 {offsets = [3], sizes = [1], strides = [1]} : vector<16xi32> to vector<1xi32>
      %squeeze3A_88 = vector.extract %slice3A_87[0] : i32 from vector<1xi32>
      %slice3A_89 = vector.extract_strided_slice %get3A_18 {offsets = [4], sizes = [1], strides = [1]} : vector<16xi32> to vector<1xi32>
      %squeeze3A_90 = vector.extract %slice3A_89[0] : i32 from vector<1xi32>
      %slice3A_91 = vector.extract_strided_slice %get3A_18 {offsets = [5], sizes = [1], strides = [1]} : vector<16xi32> to vector<1xi32>
      %squeeze3A_92 = vector.extract %slice3A_91[0] : i32 from vector<1xi32>
      %slice3A_93 = vector.extract_strided_slice %get3A_18 {offsets = [6], sizes = [1], strides = [1]} : vector<16xi32> to vector<1xi32>
      %squeeze3A_94 = vector.extract %slice3A_93[0] : i32 from vector<1xi32>
      %slice3A_95 = vector.extract_strided_slice %get3A_18 {offsets = [7], sizes = [1], strides = [1]} : vector<16xi32> to vector<1xi32>
      %squeeze3A_96 = vector.extract %slice3A_95[0] : i32 from vector<1xi32>
      %slice3A_97 = vector.extract_strided_slice %get3A_18 {offsets = [8], sizes = [1], strides = [1]} : vector<16xi32> to vector<1xi32>
      %squeeze3A_98 = vector.extract %slice3A_97[0] : i32 from vector<1xi32>
      %slice3A_99 = vector.extract_strided_slice %get3A_18 {offsets = [9], sizes = [1], strides = [1]} : vector<16xi32> to vector<1xi32>
      %squeeze3A_100 = vector.extract %slice3A_99[0] : i32 from vector<1xi32>
      %slice3A_101 = vector.extract_strided_slice %get3A_18 {offsets = [10], sizes = [1], strides = [1]} : vector<16xi32> to vector<1xi32>
      %squeeze3A_102 = vector.extract %slice3A_101[0] : i32 from vector<1xi32>
      %slice3A_103 = vector.extract_strided_slice %get3A_18 {offsets = [11], sizes = [1], strides = [1]} : vector<16xi32> to vector<1xi32>
      %squeeze3A_104 = vector.extract %slice3A_103[0] : i32 from vector<1xi32>
      %slice3A_105 = vector.extract_strided_slice %get3A_18 {offsets = [12], sizes = [1], strides = [1]} : vector<16xi32> to vector<1xi32>
      %squeeze3A_106 = vector.extract %slice3A_105[0] : i32 from vector<1xi32>
      %slice3A_107 = vector.extract_strided_slice %get3A_18 {offsets = [13], sizes = [1], strides = [1]} : vector<16xi32> to vector<1xi32>
      %squeeze3A_108 = vector.extract %slice3A_107[0] : i32 from vector<1xi32>
      %slice3A_109 = vector.extract_strided_slice %get3A_18 {offsets = [14], sizes = [1], strides = [1]} : vector<16xi32> to vector<1xi32>
      %squeeze3A_110 = vector.extract %slice3A_109[0] : i32 from vector<1xi32>
      %slice3A_111 = vector.extract_strided_slice %get3A_18 {offsets = [15], sizes = [1], strides = [1]} : vector<16xi32> to vector<1xi32>
      %squeeze3A_112 = vector.extract %slice3A_111[0] : i32 from vector<1xi32>
      %shift_right_arithmetic3A = arith.constant 7 : i32
      %shift_right_arithmetic3A_113 = arith.shrsi %squeeze3A, %shift_right_arithmetic3A : i32
      %mul3A_114 = arith.constant 128 : i32
      %mul3A_115 = arith.muli %shift_right_arithmetic3A_113, %mul3A_114 : i32
      %multiple_of3A = tpu.assume_multiple %mul3A_115, 128 : i32
      %dma_start3A = arith.constant 0 : i32
      %dma_start3A_116 = arith.constant 0 : i32
      %dma_start3A_117 = arith.constant 0 : i32
      %dma_start3A_118 = tpu.memref_slice %arg12[%dma_start3A, %dma_start3A_116, %dma_start3A_117] : memref<8x16x128xf32, #tpu.memory_space<vmem>> -> memref<1x16x128xf32, #tpu.memory_space<vmem>>
      %dma_start3A_119 = tpu.memref_squeeze %dma_start3A_118 : memref<1x16x128xf32, #tpu.memory_space<vmem>> -> memref<16x128xf32, #tpu.memory_space<vmem>>
      %dma_start3A_120 = arith.constant 0 : i32
      %dma_start3A_121 = tpu.memref_slice %arg5[%dma_start3A_120, %multiple_of3A] : memref<16x1000000xf32, #tpu.memory_space<hbm>> -> memref<16x128xf32, #tpu.memory_space<hbm>>
      %dma_start3A_122 = arith.constant 0 : i32
      %dma_start3A_123 = arith.constant 0 : i32
      %dma_start3A_124 = tpu.memref_slice %arg12[%dma_start3A, %dma_start3A_122, %dma_start3A_123] : memref<8x16x128xf32, #tpu.memory_space<vmem>> -> memref<1x16x128xf32, #tpu.memory_space<vmem>>
      %dma_start3A_125 = tpu.memref_squeeze %dma_start3A_124 : memref<1x16x128xf32, #tpu.memory_space<vmem>> -> memref<16x128xf32, #tpu.memory_space<vmem>>
      %dma_start3A_126 = arith.constant 0 : i32
      %dma_start3A_127 = tpu.memref_slice %arg5[%dma_start3A_126, %multiple_of3A] : memref<16x1000000xf32, #tpu.memory_space<hbm>> -> memref<16x128xf32, #tpu.memory_space<hbm>>
      tpu.enqueue_dma source(%dma_start3A_127 : memref<16x128xf32, #tpu.memory_space<hbm>>) target(%dma_start3A_125 : memref<16x128xf32, #tpu.memory_space<vmem>>) target_semaphore(%arg17 : memref<!tpu.dma_semaphore, #tpu.memory_space<semaphore_mem>>)
      %shift_right_arithmetic3A_128 = arith.constant 7 : i32
      %shift_right_arithmetic3A_129 = arith.shrsi %squeeze3A_50, %shift_right_arithmetic3A_128 : i32
      %mul3A_130 = arith.constant 128 : i32
      %mul3A_131 = arith.muli %shift_right_arithmetic3A_129, %mul3A_130 : i32
      %multiple_of3A_132 = tpu.assume_multiple %mul3A_131, 128 : i32
      %dma_start3A_133 = arith.constant 0 : i32
      %dma_start3A_134 = arith.constant 0 : i32
      %dma_start3A_135 = arith.constant 0 : i32
      %dma_start3A_136 = tpu.memref_slice %arg13[%dma_start3A_133, %dma_start3A_134, %dma_start3A_135] : memref<8x16x128xf32, #tpu.memory_space<vmem>> -> memref<1x16x128xf32, #tpu.memory_space<vmem>>
      %dma_start3A_137 = tpu.memref_squeeze %dma_start3A_136 : memref<1x16x128xf32, #tpu.memory_space<vmem>> -> memref<16x128xf32, #tpu.memory_space<vmem>>
      %dma_start3A_138 = arith.constant 0 : i32
      %dma_start3A_139 = tpu.memref_slice %arg6[%dma_start3A_138, %multiple_of3A_132] : memref<16x1000000xf32, #tpu.memory_space<hbm>> -> memref<16x128xf32, #tpu.memory_space<hbm>>
      %dma_start3A_140 = arith.constant 0 : i32
      %dma_start3A_141 = arith.constant 0 : i32
      %dma_start3A_142 = tpu.memref_slice %arg13[%dma_start3A_133, %dma_start3A_140, %dma_start3A_141] : memref<8x16x128xf32, #tpu.memory_space<vmem>> -> memref<1x16x128xf32, #tpu.memory_space<vmem>>
      %dma_start3A_143 = tpu.memref_squeeze %dma_start3A_142 : memref<1x16x128xf32, #tpu.memory_space<vmem>> -> memref<16x128xf32, #tpu.memory_space<vmem>>
      %dma_start3A_144 = arith.constant 0 : i32
      %dma_start3A_145 = tpu.memref_slice %arg6[%dma_start3A_144, %multiple_of3A_132] : memref<16x1000000xf32, #tpu.memory_space<hbm>> -> memref<16x128xf32, #tpu.memory_space<hbm>>
      tpu.enqueue_dma source(%dma_start3A_145 : memref<16x128xf32, #tpu.memory_space<hbm>>) target(%dma_start3A_143 : memref<16x128xf32, #tpu.memory_space<vmem>>) target_semaphore(%arg17 : memref<!tpu.dma_semaphore, #tpu.memory_space<semaphore_mem>>)
      %shift_right_arithmetic3A_146 = arith.constant 7 : i32
      %shift_right_arithmetic3A_147 = arith.shrsi %squeeze3A_82, %shift_right_arithmetic3A_146 : i32
      %mul3A_148 = arith.constant 128 : i32
      %mul3A_149 = arith.muli %shift_right_arithmetic3A_147, %mul3A_148 : i32
      %multiple_of3A_150 = tpu.assume_multiple %mul3A_149, 128 : i32
      %dma_start3A_151 = arith.constant 0 : i32
      %dma_start3A_152 = arith.constant 0 : i32
      %dma_start3A_153 = arith.constant 0 : i32
      %dma_start3A_154 = tpu.memref_slice %arg14[%dma_start3A_151, %dma_start3A_152, %dma_start3A_153] : memref<8x16x128xf32, #tpu.memory_space<vmem>> -> memref<1x16x128xf32, #tpu.memory_space<vmem>>
      %dma_start3A_155 = tpu.memref_squeeze %dma_start3A_154 : memref<1x16x128xf32, #tpu.memory_space<vmem>> -> memref<16x128xf32, #tpu.memory_space<vmem>>
      %dma_start3A_156 = arith.constant 0 : i32
      %dma_start3A_157 = tpu.memref_slice %arg6[%dma_start3A_156, %multiple_of3A_150] : memref<16x1000000xf32, #tpu.memory_space<hbm>> -> memref<16x128xf32, #tpu.memory_space<hbm>>
      %dma_start3A_158 = arith.constant 0 : i32
      %dma_start3A_159 = arith.constant 0 : i32
      %dma_start3A_160 = tpu.memref_slice %arg14[%dma_start3A_151, %dma_start3A_158, %dma_start3A_159] : memref<8x16x128xf32, #tpu.memory_space<vmem>> -> memref<1x16x128xf32, #tpu.memory_space<vmem>>
      %dma_start3A_161 = tpu.memref_squeeze %dma_start3A_160 : memref<1x16x128xf32, #tpu.memory_space<vmem>> -> memref<16x128xf32, #tpu.memory_space<vmem>>
      %dma_start3A_162 = arith.constant 0 : i32
      %dma_start3A_163 = tpu.memref_slice %arg6[%dma_start3A_162, %multiple_of3A_150] : memref<16x1000000xf32, #tpu.memory_space<hbm>> -> memref<16x128xf32, #tpu.memory_space<hbm>>
      tpu.enqueue_dma source(%dma_start3A_163 : memref<16x128xf32, #tpu.memory_space<hbm>>) target(%dma_start3A_161 : memref<16x128xf32, #tpu.memory_space<vmem>>) target_semaphore(%arg17 : memref<!tpu.dma_semaphore, #tpu.memory_space<semaphore_mem>>)
      %shift_right_arithmetic3A_164 = arith.constant 7 : i32
      %shift_right_arithmetic3A_165 = arith.shrsi %squeeze3A_20, %shift_right_arithmetic3A_164 : i32
      %mul3A_166 = arith.constant 128 : i32
      %mul3A_167 = arith.muli %shift_right_arithmetic3A_165, %mul3A_166 : i32
      %multiple_of3A_168 = tpu.assume_multiple %mul3A_167, 128 : i32
      %dma_start3A_169 = arith.constant 1 : i32
      %dma_start3A_170 = arith.constant 0 : i32
      %dma_start3A_171 = arith.constant 0 : i32
      %dma_start3A_172 = tpu.memref_slice %arg12[%dma_start3A_169, %dma_start3A_170, %dma_start3A_171] : memref<8x16x128xf32, #tpu.memory_space<vmem>> -> memref<1x16x128xf32, #tpu.memory_space<vmem>>
      %dma_start3A_173 = tpu.memref_squeeze %dma_start3A_172 : memref<1x16x128xf32, #tpu.memory_space<vmem>> -> memref<16x128xf32, #tpu.memory_space<vmem>>
      %dma_start3A_174 = arith.constant 0 : i32
      %dma_start3A_175 = tpu.memref_slice %arg5[%dma_start3A_174, %multiple_of3A_168] : memref<16x1000000xf32, #tpu.memory_space<hbm>> -> memref<16x128xf32, #tpu.memory_space<hbm>>
      %dma_start3A_176 = arith.constant 0 : i32
      %dma_start3A_177 = arith.constant 0 : i32
      %dma_start3A_178 = tpu.memref_slice %arg12[%dma_start3A_169, %dma_start3A_176, %dma_start3A_177] : memref<8x16x128xf32, #tpu.memory_space<vmem>> -> memref<1x16x128xf32, #tpu.memory_space<vmem>>
      %dma_start3A_179 = tpu.memref_squeeze %dma_start3A_178 : memref<1x16x128xf32, #tpu.memory_space<vmem>> -> memref<16x128xf32, #tpu.memory_space<vmem>>
      %dma_start3A_180 = arith.constant 0 : i32
      %dma_start3A_181 = tpu.memref_slice %arg5[%dma_start3A_180, %multiple_of3A_168] : memref<16x1000000xf32, #tpu.memory_space<hbm>> -> memref<16x128xf32, #tpu.memory_space<hbm>>
      tpu.enqueue_dma source(%dma_start3A_181 : memref<16x128xf32, #tpu.memory_space<hbm>>) target(%dma_start3A_179 : memref<16x128xf32, #tpu.memory_space<vmem>>) target_semaphore(%arg18 : memref<!tpu.dma_semaphore, #tpu.memory_space<semaphore_mem>>)
      %shift_right_arithmetic3A_182 = arith.constant 7 : i32
      %shift_right_arithmetic3A_183 = arith.shrsi %squeeze3A_52, %shift_right_arithmetic3A_182 : i32
      %mul3A_184 = arith.constant 128 : i32
      %mul3A_185 = arith.muli %shift_right_arithmetic3A_183, %mul3A_184 : i32
      %multiple_of3A_186 = tpu.assume_multiple %mul3A_185, 128 : i32
      %dma_start3A_187 = arith.constant 1 : i32
      %dma_start3A_188 = arith.constant 0 : i32
      %dma_start3A_189 = arith.constant 0 : i32
      %dma_start3A_190 = tpu.memref_slice %arg13[%dma_start3A_187, %dma_start3A_188, %dma_start3A_189] : memref<8x16x128xf32, #tpu.memory_space<vmem>> -> memref<1x16x128xf32, #tpu.memory_space<vmem>>
      %dma_start3A_191 = tpu.memref_squeeze %dma_start3A_190 : memref<1x16x128xf32, #tpu.memory_space<vmem>> -> memref<16x128xf32, #tpu.memory_space<vmem>>
      %dma_start3A_192 = arith.constant 0 : i32
      %dma_start3A_193 = tpu.memref_slice %arg6[%dma_start3A_192, %multiple_of3A_186] : memref<16x1000000xf32, #tpu.memory_space<hbm>> -> memref<16x128xf32, #tpu.memory_space<hbm>>
      %dma_start3A_194 = arith.constant 0 : i32
      %dma_start3A_195 = arith.constant 0 : i32
      %dma_start3A_196 = tpu.memref_slice %arg13[%dma_start3A_187, %dma_start3A_194, %dma_start3A_195] : memref<8x16x128xf32, #tpu.memory_space<vmem>> -> memref<1x16x128xf32, #tpu.memory_space<vmem>>
      %dma_start3A_197 = tpu.memref_squeeze %dma_start3A_196 : memref<1x16x128xf32, #tpu.memory_space<vmem>> -> memref<16x128xf32, #tpu.memory_space<vmem>>
      %dma_start3A_198 = arith.constant 0 : i32
      %dma_start3A_199 = tpu.memref_slice %arg6[%dma_start3A_198, %multiple_of3A_186] : memref<16x1000000xf32, #tpu.memory_space<hbm>> -> memref<16x128xf32, #tpu.memory_space<hbm>>
      tpu.enqueue_dma source(%dma_start3A_199 : memref<16x128xf32, #tpu.memory_space<hbm>>) target(%dma_start3A_197 : memref<16x128xf32, #tpu.memory_space<vmem>>) target_semaphore(%arg18 : memref<!tpu.dma_semaphore, #tpu.memory_space<semaphore_mem>>)
      %shift_right_arithmetic3A_200 = arith.constant 7 : i32
      %shift_right_arithmetic3A_201 = arith.shrsi %squeeze3A_84, %shift_right_arithmetic3A_200 : i32
      %mul3A_202 = arith.constant 128 : i32
      %mul3A_203 = arith.muli %shift_right_arithmetic3A_201, %mul3A_202 : i32
      %multiple_of3A_204 = tpu.assume_multiple %mul3A_203, 128 : i32
      %dma_start3A_205 = arith.constant 1 : i32
      %dma_start3A_206 = arith.constant 0 : i32
      %dma_start3A_207 = arith.constant 0 : i32
      %dma_start3A_208 = tpu.memref_slice %arg14[%dma_start3A_205, %dma_start3A_206, %dma_start3A_207] : memref<8x16x128xf32, #tpu.memory_space<vmem>> -> memref<1x16x128xf32, #tpu.memory_space<vmem>>
      %dma_start3A_209 = tpu.memref_squeeze %dma_start3A_208 : memref<1x16x128xf32, #tpu.memory_space<vmem>> -> memref<16x128xf32, #tpu.memory_space<vmem>>
      %dma_start3A_210 = arith.constant 0 : i32
      %dma_start3A_211 = tpu.memref_slice %arg6[%dma_start3A_210, %multiple_of3A_204] : memref<16x1000000xf32, #tpu.memory_space<hbm>> -> memref<16x128xf32, #tpu.memory_space<hbm>>
      %dma_start3A_212 = arith.constant 0 : i32
      %dma_start3A_213 = arith.constant 0 : i32
      %dma_start3A_214 = tpu.memref_slice %arg14[%dma_start3A_205, %dma_start3A_212, %dma_start3A_213] : memref<8x16x128xf32, #tpu.memory_space<vmem>> -> memref<1x16x128xf32, #tpu.memory_space<vmem>>
      %dma_start3A_215 = tpu.memref_squeeze %dma_start3A_214 : memref<1x16x128xf32, #tpu.memory_space<vmem>> -> memref<16x128xf32, #tpu.memory_space<vmem>>
      %dma_start3A_216 = arith.constant 0 : i32
      %dma_start3A_217 = tpu.memref_slice %arg6[%dma_start3A_216, %multiple_of3A_204] : memref<16x1000000xf32, #tpu.memory_space<hbm>> -> memref<16x128xf32, #tpu.memory_space<hbm>>
      tpu.enqueue_dma source(%dma_start3A_217 : memref<16x128xf32, #tpu.memory_space<hbm>>) target(%dma_start3A_215 : memref<16x128xf32, #tpu.memory_space<vmem>>) target_semaphore(%arg18 : memref<!tpu.dma_semaphore, #tpu.memory_space<semaphore_mem>>)
      %shift_right_arithmetic3A_218 = arith.constant 7 : i32
      %shift_right_arithmetic3A_219 = arith.shrsi %squeeze3A_22, %shift_right_arithmetic3A_218 : i32
      %mul3A_220 = arith.constant 128 : i32
      %mul3A_221 = arith.muli %shift_right_arithmetic3A_219, %mul3A_220 : i32
      %multiple_of3A_222 = tpu.assume_multiple %mul3A_221, 128 : i32
      %dma_start3A_223 = arith.constant 2 : i32
      %dma_start3A_224 = arith.constant 0 : i32
      %dma_start3A_225 = arith.constant 0 : i32
      %dma_start3A_226 = tpu.memref_slice %arg12[%dma_start3A_223, %dma_start3A_224, %dma_start3A_225] : memref<8x16x128xf32, #tpu.memory_space<vmem>> -> memref<1x16x128xf32, #tpu.memory_space<vmem>>
      %dma_start3A_227 = tpu.memref_squeeze %dma_start3A_226 : memref<1x16x128xf32, #tpu.memory_space<vmem>> -> memref<16x128xf32, #tpu.memory_space<vmem>>
      %dma_start3A_228 = arith.constant 0 : i32
      %dma_start3A_229 = tpu.memref_slice %arg5[%dma_start3A_228, %multiple_of3A_222] : memref<16x1000000xf32, #tpu.memory_space<hbm>> -> memref<16x128xf32, #tpu.memory_space<hbm>>
      %dma_start3A_230 = arith.constant 0 : i32
      %dma_start3A_231 = arith.constant 0 : i32
      %dma_start3A_232 = tpu.memref_slice %arg12[%dma_start3A_223, %dma_start3A_230, %dma_start3A_231] : memref<8x16x128xf32, #tpu.memory_space<vmem>> -> memref<1x16x128xf32, #tpu.memory_space<vmem>>
      %dma_start3A_233 = tpu.memref_squeeze %dma_start3A_232 : memref<1x16x128xf32, #tpu.memory_space<vmem>> -> memref<16x128xf32, #tpu.memory_space<vmem>>
      %dma_start3A_234 = arith.constant 0 : i32
      %dma_start3A_235 = tpu.memref_slice %arg5[%dma_start3A_234, %multiple_of3A_222] : memref<16x1000000xf32, #tpu.memory_space<hbm>> -> memref<16x128xf32, #tpu.memory_space<hbm>>
      tpu.enqueue_dma source(%dma_start3A_235 : memref<16x128xf32, #tpu.memory_space<hbm>>) target(%dma_start3A_233 : memref<16x128xf32, #tpu.memory_space<vmem>>) target_semaphore(%arg19 : memref<!tpu.dma_semaphore, #tpu.memory_space<semaphore_mem>>)
      %shift_right_arithmetic3A_236 = arith.constant 7 : i32
      %shift_right_arithmetic3A_237 = arith.shrsi %squeeze3A_54, %shift_right_arithmetic3A_236 : i32
      %mul3A_238 = arith.constant 128 : i32
      %mul3A_239 = arith.muli %shift_right_arithmetic3A_237, %mul3A_238 : i32
      %multiple_of3A_240 = tpu.assume_multiple %mul3A_239, 128 : i32
      %dma_start3A_241 = arith.constant 2 : i32
      %dma_start3A_242 = arith.constant 0 : i32
      %dma_start3A_243 = arith.constant 0 : i32
      %dma_start3A_244 = tpu.memref_slice %arg13[%dma_start3A_241, %dma_start3A_242, %dma_start3A_243] : memref<8x16x128xf32, #tpu.memory_space<vmem>> -> memref<1x16x128xf32, #tpu.memory_space<vmem>>
      %dma_start3A_245 = tpu.memref_squeeze %dma_start3A_244 : memref<1x16x128xf32, #tpu.memory_space<vmem>> -> memref<16x128xf32, #tpu.memory_space<vmem>>
      %dma_start3A_246 = arith.constant 0 : i32
      %dma_start3A_247 = tpu.memref_slice %arg6[%dma_start3A_246, %multiple_of3A_240] : memref<16x1000000xf32, #tpu.memory_space<hbm>> -> memref<16x128xf32, #tpu.memory_space<hbm>>
      %dma_start3A_248 = arith.constant 0 : i32
      %dma_start3A_249 = arith.constant 0 : i32
      %dma_start3A_250 = tpu.memref_slice %arg13[%dma_start3A_241, %dma_start3A_248, %dma_start3A_249] : memref<8x16x128xf32, #tpu.memory_space<vmem>> -> memref<1x16x128xf32, #tpu.memory_space<vmem>>
      %dma_start3A_251 = tpu.memref_squeeze %dma_start3A_250 : memref<1x16x128xf32, #tpu.memory_space<vmem>> -> memref<16x128xf32, #tpu.memory_space<vmem>>
      %dma_start3A_252 = arith.constant 0 : i32
      %dma_start3A_253 = tpu.memref_slice %arg6[%dma_start3A_252, %multiple_of3A_240] : memref<16x1000000xf32, #tpu.memory_space<hbm>> -> memref<16x128xf32, #tpu.memory_space<hbm>>
      tpu.enqueue_dma source(%dma_start3A_253 : memref<16x128xf32, #tpu.memory_space<hbm>>) target(%dma_start3A_251 : memref<16x128xf32, #tpu.memory_space<vmem>>) target_semaphore(%arg19 : memref<!tpu.dma_semaphore, #tpu.memory_space<semaphore_mem>>)
      %shift_right_arithmetic3A_254 = arith.constant 7 : i32
      %shift_right_arithmetic3A_255 = arith.shrsi %squeeze3A_86, %shift_right_arithmetic3A_254 : i32
      %mul3A_256 = arith.constant 128 : i32
      %mul3A_257 = arith.muli %shift_right_arithmetic3A_255, %mul3A_256 : i32
      %multiple_of3A_258 = tpu.assume_multiple %mul3A_257, 128 : i32
      %dma_start3A_259 = arith.constant 2 : i32
      %dma_start3A_260 = arith.constant 0 : i32
      %dma_start3A_261 = arith.constant 0 : i32
      %dma_start3A_262 = tpu.memref_slice %arg14[%dma_start3A_259, %dma_start3A_260, %dma_start3A_261] : memref<8x16x128xf32, #tpu.memory_space<vmem>> -> memref<1x16x128xf32, #tpu.memory_space<vmem>>
      %dma_start3A_263 = tpu.memref_squeeze %dma_start3A_262 : memref<1x16x128xf32, #tpu.memory_space<vmem>> -> memref<16x128xf32, #tpu.memory_space<vmem>>
      %dma_start3A_264 = arith.constant 0 : i32
      %dma_start3A_265 = tpu.memref_slice %arg6[%dma_start3A_264, %multiple_of3A_258] : memref<16x1000000xf32, #tpu.memory_space<hbm>> -> memref<16x128xf32, #tpu.memory_space<hbm>>
      %dma_start3A_266 = arith.constant 0 : i32
      %dma_start3A_267 = arith.constant 0 : i32
      %dma_start3A_268 = tpu.memref_slice %arg14[%dma_start3A_259, %dma_start3A_266, %dma_start3A_267] : memref<8x16x128xf32, #tpu.memory_space<vmem>> -> memref<1x16x128xf32, #tpu.memory_space<vmem>>
      %dma_start3A_269 = tpu.memref_squeeze %dma_start3A_268 : memref<1x16x128xf32, #tpu.memory_space<vmem>> -> memref<16x128xf32, #tpu.memory_space<vmem>>
      %dma_start3A_270 = arith.constant 0 : i32
      %dma_start3A_271 = tpu.memref_slice %arg6[%dma_start3A_270, %multiple_of3A_258] : memref<16x1000000xf32, #tpu.memory_space<hbm>> -> memref<16x128xf32, #tpu.memory_space<hbm>>
      tpu.enqueue_dma source(%dma_start3A_271 : memref<16x128xf32, #tpu.memory_space<hbm>>) target(%dma_start3A_269 : memref<16x128xf32, #tpu.memory_space<vmem>>) target_semaphore(%arg19 : memref<!tpu.dma_semaphore, #tpu.memory_space<semaphore_mem>>)
      %shift_right_arithmetic3A_272 = arith.constant 7 : i32
      %shift_right_arithmetic3A_273 = arith.shrsi %squeeze3A_24, %shift_right_arithmetic3A_272 : i32
      %mul3A_274 = arith.constant 128 : i32
      %mul3A_275 = arith.muli %shift_right_arithmetic3A_273, %mul3A_274 : i32
      %multiple_of3A_276 = tpu.assume_multiple %mul3A_275, 128 : i32
      %dma_start3A_277 = arith.constant 3 : i32
      %dma_start3A_278 = arith.constant 0 : i32
      %dma_start3A_279 = arith.constant 0 : i32
      %dma_start3A_280 = tpu.memref_slice %arg12[%dma_start3A_277, %dma_start3A_278, %dma_start3A_279] : memref<8x16x128xf32, #tpu.memory_space<vmem>> -> memref<1x16x128xf32, #tpu.memory_space<vmem>>
      %dma_start3A_281 = tpu.memref_squeeze %dma_start3A_280 : memref<1x16x128xf32, #tpu.memory_space<vmem>> -> memref<16x128xf32, #tpu.memory_space<vmem>>
      %dma_start3A_282 = arith.constant 0 : i32
      %dma_start3A_283 = tpu.memref_slice %arg5[%dma_start3A_282, %multiple_of3A_276] : memref<16x1000000xf32, #tpu.memory_space<hbm>> -> memref<16x128xf32, #tpu.memory_space<hbm>>
      %dma_start3A_284 = arith.constant 0 : i32
      %dma_start3A_285 = arith.constant 0 : i32
      %dma_start3A_286 = tpu.memref_slice %arg12[%dma_start3A_277, %dma_start3A_284, %dma_start3A_285] : memref<8x16x128xf32, #tpu.memory_space<vmem>> -> memref<1x16x128xf32, #tpu.memory_space<vmem>>
      %dma_start3A_287 = tpu.memref_squeeze %dma_start3A_286 : memref<1x16x128xf32, #tpu.memory_space<vmem>> -> memref<16x128xf32, #tpu.memory_space<vmem>>
      %dma_start3A_288 = arith.constant 0 : i32
      %dma_start3A_289 = tpu.memref_slice %arg5[%dma_start3A_288, %multiple_of3A_276] : memref<16x1000000xf32, #tpu.memory_space<hbm>> -> memref<16x128xf32, #tpu.memory_space<hbm>>
      tpu.enqueue_dma source(%dma_start3A_289 : memref<16x128xf32, #tpu.memory_space<hbm>>) target(%dma_start3A_287 : memref<16x128xf32, #tpu.memory_space<vmem>>) target_semaphore(%arg20 : memref<!tpu.dma_semaphore, #tpu.memory_space<semaphore_mem>>)
      %shift_right_arithmetic3A_290 = arith.constant 7 : i32
      %shift_right_arithmetic3A_291 = arith.shrsi %squeeze3A_56, %shift_right_arithmetic3A_290 : i32
      %mul3A_292 = arith.constant 128 : i32
      %mul3A_293 = arith.muli %shift_right_arithmetic3A_291, %mul3A_292 : i32
      %multiple_of3A_294 = tpu.assume_multiple %mul3A_293, 128 : i32
      %dma_start3A_295 = arith.constant 3 : i32
      %dma_start3A_296 = arith.constant 0 : i32
      %dma_start3A_297 = arith.constant 0 : i32
      %dma_start3A_298 = tpu.memref_slice %arg13[%dma_start3A_295, %dma_start3A_296, %dma_start3A_297] : memref<8x16x128xf32, #tpu.memory_space<vmem>> -> memref<1x16x128xf32, #tpu.memory_space<vmem>>
      %dma_start3A_299 = tpu.memref_squeeze %dma_start3A_298 : memref<1x16x128xf32, #tpu.memory_space<vmem>> -> memref<16x128xf32, #tpu.memory_space<vmem>>
      %dma_start3A_300 = arith.constant 0 : i32
      %dma_start3A_301 = tpu.memref_slice %arg6[%dma_start3A_300, %multiple_of3A_294] : memref<16x1000000xf32, #tpu.memory_space<hbm>> -> memref<16x128xf32, #tpu.memory_space<hbm>>
      %dma_start3A_302 = arith.constant 0 : i32
      %dma_start3A_303 = arith.constant 0 : i32
      %dma_start3A_304 = tpu.memref_slice %arg13[%dma_start3A_295, %dma_start3A_302, %dma_start3A_303] : memref<8x16x128xf32, #tpu.memory_space<vmem>> -> memref<1x16x128xf32, #tpu.memory_space<vmem>>
      %dma_start3A_305 = tpu.memref_squeeze %dma_start3A_304 : memref<1x16x128xf32, #tpu.memory_space<vmem>> -> memref<16x128xf32, #tpu.memory_space<vmem>>
      %dma_start3A_306 = arith.constant 0 : i32
      %dma_start3A_307 = tpu.memref_slice %arg6[%dma_start3A_306, %multiple_of3A_294] : memref<16x1000000xf32, #tpu.memory_space<hbm>> -> memref<16x128xf32, #tpu.memory_space<hbm>>
      tpu.enqueue_dma source(%dma_start3A_307 : memref<16x128xf32, #tpu.memory_space<hbm>>) target(%dma_start3A_305 : memref<16x128xf32, #tpu.memory_space<vmem>>) target_semaphore(%arg20 : memref<!tpu.dma_semaphore, #tpu.memory_space<semaphore_mem>>)
      %shift_right_arithmetic3A_308 = arith.constant 7 : i32
      %shift_right_arithmetic3A_309 = arith.shrsi %squeeze3A_88, %shift_right_arithmetic3A_308 : i32
      %mul3A_310 = arith.constant 128 : i32
      %mul3A_311 = arith.muli %shift_right_arithmetic3A_309, %mul3A_310 : i32
      %multiple_of3A_312 = tpu.assume_multiple %mul3A_311, 128 : i32
      %dma_start3A_313 = arith.constant 3 : i32
      %dma_start3A_314 = arith.constant 0 : i32
      %dma_start3A_315 = arith.constant 0 : i32
      %dma_start3A_316 = tpu.memref_slice %arg14[%dma_start3A_313, %dma_start3A_314, %dma_start3A_315] : memref<8x16x128xf32, #tpu.memory_space<vmem>> -> memref<1x16x128xf32, #tpu.memory_space<vmem>>
      %dma_start3A_317 = tpu.memref_squeeze %dma_start3A_316 : memref<1x16x128xf32, #tpu.memory_space<vmem>> -> memref<16x128xf32, #tpu.memory_space<vmem>>
      %dma_start3A_318 = arith.constant 0 : i32
      %dma_start3A_319 = tpu.memref_slice %arg6[%dma_start3A_318, %multiple_of3A_312] : memref<16x1000000xf32, #tpu.memory_space<hbm>> -> memref<16x128xf32, #tpu.memory_space<hbm>>
      %dma_start3A_320 = arith.constant 0 : i32
      %dma_start3A_321 = arith.constant 0 : i32
      %dma_start3A_322 = tpu.memref_slice %arg14[%dma_start3A_313, %dma_start3A_320, %dma_start3A_321] : memref<8x16x128xf32, #tpu.memory_space<vmem>> -> memref<1x16x128xf32, #tpu.memory_space<vmem>>
      %dma_start3A_323 = tpu.memref_squeeze %dma_start3A_322 : memref<1x16x128xf32, #tpu.memory_space<vmem>> -> memref<16x128xf32, #tpu.memory_space<vmem>>
      %dma_start3A_324 = arith.constant 0 : i32
      %dma_start3A_325 = tpu.memref_slice %arg6[%dma_start3A_324, %multiple_of3A_312] : memref<16x1000000xf32, #tpu.memory_space<hbm>> -> memref<16x128xf32, #tpu.memory_space<hbm>>
      tpu.enqueue_dma source(%dma_start3A_325 : memref<16x128xf32, #tpu.memory_space<hbm>>) target(%dma_start3A_323 : memref<16x128xf32, #tpu.memory_space<vmem>>) target_semaphore(%arg20 : memref<!tpu.dma_semaphore, #tpu.memory_space<semaphore_mem>>)
      %shift_right_arithmetic3A_326 = arith.constant 7 : i32
      %shift_right_arithmetic3A_327 = arith.shrsi %squeeze3A_26, %shift_right_arithmetic3A_326 : i32
      %mul3A_328 = arith.constant 128 : i32
      %mul3A_329 = arith.muli %shift_right_arithmetic3A_327, %mul3A_328 : i32
      %multiple_of3A_330 = tpu.assume_multiple %mul3A_329, 128 : i32
      %dma_start3A_331 = arith.constant 4 : i32
      %dma_start3A_332 = arith.constant 0 : i32
      %dma_start3A_333 = arith.constant 0 : i32
      %dma_start3A_334 = tpu.memref_slice %arg12[%dma_start3A_331, %dma_start3A_332, %dma_start3A_333] : memref<8x16x128xf32, #tpu.memory_space<vmem>> -> memref<1x16x128xf32, #tpu.memory_space<vmem>>
      %dma_start3A_335 = tpu.memref_squeeze %dma_start3A_334 : memref<1x16x128xf32, #tpu.memory_space<vmem>> -> memref<16x128xf32, #tpu.memory_space<vmem>>
      %dma_start3A_336 = arith.constant 0 : i32
      %dma_start3A_337 = tpu.memref_slice %arg5[%dma_start3A_336, %multiple_of3A_330] : memref<16x1000000xf32, #tpu.memory_space<hbm>> -> memref<16x128xf32, #tpu.memory_space<hbm>>
      %dma_start3A_338 = arith.constant 0 : i32
      %dma_start3A_339 = arith.constant 0 : i32
      %dma_start3A_340 = tpu.memref_slice %arg12[%dma_start3A_331, %dma_start3A_338, %dma_start3A_339] : memref<8x16x128xf32, #tpu.memory_space<vmem>> -> memref<1x16x128xf32, #tpu.memory_space<vmem>>
      %dma_start3A_341 = tpu.memref_squeeze %dma_start3A_340 : memref<1x16x128xf32, #tpu.memory_space<vmem>> -> memref<16x128xf32, #tpu.memory_space<vmem>>
      %dma_start3A_342 = arith.constant 0 : i32
      %dma_start3A_343 = tpu.memref_slice %arg5[%dma_start3A_342, %multiple_of3A_330] : memref<16x1000000xf32, #tpu.memory_space<hbm>> -> memref<16x128xf32, #tpu.memory_space<hbm>>
      tpu.enqueue_dma source(%dma_start3A_343 : memref<16x128xf32, #tpu.memory_space<hbm>>) target(%dma_start3A_341 : memref<16x128xf32, #tpu.memory_space<vmem>>) target_semaphore(%arg21 : memref<!tpu.dma_semaphore, #tpu.memory_space<semaphore_mem>>)
      %shift_right_arithmetic3A_344 = arith.constant 7 : i32
      %shift_right_arithmetic3A_345 = arith.shrsi %squeeze3A_58, %shift_right_arithmetic3A_344 : i32
      %mul3A_346 = arith.constant 128 : i32
      %mul3A_347 = arith.muli %shift_right_arithmetic3A_345, %mul3A_346 : i32
      %multiple_of3A_348 = tpu.assume_multiple %mul3A_347, 128 : i32
      %dma_start3A_349 = arith.constant 4 : i32
      %dma_start3A_350 = arith.constant 0 : i32
      %dma_start3A_351 = arith.constant 0 : i32
      %dma_start3A_352 = tpu.memref_slice %arg13[%dma_start3A_349, %dma_start3A_350, %dma_start3A_351] : memref<8x16x128xf32, #tpu.memory_space<vmem>> -> memref<1x16x128xf32, #tpu.memory_space<vmem>>
      %dma_start3A_353 = tpu.memref_squeeze %dma_start3A_352 : memref<1x16x128xf32, #tpu.memory_space<vmem>> -> memref<16x128xf32, #tpu.memory_space<vmem>>
      %dma_start3A_354 = arith.constant 0 : i32
      %dma_start3A_355 = tpu.memref_slice %arg6[%dma_start3A_354, %multiple_of3A_348] : memref<16x1000000xf32, #tpu.memory_space<hbm>> -> memref<16x128xf32, #tpu.memory_space<hbm>>
      %dma_start3A_356 = arith.constant 0 : i32
      %dma_start3A_357 = arith.constant 0 : i32
      %dma_start3A_358 = tpu.memref_slice %arg13[%dma_start3A_349, %dma_start3A_356, %dma_start3A_357] : memref<8x16x128xf32, #tpu.memory_space<vmem>> -> memref<1x16x128xf32, #tpu.memory_space<vmem>>
      %dma_start3A_359 = tpu.memref_squeeze %dma_start3A_358 : memref<1x16x128xf32, #tpu.memory_space<vmem>> -> memref<16x128xf32, #tpu.memory_space<vmem>>
      %dma_start3A_360 = arith.constant 0 : i32
      %dma_start3A_361 = tpu.memref_slice %arg6[%dma_start3A_360, %multiple_of3A_348] : memref<16x1000000xf32, #tpu.memory_space<hbm>> -> memref<16x128xf32, #tpu.memory_space<hbm>>
      tpu.enqueue_dma source(%dma_start3A_361 : memref<16x128xf32, #tpu.memory_space<hbm>>) target(%dma_start3A_359 : memref<16x128xf32, #tpu.memory_space<vmem>>) target_semaphore(%arg21 : memref<!tpu.dma_semaphore, #tpu.memory_space<semaphore_mem>>)
      %shift_right_arithmetic3A_362 = arith.constant 7 : i32
      %shift_right_arithmetic3A_363 = arith.shrsi %squeeze3A_90, %shift_right_arithmetic3A_362 : i32
      %mul3A_364 = arith.constant 128 : i32
      %mul3A_365 = arith.muli %shift_right_arithmetic3A_363, %mul3A_364 : i32
      %multiple_of3A_366 = tpu.assume_multiple %mul3A_365, 128 : i32
      %dma_start3A_367 = arith.constant 4 : i32
      %dma_start3A_368 = arith.constant 0 : i32
      %dma_start3A_369 = arith.constant 0 : i32
      %dma_start3A_370 = tpu.memref_slice %arg14[%dma_start3A_367, %dma_start3A_368, %dma_start3A_369] : memref<8x16x128xf32, #tpu.memory_space<vmem>> -> memref<1x16x128xf32, #tpu.memory_space<vmem>>
      %dma_start3A_371 = tpu.memref_squeeze %dma_start3A_370 : memref<1x16x128xf32, #tpu.memory_space<vmem>> -> memref<16x128xf32, #tpu.memory_space<vmem>>
      %dma_start3A_372 = arith.constant 0 : i32
      %dma_start3A_373 = tpu.memref_slice %arg6[%dma_start3A_372, %multiple_of3A_366] : memref<16x1000000xf32, #tpu.memory_space<hbm>> -> memref<16x128xf32, #tpu.memory_space<hbm>>
      %dma_start3A_374 = arith.constant 0 : i32
      %dma_start3A_375 = arith.constant 0 : i32
      %dma_start3A_376 = tpu.memref_slice %arg14[%dma_start3A_367, %dma_start3A_374, %dma_start3A_375] : memref<8x16x128xf32, #tpu.memory_space<vmem>> -> memref<1x16x128xf32, #tpu.memory_space<vmem>>
      %dma_start3A_377 = tpu.memref_squeeze %dma_start3A_376 : memref<1x16x128xf32, #tpu.memory_space<vmem>> -> memref<16x128xf32, #tpu.memory_space<vmem>>
      %dma_start3A_378 = arith.constant 0 : i32
      %dma_start3A_379 = tpu.memref_slice %arg6[%dma_start3A_378, %multiple_of3A_366] : memref<16x1000000xf32, #tpu.memory_space<hbm>> -> memref<16x128xf32, #tpu.memory_space<hbm>>
      tpu.enqueue_dma source(%dma_start3A_379 : memref<16x128xf32, #tpu.memory_space<hbm>>) target(%dma_start3A_377 : memref<16x128xf32, #tpu.memory_space<vmem>>) target_semaphore(%arg21 : memref<!tpu.dma_semaphore, #tpu.memory_space<semaphore_mem>>)
      %shift_right_arithmetic3A_380 = arith.constant 7 : i32
      %shift_right_arithmetic3A_381 = arith.shrsi %squeeze3A_28, %shift_right_arithmetic3A_380 : i32
      %mul3A_382 = arith.constant 128 : i32
      %mul3A_383 = arith.muli %shift_right_arithmetic3A_381, %mul3A_382 : i32
      %multiple_of3A_384 = tpu.assume_multiple %mul3A_383, 128 : i32
      %dma_start3A_385 = arith.constant 5 : i32
      %dma_start3A_386 = arith.constant 0 : i32
      %dma_start3A_387 = arith.constant 0 : i32
      %dma_start3A_388 = tpu.memref_slice %arg12[%dma_start3A_385, %dma_start3A_386, %dma_start3A_387] : memref<8x16x128xf32, #tpu.memory_space<vmem>> -> memref<1x16x128xf32, #tpu.memory_space<vmem>>
      %dma_start3A_389 = tpu.memref_squeeze %dma_start3A_388 : memref<1x16x128xf32, #tpu.memory_space<vmem>> -> memref<16x128xf32, #tpu.memory_space<vmem>>
      %dma_start3A_390 = arith.constant 0 : i32
      %dma_start3A_391 = tpu.memref_slice %arg5[%dma_start3A_390, %multiple_of3A_384] : memref<16x1000000xf32, #tpu.memory_space<hbm>> -> memref<16x128xf32, #tpu.memory_space<hbm>>
      %dma_start3A_392 = arith.constant 0 : i32
      %dma_start3A_393 = arith.constant 0 : i32
      %dma_start3A_394 = tpu.memref_slice %arg12[%dma_start3A_385, %dma_start3A_392, %dma_start3A_393] : memref<8x16x128xf32, #tpu.memory_space<vmem>> -> memref<1x16x128xf32, #tpu.memory_space<vmem>>
      %dma_start3A_395 = tpu.memref_squeeze %dma_start3A_394 : memref<1x16x128xf32, #tpu.memory_space<vmem>> -> memref<16x128xf32, #tpu.memory_space<vmem>>
      %dma_start3A_396 = arith.constant 0 : i32
      %dma_start3A_397 = tpu.memref_slice %arg5[%dma_start3A_396, %multiple_of3A_384] : memref<16x1000000xf32, #tpu.memory_space<hbm>> -> memref<16x128xf32, #tpu.memory_space<hbm>>
      tpu.enqueue_dma source(%dma_start3A_397 : memref<16x128xf32, #tpu.memory_space<hbm>>) target(%dma_start3A_395 : memref<16x128xf32, #tpu.memory_space<vmem>>) target_semaphore(%arg22 : memref<!tpu.dma_semaphore, #tpu.memory_space<semaphore_mem>>)
      %shift_right_arithmetic3A_398 = arith.constant 7 : i32
      %shift_right_arithmetic3A_399 = arith.shrsi %squeeze3A_60, %shift_right_arithmetic3A_398 : i32
      %mul3A_400 = arith.constant 128 : i32
      %mul3A_401 = arith.muli %shift_right_arithmetic3A_399, %mul3A_400 : i32
      %multiple_of3A_402 = tpu.assume_multiple %mul3A_401, 128 : i32
      %dma_start3A_403 = arith.constant 5 : i32
      %dma_start3A_404 = arith.constant 0 : i32
      %dma_start3A_405 = arith.constant 0 : i32
      %dma_start3A_406 = tpu.memref_slice %arg13[%dma_start3A_403, %dma_start3A_404, %dma_start3A_405] : memref<8x16x128xf32, #tpu.memory_space<vmem>> -> memref<1x16x128xf32, #tpu.memory_space<vmem>>
      %dma_start3A_407 = tpu.memref_squeeze %dma_start3A_406 : memref<1x16x128xf32, #tpu.memory_space<vmem>> -> memref<16x128xf32, #tpu.memory_space<vmem>>
      %dma_start3A_408 = arith.constant 0 : i32
      %dma_start3A_409 = tpu.memref_slice %arg6[%dma_start3A_408, %multiple_of3A_402] : memref<16x1000000xf32, #tpu.memory_space<hbm>> -> memref<16x128xf32, #tpu.memory_space<hbm>>
      %dma_start3A_410 = arith.constant 0 : i32
      %dma_start3A_411 = arith.constant 0 : i32
      %dma_start3A_412 = tpu.memref_slice %arg13[%dma_start3A_403, %dma_start3A_410, %dma_start3A_411] : memref<8x16x128xf32, #tpu.memory_space<vmem>> -> memref<1x16x128xf32, #tpu.memory_space<vmem>>
      %dma_start3A_413 = tpu.memref_squeeze %dma_start3A_412 : memref<1x16x128xf32, #tpu.memory_space<vmem>> -> memref<16x128xf32, #tpu.memory_space<vmem>>
      %dma_start3A_414 = arith.constant 0 : i32
      %dma_start3A_415 = tpu.memref_slice %arg6[%dma_start3A_414, %multiple_of3A_402] : memref<16x1000000xf32, #tpu.memory_space<hbm>> -> memref<16x128xf32, #tpu.memory_space<hbm>>
      tpu.enqueue_dma source(%dma_start3A_415 : memref<16x128xf32, #tpu.memory_space<hbm>>) target(%dma_start3A_413 : memref<16x128xf32, #tpu.memory_space<vmem>>) target_semaphore(%arg22 : memref<!tpu.dma_semaphore, #tpu.memory_space<semaphore_mem>>)
      %shift_right_arithmetic3A_416 = arith.constant 7 : i32
      %shift_right_arithmetic3A_417 = arith.shrsi %squeeze3A_92, %shift_right_arithmetic3A_416 : i32
      %mul3A_418 = arith.constant 128 : i32
      %mul3A_419 = arith.muli %shift_right_arithmetic3A_417, %mul3A_418 : i32
      %multiple_of3A_420 = tpu.assume_multiple %mul3A_419, 128 : i32
      %dma_start3A_421 = arith.constant 5 : i32
      %dma_start3A_422 = arith.constant 0 : i32
      %dma_start3A_423 = arith.constant 0 : i32
      %dma_start3A_424 = tpu.memref_slice %arg14[%dma_start3A_421, %dma_start3A_422, %dma_start3A_423] : memref<8x16x128xf32, #tpu.memory_space<vmem>> -> memref<1x16x128xf32, #tpu.memory_space<vmem>>
      %dma_start3A_425 = tpu.memref_squeeze %dma_start3A_424 : memref<1x16x128xf32, #tpu.memory_space<vmem>> -> memref<16x128xf32, #tpu.memory_space<vmem>>
      %dma_start3A_426 = arith.constant 0 : i32
      %dma_start3A_427 = tpu.memref_slice %arg6[%dma_start3A_426, %multiple_of3A_420] : memref<16x1000000xf32, #tpu.memory_space<hbm>> -> memref<16x128xf32, #tpu.memory_space<hbm>>
      %dma_start3A_428 = arith.constant 0 : i32
      %dma_start3A_429 = arith.constant 0 : i32
      %dma_start3A_430 = tpu.memref_slice %arg14[%dma_start3A_421, %dma_start3A_428, %dma_start3A_429] : memref<8x16x128xf32, #tpu.memory_space<vmem>> -> memref<1x16x128xf32, #tpu.memory_space<vmem>>
      %dma_start3A_431 = tpu.memref_squeeze %dma_start3A_430 : memref<1x16x128xf32, #tpu.memory_space<vmem>> -> memref<16x128xf32, #tpu.memory_space<vmem>>
      %dma_start3A_432 = arith.constant 0 : i32
      %dma_start3A_433 = tpu.memref_slice %arg6[%dma_start3A_432, %multiple_of3A_420] : memref<16x1000000xf32, #tpu.memory_space<hbm>> -> memref<16x128xf32, #tpu.memory_space<hbm>>
      tpu.enqueue_dma source(%dma_start3A_433 : memref<16x128xf32, #tpu.memory_space<hbm>>) target(%dma_start3A_431 : memref<16x128xf32, #tpu.memory_space<vmem>>) target_semaphore(%arg22 : memref<!tpu.dma_semaphore, #tpu.memory_space<semaphore_mem>>)
      %shift_right_arithmetic3A_434 = arith.constant 7 : i32
      %shift_right_arithmetic3A_435 = arith.shrsi %squeeze3A_30, %shift_right_arithmetic3A_434 : i32
      %mul3A_436 = arith.constant 128 : i32
      %mul3A_437 = arith.muli %shift_right_arithmetic3A_435, %mul3A_436 : i32
      %multiple_of3A_438 = tpu.assume_multiple %mul3A_437, 128 : i32
      %dma_start3A_439 = arith.constant 6 : i32
      %dma_start3A_440 = arith.constant 0 : i32
      %dma_start3A_441 = arith.constant 0 : i32
      %dma_start3A_442 = tpu.memref_slice %arg12[%dma_start3A_439, %dma_start3A_440, %dma_start3A_441] : memref<8x16x128xf32, #tpu.memory_space<vmem>> -> memref<1x16x128xf32, #tpu.memory_space<vmem>>
      %dma_start3A_443 = tpu.memref_squeeze %dma_start3A_442 : memref<1x16x128xf32, #tpu.memory_space<vmem>> -> memref<16x128xf32, #tpu.memory_space<vmem>>
      %dma_start3A_444 = arith.constant 0 : i32
      %dma_start3A_445 = tpu.memref_slice %arg5[%dma_start3A_444, %multiple_of3A_438] : memref<16x1000000xf32, #tpu.memory_space<hbm>> -> memref<16x128xf32, #tpu.memory_space<hbm>>
      %dma_start3A_446 = arith.constant 0 : i32
      %dma_start3A_447 = arith.constant 0 : i32
      %dma_start3A_448 = tpu.memref_slice %arg12[%dma_start3A_439, %dma_start3A_446, %dma_start3A_447] : memref<8x16x128xf32, #tpu.memory_space<vmem>> -> memref<1x16x128xf32, #tpu.memory_space<vmem>>
      %dma_start3A_449 = tpu.memref_squeeze %dma_start3A_448 : memref<1x16x128xf32, #tpu.memory_space<vmem>> -> memref<16x128xf32, #tpu.memory_space<vmem>>
      %dma_start3A_450 = arith.constant 0 : i32
      %dma_start3A_451 = tpu.memref_slice %arg5[%dma_start3A_450, %multiple_of3A_438] : memref<16x1000000xf32, #tpu.memory_space<hbm>> -> memref<16x128xf32, #tpu.memory_space<hbm>>
      tpu.enqueue_dma source(%dma_start3A_451 : memref<16x128xf32, #tpu.memory_space<hbm>>) target(%dma_start3A_449 : memref<16x128xf32, #tpu.memory_space<vmem>>) target_semaphore(%arg23 : memref<!tpu.dma_semaphore, #tpu.memory_space<semaphore_mem>>)
      %shift_right_arithmetic3A_452 = arith.constant 7 : i32
      %shift_right_arithmetic3A_453 = arith.shrsi %squeeze3A_62, %shift_right_arithmetic3A_452 : i32
      %mul3A_454 = arith.constant 128 : i32
      %mul3A_455 = arith.muli %shift_right_arithmetic3A_453, %mul3A_454 : i32
      %multiple_of3A_456 = tpu.assume_multiple %mul3A_455, 128 : i32
      %dma_start3A_457 = arith.constant 6 : i32
      %dma_start3A_458 = arith.constant 0 : i32
      %dma_start3A_459 = arith.constant 0 : i32
      %dma_start3A_460 = tpu.memref_slice %arg13[%dma_start3A_457, %dma_start3A_458, %dma_start3A_459] : memref<8x16x128xf32, #tpu.memory_space<vmem>> -> memref<1x16x128xf32, #tpu.memory_space<vmem>>
      %dma_start3A_461 = tpu.memref_squeeze %dma_start3A_460 : memref<1x16x128xf32, #tpu.memory_space<vmem>> -> memref<16x128xf32, #tpu.memory_space<vmem>>
      %dma_start3A_462 = arith.constant 0 : i32
      %dma_start3A_463 = tpu.memref_slice %arg6[%dma_start3A_462, %multiple_of3A_456] : memref<16x1000000xf32, #tpu.memory_space<hbm>> -> memref<16x128xf32, #tpu.memory_space<hbm>>
      %dma_start3A_464 = arith.constant 0 : i32
      %dma_start3A_465 = arith.constant 0 : i32
      %dma_start3A_466 = tpu.memref_slice %arg13[%dma_start3A_457, %dma_start3A_464, %dma_start3A_465] : memref<8x16x128xf32, #tpu.memory_space<vmem>> -> memref<1x16x128xf32, #tpu.memory_space<vmem>>
      %dma_start3A_467 = tpu.memref_squeeze %dma_start3A_466 : memref<1x16x128xf32, #tpu.memory_space<vmem>> -> memref<16x128xf32, #tpu.memory_space<vmem>>
      %dma_start3A_468 = arith.constant 0 : i32
      %dma_start3A_469 = tpu.memref_slice %arg6[%dma_start3A_468, %multiple_of3A_456] : memref<16x1000000xf32, #tpu.memory_space<hbm>> -> memref<16x128xf32, #tpu.memory_space<hbm>>
      tpu.enqueue_dma source(%dma_start3A_469 : memref<16x128xf32, #tpu.memory_space<hbm>>) target(%dma_start3A_467 : memref<16x128xf32, #tpu.memory_space<vmem>>) target_semaphore(%arg23 : memref<!tpu.dma_semaphore, #tpu.memory_space<semaphore_mem>>)
      %shift_right_arithmetic3A_470 = arith.constant 7 : i32
      %shift_right_arithmetic3A_471 = arith.shrsi %squeeze3A_94, %shift_right_arithmetic3A_470 : i32
      %mul3A_472 = arith.constant 128 : i32
      %mul3A_473 = arith.muli %shift_right_arithmetic3A_471, %mul3A_472 : i32
      %multiple_of3A_474 = tpu.assume_multiple %mul3A_473, 128 : i32
      %dma_start3A_475 = arith.constant 6 : i32
      %dma_start3A_476 = arith.constant 0 : i32
      %dma_start3A_477 = arith.constant 0 : i32
      %dma_start3A_478 = tpu.memref_slice %arg14[%dma_start3A_475, %dma_start3A_476, %dma_start3A_477] : memref<8x16x128xf32, #tpu.memory_space<vmem>> -> memref<1x16x128xf32, #tpu.memory_space<vmem>>
      %dma_start3A_479 = tpu.memref_squeeze %dma_start3A_478 : memref<1x16x128xf32, #tpu.memory_space<vmem>> -> memref<16x128xf32, #tpu.memory_space<vmem>>
      %dma_start3A_480 = arith.constant 0 : i32
      %dma_start3A_481 = tpu.memref_slice %arg6[%dma_start3A_480, %multiple_of3A_474] : memref<16x1000000xf32, #tpu.memory_space<hbm>> -> memref<16x128xf32, #tpu.memory_space<hbm>>
      %dma_start3A_482 = arith.constant 0 : i32
      %dma_start3A_483 = arith.constant 0 : i32
      %dma_start3A_484 = tpu.memref_slice %arg14[%dma_start3A_475, %dma_start3A_482, %dma_start3A_483] : memref<8x16x128xf32, #tpu.memory_space<vmem>> -> memref<1x16x128xf32, #tpu.memory_space<vmem>>
      %dma_start3A_485 = tpu.memref_squeeze %dma_start3A_484 : memref<1x16x128xf32, #tpu.memory_space<vmem>> -> memref<16x128xf32, #tpu.memory_space<vmem>>
      %dma_start3A_486 = arith.constant 0 : i32
      %dma_start3A_487 = tpu.memref_slice %arg6[%dma_start3A_486, %multiple_of3A_474] : memref<16x1000000xf32, #tpu.memory_space<hbm>> -> memref<16x128xf32, #tpu.memory_space<hbm>>
      tpu.enqueue_dma source(%dma_start3A_487 : memref<16x128xf32, #tpu.memory_space<hbm>>) target(%dma_start3A_485 : memref<16x128xf32, #tpu.memory_space<vmem>>) target_semaphore(%arg23 : memref<!tpu.dma_semaphore, #tpu.memory_space<semaphore_mem>>)
      %shift_right_arithmetic3A_488 = arith.constant 7 : i32
      %shift_right_arithmetic3A_489 = arith.shrsi %squeeze3A_32, %shift_right_arithmetic3A_488 : i32
      %mul3A_490 = arith.constant 128 : i32
      %mul3A_491 = arith.muli %shift_right_arithmetic3A_489, %mul3A_490 : i32
      %multiple_of3A_492 = tpu.assume_multiple %mul3A_491, 128 : i32
      %dma_start3A_493 = arith.constant 7 : i32
      %dma_start3A_494 = arith.constant 0 : i32
      %dma_start3A_495 = arith.constant 0 : i32
      %dma_start3A_496 = tpu.memref_slice %arg12[%dma_start3A_493, %dma_start3A_494, %dma_start3A_495] : memref<8x16x128xf32, #tpu.memory_space<vmem>> -> memref<1x16x128xf32, #tpu.memory_space<vmem>>
      %dma_start3A_497 = tpu.memref_squeeze %dma_start3A_496 : memref<1x16x128xf32, #tpu.memory_space<vmem>> -> memref<16x128xf32, #tpu.memory_space<vmem>>
      %dma_start3A_498 = arith.constant 0 : i32
      %dma_start3A_499 = tpu.memref_slice %arg5[%dma_start3A_498, %multiple_of3A_492] : memref<16x1000000xf32, #tpu.memory_space<hbm>> -> memref<16x128xf32, #tpu.memory_space<hbm>>
      %dma_start3A_500 = arith.constant 0 : i32
      %dma_start3A_501 = arith.constant 0 : i32
      %dma_start3A_502 = tpu.memref_slice %arg12[%dma_start3A_493, %dma_start3A_500, %dma_start3A_501] : memref<8x16x128xf32, #tpu.memory_space<vmem>> -> memref<1x16x128xf32, #tpu.memory_space<vmem>>
      %dma_start3A_503 = tpu.memref_squeeze %dma_start3A_502 : memref<1x16x128xf32, #tpu.memory_space<vmem>> -> memref<16x128xf32, #tpu.memory_space<vmem>>
      %dma_start3A_504 = arith.constant 0 : i32
      %dma_start3A_505 = tpu.memref_slice %arg5[%dma_start3A_504, %multiple_of3A_492] : memref<16x1000000xf32, #tpu.memory_space<hbm>> -> memref<16x128xf32, #tpu.memory_space<hbm>>
      tpu.enqueue_dma source(%dma_start3A_505 : memref<16x128xf32, #tpu.memory_space<hbm>>) target(%dma_start3A_503 : memref<16x128xf32, #tpu.memory_space<vmem>>) target_semaphore(%arg24 : memref<!tpu.dma_semaphore, #tpu.memory_space<semaphore_mem>>)
      %shift_right_arithmetic3A_506 = arith.constant 7 : i32
      %shift_right_arithmetic3A_507 = arith.shrsi %squeeze3A_64, %shift_right_arithmetic3A_506 : i32
      %mul3A_508 = arith.constant 128 : i32
      %mul3A_509 = arith.muli %shift_right_arithmetic3A_507, %mul3A_508 : i32
      %multiple_of3A_510 = tpu.assume_multiple %mul3A_509, 128 : i32
      %dma_start3A_511 = arith.constant 7 : i32
      %dma_start3A_512 = arith.constant 0 : i32
      %dma_start3A_513 = arith.constant 0 : i32
      %dma_start3A_514 = tpu.memref_slice %arg13[%dma_start3A_511, %dma_start3A_512, %dma_start3A_513] : memref<8x16x128xf32, #tpu.memory_space<vmem>> -> memref<1x16x128xf32, #tpu.memory_space<vmem>>
      %dma_start3A_515 = tpu.memref_squeeze %dma_start3A_514 : memref<1x16x128xf32, #tpu.memory_space<vmem>> -> memref<16x128xf32, #tpu.memory_space<vmem>>
      %dma_start3A_516 = arith.constant 0 : i32
      %dma_start3A_517 = tpu.memref_slice %arg6[%dma_start3A_516, %multiple_of3A_510] : memref<16x1000000xf32, #tpu.memory_space<hbm>> -> memref<16x128xf32, #tpu.memory_space<hbm>>
      %dma_start3A_518 = arith.constant 0 : i32
      %dma_start3A_519 = arith.constant 0 : i32
      %dma_start3A_520 = tpu.memref_slice %arg13[%dma_start3A_511, %dma_start3A_518, %dma_start3A_519] : memref<8x16x128xf32, #tpu.memory_space<vmem>> -> memref<1x16x128xf32, #tpu.memory_space<vmem>>
      %dma_start3A_521 = tpu.memref_squeeze %dma_start3A_520 : memref<1x16x128xf32, #tpu.memory_space<vmem>> -> memref<16x128xf32, #tpu.memory_space<vmem>>
      %dma_start3A_522 = arith.constant 0 : i32
      %dma_start3A_523 = tpu.memref_slice %arg6[%dma_start3A_522, %multiple_of3A_510] : memref<16x1000000xf32, #tpu.memory_space<hbm>> -> memref<16x128xf32, #tpu.memory_space<hbm>>
      tpu.enqueue_dma source(%dma_start3A_523 : memref<16x128xf32, #tpu.memory_space<hbm>>) target(%dma_start3A_521 : memref<16x128xf32, #tpu.memory_space<vmem>>) target_semaphore(%arg24 : memref<!tpu.dma_semaphore, #tpu.memory_space<semaphore_mem>>)
      %shift_right_arithmetic3A_524 = arith.constant 7 : i32
      %shift_right_arithmetic3A_525 = arith.shrsi %squeeze3A_96, %shift_right_arithmetic3A_524 : i32
      %mul3A_526 = arith.constant 128 : i32
      %mul3A_527 = arith.muli %shift_right_arithmetic3A_525, %mul3A_526 : i32
      %multiple_of3A_528 = tpu.assume_multiple %mul3A_527, 128 : i32
      %dma_start3A_529 = arith.constant 7 : i32
      %dma_start3A_530 = arith.constant 0 : i32
      %dma_start3A_531 = arith.constant 0 : i32
      %dma_start3A_532 = tpu.memref_slice %arg14[%dma_start3A_529, %dma_start3A_530, %dma_start3A_531] : memref<8x16x128xf32, #tpu.memory_space<vmem>> -> memref<1x16x128xf32, #tpu.memory_space<vmem>>
      %dma_start3A_533 = tpu.memref_squeeze %dma_start3A_532 : memref<1x16x128xf32, #tpu.memory_space<vmem>> -> memref<16x128xf32, #tpu.memory_space<vmem>>
      %dma_start3A_534 = arith.constant 0 : i32
      %dma_start3A_535 = tpu.memref_slice %arg6[%dma_start3A_534, %multiple_of3A_528] : memref<16x1000000xf32, #tpu.memory_space<hbm>> -> memref<16x128xf32, #tpu.memory_space<hbm>>
      %dma_start3A_536 = arith.constant 0 : i32
      %dma_start3A_537 = arith.constant 0 : i32
      %dma_start3A_538 = tpu.memref_slice %arg14[%dma_start3A_529, %dma_start3A_536, %dma_start3A_537] : memref<8x16x128xf32, #tpu.memory_space<vmem>> -> memref<1x16x128xf32, #tpu.memory_space<vmem>>
      %dma_start3A_539 = tpu.memref_squeeze %dma_start3A_538 : memref<1x16x128xf32, #tpu.memory_space<vmem>> -> memref<16x128xf32, #tpu.memory_space<vmem>>
      %dma_start3A_540 = arith.constant 0 : i32
      %dma_start3A_541 = tpu.memref_slice %arg6[%dma_start3A_540, %multiple_of3A_528] : memref<16x1000000xf32, #tpu.memory_space<hbm>> -> memref<16x128xf32, #tpu.memory_space<hbm>>
      tpu.enqueue_dma source(%dma_start3A_541 : memref<16x128xf32, #tpu.memory_space<hbm>>) target(%dma_start3A_539 : memref<16x128xf32, #tpu.memory_space<vmem>>) target_semaphore(%arg24 : memref<!tpu.dma_semaphore, #tpu.memory_space<semaphore_mem>>)
      %dma_wait3A = arith.constant 0 : i32
      %dma_wait3A_542 = arith.constant 0 : i32
      %dma_wait3A_543 = arith.constant 0 : i32
      %dma_wait3A_544 = tpu.memref_slice %arg12[%dma_wait3A, %dma_wait3A_542, %dma_wait3A_543] : memref<8x16x128xf32, #tpu.memory_space<vmem>> -> memref<1x16x128xf32, #tpu.memory_space<vmem>>
      %dma_wait3A_545 = tpu.memref_squeeze %dma_wait3A_544 : memref<1x16x128xf32, #tpu.memory_space<vmem>> -> memref<16x128xf32, #tpu.memory_space<vmem>>
      %dma_wait3A_546 = arith.constant 0 : i32
      %dma_wait3A_547 = arith.constant 0 : i32
      %dma_wait3A_548 = tpu.memref_slice %arg5[%dma_wait3A_546, %dma_wait3A_547] : memref<16x1000000xf32, #tpu.memory_space<hbm>> -> memref<16x128xf32, #tpu.memory_space<hbm>>
      %dma_wait3A_549 = arith.constant 0 : i32
      %dma_wait3A_550 = arith.constant 0 : i32
      %dma_wait3A_551 = tpu.memref_slice %arg12[%dma_wait3A, %dma_wait3A_549, %dma_wait3A_550] : memref<8x16x128xf32, #tpu.memory_space<vmem>> -> memref<1x16x128xf32, #tpu.memory_space<vmem>>
      %dma_wait3A_552 = tpu.memref_squeeze %dma_wait3A_551 : memref<1x16x128xf32, #tpu.memory_space<vmem>> -> memref<16x128xf32, #tpu.memory_space<vmem>>
      %dma_wait3A_553 = arith.constant 0 : i32
      %dma_wait3A_554 = arith.constant 0 : i32
      %dma_wait3A_555 = tpu.memref_slice %arg5[%dma_wait3A_553, %dma_wait3A_554] : memref<16x1000000xf32, #tpu.memory_space<hbm>> -> memref<16x128xf32, #tpu.memory_space<hbm>>
      tpu.wait_dma2 semaphore(%arg17 : memref<!tpu.dma_semaphore, #tpu.memory_space<semaphore_mem>>) src(%dma_wait3A_555 : memref<16x128xf32, #tpu.memory_space<hbm>>) dst(%dma_wait3A_552 : memref<16x128xf32, #tpu.memory_space<vmem>>)
      %dma_wait3A_556 = arith.constant 0 : i32
      %dma_wait3A_557 = arith.constant 0 : i32
      %dma_wait3A_558 = arith.constant 0 : i32
      %dma_wait3A_559 = tpu.memref_slice %arg13[%dma_wait3A_556, %dma_wait3A_557, %dma_wait3A_558] : memref<8x16x128xf32, #tpu.memory_space<vmem>> -> memref<1x16x128xf32, #tpu.memory_space<vmem>>
      %dma_wait3A_560 = tpu.memref_squeeze %dma_wait3A_559 : memref<1x16x128xf32, #tpu.memory_space<vmem>> -> memref<16x128xf32, #tpu.memory_space<vmem>>
      %dma_wait3A_561 = arith.constant 0 : i32
      %dma_wait3A_562 = arith.constant 0 : i32
      %dma_wait3A_563 = tpu.memref_slice %arg6[%dma_wait3A_561, %dma_wait3A_562] : memref<16x1000000xf32, #tpu.memory_space<hbm>> -> memref<16x128xf32, #tpu.memory_space<hbm>>
      %dma_wait3A_564 = arith.constant 0 : i32
      %dma_wait3A_565 = arith.constant 0 : i32
      %dma_wait3A_566 = tpu.memref_slice %arg13[%dma_wait3A_556, %dma_wait3A_564, %dma_wait3A_565] : memref<8x16x128xf32, #tpu.memory_space<vmem>> -> memref<1x16x128xf32, #tpu.memory_space<vmem>>
      %dma_wait3A_567 = tpu.memref_squeeze %dma_wait3A_566 : memref<1x16x128xf32, #tpu.memory_space<vmem>> -> memref<16x128xf32, #tpu.memory_space<vmem>>
      %dma_wait3A_568 = arith.constant 0 : i32
      %dma_wait3A_569 = arith.constant 0 : i32
      %dma_wait3A_570 = tpu.memref_slice %arg6[%dma_wait3A_568, %dma_wait3A_569] : memref<16x1000000xf32, #tpu.memory_space<hbm>> -> memref<16x128xf32, #tpu.memory_space<hbm>>
      tpu.wait_dma2 semaphore(%arg17 : memref<!tpu.dma_semaphore, #tpu.memory_space<semaphore_mem>>) src(%dma_wait3A_570 : memref<16x128xf32, #tpu.memory_space<hbm>>) dst(%dma_wait3A_567 : memref<16x128xf32, #tpu.memory_space<vmem>>)
      %dma_wait3A_571 = arith.constant 0 : i32
      %dma_wait3A_572 = arith.constant 0 : i32
      %dma_wait3A_573 = arith.constant 0 : i32
      %dma_wait3A_574 = tpu.memref_slice %arg14[%dma_wait3A_571, %dma_wait3A_572, %dma_wait3A_573] : memref<8x16x128xf32, #tpu.memory_space<vmem>> -> memref<1x16x128xf32, #tpu.memory_space<vmem>>
      %dma_wait3A_575 = tpu.memref_squeeze %dma_wait3A_574 : memref<1x16x128xf32, #tpu.memory_space<vmem>> -> memref<16x128xf32, #tpu.memory_space<vmem>>
      %dma_wait3A_576 = arith.constant 0 : i32
      %dma_wait3A_577 = arith.constant 0 : i32
      %dma_wait3A_578 = tpu.memref_slice %arg6[%dma_wait3A_576, %dma_wait3A_577] : memref<16x1000000xf32, #tpu.memory_space<hbm>> -> memref<16x128xf32, #tpu.memory_space<hbm>>
      %dma_wait3A_579 = arith.constant 0 : i32
      %dma_wait3A_580 = arith.constant 0 : i32
      %dma_wait3A_581 = tpu.memref_slice %arg14[%dma_wait3A_571, %dma_wait3A_579, %dma_wait3A_580] : memref<8x16x128xf32, #tpu.memory_space<vmem>> -> memref<1x16x128xf32, #tpu.memory_space<vmem>>
      %dma_wait3A_582 = tpu.memref_squeeze %dma_wait3A_581 : memref<1x16x128xf32, #tpu.memory_space<vmem>> -> memref<16x128xf32, #tpu.memory_space<vmem>>
      %dma_wait3A_583 = arith.constant 0 : i32
      %dma_wait3A_584 = arith.constant 0 : i32
      %dma_wait3A_585 = tpu.memref_slice %arg6[%dma_wait3A_583, %dma_wait3A_584] : memref<16x1000000xf32, #tpu.memory_space<hbm>> -> memref<16x128xf32, #tpu.memory_space<hbm>>
      tpu.wait_dma2 semaphore(%arg17 : memref<!tpu.dma_semaphore, #tpu.memory_space<semaphore_mem>>) src(%dma_wait3A_585 : memref<16x128xf32, #tpu.memory_space<hbm>>) dst(%dma_wait3A_582 : memref<16x128xf32, #tpu.memory_space<vmem>>)
      %mul3A_586 = arith.constant 16 : i32
      %mul3A_587 = arith.muli %scan3A_11, %mul3A_586 : i32
      %add3A_588 = arith.constant 0 : i32
      %add3A_589 = arith.addi %mul3A_587, %add3A_588 : i32
      %and3A = arith.constant 127 : i32
      %and3A_590 = arith.andi %squeeze3A, %and3A : i32
      %broadcast_in_dim3A = vector.broadcast %and3A_590 : i32 to vector<16xi32>
      %gather3A = arith.constant 0 : i32
      %gather3A_591 = arith.constant 0 : i32
      %gather3A_592 = arith.constant 0 : i32
      %gather3A_593 = tpu.memref_slice %arg12[%gather3A, %gather3A_591, %gather3A_592] : memref<8x16x128xf32, #tpu.memory_space<vmem>> -> memref<1x16x128xf32, #tpu.memory_space<vmem>>
      %gather3A_594 = tpu.memref_squeeze %gather3A_593 : memref<1x16x128xf32, #tpu.memory_space<vmem>> -> memref<16x128xf32, #tpu.memory_space<vmem>>
      %gather3A_595 = tpu.vector_load_idx %gather3A_594[%iota3A_5, %broadcast_in_dim3A] : memref<16x128xf32, #tpu.memory_space<vmem>>[vector<16xi32>, vector<16xi32>], vector<16xf32>,
      %and3A_596 = arith.constant 127 : i32
      %and3A_597 = arith.andi %squeeze3A_50, %and3A_596 : i32
      %broadcast_in_dim3A_598 = vector.broadcast %and3A_597 : i32 to vector<16xi32>
      %gather3A_599 = arith.constant 0 : i32
      %gather3A_600 = arith.constant 0 : i32
      %gather3A_601 = arith.constant 0 : i32
      %gather3A_602 = tpu.memref_slice %arg13[%gather3A_599, %gather3A_600, %gather3A_601] : memref<8x16x128xf32, #tpu.memory_space<vmem>> -> memref<1x16x128xf32, #tpu.memory_space<vmem>>
      %gather3A_603 = tpu.memref_squeeze %gather3A_602 : memref<1x16x128xf32, #tpu.memory_space<vmem>> -> memref<16x128xf32, #tpu.memory_space<vmem>>
      %gather3A_604 = tpu.vector_load_idx %gather3A_603[%iota3A_5, %broadcast_in_dim3A_598] : memref<16x128xf32, #tpu.memory_space<vmem>>[vector<16xi32>, vector<16xi32>], vector<16xf32>,
      %and3A_605 = arith.constant 127 : i32
      %and3A_606 = arith.andi %squeeze3A_82, %and3A_605 : i32
      %broadcast_in_dim3A_607 = vector.broadcast %and3A_606 : i32 to vector<16xi32>
      %gather3A_608 = arith.constant 0 : i32
      %gather3A_609 = arith.constant 0 : i32
      %gather3A_610 = arith.constant 0 : i32
      %gather3A_611 = tpu.memref_slice %arg14[%gather3A_608, %gather3A_609, %gather3A_610] : memref<8x16x128xf32, #tpu.memory_space<vmem>> -> memref<1x16x128xf32, #tpu.memory_space<vmem>>
      %gather3A_612 = tpu.memref_squeeze %gather3A_611 : memref<1x16x128xf32, #tpu.memory_space<vmem>> -> memref<16x128xf32, #tpu.memory_space<vmem>>
      %gather3A_613 = tpu.vector_load_idx %gather3A_612[%iota3A_5, %broadcast_in_dim3A_607] : memref<16x128xf32, #tpu.memory_space<vmem>>[vector<16xi32>, vector<16xi32>], vector<16xf32>,
      %mul3A_614 = arith.mulf %gather3A_595, %gather3A_604 : vector<16xf32>
      %reduce_sum3A = arith.constant true
      %reduce_sum3A_615 = vector.broadcast %reduce_sum3A : i1 to vector<16xi1>
      %reduce_sum3A_616 = tpu.scan <sum>, %mul3A_614 masked %reduce_sum3A_615 : vector<16xf32>, vector<16xi1> -> vector<16xf32>
      %reduce_sum3A_617 = vector.extract %reduce_sum3A_616[15] : f32 from vector<16xf32>
      %mul3A_618 = arith.mulf %gather3A_595, %gather3A_613 : vector<16xf32>
      %reduce_sum3A_619 = arith.constant true
      %reduce_sum3A_620 = vector.broadcast %reduce_sum3A_619 : i1 to vector<16xi1>
      %reduce_sum3A_621 = tpu.scan <sum>, %mul3A_618 masked %reduce_sum3A_620 : vector<16xf32>, vector<16xi1> -> vector<16xf32>
      %reduce_sum3A_622 = vector.extract %reduce_sum3A_621[15] : f32 from vector<16xf32>
      %broadcast_in_dim3A_623 = vector.broadcast %add3A_589 : i32 to vector<16xi32>
      %broadcast_in_dim3A_624 = vector.broadcast %reduce_sum3A_617 : f32 to vector<16xf32>
      tpu.vector_store_idx %arg15[%broadcast_in_dim3A_623], %broadcast_in_dim3A_624 masked %eq3A_4 : memref<512xf32, #tpu.memory_space<vmem>>[vector<16xi32>], vector<16xf32>, vector<16xi1>
      %broadcast_in_dim3A_625 = vector.broadcast %reduce_sum3A_622 : f32 to vector<16xf32>
      tpu.vector_store_idx %arg16[%broadcast_in_dim3A_623], %broadcast_in_dim3A_625 masked %eq3A_4 : memref<512xf32, #tpu.memory_space<vmem>>[vector<16xi32>], vector<16xf32>, vector<16xi1>
      %shift_right_arithmetic3A_626 = arith.constant 7 : i32
      %shift_right_arithmetic3A_627 = arith.shrsi %squeeze3A_34, %shift_right_arithmetic3A_626 : i32
      %mul3A_628 = arith.constant 128 : i32
      %mul3A_629 = arith.muli %shift_right_arithmetic3A_627, %mul3A_628 : i32
      %multiple_of3A_630 = tpu.assume_multiple %mul3A_629, 128 : i32
      %dma_start3A_631 = arith.constant 0 : i32
      %dma_start3A_632 = arith.constant 0 : i32
      %dma_start3A_633 = arith.constant 0 : i32
      %dma_start3A_634 = tpu.memref_slice %arg12[%dma_start3A_631, %dma_start3A_632, %dma_start3A_633] : memref<8x16x128xf32, #tpu.memory_space<vmem>> -> memref<1x16x128xf32, #tpu.memory_space<vmem>>
      %dma_start3A_635 = tpu.memref_squeeze %dma_start3A_634 : memref<1x16x128xf32, #tpu.memory_space<vmem>> -> memref<16x128xf32, #tpu.memory_space<vmem>>
      %dma_start3A_636 = arith.constant 0 : i32
      %dma_start3A_637 = tpu.memref_slice %arg5[%dma_start3A_636, %multiple_of3A_630] : memref<16x1000000xf32, #tpu.memory_space<hbm>> -> memref<16x128xf32, #tpu.memory_space<hbm>>
      %dma_start3A_638 = arith.constant 0 : i32
      %dma_start3A_639 = arith.constant 0 : i32
      %dma_start3A_640 = tpu.memref_slice %arg12[%dma_start3A_631, %dma_start3A_638, %dma_start3A_639] : memref<8x16x128xf32, #tpu.memory_space<vmem>> -> memref<1x16x128xf32, #tpu.memory_space<vmem>>
      %dma_start3A_641 = tpu.memref_squeeze %dma_start3A_640 : memref<1x16x128xf32, #tpu.memory_space<vmem>> -> memref<16x128xf32, #tpu.memory_space<vmem>>
      %dma_start3A_642 = arith.constant 0 : i32
      %dma_start3A_643 = tpu.memref_slice %arg5[%dma_start3A_642, %multiple_of3A_630] : memref<16x1000000xf32, #tpu.memory_space<hbm>> -> memref<16x128xf32, #tpu.memory_space<hbm>>
      tpu.enqueue_dma source(%dma_start3A_643 : memref<16x128xf32, #tpu.memory_space<hbm>>) target(%dma_start3A_641 : memref<16x128xf32, #tpu.memory_space<vmem>>) target_semaphore(%arg17 : memref<!tpu.dma_semaphore, #tpu.memory_space<semaphore_mem>>)
      %shift_right_arithmetic3A_644 = arith.constant 7 : i32
      %shift_right_arithmetic3A_645 = arith.shrsi %squeeze3A_66, %shift_right_arithmetic3A_644 : i32
      %mul3A_646 = arith.constant 128 : i32
      %mul3A_647 = arith.muli %shift_right_arithmetic3A_645, %mul3A_646 : i32
      %multiple_of3A_648 = tpu.assume_multiple %mul3A_647, 128 : i32
      %dma_start3A_649 = arith.constant 0 : i32
      %dma_start3A_650 = arith.constant 0 : i32
      %dma_start3A_651 = arith.constant 0 : i32
      %dma_start3A_652 = tpu.memref_slice %arg13[%dma_start3A_649, %dma_start3A_650, %dma_start3A_651] : memref<8x16x128xf32, #tpu.memory_space<vmem>> -> memref<1x16x128xf32, #tpu.memory_space<vmem>>
      %dma_start3A_653 = tpu.memref_squeeze %dma_start3A_652 : memref<1x16x128xf32, #tpu.memory_space<vmem>> -> memref<16x128xf32, #tpu.memory_space<vmem>>
      %dma_start3A_654 = arith.constant 0 : i32
      %dma_start3A_655 = tpu.memref_slice %arg6[%dma_start3A_654, %multiple_of3A_648] : memref<16x1000000xf32, #tpu.memory_space<hbm>> -> memref<16x128xf32, #tpu.memory_space<hbm>>
      %dma_start3A_656 = arith.constant 0 : i32
      %dma_start3A_657 = arith.constant 0 : i32
      %dma_start3A_658 = tpu.memref_slice %arg13[%dma_start3A_649, %dma_start3A_656, %dma_start3A_657] : memref<8x16x128xf32, #tpu.memory_space<vmem>> -> memref<1x16x128xf32, #tpu.memory_space<vmem>>
      %dma_start3A_659 = tpu.memref_squeeze %dma_start3A_658 : memref<1x16x128xf32, #tpu.memory_space<vmem>> -> memref<16x128xf32, #tpu.memory_space<vmem>>
      %dma_start3A_660 = arith.constant 0 : i32
      %dma_start3A_661 = tpu.memref_slice %arg6[%dma_start3A_660, %multiple_of3A_648] : memref<16x1000000xf32, #tpu.memory_space<hbm>> -> memref<16x128xf32, #tpu.memory_space<hbm>>
      tpu.enqueue_dma source(%dma_start3A_661 : memref<16x128xf32, #tpu.memory_space<hbm>>) target(%dma_start3A_659 : memref<16x128xf32, #tpu.memory_space<vmem>>) target_semaphore(%arg17 : memref<!tpu.dma_semaphore, #tpu.memory_space<semaphore_mem>>)
      %shift_right_arithmetic3A_662 = arith.constant 7 : i32
      %shift_right_arithmetic3A_663 = arith.shrsi %squeeze3A_98, %shift_right_arithmetic3A_662 : i32
      %mul3A_664 = arith.constant 128 : i32
      %mul3A_665 = arith.muli %shift_right_arithmetic3A_663, %mul3A_664 : i32
      %multiple_of3A_666 = tpu.assume_multiple %mul3A_665, 128 : i32
      %dma_start3A_667 = arith.constant 0 : i32
      %dma_start3A_668 = arith.constant 0 : i32
      %dma_start3A_669 = arith.constant 0 : i32
      %dma_start3A_670 = tpu.memref_slice %arg14[%dma_start3A_667, %dma_start3A_668, %dma_start3A_669] : memref<8x16x128xf32, #tpu.memory_space<vmem>> -> memref<1x16x128xf32, #tpu.memory_space<vmem>>
      %dma_start3A_671 = tpu.memref_squeeze %dma_start3A_670 : memref<1x16x128xf32, #tpu.memory_space<vmem>> -> memref<16x128xf32, #tpu.memory_space<vmem>>
      %dma_start3A_672 = arith.constant 0 : i32
      %dma_start3A_673 = tpu.memref_slice %arg6[%dma_start3A_672, %multiple_of3A_666] : memref<16x1000000xf32, #tpu.memory_space<hbm>> -> memref<16x128xf32, #tpu.memory_space<hbm>>
      %dma_start3A_674 = arith.constant 0 : i32
      %dma_start3A_675 = arith.constant 0 : i32
      %dma_start3A_676 = tpu.memref_slice %arg14[%dma_start3A_667, %dma_start3A_674, %dma_start3A_675] : memref<8x16x128xf32, #tpu.memory_space<vmem>> -> memref<1x16x128xf32, #tpu.memory_space<vmem>>
      %dma_start3A_677 = tpu.memref_squeeze %dma_start3A_676 : memref<1x16x128xf32, #tpu.memory_space<vmem>> -> memref<16x128xf32, #tpu.memory_space<vmem>>
      %dma_start3A_678 = arith.constant 0 : i32
      %dma_start3A_679 = tpu.memref_slice %arg6[%dma_start3A_678, %multiple_of3A_666] : memref<16x1000000xf32, #tpu.memory_space<hbm>> -> memref<16x128xf32, #tpu.memory_space<hbm>>
      tpu.enqueue_dma source(%dma_start3A_679 : memref<16x128xf32, #tpu.memory_space<hbm>>) target(%dma_start3A_677 : memref<16x128xf32, #tpu.memory_space<vmem>>) target_semaphore(%arg17 : memref<!tpu.dma_semaphore, #tpu.memory_space<semaphore_mem>>)
      %dma_wait3A_680 = arith.constant 1 : i32
      %dma_wait3A_681 = arith.constant 0 : i32
      %dma_wait3A_682 = arith.constant 0 : i32
      %dma_wait3A_683 = tpu.memref_slice %arg12[%dma_wait3A_680, %dma_wait3A_681, %dma_wait3A_682] : memref<8x16x128xf32, #tpu.memory_space<vmem>> -> memref<1x16x128xf32, #tpu.memory_space<vmem>>
      %dma_wait3A_684 = tpu.memref_squeeze %dma_wait3A_683 : memref<1x16x128xf32, #tpu.memory_space<vmem>> -> memref<16x128xf32, #tpu.memory_space<vmem>>
      %dma_wait3A_685 = arith.constant 0 : i32
      %dma_wait3A_686 = arith.constant 0 : i32
      %dma_wait3A_687 = tpu.memref_slice %arg5[%dma_wait3A_685, %dma_wait3A_686] : memref<16x1000000xf32, #tpu.memory_space<hbm>> -> memref<16x128xf32, #tpu.memory_space<hbm>>
      %dma_wait3A_688 = arith.constant 0 : i32
      %dma_wait3A_689 = arith.constant 0 : i32
      %dma_wait3A_690 = tpu.memref_slice %arg12[%dma_wait3A_680, %dma_wait3A_688, %dma_wait3A_689] : memref<8x16x128xf32, #tpu.memory_space<vmem>> -> memref<1x16x128xf32, #tpu.memory_space<vmem>>
      %dma_wait3A_691 = tpu.memref_squeeze %dma_wait3A_690 : memref<1x16x128xf32, #tpu.memory_space<vmem>> -> memref<16x128xf32, #tpu.memory_space<vmem>>
      %dma_wait3A_692 = arith.constant 0 : i32
      %dma_wait3A_693 = arith.constant 0 : i32
      %dma_wait3A_694 = tpu.memref_slice %arg5[%dma_wait3A_692, %dma_wait3A_693] : memref<16x1000000xf32, #tpu.memory_space<hbm>> -> memref<16x128xf32, #tpu.memory_space<hbm>>
      tpu.wait_dma2 semaphore(%arg18 : memref<!tpu.dma_semaphore, #tpu.memory_space<semaphore_mem>>) src(%dma_wait3A_694 : memref<16x128xf32, #tpu.memory_space<hbm>>) dst(%dma_wait3A_691 : memref<16x128xf32, #tpu.memory_space<vmem>>)
      %dma_wait3A_695 = arith.constant 1 : i32
      %dma_wait3A_696 = arith.constant 0 : i32
      %dma_wait3A_697 = arith.constant 0 : i32
      %dma_wait3A_698 = tpu.memref_slice %arg13[%dma_wait3A_695, %dma_wait3A_696, %dma_wait3A_697] : memref<8x16x128xf32, #tpu.memory_space<vmem>> -> memref<1x16x128xf32, #tpu.memory_space<vmem>>
      %dma_wait3A_699 = tpu.memref_squeeze %dma_wait3A_698 : memref<1x16x128xf32, #tpu.memory_space<vmem>> -> memref<16x128xf32, #tpu.memory_space<vmem>>
      %dma_wait3A_700 = arith.constant 0 : i32
      %dma_wait3A_701 = arith.constant 0 : i32
      %dma_wait3A_702 = tpu.memref_slice %arg6[%dma_wait3A_700, %dma_wait3A_701] : memref<16x1000000xf32, #tpu.memory_space<hbm>> -> memref<16x128xf32, #tpu.memory_space<hbm>>
      %dma_wait3A_703 = arith.constant 0 : i32
      %dma_wait3A_704 = arith.constant 0 : i32
      %dma_wait3A_705 = tpu.memref_slice %arg13[%dma_wait3A_695, %dma_wait3A_703, %dma_wait3A_704] : memref<8x16x128xf32, #tpu.memory_space<vmem>> -> memref<1x16x128xf32, #tpu.memory_space<vmem>>
      %dma_wait3A_706 = tpu.memref_squeeze %dma_wait3A_705 : memref<1x16x128xf32, #tpu.memory_space<vmem>> -> memref<16x128xf32, #tpu.memory_space<vmem>>
      %dma_wait3A_707 = arith.constant 0 : i32
      %dma_wait3A_708 = arith.constant 0 : i32
      %dma_wait3A_709 = tpu.memref_slice %arg6[%dma_wait3A_707, %dma_wait3A_708] : memref<16x1000000xf32, #tpu.memory_space<hbm>> -> memref<16x128xf32, #tpu.memory_space<hbm>>
      tpu.wait_dma2 semaphore(%arg18 : memref<!tpu.dma_semaphore, #tpu.memory_space<semaphore_mem>>) src(%dma_wait3A_709 : memref<16x128xf32, #tpu.memory_space<hbm>>) dst(%dma_wait3A_706 : memref<16x128xf32, #tpu.memory_space<vmem>>)
      %dma_wait3A_710 = arith.constant 1 : i32
      %dma_wait3A_711 = arith.constant 0 : i32
      %dma_wait3A_712 = arith.constant 0 : i32
      %dma_wait3A_713 = tpu.memref_slice %arg14[%dma_wait3A_710, %dma_wait3A_711, %dma_wait3A_712] : memref<8x16x128xf32, #tpu.memory_space<vmem>> -> memref<1x16x128xf32, #tpu.memory_space<vmem>>
      %dma_wait3A_714 = tpu.memref_squeeze %dma_wait3A_713 : memref<1x16x128xf32, #tpu.memory_space<vmem>> -> memref<16x128xf32, #tpu.memory_space<vmem>>
      %dma_wait3A_715 = arith.constant 0 : i32
      %dma_wait3A_716 = arith.constant 0 : i32
      %dma_wait3A_717 = tpu.memref_slice %arg6[%dma_wait3A_715, %dma_wait3A_716] : memref<16x1000000xf32, #tpu.memory_space<hbm>> -> memref<16x128xf32, #tpu.memory_space<hbm>>
      %dma_wait3A_718 = arith.constant 0 : i32
      %dma_wait3A_719 = arith.constant 0 : i32
      %dma_wait3A_720 = tpu.memref_slice %arg14[%dma_wait3A_710, %dma_wait3A_718, %dma_wait3A_719] : memref<8x16x128xf32, #tpu.memory_space<vmem>> -> memref<1x16x128xf32, #tpu.memory_space<vmem>>
      %dma_wait3A_721 = tpu.memref_squeeze %dma_wait3A_720 : memref<1x16x128xf32, #tpu.memory_space<vmem>> -> memref<16x128xf32, #tpu.memory_space<vmem>>
      %dma_wait3A_722 = arith.constant 0 : i32
      %dma_wait3A_723 = arith.constant 0 : i32
      %dma_wait3A_724 = tpu.memref_slice %arg6[%dma_wait3A_722, %dma_wait3A_723] : memref<16x1000000xf32, #tpu.memory_space<hbm>> -> memref<16x128xf32, #tpu.memory_space<hbm>>
      tpu.wait_dma2 semaphore(%arg18 : memref<!tpu.dma_semaphore, #tpu.memory_space<semaphore_mem>>) src(%dma_wait3A_724 : memref<16x128xf32, #tpu.memory_space<hbm>>) dst(%dma_wait3A_721 : memref<16x128xf32, #tpu.memory_space<vmem>>)
      %mul3A_725 = arith.constant 16 : i32
      %mul3A_726 = arith.muli %scan3A_11, %mul3A_725 : i32
      %add3A_727 = arith.constant 1 : i32
      %add3A_728 = arith.addi %mul3A_726, %add3A_727 : i32
      %and3A_729 = arith.constant 127 : i32
      %and3A_730 = arith.andi %squeeze3A_20, %and3A_729 : i32
      %broadcast_in_dim3A_731 = vector.broadcast %and3A_730 : i32 to vector<16xi32>
      %gather3A_732 = arith.constant 1 : i32
      %gather3A_733 = arith.constant 0 : i32
      %gather3A_734 = arith.constant 0 : i32
      %gather3A_735 = tpu.memref_slice %arg12[%gather3A_732, %gather3A_733, %gather3A_734] : memref<8x16x128xf32, #tpu.memory_space<vmem>> -> memref<1x16x128xf32, #tpu.memory_space<vmem>>
      %gather3A_736 = tpu.memref_squeeze %gather3A_735 : memref<1x16x128xf32, #tpu.memory_space<vmem>> -> memref<16x128xf32, #tpu.memory_space<vmem>>
      %gather3A_737 = tpu.vector_load_idx %gather3A_736[%iota3A_5, %broadcast_in_dim3A_731] : memref<16x128xf32, #tpu.memory_space<vmem>>[vector<16xi32>, vector<16xi32>], vector<16xf32>,
      %and3A_738 = arith.constant 127 : i32
      %and3A_739 = arith.andi %squeeze3A_52, %and3A_738 : i32
      %broadcast_in_dim3A_740 = vector.broadcast %and3A_739 : i32 to vector<16xi32>
      %gather3A_741 = arith.constant 1 : i32
      %gather3A_742 = arith.constant 0 : i32
      %gather3A_743 = arith.constant 0 : i32
      %gather3A_744 = tpu.memref_slice %arg13[%gather3A_741, %gather3A_742, %gather3A_743] : memref<8x16x128xf32, #tpu.memory_space<vmem>> -> memref<1x16x128xf32, #tpu.memory_space<vmem>>
      %gather3A_745 = tpu.memref_squeeze %gather3A_744 : memref<1x16x128xf32, #tpu.memory_space<vmem>> -> memref<16x128xf32, #tpu.memory_space<vmem>>
      %gather3A_746 = tpu.vector_load_idx %gather3A_745[%iota3A_5, %broadcast_in_dim3A_740] : memref<16x128xf32, #tpu.memory_space<vmem>>[vector<16xi32>, vector<16xi32>], vector<16xf32>,
      %and3A_747 = arith.constant 127 : i32
      %and3A_748 = arith.andi %squeeze3A_84, %and3A_747 : i32
      %broadcast_in_dim3A_749 = vector.broadcast %and3A_748 : i32 to vector<16xi32>
      %gather3A_750 = arith.constant 1 : i32
      %gather3A_751 = arith.constant 0 : i32
      %gather3A_752 = arith.constant 0 : i32
      %gather3A_753 = tpu.memref_slice %arg14[%gather3A_750, %gather3A_751, %gather3A_752] : memref<8x16x128xf32, #tpu.memory_space<vmem>> -> memref<1x16x128xf32, #tpu.memory_space<vmem>>
      %gather3A_754 = tpu.memref_squeeze %gather3A_753 : memref<1x16x128xf32, #tpu.memory_space<vmem>> -> memref<16x128xf32, #tpu.memory_space<vmem>>
      %gather3A_755 = tpu.vector_load_idx %gather3A_754[%iota3A_5, %broadcast_in_dim3A_749] : memref<16x128xf32, #tpu.memory_space<vmem>>[vector<16xi32>, vector<16xi32>], vector<16xf32>,
      %mul3A_756 = arith.mulf %gather3A_737, %gather3A_746 : vector<16xf32>
      %reduce_sum3A_757 = arith.constant true
      %reduce_sum3A_758 = vector.broadcast %reduce_sum3A_757 : i1 to vector<16xi1>
      %reduce_sum3A_759 = tpu.scan <sum>, %mul3A_756 masked %reduce_sum3A_758 : vector<16xf32>, vector<16xi1> -> vector<16xf32>
      %reduce_sum3A_760 = vector.extract %reduce_sum3A_759[15] : f32 from vector<16xf32>
      %mul3A_761 = arith.mulf %gather3A_737, %gather3A_755 : vector<16xf32>
      %reduce_sum3A_762 = arith.constant true
      %reduce_sum3A_763 = vector.broadcast %reduce_sum3A_762 : i1 to vector<16xi1>
      %reduce_sum3A_764 = tpu.scan <sum>, %mul3A_761 masked %reduce_sum3A_763 : vector<16xf32>, vector<16xi1> -> vector<16xf32>
      %reduce_sum3A_765 = vector.extract %reduce_sum3A_764[15] : f32 from vector<16xf32>
      %broadcast_in_dim3A_766 = vector.broadcast %add3A_728 : i32 to vector<16xi32>
      %broadcast_in_dim3A_767 = vector.broadcast %reduce_sum3A_760 : f32 to vector<16xf32>
      tpu.vector_store_idx %arg15[%broadcast_in_dim3A_766], %broadcast_in_dim3A_767 masked %eq3A_4 : memref<512xf32, #tpu.memory_space<vmem>>[vector<16xi32>], vector<16xf32>, vector<16xi1>
      %broadcast_in_dim3A_768 = vector.broadcast %reduce_sum3A_765 : f32 to vector<16xf32>
      tpu.vector_store_idx %arg16[%broadcast_in_dim3A_766], %broadcast_in_dim3A_768 masked %eq3A_4 : memref<512xf32, #tpu.memory_space<vmem>>[vector<16xi32>], vector<16xf32>, vector<16xi1>
      %shift_right_arithmetic3A_769 = arith.constant 7 : i32
      %shift_right_arithmetic3A_770 = arith.shrsi %squeeze3A_36, %shift_right_arithmetic3A_769 : i32
      %mul3A_771 = arith.constant 128 : i32
      %mul3A_772 = arith.muli %shift_right_arithmetic3A_770, %mul3A_771 : i32
      %multiple_of3A_773 = tpu.assume_multiple %mul3A_772, 128 : i32
      %dma_start3A_774 = arith.constant 1 : i32
      %dma_start3A_775 = arith.constant 0 : i32
      %dma_start3A_776 = arith.constant 0 : i32
      %dma_start3A_777 = tpu.memref_slice %arg12[%dma_start3A_774, %dma_start3A_775, %dma_start3A_776] : memref<8x16x128xf32, #tpu.memory_space<vmem>> -> memref<1x16x128xf32, #tpu.memory_space<vmem>>
      %dma_start3A_778 = tpu.memref_squeeze %dma_start3A_777 : memref<1x16x128xf32, #tpu.memory_space<vmem>> -> memref<16x128xf32, #tpu.memory_space<vmem>>
      %dma_start3A_779 = arith.constant 0 : i32
      %dma_start3A_780 = tpu.memref_slice %arg5[%dma_start3A_779, %multiple_of3A_773] : memref<16x1000000xf32, #tpu.memory_space<hbm>> -> memref<16x128xf32, #tpu.memory_space<hbm>>
      %dma_start3A_781 = arith.constant 0 : i32
      %dma_start3A_782 = arith.constant 0 : i32
      %dma_start3A_783 = tpu.memref_slice %arg12[%dma_start3A_774, %dma_start3A_781, %dma_start3A_782] : memref<8x16x128xf32, #tpu.memory_space<vmem>> -> memref<1x16x128xf32, #tpu.memory_space<vmem>>
      %dma_start3A_784 = tpu.memref_squeeze %dma_start3A_783 : memref<1x16x128xf32, #tpu.memory_space<vmem>> -> memref<16x128xf32, #tpu.memory_space<vmem>>
      %dma_start3A_785 = arith.constant 0 : i32
      %dma_start3A_786 = tpu.memref_slice %arg5[%dma_start3A_785, %multiple_of3A_773] : memref<16x1000000xf32, #tpu.memory_space<hbm>> -> memref<16x128xf32, #tpu.memory_space<hbm>>
      tpu.enqueue_dma source(%dma_start3A_786 : memref<16x128xf32, #tpu.memory_space<hbm>>) target(%dma_start3A_784 : memref<16x128xf32, #tpu.memory_space<vmem>>) target_semaphore(%arg18 : memref<!tpu.dma_semaphore, #tpu.memory_space<semaphore_mem>>)
      %shift_right_arithmetic3A_787 = arith.constant 7 : i32
      %shift_right_arithmetic3A_788 = arith.shrsi %squeeze3A_68, %shift_right_arithmetic3A_787 : i32
      %mul3A_789 = arith.constant 128 : i32
      %mul3A_790 = arith.muli %shift_right_arithmetic3A_788, %mul3A_789 : i32
      %multiple_of3A_791 = tpu.assume_multiple %mul3A_790, 128 : i32
      %dma_start3A_792 = arith.constant 1 : i32
      %dma_start3A_793 = arith.constant 0 : i32
      %dma_start3A_794 = arith.constant 0 : i32
      %dma_start3A_795 = tpu.memref_slice %arg13[%dma_start3A_792, %dma_start3A_793, %dma_start3A_794] : memref<8x16x128xf32, #tpu.memory_space<vmem>> -> memref<1x16x128xf32, #tpu.memory_space<vmem>>
      %dma_start3A_796 = tpu.memref_squeeze %dma_start3A_795 : memref<1x16x128xf32, #tpu.memory_space<vmem>> -> memref<16x128xf32, #tpu.memory_space<vmem>>
      %dma_start3A_797 = arith.constant 0 : i32
      %dma_start3A_798 = tpu.memref_slice %arg6[%dma_start3A_797, %multiple_of3A_791] : memref<16x1000000xf32, #tpu.memory_space<hbm>> -> memref<16x128xf32, #tpu.memory_space<hbm>>
      %dma_start3A_799 = arith.constant 0 : i32
      %dma_start3A_800 = arith.constant 0 : i32
      %dma_start3A_801 = tpu.memref_slice %arg13[%dma_start3A_792, %dma_start3A_799, %dma_start3A_800] : memref<8x16x128xf32, #tpu.memory_space<vmem>> -> memref<1x16x128xf32, #tpu.memory_space<vmem>>
      %dma_start3A_802 = tpu.memref_squeeze %dma_start3A_801 : memref<1x16x128xf32, #tpu.memory_space<vmem>> -> memref<16x128xf32, #tpu.memory_space<vmem>>
      %dma_start3A_803 = arith.constant 0 : i32
      %dma_start3A_804 = tpu.memref_slice %arg6[%dma_start3A_803, %multiple_of3A_791] : memref<16x1000000xf32, #tpu.memory_space<hbm>> -> memref<16x128xf32, #tpu.memory_space<hbm>>
      tpu.enqueue_dma source(%dma_start3A_804 : memref<16x128xf32, #tpu.memory_space<hbm>>) target(%dma_start3A_802 : memref<16x128xf32, #tpu.memory_space<vmem>>) target_semaphore(%arg18 : memref<!tpu.dma_semaphore, #tpu.memory_space<semaphore_mem>>)
      %shift_right_arithmetic3A_805 = arith.constant 7 : i32
      %shift_right_arithmetic3A_806 = arith.shrsi %squeeze3A_100, %shift_right_arithmetic3A_805 : i32
      %mul3A_807 = arith.constant 128 : i32
      %mul3A_808 = arith.muli %shift_right_arithmetic3A_806, %mul3A_807 : i32
      %multiple_of3A_809 = tpu.assume_multiple %mul3A_808, 128 : i32
      %dma_start3A_810 = arith.constant 1 : i32
      %dma_start3A_811 = arith.constant 0 : i32
      %dma_start3A_812 = arith.constant 0 : i32
      %dma_start3A_813 = tpu.memref_slice %arg14[%dma_start3A_810, %dma_start3A_811, %dma_start3A_812] : memref<8x16x128xf32, #tpu.memory_space<vmem>> -> memref<1x16x128xf32, #tpu.memory_space<vmem>>
      %dma_start3A_814 = tpu.memref_squeeze %dma_start3A_813 : memref<1x16x128xf32, #tpu.memory_space<vmem>> -> memref<16x128xf32, #tpu.memory_space<vmem>>
      %dma_start3A_815 = arith.constant 0 : i32
      %dma_start3A_816 = tpu.memref_slice %arg6[%dma_start3A_815, %multiple_of3A_809] : memref<16x1000000xf32, #tpu.memory_space<hbm>> -> memref<16x128xf32, #tpu.memory_space<hbm>>
      %dma_start3A_817 = arith.constant 0 : i32
      %dma_start3A_818 = arith.constant 0 : i32
      %dma_start3A_819 = tpu.memref_slice %arg14[%dma_start3A_810, %dma_start3A_817, %dma_start3A_818] : memref<8x16x128xf32, #tpu.memory_space<vmem>> -> memref<1x16x128xf32, #tpu.memory_space<vmem>>
      %dma_start3A_820 = tpu.memref_squeeze %dma_start3A_819 : memref<1x16x128xf32, #tpu.memory_space<vmem>> -> memref<16x128xf32, #tpu.memory_space<vmem>>
      %dma_start3A_821 = arith.constant 0 : i32
      %dma_start3A_822 = tpu.memref_slice %arg6[%dma_start3A_821, %multiple_of3A_809] : memref<16x1000000xf32, #tpu.memory_space<hbm>> -> memref<16x128xf32, #tpu.memory_space<hbm>>
      tpu.enqueue_dma source(%dma_start3A_822 : memref<16x128xf32, #tpu.memory_space<hbm>>) target(%dma_start3A_820 : memref<16x128xf32, #tpu.memory_space<vmem>>) target_semaphore(%arg18 : memref<!tpu.dma_semaphore, #tpu.memory_space<semaphore_mem>>)
      %dma_wait3A_823 = arith.constant 2 : i32
      %dma_wait3A_824 = arith.constant 0 : i32
      %dma_wait3A_825 = arith.constant 0 : i32
      %dma_wait3A_826 = tpu.memref_slice %arg12[%dma_wait3A_823, %dma_wait3A_824, %dma_wait3A_825] : memref<8x16x128xf32, #tpu.memory_space<vmem>> -> memref<1x16x128xf32, #tpu.memory_space<vmem>>
      %dma_wait3A_827 = tpu.memref_squeeze %dma_wait3A_826 : memref<1x16x128xf32, #tpu.memory_space<vmem>> -> memref<16x128xf32, #tpu.memory_space<vmem>>
      %dma_wait3A_828 = arith.constant 0 : i32
      %dma_wait3A_829 = arith.constant 0 : i32
      %dma_wait3A_830 = tpu.memref_slice %arg5[%dma_wait3A_828, %dma_wait3A_829] : memref<16x1000000xf32, #tpu.memory_space<hbm>> -> memref<16x128xf32, #tpu.memory_space<hbm>>
      %dma_wait3A_831 = arith.constant 0 : i32
      %dma_wait3A_832 = arith.constant 0 : i32
      %dma_wait3A_833 = tpu.memref_slice %arg12[%dma_wait3A_823, %dma_wait3A_831, %dma_wait3A_832] : memref<8x16x128xf32, #tpu.memory_space<vmem>> -> memref<1x16x128xf32, #tpu.memory_space<vmem>>
      %dma_wait3A_834 = tpu.memref_squeeze %dma_wait3A_833 : memref<1x16x128xf32, #tpu.memory_space<vmem>> -> memref<16x128xf32, #tpu.memory_space<vmem>>
      %dma_wait3A_835 = arith.constant 0 : i32
      %dma_wait3A_836 = arith.constant 0 : i32
      %dma_wait3A_837 = tpu.memref_slice %arg5[%dma_wait3A_835, %dma_wait3A_836] : memref<16x1000000xf32, #tpu.memory_space<hbm>> -> memref<16x128xf32, #tpu.memory_space<hbm>>
      tpu.wait_dma2 semaphore(%arg19 : memref<!tpu.dma_semaphore, #tpu.memory_space<semaphore_mem>>) src(%dma_wait3A_837 : memref<16x128xf32, #tpu.memory_space<hbm>>) dst(%dma_wait3A_834 : memref<16x128xf32, #tpu.memory_space<vmem>>)
      %dma_wait3A_838 = arith.constant 2 : i32
      %dma_wait3A_839 = arith.constant 0 : i32
      %dma_wait3A_840 = arith.constant 0 : i32
      %dma_wait3A_841 = tpu.memref_slice %arg13[%dma_wait3A_838, %dma_wait3A_839, %dma_wait3A_840] : memref<8x16x128xf32, #tpu.memory_space<vmem>> -> memref<1x16x128xf32, #tpu.memory_space<vmem>>
      %dma_wait3A_842 = tpu.memref_squeeze %dma_wait3A_841 : memref<1x16x128xf32, #tpu.memory_space<vmem>> -> memref<16x128xf32, #tpu.memory_space<vmem>>
      %dma_wait3A_843 = arith.constant 0 : i32
      %dma_wait3A_844 = arith.constant 0 : i32
      %dma_wait3A_845 = tpu.memref_slice %arg6[%dma_wait3A_843, %dma_wait3A_844] : memref<16x1000000xf32, #tpu.memory_space<hbm>> -> memref<16x128xf32, #tpu.memory_space<hbm>>
      %dma_wait3A_846 = arith.constant 0 : i32
      %dma_wait3A_847 = arith.constant 0 : i32
      %dma_wait3A_848 = tpu.memref_slice %arg13[%dma_wait3A_838, %dma_wait3A_846, %dma_wait3A_847] : memref<8x16x128xf32, #tpu.memory_space<vmem>> -> memref<1x16x128xf32, #tpu.memory_space<vmem>>
      %dma_wait3A_849 = tpu.memref_squeeze %dma_wait3A_848 : memref<1x16x128xf32, #tpu.memory_space<vmem>> -> memref<16x128xf32, #tpu.memory_space<vmem>>
      %dma_wait3A_850 = arith.constant 0 : i32
      %dma_wait3A_851 = arith.constant 0 : i32
      %dma_wait3A_852 = tpu.memref_slice %arg6[%dma_wait3A_850, %dma_wait3A_851] : memref<16x1000000xf32, #tpu.memory_space<hbm>> -> memref<16x128xf32, #tpu.memory_space<hbm>>
      tpu.wait_dma2 semaphore(%arg19 : memref<!tpu.dma_semaphore, #tpu.memory_space<semaphore_mem>>) src(%dma_wait3A_852 : memref<16x128xf32, #tpu.memory_space<hbm>>) dst(%dma_wait3A_849 : memref<16x128xf32, #tpu.memory_space<vmem>>)
      %dma_wait3A_853 = arith.constant 2 : i32
      %dma_wait3A_854 = arith.constant 0 : i32
      %dma_wait3A_855 = arith.constant 0 : i32
      %dma_wait3A_856 = tpu.memref_slice %arg14[%dma_wait3A_853, %dma_wait3A_854, %dma_wait3A_855] : memref<8x16x128xf32, #tpu.memory_space<vmem>> -> memref<1x16x128xf32, #tpu.memory_space<vmem>>
      %dma_wait3A_857 = tpu.memref_squeeze %dma_wait3A_856 : memref<1x16x128xf32, #tpu.memory_space<vmem>> -> memref<16x128xf32, #tpu.memory_space<vmem>>
      %dma_wait3A_858 = arith.constant 0 : i32
      %dma_wait3A_859 = arith.constant 0 : i32
      %dma_wait3A_860 = tpu.memref_slice %arg6[%dma_wait3A_858, %dma_wait3A_859] : memref<16x1000000xf32, #tpu.memory_space<hbm>> -> memref<16x128xf32, #tpu.memory_space<hbm>>
      %dma_wait3A_861 = arith.constant 0 : i32
      %dma_wait3A_862 = arith.constant 0 : i32
      %dma_wait3A_863 = tpu.memref_slice %arg14[%dma_wait3A_853, %dma_wait3A_861, %dma_wait3A_862] : memref<8x16x128xf32, #tpu.memory_space<vmem>> -> memref<1x16x128xf32, #tpu.memory_space<vmem>>
      %dma_wait3A_864 = tpu.memref_squeeze %dma_wait3A_863 : memref<1x16x128xf32, #tpu.memory_space<vmem>> -> memref<16x128xf32, #tpu.memory_space<vmem>>
      %dma_wait3A_865 = arith.constant 0 : i32
      %dma_wait3A_866 = arith.constant 0 : i32
      %dma_wait3A_867 = tpu.memref_slice %arg6[%dma_wait3A_865, %dma_wait3A_866] : memref<16x1000000xf32, #tpu.memory_space<hbm>> -> memref<16x128xf32, #tpu.memory_space<hbm>>
      tpu.wait_dma2 semaphore(%arg19 : memref<!tpu.dma_semaphore, #tpu.memory_space<semaphore_mem>>) src(%dma_wait3A_867 : memref<16x128xf32, #tpu.memory_space<hbm>>) dst(%dma_wait3A_864 : memref<16x128xf32, #tpu.memory_space<vmem>>)
      %mul3A_868 = arith.constant 16 : i32
      %mul3A_869 = arith.muli %scan3A_11, %mul3A_868 : i32
      %add3A_870 = arith.constant 2 : i32
      %add3A_871 = arith.addi %mul3A_869, %add3A_870 : i32
      %and3A_872 = arith.constant 127 : i32
      %and3A_873 = arith.andi %squeeze3A_22, %and3A_872 : i32
      %broadcast_in_dim3A_874 = vector.broadcast %and3A_873 : i32 to vector<16xi32>
      %gather3A_875 = arith.constant 2 : i32
      %gather3A_876 = arith.constant 0 : i32
      %gather3A_877 = arith.constant 0 : i32
      %gather3A_878 = tpu.memref_slice %arg12[%gather3A_875, %gather3A_876, %gather3A_877] : memref<8x16x128xf32, #tpu.memory_space<vmem>> -> memref<1x16x128xf32, #tpu.memory_space<vmem>>
      %gather3A_879 = tpu.memref_squeeze %gather3A_878 : memref<1x16x128xf32, #tpu.memory_space<vmem>> -> memref<16x128xf32, #tpu.memory_space<vmem>>
      %gather3A_880 = tpu.vector_load_idx %gather3A_879[%iota3A_5, %broadcast_in_dim3A_874] : memref<16x128xf32, #tpu.memory_space<vmem>>[vector<16xi32>, vector<16xi32>], vector<16xf32>,
      %and3A_881 = arith.constant 127 : i32
      %and3A_882 = arith.andi %squeeze3A_54, %and3A_881 : i32
      %broadcast_in_dim3A_883 = vector.broadcast %and3A_882 : i32 to vector<16xi32>
      %gather3A_884 = arith.constant 2 : i32
      %gather3A_885 = arith.constant 0 : i32
      %gather3A_886 = arith.constant 0 : i32
      %gather3A_887 = tpu.memref_slice %arg13[%gather3A_884, %gather3A_885, %gather3A_886] : memref<8x16x128xf32, #tpu.memory_space<vmem>> -> memref<1x16x128xf32, #tpu.memory_space<vmem>>
      %gather3A_888 = tpu.memref_squeeze %gather3A_887 : memref<1x16x128xf32, #tpu.memory_space<vmem>> -> memref<16x128xf32, #tpu.memory_space<vmem>>
      %gather3A_889 = tpu.vector_load_idx %gather3A_888[%iota3A_5, %broadcast_in_dim3A_883] : memref<16x128xf32, #tpu.memory_space<vmem>>[vector<16xi32>, vector<16xi32>], vector<16xf32>,
      %and3A_890 = arith.constant 127 : i32
      %and3A_891 = arith.andi %squeeze3A_86, %and3A_890 : i32
      %broadcast_in_dim3A_892 = vector.broadcast %and3A_891 : i32 to vector<16xi32>
      %gather3A_893 = arith.constant 2 : i32
      %gather3A_894 = arith.constant 0 : i32
      %gather3A_895 = arith.constant 0 : i32
      %gather3A_896 = tpu.memref_slice %arg14[%gather3A_893, %gather3A_894, %gather3A_895] : memref<8x16x128xf32, #tpu.memory_space<vmem>> -> memref<1x16x128xf32, #tpu.memory_space<vmem>>
      %gather3A_897 = tpu.memref_squeeze %gather3A_896 : memref<1x16x128xf32, #tpu.memory_space<vmem>> -> memref<16x128xf32, #tpu.memory_space<vmem>>
      %gather3A_898 = tpu.vector_load_idx %gather3A_897[%iota3A_5, %broadcast_in_dim3A_892] : memref<16x128xf32, #tpu.memory_space<vmem>>[vector<16xi32>, vector<16xi32>], vector<16xf32>,
      %mul3A_899 = arith.mulf %gather3A_880, %gather3A_889 : vector<16xf32>
      %reduce_sum3A_900 = arith.constant true
      %reduce_sum3A_901 = vector.broadcast %reduce_sum3A_900 : i1 to vector<16xi1>
      %reduce_sum3A_902 = tpu.scan <sum>, %mul3A_899 masked %reduce_sum3A_901 : vector<16xf32>, vector<16xi1> -> vector<16xf32>
      %reduce_sum3A_903 = vector.extract %reduce_sum3A_902[15] : f32 from vector<16xf32>
      %mul3A_904 = arith.mulf %gather3A_880, %gather3A_898 : vector<16xf32>
      %reduce_sum3A_905 = arith.constant true
      %reduce_sum3A_906 = vector.broadcast %reduce_sum3A_905 : i1 to vector<16xi1>
      %reduce_sum3A_907 = tpu.scan <sum>, %mul3A_904 masked %reduce_sum3A_906 : vector<16xf32>, vector<16xi1> -> vector<16xf32>
      %reduce_sum3A_908 = vector.extract %reduce_sum3A_907[15] : f32 from vector<16xf32>
      %broadcast_in_dim3A_909 = vector.broadcast %add3A_871 : i32 to vector<16xi32>
      %broadcast_in_dim3A_910 = vector.broadcast %reduce_sum3A_903 : f32 to vector<16xf32>
      tpu.vector_store_idx %arg15[%broadcast_in_dim3A_909], %broadcast_in_dim3A_910 masked %eq3A_4 : memref<512xf32, #tpu.memory_space<vmem>>[vector<16xi32>], vector<16xf32>, vector<16xi1>
      %broadcast_in_dim3A_911 = vector.broadcast %reduce_sum3A_908 : f32 to vector<16xf32>
      tpu.vector_store_idx %arg16[%broadcast_in_dim3A_909], %broadcast_in_dim3A_911 masked %eq3A_4 : memref<512xf32, #tpu.memory_space<vmem>>[vector<16xi32>], vector<16xf32>, vector<16xi1>
      %shift_right_arithmetic3A_912 = arith.constant 7 : i32
      %shift_right_arithmetic3A_913 = arith.shrsi %squeeze3A_38, %shift_right_arithmetic3A_912 : i32
      %mul3A_914 = arith.constant 128 : i32
      %mul3A_915 = arith.muli %shift_right_arithmetic3A_913, %mul3A_914 : i32
      %multiple_of3A_916 = tpu.assume_multiple %mul3A_915, 128 : i32
      %dma_start3A_917 = arith.constant 2 : i32
      %dma_start3A_918 = arith.constant 0 : i32
      %dma_start3A_919 = arith.constant 0 : i32
      %dma_start3A_920 = tpu.memref_slice %arg12[%dma_start3A_917, %dma_start3A_918, %dma_start3A_919] : memref<8x16x128xf32, #tpu.memory_space<vmem>> -> memref<1x16x128xf32, #tpu.memory_space<vmem>>
      %dma_start3A_921 = tpu.memref_squeeze %dma_start3A_920 : memref<1x16x128xf32, #tpu.memory_space<vmem>> -> memref<16x128xf32, #tpu.memory_space<vmem>>
      %dma_start3A_922 = arith.constant 0 : i32
      %dma_start3A_923 = tpu.memref_slice %arg5[%dma_start3A_922, %multiple_of3A_916] : memref<16x1000000xf32, #tpu.memory_space<hbm>> -> memref<16x128xf32, #tpu.memory_space<hbm>>
      %dma_start3A_924 = arith.constant 0 : i32
      %dma_start3A_925 = arith.constant 0 : i32
      %dma_start3A_926 = tpu.memref_slice %arg12[%dma_start3A_917, %dma_start3A_924, %dma_start3A_925] : memref<8x16x128xf32, #tpu.memory_space<vmem>> -> memref<1x16x128xf32, #tpu.memory_space<vmem>>
      %dma_start3A_927 = tpu.memref_squeeze %dma_start3A_926 : memref<1x16x128xf32, #tpu.memory_space<vmem>> -> memref<16x128xf32, #tpu.memory_space<vmem>>
      %dma_start3A_928 = arith.constant 0 : i32
      %dma_start3A_929 = tpu.memref_slice %arg5[%dma_start3A_928, %multiple_of3A_916] : memref<16x1000000xf32, #tpu.memory_space<hbm>> -> memref<16x128xf32, #tpu.memory_space<hbm>>
      tpu.enqueue_dma source(%dma_start3A_929 : memref<16x128xf32, #tpu.memory_space<hbm>>) target(%dma_start3A_927 : memref<16x128xf32, #tpu.memory_space<vmem>>) target_semaphore(%arg19 : memref<!tpu.dma_semaphore, #tpu.memory_space<semaphore_mem>>)
      %shift_right_arithmetic3A_930 = arith.constant 7 : i32
      %shift_right_arithmetic3A_931 = arith.shrsi %squeeze3A_70, %shift_right_arithmetic3A_930 : i32
      %mul3A_932 = arith.constant 128 : i32
      %mul3A_933 = arith.muli %shift_right_arithmetic3A_931, %mul3A_932 : i32
      %multiple_of3A_934 = tpu.assume_multiple %mul3A_933, 128 : i32
      %dma_start3A_935 = arith.constant 2 : i32
      %dma_start3A_936 = arith.constant 0 : i32
      %dma_start3A_937 = arith.constant 0 : i32
      %dma_start3A_938 = tpu.memref_slice %arg13[%dma_start3A_935, %dma_start3A_936, %dma_start3A_937] : memref<8x16x128xf32, #tpu.memory_space<vmem>> -> memref<1x16x128xf32, #tpu.memory_space<vmem>>
      %dma_start3A_939 = tpu.memref_squeeze %dma_start3A_938 : memref<1x16x128xf32, #tpu.memory_space<vmem>> -> memref<16x128xf32, #tpu.memory_space<vmem>>
      %dma_start3A_940 = arith.constant 0 : i32
      %dma_start3A_941 = tpu.memref_slice %arg6[%dma_start3A_940, %multiple_of3A_934] : memref<16x1000000xf32, #tpu.memory_space<hbm>> -> memref<16x128xf32, #tpu.memory_space<hbm>>
      %dma_start3A_942 = arith.constant 0 : i32
      %dma_start3A_943 = arith.constant 0 : i32
      %dma_start3A_944 = tpu.memref_slice %arg13[%dma_start3A_935, %dma_start3A_942, %dma_start3A_943] : memref<8x16x128xf32, #tpu.memory_space<vmem>> -> memref<1x16x128xf32, #tpu.memory_space<vmem>>
      %dma_start3A_945 = tpu.memref_squeeze %dma_start3A_944 : memref<1x16x128xf32, #tpu.memory_space<vmem>> -> memref<16x128xf32, #tpu.memory_space<vmem>>
      %dma_start3A_946 = arith.constant 0 : i32
      %dma_start3A_947 = tpu.memref_slice %arg6[%dma_start3A_946, %multiple_of3A_934] : memref<16x1000000xf32, #tpu.memory_space<hbm>> -> memref<16x128xf32, #tpu.memory_space<hbm>>
      tpu.enqueue_dma source(%dma_start3A_947 : memref<16x128xf32, #tpu.memory_space<hbm>>) target(%dma_start3A_945 : memref<16x128xf32, #tpu.memory_space<vmem>>) target_semaphore(%arg19 : memref<!tpu.dma_semaphore, #tpu.memory_space<semaphore_mem>>)
      %shift_right_arithmetic3A_948 = arith.constant 7 : i32
      %shift_right_arithmetic3A_949 = arith.shrsi %squeeze3A_102, %shift_right_arithmetic3A_948 : i32
      %mul3A_950 = arith.constant 128 : i32
      %mul3A_951 = arith.muli %shift_right_arithmetic3A_949, %mul3A_950 : i32
      %multiple_of3A_952 = tpu.assume_multiple %mul3A_951, 128 : i32
      %dma_start3A_953 = arith.constant 2 : i32
      %dma_start3A_954 = arith.constant 0 : i32
      %dma_start3A_955 = arith.constant 0 : i32
      %dma_start3A_956 = tpu.memref_slice %arg14[%dma_start3A_953, %dma_start3A_954, %dma_start3A_955] : memref<8x16x128xf32, #tpu.memory_space<vmem>> -> memref<1x16x128xf32, #tpu.memory_space<vmem>>
      %dma_start3A_957 = tpu.memref_squeeze %dma_start3A_956 : memref<1x16x128xf32, #tpu.memory_space<vmem>> -> memref<16x128xf32, #tpu.memory_space<vmem>>
      %dma_start3A_958 = arith.constant 0 : i32
      %dma_start3A_959 = tpu.memref_slice %arg6[%dma_start3A_958, %multiple_of3A_952] : memref<16x1000000xf32, #tpu.memory_space<hbm>> -> memref<16x128xf32, #tpu.memory_space<hbm>>
      %dma_start3A_960 = arith.constant 0 : i32
      %dma_start3A_961 = arith.constant 0 : i32
      %dma_start3A_962 = tpu.memref_slice %arg14[%dma_start3A_953, %dma_start3A_960, %dma_start3A_961] : memref<8x16x128xf32, #tpu.memory_space<vmem>> -> memref<1x16x128xf32, #tpu.memory_space<vmem>>
      %dma_start3A_963 = tpu.memref_squeeze %dma_start3A_962 : memref<1x16x128xf32, #tpu.memory_space<vmem>> -> memref<16x128xf32, #tpu.memory_space<vmem>>
      %dma_start3A_964 = arith.constant 0 : i32
      %dma_start3A_965 = tpu.memref_slice %arg6[%dma_start3A_964, %multiple_of3A_952] : memref<16x1000000xf32, #tpu.memory_space<hbm>> -> memref<16x128xf32, #tpu.memory_space<hbm>>
      tpu.enqueue_dma source(%dma_start3A_965 : memref<16x128xf32, #tpu.memory_space<hbm>>) target(%dma_start3A_963 : memref<16x128xf32, #tpu.memory_space<vmem>>) target_semaphore(%arg19 : memref<!tpu.dma_semaphore, #tpu.memory_space<semaphore_mem>>)
      %dma_wait3A_966 = arith.constant 3 : i32
      %dma_wait3A_967 = arith.constant 0 : i32
      %dma_wait3A_968 = arith.constant 0 : i32
      %dma_wait3A_969 = tpu.memref_slice %arg12[%dma_wait3A_966, %dma_wait3A_967, %dma_wait3A_968] : memref<8x16x128xf32, #tpu.memory_space<vmem>> -> memref<1x16x128xf32, #tpu.memory_space<vmem>>
      %dma_wait3A_970 = tpu.memref_squeeze %dma_wait3A_969 : memref<1x16x128xf32, #tpu.memory_space<vmem>> -> memref<16x128xf32, #tpu.memory_space<vmem>>
      %dma_wait3A_971 = arith.constant 0 : i32
      %dma_wait3A_972 = arith.constant 0 : i32
      %dma_wait3A_973 = tpu.memref_slice %arg5[%dma_wait3A_971, %dma_wait3A_972] : memref<16x1000000xf32, #tpu.memory_space<hbm>> -> memref<16x128xf32, #tpu.memory_space<hbm>>
      %dma_wait3A_974 = arith.constant 0 : i32
      %dma_wait3A_975 = arith.constant 0 : i32
      %dma_wait3A_976 = tpu.memref_slice %arg12[%dma_wait3A_966, %dma_wait3A_974, %dma_wait3A_975] : memref<8x16x128xf32, #tpu.memory_space<vmem>> -> memref<1x16x128xf32, #tpu.memory_space<vmem>>
      %dma_wait3A_977 = tpu.memref_squeeze %dma_wait3A_976 : memref<1x16x128xf32, #tpu.memory_space<vmem>> -> memref<16x128xf32, #tpu.memory_space<vmem>>
      %dma_wait3A_978 = arith.constant 0 : i32
      %dma_wait3A_979 = arith.constant 0 : i32
      %dma_wait3A_980 = tpu.memref_slice %arg5[%dma_wait3A_978, %dma_wait3A_979] : memref<16x1000000xf32, #tpu.memory_space<hbm>> -> memref<16x128xf32, #tpu.memory_space<hbm>>
      tpu.wait_dma2 semaphore(%arg20 : memref<!tpu.dma_semaphore, #tpu.memory_space<semaphore_mem>>) src(%dma_wait3A_980 : memref<16x128xf32, #tpu.memory_space<hbm>>) dst(%dma_wait3A_977 : memref<16x128xf32, #tpu.memory_space<vmem>>)
      %dma_wait3A_981 = arith.constant 3 : i32
      %dma_wait3A_982 = arith.constant 0 : i32
      %dma_wait3A_983 = arith.constant 0 : i32
      %dma_wait3A_984 = tpu.memref_slice %arg13[%dma_wait3A_981, %dma_wait3A_982, %dma_wait3A_983] : memref<8x16x128xf32, #tpu.memory_space<vmem>> -> memref<1x16x128xf32, #tpu.memory_space<vmem>>
      %dma_wait3A_985 = tpu.memref_squeeze %dma_wait3A_984 : memref<1x16x128xf32, #tpu.memory_space<vmem>> -> memref<16x128xf32, #tpu.memory_space<vmem>>
      %dma_wait3A_986 = arith.constant 0 : i32
      %dma_wait3A_987 = arith.constant 0 : i32
      %dma_wait3A_988 = tpu.memref_slice %arg6[%dma_wait3A_986, %dma_wait3A_987] : memref<16x1000000xf32, #tpu.memory_space<hbm>> -> memref<16x128xf32, #tpu.memory_space<hbm>>
      %dma_wait3A_989 = arith.constant 0 : i32
      %dma_wait3A_990 = arith.constant 0 : i32
      %dma_wait3A_991 = tpu.memref_slice %arg13[%dma_wait3A_981, %dma_wait3A_989, %dma_wait3A_990] : memref<8x16x128xf32, #tpu.memory_space<vmem>> -> memref<1x16x128xf32, #tpu.memory_space<vmem>>
      %dma_wait3A_992 = tpu.memref_squeeze %dma_wait3A_991 : memref<1x16x128xf32, #tpu.memory_space<vmem>> -> memref<16x128xf32, #tpu.memory_space<vmem>>
      %dma_wait3A_993 = arith.constant 0 : i32
      %dma_wait3A_994 = arith.constant 0 : i32
      %dma_wait3A_995 = tpu.memref_slice %arg6[%dma_wait3A_993, %dma_wait3A_994] : memref<16x1000000xf32, #tpu.memory_space<hbm>> -> memref<16x128xf32, #tpu.memory_space<hbm>>
      tpu.wait_dma2 semaphore(%arg20 : memref<!tpu.dma_semaphore, #tpu.memory_space<semaphore_mem>>) src(%dma_wait3A_995 : memref<16x128xf32, #tpu.memory_space<hbm>>) dst(%dma_wait3A_992 : memref<16x128xf32, #tpu.memory_space<vmem>>)
      %dma_wait3A_996 = arith.constant 3 : i32
      %dma_wait3A_997 = arith.constant 0 : i32
      %dma_wait3A_998 = arith.constant 0 : i32
      %dma_wait3A_999 = tpu.memref_slice %arg14[%dma_wait3A_996, %dma_wait3A_997, %dma_wait3A_998] : memref<8x16x128xf32, #tpu.memory_space<vmem>> -> memref<1x16x128xf32, #tpu.memory_space<vmem>>
      %dma_wait3A_1000 = tpu.memref_squeeze %dma_wait3A_999 : memref<1x16x128xf32, #tpu.memory_space<vmem>> -> memref<16x128xf32, #tpu.memory_space<vmem>>
      %dma_wait3A_1001 = arith.constant 0 : i32
      %dma_wait3A_1002 = arith.constant 0 : i32
      %dma_wait3A_1003 = tpu.memref_slice %arg6[%dma_wait3A_1001, %dma_wait3A_1002] : memref<16x1000000xf32, #tpu.memory_space<hbm>> -> memref<16x128xf32, #tpu.memory_space<hbm>>
      %dma_wait3A_1004 = arith.constant 0 : i32
      %dma_wait3A_1005 = arith.constant 0 : i32
      %dma_wait3A_1006 = tpu.memref_slice %arg14[%dma_wait3A_996, %dma_wait3A_1004, %dma_wait3A_1005] : memref<8x16x128xf32, #tpu.memory_space<vmem>> -> memref<1x16x128xf32, #tpu.memory_space<vmem>>
      %dma_wait3A_1007 = tpu.memref_squeeze %dma_wait3A_1006 : memref<1x16x128xf32, #tpu.memory_space<vmem>> -> memref<16x128xf32, #tpu.memory_space<vmem>>
      %dma_wait3A_1008 = arith.constant 0 : i32
      %dma_wait3A_1009 = arith.constant 0 : i32
      %dma_wait3A_1010 = tpu.memref_slice %arg6[%dma_wait3A_1008, %dma_wait3A_1009] : memref<16x1000000xf32, #tpu.memory_space<hbm>> -> memref<16x128xf32, #tpu.memory_space<hbm>>
      tpu.wait_dma2 semaphore(%arg20 : memref<!tpu.dma_semaphore, #tpu.memory_space<semaphore_mem>>) src(%dma_wait3A_1010 : memref<16x128xf32, #tpu.memory_space<hbm>>) dst(%dma_wait3A_1007 : memref<16x128xf32, #tpu.memory_space<vmem>>)
      %mul3A_1011 = arith.constant 16 : i32
      %mul3A_1012 = arith.muli %scan3A_11, %mul3A_1011 : i32
      %add3A_1013 = arith.constant 3 : i32
      %add3A_1014 = arith.addi %mul3A_1012, %add3A_1013 : i32
      %and3A_1015 = arith.constant 127 : i32
      %and3A_1016 = arith.andi %squeeze3A_24, %and3A_1015 : i32
      %broadcast_in_dim3A_1017 = vector.broadcast %and3A_1016 : i32 to vector<16xi32>
      %gather3A_1018 = arith.constant 3 : i32
      %gather3A_1019 = arith.constant 0 : i32
      %gather3A_1020 = arith.constant 0 : i32
      %gather3A_1021 = tpu.memref_slice %arg12[%gather3A_1018, %gather3A_1019, %gather3A_1020] : memref<8x16x128xf32, #tpu.memory_space<vmem>> -> memref<1x16x128xf32, #tpu.memory_space<vmem>>
      %gather3A_1022 = tpu.memref_squeeze %gather3A_1021 : memref<1x16x128xf32, #tpu.memory_space<vmem>> -> memref<16x128xf32, #tpu.memory_space<vmem>>
      %gather3A_1023 = tpu.vector_load_idx %gather3A_1022[%iota3A_5, %broadcast_in_dim3A_1017] : memref<16x128xf32, #tpu.memory_space<vmem>>[vector<16xi32>, vector<16xi32>], vector<16xf32>,
      %and3A_1024 = arith.constant 127 : i32
      %and3A_1025 = arith.andi %squeeze3A_56, %and3A_1024 : i32
      %broadcast_in_dim3A_1026 = vector.broadcast %and3A_1025 : i32 to vector<16xi32>
      %gather3A_1027 = arith.constant 3 : i32
      %gather3A_1028 = arith.constant 0 : i32
      %gather3A_1029 = arith.constant 0 : i32
      %gather3A_1030 = tpu.memref_slice %arg13[%gather3A_1027, %gather3A_1028, %gather3A_1029] : memref<8x16x128xf32, #tpu.memory_space<vmem>> -> memref<1x16x128xf32, #tpu.memory_space<vmem>>
      %gather3A_1031 = tpu.memref_squeeze %gather3A_1030 : memref<1x16x128xf32, #tpu.memory_space<vmem>> -> memref<16x128xf32, #tpu.memory_space<vmem>>
      %gather3A_1032 = tpu.vector_load_idx %gather3A_1031[%iota3A_5, %broadcast_in_dim3A_1026] : memref<16x128xf32, #tpu.memory_space<vmem>>[vector<16xi32>, vector<16xi32>], vector<16xf32>,
      %and3A_1033 = arith.constant 127 : i32
      %and3A_1034 = arith.andi %squeeze3A_88, %and3A_1033 : i32
      %broadcast_in_dim3A_1035 = vector.broadcast %and3A_1034 : i32 to vector<16xi32>
      %gather3A_1036 = arith.constant 3 : i32
      %gather3A_1037 = arith.constant 0 : i32
      %gather3A_1038 = arith.constant 0 : i32
      %gather3A_1039 = tpu.memref_slice %arg14[%gather3A_1036, %gather3A_1037, %gather3A_1038] : memref<8x16x128xf32, #tpu.memory_space<vmem>> -> memref<1x16x128xf32, #tpu.memory_space<vmem>>
      %gather3A_1040 = tpu.memref_squeeze %gather3A_1039 : memref<1x16x128xf32, #tpu.memory_space<vmem>> -> memref<16x128xf32, #tpu.memory_space<vmem>>
      %gather3A_1041 = tpu.vector_load_idx %gather3A_1040[%iota3A_5, %broadcast_in_dim3A_1035] : memref<16x128xf32, #tpu.memory_space<vmem>>[vector<16xi32>, vector<16xi32>], vector<16xf32>,
      %mul3A_1042 = arith.mulf %gather3A_1023, %gather3A_1032 : vector<16xf32>
      %reduce_sum3A_1043 = arith.constant true
      %reduce_sum3A_1044 = vector.broadcast %reduce_sum3A_1043 : i1 to vector<16xi1>
      %reduce_sum3A_1045 = tpu.scan <sum>, %mul3A_1042 masked %reduce_sum3A_1044 : vector<16xf32>, vector<16xi1> -> vector<16xf32>
      %reduce_sum3A_1046 = vector.extract %reduce_sum3A_1045[15] : f32 from vector<16xf32>
      %mul3A_1047 = arith.mulf %gather3A_1023, %gather3A_1041 : vector<16xf32>
      %reduce_sum3A_1048 = arith.constant true
      %reduce_sum3A_1049 = vector.broadcast %reduce_sum3A_1048 : i1 to vector<16xi1>
      %reduce_sum3A_1050 = tpu.scan <sum>, %mul3A_1047 masked %reduce_sum3A_1049 : vector<16xf32>, vector<16xi1> -> vector<16xf32>
      %reduce_sum3A_1051 = vector.extract %reduce_sum3A_1050[15] : f32 from vector<16xf32>
      %broadcast_in_dim3A_1052 = vector.broadcast %add3A_1014 : i32 to vector<16xi32>
      %broadcast_in_dim3A_1053 = vector.broadcast %reduce_sum3A_1046 : f32 to vector<16xf32>
      tpu.vector_store_idx %arg15[%broadcast_in_dim3A_1052], %broadcast_in_dim3A_1053 masked %eq3A_4 : memref<512xf32, #tpu.memory_space<vmem>>[vector<16xi32>], vector<16xf32>, vector<16xi1>
      %broadcast_in_dim3A_1054 = vector.broadcast %reduce_sum3A_1051 : f32 to vector<16xf32>
      tpu.vector_store_idx %arg16[%broadcast_in_dim3A_1052], %broadcast_in_dim3A_1054 masked %eq3A_4 : memref<512xf32, #tpu.memory_space<vmem>>[vector<16xi32>], vector<16xf32>, vector<16xi1>
      %shift_right_arithmetic3A_1055 = arith.constant 7 : i32
      %shift_right_arithmetic3A_1056 = arith.shrsi %squeeze3A_40, %shift_right_arithmetic3A_1055 : i32
      %mul3A_1057 = arith.constant 128 : i32
      %mul3A_1058 = arith.muli %shift_right_arithmetic3A_1056, %mul3A_1057 : i32
      %multiple_of3A_1059 = tpu.assume_multiple %mul3A_1058, 128 : i32
      %dma_start3A_1060 = arith.constant 3 : i32
      %dma_start3A_1061 = arith.constant 0 : i32
      %dma_start3A_1062 = arith.constant 0 : i32
      %dma_start3A_1063 = tpu.memref_slice %arg12[%dma_start3A_1060, %dma_start3A_1061, %dma_start3A_1062] : memref<8x16x128xf32, #tpu.memory_space<vmem>> -> memref<1x16x128xf32, #tpu.memory_space<vmem>>
      %dma_start3A_1064 = tpu.memref_squeeze %dma_start3A_1063 : memref<1x16x128xf32, #tpu.memory_space<vmem>> -> memref<16x128xf32, #tpu.memory_space<vmem>>
      %dma_start3A_1065 = arith.constant 0 : i32
      %dma_start3A_1066 = tpu.memref_slice %arg5[%dma_start3A_1065, %multiple_of3A_1059] : memref<16x1000000xf32, #tpu.memory_space<hbm>> -> memref<16x128xf32, #tpu.memory_space<hbm>>
      %dma_start3A_1067 = arith.constant 0 : i32
      %dma_start3A_1068 = arith.constant 0 : i32
      %dma_start3A_1069 = tpu.memref_slice %arg12[%dma_start3A_1060, %dma_start3A_1067, %dma_start3A_1068] : memref<8x16x128xf32, #tpu.memory_space<vmem>> -> memref<1x16x128xf32, #tpu.memory_space<vmem>>
      %dma_start3A_1070 = tpu.memref_squeeze %dma_start3A_1069 : memref<1x16x128xf32, #tpu.memory_space<vmem>> -> memref<16x128xf32, #tpu.memory_space<vmem>>
      %dma_start3A_1071 = arith.constant 0 : i32
      %dma_start3A_1072 = tpu.memref_slice %arg5[%dma_start3A_1071, %multiple_of3A_1059] : memref<16x1000000xf32, #tpu.memory_space<hbm>> -> memref<16x128xf32, #tpu.memory_space<hbm>>
      tpu.enqueue_dma source(%dma_start3A_1072 : memref<16x128xf32, #tpu.memory_space<hbm>>) target(%dma_start3A_1070 : memref<16x128xf32, #tpu.memory_space<vmem>>) target_semaphore(%arg20 : memref<!tpu.dma_semaphore, #tpu.memory_space<semaphore_mem>>)
      %shift_right_arithmetic3A_1073 = arith.constant 7 : i32
      %shift_right_arithmetic3A_1074 = arith.shrsi %squeeze3A_72, %shift_right_arithmetic3A_1073 : i32
      %mul3A_1075 = arith.constant 128 : i32
      %mul3A_1076 = arith.muli %shift_right_arithmetic3A_1074, %mul3A_1075 : i32
      %multiple_of3A_1077 = tpu.assume_multiple %mul3A_1076, 128 : i32
      %dma_start3A_1078 = arith.constant 3 : i32
      %dma_start3A_1079 = arith.constant 0 : i32
      %dma_start3A_1080 = arith.constant 0 : i32
      %dma_start3A_1081 = tpu.memref_slice %arg13[%dma_start3A_1078, %dma_start3A_1079, %dma_start3A_1080] : memref<8x16x128xf32, #tpu.memory_space<vmem>> -> memref<1x16x128xf32, #tpu.memory_space<vmem>>
      %dma_start3A_1082 = tpu.memref_squeeze %dma_start3A_1081 : memref<1x16x128xf32, #tpu.memory_space<vmem>> -> memref<16x128xf32, #tpu.memory_space<vmem>>
      %dma_start3A_1083 = arith.constant 0 : i32
      %dma_start3A_1084 = tpu.memref_slice %arg6[%dma_start3A_1083, %multiple_of3A_1077] : memref<16x1000000xf32, #tpu.memory_space<hbm>> -> memref<16x128xf32, #tpu.memory_space<hbm>>
      %dma_start3A_1085 = arith.constant 0 : i32
      %dma_start3A_1086 = arith.constant 0 : i32
      %dma_start3A_1087 = tpu.memref_slice %arg13[%dma_start3A_1078, %dma_start3A_1085, %dma_start3A_1086] : memref<8x16x128xf32, #tpu.memory_space<vmem>> -> memref<1x16x128xf32, #tpu.memory_space<vmem>>
      %dma_start3A_1088 = tpu.memref_squeeze %dma_start3A_1087 : memref<1x16x128xf32, #tpu.memory_space<vmem>> -> memref<16x128xf32, #tpu.memory_space<vmem>>
      %dma_start3A_1089 = arith.constant 0 : i32
      %dma_start3A_1090 = tpu.memref_slice %arg6[%dma_start3A_1089, %multiple_of3A_1077] : memref<16x1000000xf32, #tpu.memory_space<hbm>> -> memref<16x128xf32, #tpu.memory_space<hbm>>
      tpu.enqueue_dma source(%dma_start3A_1090 : memref<16x128xf32, #tpu.memory_space<hbm>>) target(%dma_start3A_1088 : memref<16x128xf32, #tpu.memory_space<vmem>>) target_semaphore(%arg20 : memref<!tpu.dma_semaphore, #tpu.memory_space<semaphore_mem>>)
      %shift_right_arithmetic3A_1091 = arith.constant 7 : i32
      %shift_right_arithmetic3A_1092 = arith.shrsi %squeeze3A_104, %shift_right_arithmetic3A_1091 : i32
      %mul3A_1093 = arith.constant 128 : i32
      %mul3A_1094 = arith.muli %shift_right_arithmetic3A_1092, %mul3A_1093 : i32
      %multiple_of3A_1095 = tpu.assume_multiple %mul3A_1094, 128 : i32
      %dma_start3A_1096 = arith.constant 3 : i32
      %dma_start3A_1097 = arith.constant 0 : i32
      %dma_start3A_1098 = arith.constant 0 : i32
      %dma_start3A_1099 = tpu.memref_slice %arg14[%dma_start3A_1096, %dma_start3A_1097, %dma_start3A_1098] : memref<8x16x128xf32, #tpu.memory_space<vmem>> -> memref<1x16x128xf32, #tpu.memory_space<vmem>>
      %dma_start3A_1100 = tpu.memref_squeeze %dma_start3A_1099 : memref<1x16x128xf32, #tpu.memory_space<vmem>> -> memref<16x128xf32, #tpu.memory_space<vmem>>
      %dma_start3A_1101 = arith.constant 0 : i32
      %dma_start3A_1102 = tpu.memref_slice %arg6[%dma_start3A_1101, %multiple_of3A_1095] : memref<16x1000000xf32, #tpu.memory_space<hbm>> -> memref<16x128xf32, #tpu.memory_space<hbm>>
      %dma_start3A_1103 = arith.constant 0 : i32
      %dma_start3A_1104 = arith.constant 0 : i32
      %dma_start3A_1105 = tpu.memref_slice %arg14[%dma_start3A_1096, %dma_start3A_1103, %dma_start3A_1104] : memref<8x16x128xf32, #tpu.memory_space<vmem>> -> memref<1x16x128xf32, #tpu.memory_space<vmem>>
      %dma_start3A_1106 = tpu.memref_squeeze %dma_start3A_1105 : memref<1x16x128xf32, #tpu.memory_space<vmem>> -> memref<16x128xf32, #tpu.memory_space<vmem>>
      %dma_start3A_1107 = arith.constant 0 : i32
      %dma_start3A_1108 = tpu.memref_slice %arg6[%dma_start3A_1107, %multiple_of3A_1095] : memref<16x1000000xf32, #tpu.memory_space<hbm>> -> memref<16x128xf32, #tpu.memory_space<hbm>>
      tpu.enqueue_dma source(%dma_start3A_1108 : memref<16x128xf32, #tpu.memory_space<hbm>>) target(%dma_start3A_1106 : memref<16x128xf32, #tpu.memory_space<vmem>>) target_semaphore(%arg20 : memref<!tpu.dma_semaphore, #tpu.memory_space<semaphore_mem>>)
      %dma_wait3A_1109 = arith.constant 4 : i32
      %dma_wait3A_1110 = arith.constant 0 : i32
      %dma_wait3A_1111 = arith.constant 0 : i32
      %dma_wait3A_1112 = tpu.memref_slice %arg12[%dma_wait3A_1109, %dma_wait3A_1110, %dma_wait3A_1111] : memref<8x16x128xf32, #tpu.memory_space<vmem>> -> memref<1x16x128xf32, #tpu.memory_space<vmem>>
      %dma_wait3A_1113 = tpu.memref_squeeze %dma_wait3A_1112 : memref<1x16x128xf32, #tpu.memory_space<vmem>> -> memref<16x128xf32, #tpu.memory_space<vmem>>
      %dma_wait3A_1114 = arith.constant 0 : i32
      %dma_wait3A_1115 = arith.constant 0 : i32
      %dma_wait3A_1116 = tpu.memref_slice %arg5[%dma_wait3A_1114, %dma_wait3A_1115] : memref<16x1000000xf32, #tpu.memory_space<hbm>> -> memref<16x128xf32, #tpu.memory_space<hbm>>
      %dma_wait3A_1117 = arith.constant 0 : i32
      %dma_wait3A_1118 = arith.constant 0 : i32
      %dma_wait3A_1119 = tpu.memref_slice %arg12[%dma_wait3A_1109, %dma_wait3A_1117, %dma_wait3A_1118] : memref<8x16x128xf32, #tpu.memory_space<vmem>> -> memref<1x16x128xf32, #tpu.memory_space<vmem>>
      %dma_wait3A_1120 = tpu.memref_squeeze %dma_wait3A_1119 : memref<1x16x128xf32, #tpu.memory_space<vmem>> -> memref<16x128xf32, #tpu.memory_space<vmem>>
      %dma_wait3A_1121 = arith.constant 0 : i32
      %dma_wait3A_1122 = arith.constant 0 : i32
      %dma_wait3A_1123 = tpu.memref_slice %arg5[%dma_wait3A_1121, %dma_wait3A_1122] : memref<16x1000000xf32, #tpu.memory_space<hbm>> -> memref<16x128xf32, #tpu.memory_space<hbm>>
      tpu.wait_dma2 semaphore(%arg21 : memref<!tpu.dma_semaphore, #tpu.memory_space<semaphore_mem>>) src(%dma_wait3A_1123 : memref<16x128xf32, #tpu.memory_space<hbm>>) dst(%dma_wait3A_1120 : memref<16x128xf32, #tpu.memory_space<vmem>>)
      %dma_wait3A_1124 = arith.constant 4 : i32
      %dma_wait3A_1125 = arith.constant 0 : i32
      %dma_wait3A_1126 = arith.constant 0 : i32
      %dma_wait3A_1127 = tpu.memref_slice %arg13[%dma_wait3A_1124, %dma_wait3A_1125, %dma_wait3A_1126] : memref<8x16x128xf32, #tpu.memory_space<vmem>> -> memref<1x16x128xf32, #tpu.memory_space<vmem>>
      %dma_wait3A_1128 = tpu.memref_squeeze %dma_wait3A_1127 : memref<1x16x128xf32, #tpu.memory_space<vmem>> -> memref<16x128xf32, #tpu.memory_space<vmem>>
      %dma_wait3A_1129 = arith.constant 0 : i32
      %dma_wait3A_1130 = arith.constant 0 : i32
      %dma_wait3A_1131 = tpu.memref_slice %arg6[%dma_wait3A_1129, %dma_wait3A_1130] : memref<16x1000000xf32, #tpu.memory_space<hbm>> -> memref<16x128xf32, #tpu.memory_space<hbm>>
      %dma_wait3A_1132 = arith.constant 0 : i32
      %dma_wait3A_1133 = arith.constant 0 : i32
      %dma_wait3A_1134 = tpu.memref_slice %arg13[%dma_wait3A_1124, %dma_wait3A_1132, %dma_wait3A_1133] : memref<8x16x128xf32, #tpu.memory_space<vmem>> -> memref<1x16x128xf32, #tpu.memory_space<vmem>>
      %dma_wait3A_1135 = tpu.memref_squeeze %dma_wait3A_1134 : memref<1x16x128xf32, #tpu.memory_space<vmem>> -> memref<16x128xf32, #tpu.memory_space<vmem>>
      %dma_wait3A_1136 = arith.constant 0 : i32
      %dma_wait3A_1137 = arith.constant 0 : i32
      %dma_wait3A_1138 = tpu.memref_slice %arg6[%dma_wait3A_1136, %dma_wait3A_1137] : memref<16x1000000xf32, #tpu.memory_space<hbm>> -> memref<16x128xf32, #tpu.memory_space<hbm>>
      tpu.wait_dma2 semaphore(%arg21 : memref<!tpu.dma_semaphore, #tpu.memory_space<semaphore_mem>>) src(%dma_wait3A_1138 : memref<16x128xf32, #tpu.memory_space<hbm>>) dst(%dma_wait3A_1135 : memref<16x128xf32, #tpu.memory_space<vmem>>)
      %dma_wait3A_1139 = arith.constant 4 : i32
      %dma_wait3A_1140 = arith.constant 0 : i32
      %dma_wait3A_1141 = arith.constant 0 : i32
      %dma_wait3A_1142 = tpu.memref_slice %arg14[%dma_wait3A_1139, %dma_wait3A_1140, %dma_wait3A_1141] : memref<8x16x128xf32, #tpu.memory_space<vmem>> -> memref<1x16x128xf32, #tpu.memory_space<vmem>>
      %dma_wait3A_1143 = tpu.memref_squeeze %dma_wait3A_1142 : memref<1x16x128xf32, #tpu.memory_space<vmem>> -> memref<16x128xf32, #tpu.memory_space<vmem>>
      %dma_wait3A_1144 = arith.constant 0 : i32
      %dma_wait3A_1145 = arith.constant 0 : i32
      %dma_wait3A_1146 = tpu.memref_slice %arg6[%dma_wait3A_1144, %dma_wait3A_1145] : memref<16x1000000xf32, #tpu.memory_space<hbm>> -> memref<16x128xf32, #tpu.memory_space<hbm>>
      %dma_wait3A_1147 = arith.constant 0 : i32
      %dma_wait3A_1148 = arith.constant 0 : i32
      %dma_wait3A_1149 = tpu.memref_slice %arg14[%dma_wait3A_1139, %dma_wait3A_1147, %dma_wait3A_1148] : memref<8x16x128xf32, #tpu.memory_space<vmem>> -> memref<1x16x128xf32, #tpu.memory_space<vmem>>
      %dma_wait3A_1150 = tpu.memref_squeeze %dma_wait3A_1149 : memref<1x16x128xf32, #tpu.memory_space<vmem>> -> memref<16x128xf32, #tpu.memory_space<vmem>>
      %dma_wait3A_1151 = arith.constant 0 : i32
      %dma_wait3A_1152 = arith.constant 0 : i32
      %dma_wait3A_1153 = tpu.memref_slice %arg6[%dma_wait3A_1151, %dma_wait3A_1152] : memref<16x1000000xf32, #tpu.memory_space<hbm>> -> memref<16x128xf32, #tpu.memory_space<hbm>>
      tpu.wait_dma2 semaphore(%arg21 : memref<!tpu.dma_semaphore, #tpu.memory_space<semaphore_mem>>) src(%dma_wait3A_1153 : memref<16x128xf32, #tpu.memory_space<hbm>>) dst(%dma_wait3A_1150 : memref<16x128xf32, #tpu.memory_space<vmem>>)
      %mul3A_1154 = arith.constant 16 : i32
      %mul3A_1155 = arith.muli %scan3A_11, %mul3A_1154 : i32
      %add3A_1156 = arith.constant 4 : i32
      %add3A_1157 = arith.addi %mul3A_1155, %add3A_1156 : i32
      %and3A_1158 = arith.constant 127 : i32
      %and3A_1159 = arith.andi %squeeze3A_26, %and3A_1158 : i32
      %broadcast_in_dim3A_1160 = vector.broadcast %and3A_1159 : i32 to vector<16xi32>
      %gather3A_1161 = arith.constant 4 : i32
      %gather3A_1162 = arith.constant 0 : i32
      %gather3A_1163 = arith.constant 0 : i32
      %gather3A_1164 = tpu.memref_slice %arg12[%gather3A_1161, %gather3A_1162, %gather3A_1163] : memref<8x16x128xf32, #tpu.memory_space<vmem>> -> memref<1x16x128xf32, #tpu.memory_space<vmem>>
      %gather3A_1165 = tpu.memref_squeeze %gather3A_1164 : memref<1x16x128xf32, #tpu.memory_space<vmem>> -> memref<16x128xf32, #tpu.memory_space<vmem>>
      %gather3A_1166 = tpu.vector_load_idx %gather3A_1165[%iota3A_5, %broadcast_in_dim3A_1160] : memref<16x128xf32, #tpu.memory_space<vmem>>[vector<16xi32>, vector<16xi32>], vector<16xf32>,
      %and3A_1167 = arith.constant 127 : i32
      %and3A_1168 = arith.andi %squeeze3A_58, %and3A_1167 : i32
      %broadcast_in_dim3A_1169 = vector.broadcast %and3A_1168 : i32 to vector<16xi32>
      %gather3A_1170 = arith.constant 4 : i32
      %gather3A_1171 = arith.constant 0 : i32
      %gather3A_1172 = arith.constant 0 : i32
      %gather3A_1173 = tpu.memref_slice %arg13[%gather3A_1170, %gather3A_1171, %gather3A_1172] : memref<8x16x128xf32, #tpu.memory_space<vmem>> -> memref<1x16x128xf32, #tpu.memory_space<vmem>>
      %gather3A_1174 = tpu.memref_squeeze %gather3A_1173 : memref<1x16x128xf32, #tpu.memory_space<vmem>> -> memref<16x128xf32, #tpu.memory_space<vmem>>
      %gather3A_1175 = tpu.vector_load_idx %gather3A_1174[%iota3A_5, %broadcast_in_dim3A_1169] : memref<16x128xf32, #tpu.memory_space<vmem>>[vector<16xi32>, vector<16xi32>], vector<16xf32>,
      %and3A_1176 = arith.constant 127 : i32
      %and3A_1177 = arith.andi %squeeze3A_90, %and3A_1176 : i32
      %broadcast_in_dim3A_1178 = vector.broadcast %and3A_1177 : i32 to vector<16xi32>
      %gather3A_1179 = arith.constant 4 : i32
      %gather3A_1180 = arith.constant 0 : i32
      %gather3A_1181 = arith.constant 0 : i32
      %gather3A_1182 = tpu.memref_slice %arg14[%gather3A_1179, %gather3A_1180, %gather3A_1181] : memref<8x16x128xf32, #tpu.memory_space<vmem>> -> memref<1x16x128xf32, #tpu.memory_space<vmem>>
      %gather3A_1183 = tpu.memref_squeeze %gather3A_1182 : memref<1x16x128xf32, #tpu.memory_space<vmem>> -> memref<16x128xf32, #tpu.memory_space<vmem>>
      %gather3A_1184 = tpu.vector_load_idx %gather3A_1183[%iota3A_5, %broadcast_in_dim3A_1178] : memref<16x128xf32, #tpu.memory_space<vmem>>[vector<16xi32>, vector<16xi32>], vector<16xf32>,
      %mul3A_1185 = arith.mulf %gather3A_1166, %gather3A_1175 : vector<16xf32>
      %reduce_sum3A_1186 = arith.constant true
      %reduce_sum3A_1187 = vector.broadcast %reduce_sum3A_1186 : i1 to vector<16xi1>
      %reduce_sum3A_1188 = tpu.scan <sum>, %mul3A_1185 masked %reduce_sum3A_1187 : vector<16xf32>, vector<16xi1> -> vector<16xf32>
      %reduce_sum3A_1189 = vector.extract %reduce_sum3A_1188[15] : f32 from vector<16xf32>
      %mul3A_1190 = arith.mulf %gather3A_1166, %gather3A_1184 : vector<16xf32>
      %reduce_sum3A_1191 = arith.constant true
      %reduce_sum3A_1192 = vector.broadcast %reduce_sum3A_1191 : i1 to vector<16xi1>
      %reduce_sum3A_1193 = tpu.scan <sum>, %mul3A_1190 masked %reduce_sum3A_1192 : vector<16xf32>, vector<16xi1> -> vector<16xf32>
      %reduce_sum3A_1194 = vector.extract %reduce_sum3A_1193[15] : f32 from vector<16xf32>
      %broadcast_in_dim3A_1195 = vector.broadcast %add3A_1157 : i32 to vector<16xi32>
      %broadcast_in_dim3A_1196 = vector.broadcast %reduce_sum3A_1189 : f32 to vector<16xf32>
      tpu.vector_store_idx %arg15[%broadcast_in_dim3A_1195], %broadcast_in_dim3A_1196 masked %eq3A_4 : memref<512xf32, #tpu.memory_space<vmem>>[vector<16xi32>], vector<16xf32>, vector<16xi1>
      %broadcast_in_dim3A_1197 = vector.broadcast %reduce_sum3A_1194 : f32 to vector<16xf32>
      tpu.vector_store_idx %arg16[%broadcast_in_dim3A_1195], %broadcast_in_dim3A_1197 masked %eq3A_4 : memref<512xf32, #tpu.memory_space<vmem>>[vector<16xi32>], vector<16xf32>, vector<16xi1>
      %shift_right_arithmetic3A_1198 = arith.constant 7 : i32
      %shift_right_arithmetic3A_1199 = arith.shrsi %squeeze3A_42, %shift_right_arithmetic3A_1198 : i32
      %mul3A_1200 = arith.constant 128 : i32
      %mul3A_1201 = arith.muli %shift_right_arithmetic3A_1199, %mul3A_1200 : i32
      %multiple_of3A_1202 = tpu.assume_multiple %mul3A_1201, 128 : i32
      %dma_start3A_1203 = arith.constant 4 : i32
      %dma_start3A_1204 = arith.constant 0 : i32
      %dma_start3A_1205 = arith.constant 0 : i32
      %dma_start3A_1206 = tpu.memref_slice %arg12[%dma_start3A_1203, %dma_start3A_1204, %dma_start3A_1205] : memref<8x16x128xf32, #tpu.memory_space<vmem>> -> memref<1x16x128xf32, #tpu.memory_space<vmem>>
      %dma_start3A_1207 = tpu.memref_squeeze %dma_start3A_1206 : memref<1x16x128xf32, #tpu.memory_space<vmem>> -> memref<16x128xf32, #tpu.memory_space<vmem>>
      %dma_start3A_1208 = arith.constant 0 : i32
      %dma_start3A_1209 = tpu.memref_slice %arg5[%dma_start3A_1208, %multiple_of3A_1202] : memref<16x1000000xf32, #tpu.memory_space<hbm>> -> memref<16x128xf32, #tpu.memory_space<hbm>>
      %dma_start3A_1210 = arith.constant 0 : i32
      %dma_start3A_1211 = arith.constant 0 : i32
      %dma_start3A_1212 = tpu.memref_slice %arg12[%dma_start3A_1203, %dma_start3A_1210, %dma_start3A_1211] : memref<8x16x128xf32, #tpu.memory_space<vmem>> -> memref<1x16x128xf32, #tpu.memory_space<vmem>>
      %dma_start3A_1213 = tpu.memref_squeeze %dma_start3A_1212 : memref<1x16x128xf32, #tpu.memory_space<vmem>> -> memref<16x128xf32, #tpu.memory_space<vmem>>
      %dma_start3A_1214 = arith.constant 0 : i32
      %dma_start3A_1215 = tpu.memref_slice %arg5[%dma_start3A_1214, %multiple_of3A_1202] : memref<16x1000000xf32, #tpu.memory_space<hbm>> -> memref<16x128xf32, #tpu.memory_space<hbm>>
      tpu.enqueue_dma source(%dma_start3A_1215 : memref<16x128xf32, #tpu.memory_space<hbm>>) target(%dma_start3A_1213 : memref<16x128xf32, #tpu.memory_space<vmem>>) target_semaphore(%arg21 : memref<!tpu.dma_semaphore, #tpu.memory_space<semaphore_mem>>)
      %shift_right_arithmetic3A_1216 = arith.constant 7 : i32
      %shift_right_arithmetic3A_1217 = arith.shrsi %squeeze3A_74, %shift_right_arithmetic3A_1216 : i32
      %mul3A_1218 = arith.constant 128 : i32
      %mul3A_1219 = arith.muli %shift_right_arithmetic3A_1217, %mul3A_1218 : i32
      %multiple_of3A_1220 = tpu.assume_multiple %mul3A_1219, 128 : i32
      %dma_start3A_1221 = arith.constant 4 : i32
      %dma_start3A_1222 = arith.constant 0 : i32
      %dma_start3A_1223 = arith.constant 0 : i32
      %dma_start3A_1224 = tpu.memref_slice %arg13[%dma_start3A_1221, %dma_start3A_1222, %dma_start3A_1223] : memref<8x16x128xf32, #tpu.memory_space<vmem>> -> memref<1x16x128xf32, #tpu.memory_space<vmem>>
      %dma_start3A_1225 = tpu.memref_squeeze %dma_start3A_1224 : memref<1x16x128xf32, #tpu.memory_space<vmem>> -> memref<16x128xf32, #tpu.memory_space<vmem>>
      %dma_start3A_1226 = arith.constant 0 : i32
      %dma_start3A_1227 = tpu.memref_slice %arg6[%dma_start3A_1226, %multiple_of3A_1220] : memref<16x1000000xf32, #tpu.memory_space<hbm>> -> memref<16x128xf32, #tpu.memory_space<hbm>>
      %dma_start3A_1228 = arith.constant 0 : i32
      %dma_start3A_1229 = arith.constant 0 : i32
      %dma_start3A_1230 = tpu.memref_slice %arg13[%dma_start3A_1221, %dma_start3A_1228, %dma_start3A_1229] : memref<8x16x128xf32, #tpu.memory_space<vmem>> -> memref<1x16x128xf32, #tpu.memory_space<vmem>>
      %dma_start3A_1231 = tpu.memref_squeeze %dma_start3A_1230 : memref<1x16x128xf32, #tpu.memory_space<vmem>> -> memref<16x128xf32, #tpu.memory_space<vmem>>
      %dma_start3A_1232 = arith.constant 0 : i32
      %dma_start3A_1233 = tpu.memref_slice %arg6[%dma_start3A_1232, %multiple_of3A_1220] : memref<16x1000000xf32, #tpu.memory_space<hbm>> -> memref<16x128xf32, #tpu.memory_space<hbm>>
      tpu.enqueue_dma source(%dma_start3A_1233 : memref<16x128xf32, #tpu.memory_space<hbm>>) target(%dma_start3A_1231 : memref<16x128xf32, #tpu.memory_space<vmem>>) target_semaphore(%arg21 : memref<!tpu.dma_semaphore, #tpu.memory_space<semaphore_mem>>)
      %shift_right_arithmetic3A_1234 = arith.constant 7 : i32
      %shift_right_arithmetic3A_1235 = arith.shrsi %squeeze3A_106, %shift_right_arithmetic3A_1234 : i32
      %mul3A_1236 = arith.constant 128 : i32
      %mul3A_1237 = arith.muli %shift_right_arithmetic3A_1235, %mul3A_1236 : i32
      %multiple_of3A_1238 = tpu.assume_multiple %mul3A_1237, 128 : i32
      %dma_start3A_1239 = arith.constant 4 : i32
      %dma_start3A_1240 = arith.constant 0 : i32
      %dma_start3A_1241 = arith.constant 0 : i32
      %dma_start3A_1242 = tpu.memref_slice %arg14[%dma_start3A_1239, %dma_start3A_1240, %dma_start3A_1241] : memref<8x16x128xf32, #tpu.memory_space<vmem>> -> memref<1x16x128xf32, #tpu.memory_space<vmem>>
      %dma_start3A_1243 = tpu.memref_squeeze %dma_start3A_1242 : memref<1x16x128xf32, #tpu.memory_space<vmem>> -> memref<16x128xf32, #tpu.memory_space<vmem>>
      %dma_start3A_1244 = arith.constant 0 : i32
      %dma_start3A_1245 = tpu.memref_slice %arg6[%dma_start3A_1244, %multiple_of3A_1238] : memref<16x1000000xf32, #tpu.memory_space<hbm>> -> memref<16x128xf32, #tpu.memory_space<hbm>>
      %dma_start3A_1246 = arith.constant 0 : i32
      %dma_start3A_1247 = arith.constant 0 : i32
      %dma_start3A_1248 = tpu.memref_slice %arg14[%dma_start3A_1239, %dma_start3A_1246, %dma_start3A_1247] : memref<8x16x128xf32, #tpu.memory_space<vmem>> -> memref<1x16x128xf32, #tpu.memory_space<vmem>>
      %dma_start3A_1249 = tpu.memref_squeeze %dma_start3A_1248 : memref<1x16x128xf32, #tpu.memory_space<vmem>> -> memref<16x128xf32, #tpu.memory_space<vmem>>
      %dma_start3A_1250 = arith.constant 0 : i32
      %dma_start3A_1251 = tpu.memref_slice %arg6[%dma_start3A_1250, %multiple_of3A_1238] : memref<16x1000000xf32, #tpu.memory_space<hbm>> -> memref<16x128xf32, #tpu.memory_space<hbm>>
      tpu.enqueue_dma source(%dma_start3A_1251 : memref<16x128xf32, #tpu.memory_space<hbm>>) target(%dma_start3A_1249 : memref<16x128xf32, #tpu.memory_space<vmem>>) target_semaphore(%arg21 : memref<!tpu.dma_semaphore, #tpu.memory_space<semaphore_mem>>)
      %dma_wait3A_1252 = arith.constant 5 : i32
      %dma_wait3A_1253 = arith.constant 0 : i32
      %dma_wait3A_1254 = arith.constant 0 : i32
      %dma_wait3A_1255 = tpu.memref_slice %arg12[%dma_wait3A_1252, %dma_wait3A_1253, %dma_wait3A_1254] : memref<8x16x128xf32, #tpu.memory_space<vmem>> -> memref<1x16x128xf32, #tpu.memory_space<vmem>>
      %dma_wait3A_1256 = tpu.memref_squeeze %dma_wait3A_1255 : memref<1x16x128xf32, #tpu.memory_space<vmem>> -> memref<16x128xf32, #tpu.memory_space<vmem>>
      %dma_wait3A_1257 = arith.constant 0 : i32
      %dma_wait3A_1258 = arith.constant 0 : i32
      %dma_wait3A_1259 = tpu.memref_slice %arg5[%dma_wait3A_1257, %dma_wait3A_1258] : memref<16x1000000xf32, #tpu.memory_space<hbm>> -> memref<16x128xf32, #tpu.memory_space<hbm>>
      %dma_wait3A_1260 = arith.constant 0 : i32
      %dma_wait3A_1261 = arith.constant 0 : i32
      %dma_wait3A_1262 = tpu.memref_slice %arg12[%dma_wait3A_1252, %dma_wait3A_1260, %dma_wait3A_1261] : memref<8x16x128xf32, #tpu.memory_space<vmem>> -> memref<1x16x128xf32, #tpu.memory_space<vmem>>
      %dma_wait3A_1263 = tpu.memref_squeeze %dma_wait3A_1262 : memref<1x16x128xf32, #tpu.memory_space<vmem>> -> memref<16x128xf32, #tpu.memory_space<vmem>>
      %dma_wait3A_1264 = arith.constant 0 : i32
      %dma_wait3A_1265 = arith.constant 0 : i32
      %dma_wait3A_1266 = tpu.memref_slice %arg5[%dma_wait3A_1264, %dma_wait3A_1265] : memref<16x1000000xf32, #tpu.memory_space<hbm>> -> memref<16x128xf32, #tpu.memory_space<hbm>>
      tpu.wait_dma2 semaphore(%arg22 : memref<!tpu.dma_semaphore, #tpu.memory_space<semaphore_mem>>) src(%dma_wait3A_1266 : memref<16x128xf32, #tpu.memory_space<hbm>>) dst(%dma_wait3A_1263 : memref<16x128xf32, #tpu.memory_space<vmem>>)
      %dma_wait3A_1267 = arith.constant 5 : i32
      %dma_wait3A_1268 = arith.constant 0 : i32
      %dma_wait3A_1269 = arith.constant 0 : i32
      %dma_wait3A_1270 = tpu.memref_slice %arg13[%dma_wait3A_1267, %dma_wait3A_1268, %dma_wait3A_1269] : memref<8x16x128xf32, #tpu.memory_space<vmem>> -> memref<1x16x128xf32, #tpu.memory_space<vmem>>
      %dma_wait3A_1271 = tpu.memref_squeeze %dma_wait3A_1270 : memref<1x16x128xf32, #tpu.memory_space<vmem>> -> memref<16x128xf32, #tpu.memory_space<vmem>>
      %dma_wait3A_1272 = arith.constant 0 : i32
      %dma_wait3A_1273 = arith.constant 0 : i32
      %dma_wait3A_1274 = tpu.memref_slice %arg6[%dma_wait3A_1272, %dma_wait3A_1273] : memref<16x1000000xf32, #tpu.memory_space<hbm>> -> memref<16x128xf32, #tpu.memory_space<hbm>>
      %dma_wait3A_1275 = arith.constant 0 : i32
      %dma_wait3A_1276 = arith.constant 0 : i32
      %dma_wait3A_1277 = tpu.memref_slice %arg13[%dma_wait3A_1267, %dma_wait3A_1275, %dma_wait3A_1276] : memref<8x16x128xf32, #tpu.memory_space<vmem>> -> memref<1x16x128xf32, #tpu.memory_space<vmem>>
      %dma_wait3A_1278 = tpu.memref_squeeze %dma_wait3A_1277 : memref<1x16x128xf32, #tpu.memory_space<vmem>> -> memref<16x128xf32, #tpu.memory_space<vmem>>
      %dma_wait3A_1279 = arith.constant 0 : i32
      %dma_wait3A_1280 = arith.constant 0 : i32
      %dma_wait3A_1281 = tpu.memref_slice %arg6[%dma_wait3A_1279, %dma_wait3A_1280] : memref<16x1000000xf32, #tpu.memory_space<hbm>> -> memref<16x128xf32, #tpu.memory_space<hbm>>
      tpu.wait_dma2 semaphore(%arg22 : memref<!tpu.dma_semaphore, #tpu.memory_space<semaphore_mem>>) src(%dma_wait3A_1281 : memref<16x128xf32, #tpu.memory_space<hbm>>) dst(%dma_wait3A_1278 : memref<16x128xf32, #tpu.memory_space<vmem>>)
      %dma_wait3A_1282 = arith.constant 5 : i32
      %dma_wait3A_1283 = arith.constant 0 : i32
      %dma_wait3A_1284 = arith.constant 0 : i32
      %dma_wait3A_1285 = tpu.memref_slice %arg14[%dma_wait3A_1282, %dma_wait3A_1283, %dma_wait3A_1284] : memref<8x16x128xf32, #tpu.memory_space<vmem>> -> memref<1x16x128xf32, #tpu.memory_space<vmem>>
      %dma_wait3A_1286 = tpu.memref_squeeze %dma_wait3A_1285 : memref<1x16x128xf32, #tpu.memory_space<vmem>> -> memref<16x128xf32, #tpu.memory_space<vmem>>
      %dma_wait3A_1287 = arith.constant 0 : i32
      %dma_wait3A_1288 = arith.constant 0 : i32
      %dma_wait3A_1289 = tpu.memref_slice %arg6[%dma_wait3A_1287, %dma_wait3A_1288] : memref<16x1000000xf32, #tpu.memory_space<hbm>> -> memref<16x128xf32, #tpu.memory_space<hbm>>
      %dma_wait3A_1290 = arith.constant 0 : i32
      %dma_wait3A_1291 = arith.constant 0 : i32
      %dma_wait3A_1292 = tpu.memref_slice %arg14[%dma_wait3A_1282, %dma_wait3A_1290, %dma_wait3A_1291] : memref<8x16x128xf32, #tpu.memory_space<vmem>> -> memref<1x16x128xf32, #tpu.memory_space<vmem>>
      %dma_wait3A_1293 = tpu.memref_squeeze %dma_wait3A_1292 : memref<1x16x128xf32, #tpu.memory_space<vmem>> -> memref<16x128xf32, #tpu.memory_space<vmem>>
      %dma_wait3A_1294 = arith.constant 0 : i32
      %dma_wait3A_1295 = arith.constant 0 : i32
      %dma_wait3A_1296 = tpu.memref_slice %arg6[%dma_wait3A_1294, %dma_wait3A_1295] : memref<16x1000000xf32, #tpu.memory_space<hbm>> -> memref<16x128xf32, #tpu.memory_space<hbm>>
      tpu.wait_dma2 semaphore(%arg22 : memref<!tpu.dma_semaphore, #tpu.memory_space<semaphore_mem>>) src(%dma_wait3A_1296 : memref<16x128xf32, #tpu.memory_space<hbm>>) dst(%dma_wait3A_1293 : memref<16x128xf32, #tpu.memory_space<vmem>>)
      %mul3A_1297 = arith.constant 16 : i32
      %mul3A_1298 = arith.muli %scan3A_11, %mul3A_1297 : i32
      %add3A_1299 = arith.constant 5 : i32
      %add3A_1300 = arith.addi %mul3A_1298, %add3A_1299 : i32
      %and3A_1301 = arith.constant 127 : i32
      %and3A_1302 = arith.andi %squeeze3A_28, %and3A_1301 : i32
      %broadcast_in_dim3A_1303 = vector.broadcast %and3A_1302 : i32 to vector<16xi32>
      %gather3A_1304 = arith.constant 5 : i32
      %gather3A_1305 = arith.constant 0 : i32
      %gather3A_1306 = arith.constant 0 : i32
      %gather3A_1307 = tpu.memref_slice %arg12[%gather3A_1304, %gather3A_1305, %gather3A_1306] : memref<8x16x128xf32, #tpu.memory_space<vmem>> -> memref<1x16x128xf32, #tpu.memory_space<vmem>>
      %gather3A_1308 = tpu.memref_squeeze %gather3A_1307 : memref<1x16x128xf32, #tpu.memory_space<vmem>> -> memref<16x128xf32, #tpu.memory_space<vmem>>
      %gather3A_1309 = tpu.vector_load_idx %gather3A_1308[%iota3A_5, %broadcast_in_dim3A_1303] : memref<16x128xf32, #tpu.memory_space<vmem>>[vector<16xi32>, vector<16xi32>], vector<16xf32>,
      %and3A_1310 = arith.constant 127 : i32
      %and3A_1311 = arith.andi %squeeze3A_60, %and3A_1310 : i32
      %broadcast_in_dim3A_1312 = vector.broadcast %and3A_1311 : i32 to vector<16xi32>
      %gather3A_1313 = arith.constant 5 : i32
      %gather3A_1314 = arith.constant 0 : i32
      %gather3A_1315 = arith.constant 0 : i32
      %gather3A_1316 = tpu.memref_slice %arg13[%gather3A_1313, %gather3A_1314, %gather3A_1315] : memref<8x16x128xf32, #tpu.memory_space<vmem>> -> memref<1x16x128xf32, #tpu.memory_space<vmem>>
      %gather3A_1317 = tpu.memref_squeeze %gather3A_1316 : memref<1x16x128xf32, #tpu.memory_space<vmem>> -> memref<16x128xf32, #tpu.memory_space<vmem>>
      %gather3A_1318 = tpu.vector_load_idx %gather3A_1317[%iota3A_5, %broadcast_in_dim3A_1312] : memref<16x128xf32, #tpu.memory_space<vmem>>[vector<16xi32>, vector<16xi32>], vector<16xf32>,
      %and3A_1319 = arith.constant 127 : i32
      %and3A_1320 = arith.andi %squeeze3A_92, %and3A_1319 : i32
      %broadcast_in_dim3A_1321 = vector.broadcast %and3A_1320 : i32 to vector<16xi32>
      %gather3A_1322 = arith.constant 5 : i32
      %gather3A_1323 = arith.constant 0 : i32
      %gather3A_1324 = arith.constant 0 : i32
      %gather3A_1325 = tpu.memref_slice %arg14[%gather3A_1322, %gather3A_1323, %gather3A_1324] : memref<8x16x128xf32, #tpu.memory_space<vmem>> -> memref<1x16x128xf32, #tpu.memory_space<vmem>>
      %gather3A_1326 = tpu.memref_squeeze %gather3A_1325 : memref<1x16x128xf32, #tpu.memory_space<vmem>> -> memref<16x128xf32, #tpu.memory_space<vmem>>
      %gather3A_1327 = tpu.vector_load_idx %gather3A_1326[%iota3A_5, %broadcast_in_dim3A_1321] : memref<16x128xf32, #tpu.memory_space<vmem>>[vector<16xi32>, vector<16xi32>], vector<16xf32>,
      %mul3A_1328 = arith.mulf %gather3A_1309, %gather3A_1318 : vector<16xf32>
      %reduce_sum3A_1329 = arith.constant true
      %reduce_sum3A_1330 = vector.broadcast %reduce_sum3A_1329 : i1 to vector<16xi1>
      %reduce_sum3A_1331 = tpu.scan <sum>, %mul3A_1328 masked %reduce_sum3A_1330 : vector<16xf32>, vector<16xi1> -> vector<16xf32>
      %reduce_sum3A_1332 = vector.extract %reduce_sum3A_1331[15] : f32 from vector<16xf32>
      %mul3A_1333 = arith.mulf %gather3A_1309, %gather3A_1327 : vector<16xf32>
      %reduce_sum3A_1334 = arith.constant true
      %reduce_sum3A_1335 = vector.broadcast %reduce_sum3A_1334 : i1 to vector<16xi1>
      %reduce_sum3A_1336 = tpu.scan <sum>, %mul3A_1333 masked %reduce_sum3A_1335 : vector<16xf32>, vector<16xi1> -> vector<16xf32>
      %reduce_sum3A_1337 = vector.extract %reduce_sum3A_1336[15] : f32 from vector<16xf32>
      %broadcast_in_dim3A_1338 = vector.broadcast %add3A_1300 : i32 to vector<16xi32>
      %broadcast_in_dim3A_1339 = vector.broadcast %reduce_sum3A_1332 : f32 to vector<16xf32>
      tpu.vector_store_idx %arg15[%broadcast_in_dim3A_1338], %broadcast_in_dim3A_1339 masked %eq3A_4 : memref<512xf32, #tpu.memory_space<vmem>>[vector<16xi32>], vector<16xf32>, vector<16xi1>
      %broadcast_in_dim3A_1340 = vector.broadcast %reduce_sum3A_1337 : f32 to vector<16xf32>
      tpu.vector_store_idx %arg16[%broadcast_in_dim3A_1338], %broadcast_in_dim3A_1340 masked %eq3A_4 : memref<512xf32, #tpu.memory_space<vmem>>[vector<16xi32>], vector<16xf32>, vector<16xi1>
      %shift_right_arithmetic3A_1341 = arith.constant 7 : i32
      %shift_right_arithmetic3A_1342 = arith.shrsi %squeeze3A_44, %shift_right_arithmetic3A_1341 : i32
      %mul3A_1343 = arith.constant 128 : i32
      %mul3A_1344 = arith.muli %shift_right_arithmetic3A_1342, %mul3A_1343 : i32
      %multiple_of3A_1345 = tpu.assume_multiple %mul3A_1344, 128 : i32
      %dma_start3A_1346 = arith.constant 5 : i32
      %dma_start3A_1347 = arith.constant 0 : i32
      %dma_start3A_1348 = arith.constant 0 : i32
      %dma_start3A_1349 = tpu.memref_slice %arg12[%dma_start3A_1346, %dma_start3A_1347, %dma_start3A_1348] : memref<8x16x128xf32, #tpu.memory_space<vmem>> -> memref<1x16x128xf32, #tpu.memory_space<vmem>>
      %dma_start3A_1350 = tpu.memref_squeeze %dma_start3A_1349 : memref<1x16x128xf32, #tpu.memory_space<vmem>> -> memref<16x128xf32, #tpu.memory_space<vmem>>
      %dma_start3A_1351 = arith.constant 0 : i32
      %dma_start3A_1352 = tpu.memref_slice %arg5[%dma_start3A_1351, %multiple_of3A_1345] : memref<16x1000000xf32, #tpu.memory_space<hbm>> -> memref<16x128xf32, #tpu.memory_space<hbm>>
      %dma_start3A_1353 = arith.constant 0 : i32
      %dma_start3A_1354 = arith.constant 0 : i32
      %dma_start3A_1355 = tpu.memref_slice %arg12[%dma_start3A_1346, %dma_start3A_1353, %dma_start3A_1354] : memref<8x16x128xf32, #tpu.memory_space<vmem>> -> memref<1x16x128xf32, #tpu.memory_space<vmem>>
      %dma_start3A_1356 = tpu.memref_squeeze %dma_start3A_1355 : memref<1x16x128xf32, #tpu.memory_space<vmem>> -> memref<16x128xf32, #tpu.memory_space<vmem>>
      %dma_start3A_1357 = arith.constant 0 : i32
      %dma_start3A_1358 = tpu.memref_slice %arg5[%dma_start3A_1357, %multiple_of3A_1345] : memref<16x1000000xf32, #tpu.memory_space<hbm>> -> memref<16x128xf32, #tpu.memory_space<hbm>>
      tpu.enqueue_dma source(%dma_start3A_1358 : memref<16x128xf32, #tpu.memory_space<hbm>>) target(%dma_start3A_1356 : memref<16x128xf32, #tpu.memory_space<vmem>>) target_semaphore(%arg22 : memref<!tpu.dma_semaphore, #tpu.memory_space<semaphore_mem>>)
      %shift_right_arithmetic3A_1359 = arith.constant 7 : i32
      %shift_right_arithmetic3A_1360 = arith.shrsi %squeeze3A_76, %shift_right_arithmetic3A_1359 : i32
      %mul3A_1361 = arith.constant 128 : i32
      %mul3A_1362 = arith.muli %shift_right_arithmetic3A_1360, %mul3A_1361 : i32
      %multiple_of3A_1363 = tpu.assume_multiple %mul3A_1362, 128 : i32
      %dma_start3A_1364 = arith.constant 5 : i32
      %dma_start3A_1365 = arith.constant 0 : i32
      %dma_start3A_1366 = arith.constant 0 : i32
      %dma_start3A_1367 = tpu.memref_slice %arg13[%dma_start3A_1364, %dma_start3A_1365, %dma_start3A_1366] : memref<8x16x128xf32, #tpu.memory_space<vmem>> -> memref<1x16x128xf32, #tpu.memory_space<vmem>>
      %dma_start3A_1368 = tpu.memref_squeeze %dma_start3A_1367 : memref<1x16x128xf32, #tpu.memory_space<vmem>> -> memref<16x128xf32, #tpu.memory_space<vmem>>
      %dma_start3A_1369 = arith.constant 0 : i32
      %dma_start3A_1370 = tpu.memref_slice %arg6[%dma_start3A_1369, %multiple_of3A_1363] : memref<16x1000000xf32, #tpu.memory_space<hbm>> -> memref<16x128xf32, #tpu.memory_space<hbm>>
      %dma_start3A_1371 = arith.constant 0 : i32
      %dma_start3A_1372 = arith.constant 0 : i32
      %dma_start3A_1373 = tpu.memref_slice %arg13[%dma_start3A_1364, %dma_start3A_1371, %dma_start3A_1372] : memref<8x16x128xf32, #tpu.memory_space<vmem>> -> memref<1x16x128xf32, #tpu.memory_space<vmem>>
      %dma_start3A_1374 = tpu.memref_squeeze %dma_start3A_1373 : memref<1x16x128xf32, #tpu.memory_space<vmem>> -> memref<16x128xf32, #tpu.memory_space<vmem>>
      %dma_start3A_1375 = arith.constant 0 : i32
      %dma_start3A_1376 = tpu.memref_slice %arg6[%dma_start3A_1375, %multiple_of3A_1363] : memref<16x1000000xf32, #tpu.memory_space<hbm>> -> memref<16x128xf32, #tpu.memory_space<hbm>>
      tpu.enqueue_dma source(%dma_start3A_1376 : memref<16x128xf32, #tpu.memory_space<hbm>>) target(%dma_start3A_1374 : memref<16x128xf32, #tpu.memory_space<vmem>>) target_semaphore(%arg22 : memref<!tpu.dma_semaphore, #tpu.memory_space<semaphore_mem>>)
      %shift_right_arithmetic3A_1377 = arith.constant 7 : i32
      %shift_right_arithmetic3A_1378 = arith.shrsi %squeeze3A_108, %shift_right_arithmetic3A_1377 : i32
      %mul3A_1379 = arith.constant 128 : i32
      %mul3A_1380 = arith.muli %shift_right_arithmetic3A_1378, %mul3A_1379 : i32
      %multiple_of3A_1381 = tpu.assume_multiple %mul3A_1380, 128 : i32
      %dma_start3A_1382 = arith.constant 5 : i32
      %dma_start3A_1383 = arith.constant 0 : i32
      %dma_start3A_1384 = arith.constant 0 : i32
      %dma_start3A_1385 = tpu.memref_slice %arg14[%dma_start3A_1382, %dma_start3A_1383, %dma_start3A_1384] : memref<8x16x128xf32, #tpu.memory_space<vmem>> -> memref<1x16x128xf32, #tpu.memory_space<vmem>>
      %dma_start3A_1386 = tpu.memref_squeeze %dma_start3A_1385 : memref<1x16x128xf32, #tpu.memory_space<vmem>> -> memref<16x128xf32, #tpu.memory_space<vmem>>
      %dma_start3A_1387 = arith.constant 0 : i32
      %dma_start3A_1388 = tpu.memref_slice %arg6[%dma_start3A_1387, %multiple_of3A_1381] : memref<16x1000000xf32, #tpu.memory_space<hbm>> -> memref<16x128xf32, #tpu.memory_space<hbm>>
      %dma_start3A_1389 = arith.constant 0 : i32
      %dma_start3A_1390 = arith.constant 0 : i32
      %dma_start3A_1391 = tpu.memref_slice %arg14[%dma_start3A_1382, %dma_start3A_1389, %dma_start3A_1390] : memref<8x16x128xf32, #tpu.memory_space<vmem>> -> memref<1x16x128xf32, #tpu.memory_space<vmem>>
      %dma_start3A_1392 = tpu.memref_squeeze %dma_start3A_1391 : memref<1x16x128xf32, #tpu.memory_space<vmem>> -> memref<16x128xf32, #tpu.memory_space<vmem>>
      %dma_start3A_1393 = arith.constant 0 : i32
      %dma_start3A_1394 = tpu.memref_slice %arg6[%dma_start3A_1393, %multiple_of3A_1381] : memref<16x1000000xf32, #tpu.memory_space<hbm>> -> memref<16x128xf32, #tpu.memory_space<hbm>>
      tpu.enqueue_dma source(%dma_start3A_1394 : memref<16x128xf32, #tpu.memory_space<hbm>>) target(%dma_start3A_1392 : memref<16x128xf32, #tpu.memory_space<vmem>>) target_semaphore(%arg22 : memref<!tpu.dma_semaphore, #tpu.memory_space<semaphore_mem>>)
      %dma_wait3A_1395 = arith.constant 6 : i32
      %dma_wait3A_1396 = arith.constant 0 : i32
      %dma_wait3A_1397 = arith.constant 0 : i32
      %dma_wait3A_1398 = tpu.memref_slice %arg12[%dma_wait3A_1395, %dma_wait3A_1396, %dma_wait3A_1397] : memref<8x16x128xf32, #tpu.memory_space<vmem>> -> memref<1x16x128xf32, #tpu.memory_space<vmem>>
      %dma_wait3A_1399 = tpu.memref_squeeze %dma_wait3A_1398 : memref<1x16x128xf32, #tpu.memory_space<vmem>> -> memref<16x128xf32, #tpu.memory_space<vmem>>
      %dma_wait3A_1400 = arith.constant 0 : i32
      %dma_wait3A_1401 = arith.constant 0 : i32
      %dma_wait3A_1402 = tpu.memref_slice %arg5[%dma_wait3A_1400, %dma_wait3A_1401] : memref<16x1000000xf32, #tpu.memory_space<hbm>> -> memref<16x128xf32, #tpu.memory_space<hbm>>
      %dma_wait3A_1403 = arith.constant 0 : i32
      %dma_wait3A_1404 = arith.constant 0 : i32
      %dma_wait3A_1405 = tpu.memref_slice %arg12[%dma_wait3A_1395, %dma_wait3A_1403, %dma_wait3A_1404] : memref<8x16x128xf32, #tpu.memory_space<vmem>> -> memref<1x16x128xf32, #tpu.memory_space<vmem>>
      %dma_wait3A_1406 = tpu.memref_squeeze %dma_wait3A_1405 : memref<1x16x128xf32, #tpu.memory_space<vmem>> -> memref<16x128xf32, #tpu.memory_space<vmem>>
      %dma_wait3A_1407 = arith.constant 0 : i32
      %dma_wait3A_1408 = arith.constant 0 : i32
      %dma_wait3A_1409 = tpu.memref_slice %arg5[%dma_wait3A_1407, %dma_wait3A_1408] : memref<16x1000000xf32, #tpu.memory_space<hbm>> -> memref<16x128xf32, #tpu.memory_space<hbm>>
      tpu.wait_dma2 semaphore(%arg23 : memref<!tpu.dma_semaphore, #tpu.memory_space<semaphore_mem>>) src(%dma_wait3A_1409 : memref<16x128xf32, #tpu.memory_space<hbm>>) dst(%dma_wait3A_1406 : memref<16x128xf32, #tpu.memory_space<vmem>>)
      %dma_wait3A_1410 = arith.constant 6 : i32
      %dma_wait3A_1411 = arith.constant 0 : i32
      %dma_wait3A_1412 = arith.constant 0 : i32
      %dma_wait3A_1413 = tpu.memref_slice %arg13[%dma_wait3A_1410, %dma_wait3A_1411, %dma_wait3A_1412] : memref<8x16x128xf32, #tpu.memory_space<vmem>> -> memref<1x16x128xf32, #tpu.memory_space<vmem>>
      %dma_wait3A_1414 = tpu.memref_squeeze %dma_wait3A_1413 : memref<1x16x128xf32, #tpu.memory_space<vmem>> -> memref<16x128xf32, #tpu.memory_space<vmem>>
      %dma_wait3A_1415 = arith.constant 0 : i32
      %dma_wait3A_1416 = arith.constant 0 : i32
      %dma_wait3A_1417 = tpu.memref_slice %arg6[%dma_wait3A_1415, %dma_wait3A_1416] : memref<16x1000000xf32, #tpu.memory_space<hbm>> -> memref<16x128xf32, #tpu.memory_space<hbm>>
      %dma_wait3A_1418 = arith.constant 0 : i32
      %dma_wait3A_1419 = arith.constant 0 : i32
      %dma_wait3A_1420 = tpu.memref_slice %arg13[%dma_wait3A_1410, %dma_wait3A_1418, %dma_wait3A_1419] : memref<8x16x128xf32, #tpu.memory_space<vmem>> -> memref<1x16x128xf32, #tpu.memory_space<vmem>>
      %dma_wait3A_1421 = tpu.memref_squeeze %dma_wait3A_1420 : memref<1x16x128xf32, #tpu.memory_space<vmem>> -> memref<16x128xf32, #tpu.memory_space<vmem>>
      %dma_wait3A_1422 = arith.constant 0 : i32
      %dma_wait3A_1423 = arith.constant 0 : i32
      %dma_wait3A_1424 = tpu.memref_slice %arg6[%dma_wait3A_1422, %dma_wait3A_1423] : memref<16x1000000xf32, #tpu.memory_space<hbm>> -> memref<16x128xf32, #tpu.memory_space<hbm>>
      tpu.wait_dma2 semaphore(%arg23 : memref<!tpu.dma_semaphore, #tpu.memory_space<semaphore_mem>>) src(%dma_wait3A_1424 : memref<16x128xf32, #tpu.memory_space<hbm>>) dst(%dma_wait3A_1421 : memref<16x128xf32, #tpu.memory_space<vmem>>)
      %dma_wait3A_1425 = arith.constant 6 : i32
      %dma_wait3A_1426 = arith.constant 0 : i32
      %dma_wait3A_1427 = arith.constant 0 : i32
      %dma_wait3A_1428 = tpu.memref_slice %arg14[%dma_wait3A_1425, %dma_wait3A_1426, %dma_wait3A_1427] : memref<8x16x128xf32, #tpu.memory_space<vmem>> -> memref<1x16x128xf32, #tpu.memory_space<vmem>>
      %dma_wait3A_1429 = tpu.memref_squeeze %dma_wait3A_1428 : memref<1x16x128xf32, #tpu.memory_space<vmem>> -> memref<16x128xf32, #tpu.memory_space<vmem>>
      %dma_wait3A_1430 = arith.constant 0 : i32
      %dma_wait3A_1431 = arith.constant 0 : i32
      %dma_wait3A_1432 = tpu.memref_slice %arg6[%dma_wait3A_1430, %dma_wait3A_1431] : memref<16x1000000xf32, #tpu.memory_space<hbm>> -> memref<16x128xf32, #tpu.memory_space<hbm>>
      %dma_wait3A_1433 = arith.constant 0 : i32
      %dma_wait3A_1434 = arith.constant 0 : i32
      %dma_wait3A_1435 = tpu.memref_slice %arg14[%dma_wait3A_1425, %dma_wait3A_1433, %dma_wait3A_1434] : memref<8x16x128xf32, #tpu.memory_space<vmem>> -> memref<1x16x128xf32, #tpu.memory_space<vmem>>
      %dma_wait3A_1436 = tpu.memref_squeeze %dma_wait3A_1435 : memref<1x16x128xf32, #tpu.memory_space<vmem>> -> memref<16x128xf32, #tpu.memory_space<vmem>>
      %dma_wait3A_1437 = arith.constant 0 : i32
      %dma_wait3A_1438 = arith.constant 0 : i32
      %dma_wait3A_1439 = tpu.memref_slice %arg6[%dma_wait3A_1437, %dma_wait3A_1438] : memref<16x1000000xf32, #tpu.memory_space<hbm>> -> memref<16x128xf32, #tpu.memory_space<hbm>>
      tpu.wait_dma2 semaphore(%arg23 : memref<!tpu.dma_semaphore, #tpu.memory_space<semaphore_mem>>) src(%dma_wait3A_1439 : memref<16x128xf32, #tpu.memory_space<hbm>>) dst(%dma_wait3A_1436 : memref<16x128xf32, #tpu.memory_space<vmem>>)
      %mul3A_1440 = arith.constant 16 : i32
      %mul3A_1441 = arith.muli %scan3A_11, %mul3A_1440 : i32
      %add3A_1442 = arith.constant 6 : i32
      %add3A_1443 = arith.addi %mul3A_1441, %add3A_1442 : i32
      %and3A_1444 = arith.constant 127 : i32
      %and3A_1445 = arith.andi %squeeze3A_30, %and3A_1444 : i32
      %broadcast_in_dim3A_1446 = vector.broadcast %and3A_1445 : i32 to vector<16xi32>
      %gather3A_1447 = arith.constant 6 : i32
      %gather3A_1448 = arith.constant 0 : i32
      %gather3A_1449 = arith.constant 0 : i32
      %gather3A_1450 = tpu.memref_slice %arg12[%gather3A_1447, %gather3A_1448, %gather3A_1449] : memref<8x16x128xf32, #tpu.memory_space<vmem>> -> memref<1x16x128xf32, #tpu.memory_space<vmem>>
      %gather3A_1451 = tpu.memref_squeeze %gather3A_1450 : memref<1x16x128xf32, #tpu.memory_space<vmem>> -> memref<16x128xf32, #tpu.memory_space<vmem>>
      %gather3A_1452 = tpu.vector_load_idx %gather3A_1451[%iota3A_5, %broadcast_in_dim3A_1446] : memref<16x128xf32, #tpu.memory_space<vmem>>[vector<16xi32>, vector<16xi32>], vector<16xf32>,
      %and3A_1453 = arith.constant 127 : i32
      %and3A_1454 = arith.andi %squeeze3A_62, %and3A_1453 : i32
      %broadcast_in_dim3A_1455 = vector.broadcast %and3A_1454 : i32 to vector<16xi32>
      %gather3A_1456 = arith.constant 6 : i32
      %gather3A_1457 = arith.constant 0 : i32
      %gather3A_1458 = arith.constant 0 : i32
      %gather3A_1459 = tpu.memref_slice %arg13[%gather3A_1456, %gather3A_1457, %gather3A_1458] : memref<8x16x128xf32, #tpu.memory_space<vmem>> -> memref<1x16x128xf32, #tpu.memory_space<vmem>>
      %gather3A_1460 = tpu.memref_squeeze %gather3A_1459 : memref<1x16x128xf32, #tpu.memory_space<vmem>> -> memref<16x128xf32, #tpu.memory_space<vmem>>
      %gather3A_1461 = tpu.vector_load_idx %gather3A_1460[%iota3A_5, %broadcast_in_dim3A_1455] : memref<16x128xf32, #tpu.memory_space<vmem>>[vector<16xi32>, vector<16xi32>], vector<16xf32>,
      %and3A_1462 = arith.constant 127 : i32
      %and3A_1463 = arith.andi %squeeze3A_94, %and3A_1462 : i32
      %broadcast_in_dim3A_1464 = vector.broadcast %and3A_1463 : i32 to vector<16xi32>
      %gather3A_1465 = arith.constant 6 : i32
      %gather3A_1466 = arith.constant 0 : i32
      %gather3A_1467 = arith.constant 0 : i32
      %gather3A_1468 = tpu.memref_slice %arg14[%gather3A_1465, %gather3A_1466, %gather3A_1467] : memref<8x16x128xf32, #tpu.memory_space<vmem>> -> memref<1x16x128xf32, #tpu.memory_space<vmem>>
      %gather3A_1469 = tpu.memref_squeeze %gather3A_1468 : memref<1x16x128xf32, #tpu.memory_space<vmem>> -> memref<16x128xf32, #tpu.memory_space<vmem>>
      %gather3A_1470 = tpu.vector_load_idx %gather3A_1469[%iota3A_5, %broadcast_in_dim3A_1464] : memref<16x128xf32, #tpu.memory_space<vmem>>[vector<16xi32>, vector<16xi32>], vector<16xf32>,
      %mul3A_1471 = arith.mulf %gather3A_1452, %gather3A_1461 : vector<16xf32>
      %reduce_sum3A_1472 = arith.constant true
      %reduce_sum3A_1473 = vector.broadcast %reduce_sum3A_1472 : i1 to vector<16xi1>
      %reduce_sum3A_1474 = tpu.scan <sum>, %mul3A_1471 masked %reduce_sum3A_1473 : vector<16xf32>, vector<16xi1> -> vector<16xf32>
      %reduce_sum3A_1475 = vector.extract %reduce_sum3A_1474[15] : f32 from vector<16xf32>
      %mul3A_1476 = arith.mulf %gather3A_1452, %gather3A_1470 : vector<16xf32>
      %reduce_sum3A_1477 = arith.constant true
      %reduce_sum3A_1478 = vector.broadcast %reduce_sum3A_1477 : i1 to vector<16xi1>
      %reduce_sum3A_1479 = tpu.scan <sum>, %mul3A_1476 masked %reduce_sum3A_1478 : vector<16xf32>, vector<16xi1> -> vector<16xf32>
      %reduce_sum3A_1480 = vector.extract %reduce_sum3A_1479[15] : f32 from vector<16xf32>
      %broadcast_in_dim3A_1481 = vector.broadcast %add3A_1443 : i32 to vector<16xi32>
      %broadcast_in_dim3A_1482 = vector.broadcast %reduce_sum3A_1475 : f32 to vector<16xf32>
      tpu.vector_store_idx %arg15[%broadcast_in_dim3A_1481], %broadcast_in_dim3A_1482 masked %eq3A_4 : memref<512xf32, #tpu.memory_space<vmem>>[vector<16xi32>], vector<16xf32>, vector<16xi1>
      %broadcast_in_dim3A_1483 = vector.broadcast %reduce_sum3A_1480 : f32 to vector<16xf32>
      tpu.vector_store_idx %arg16[%broadcast_in_dim3A_1481], %broadcast_in_dim3A_1483 masked %eq3A_4 : memref<512xf32, #tpu.memory_space<vmem>>[vector<16xi32>], vector<16xf32>, vector<16xi1>
      %shift_right_arithmetic3A_1484 = arith.constant 7 : i32
      %shift_right_arithmetic3A_1485 = arith.shrsi %squeeze3A_46, %shift_right_arithmetic3A_1484 : i32
      %mul3A_1486 = arith.constant 128 : i32
      %mul3A_1487 = arith.muli %shift_right_arithmetic3A_1485, %mul3A_1486 : i32
      %multiple_of3A_1488 = tpu.assume_multiple %mul3A_1487, 128 : i32
      %dma_start3A_1489 = arith.constant 6 : i32
      %dma_start3A_1490 = arith.constant 0 : i32
      %dma_start3A_1491 = arith.constant 0 : i32
      %dma_start3A_1492 = tpu.memref_slice %arg12[%dma_start3A_1489, %dma_start3A_1490, %dma_start3A_1491] : memref<8x16x128xf32, #tpu.memory_space<vmem>> -> memref<1x16x128xf32, #tpu.memory_space<vmem>>
      %dma_start3A_1493 = tpu.memref_squeeze %dma_start3A_1492 : memref<1x16x128xf32, #tpu.memory_space<vmem>> -> memref<16x128xf32, #tpu.memory_space<vmem>>
      %dma_start3A_1494 = arith.constant 0 : i32
      %dma_start3A_1495 = tpu.memref_slice %arg5[%dma_start3A_1494, %multiple_of3A_1488] : memref<16x1000000xf32, #tpu.memory_space<hbm>> -> memref<16x128xf32, #tpu.memory_space<hbm>>
      %dma_start3A_1496 = arith.constant 0 : i32
      %dma_start3A_1497 = arith.constant 0 : i32
      %dma_start3A_1498 = tpu.memref_slice %arg12[%dma_start3A_1489, %dma_start3A_1496, %dma_start3A_1497] : memref<8x16x128xf32, #tpu.memory_space<vmem>> -> memref<1x16x128xf32, #tpu.memory_space<vmem>>
      %dma_start3A_1499 = tpu.memref_squeeze %dma_start3A_1498 : memref<1x16x128xf32, #tpu.memory_space<vmem>> -> memref<16x128xf32, #tpu.memory_space<vmem>>
      %dma_start3A_1500 = arith.constant 0 : i32
      %dma_start3A_1501 = tpu.memref_slice %arg5[%dma_start3A_1500, %multiple_of3A_1488] : memref<16x1000000xf32, #tpu.memory_space<hbm>> -> memref<16x128xf32, #tpu.memory_space<hbm>>
      tpu.enqueue_dma source(%dma_start3A_1501 : memref<16x128xf32, #tpu.memory_space<hbm>>) target(%dma_start3A_1499 : memref<16x128xf32, #tpu.memory_space<vmem>>) target_semaphore(%arg23 : memref<!tpu.dma_semaphore, #tpu.memory_space<semaphore_mem>>)
      %shift_right_arithmetic3A_1502 = arith.constant 7 : i32
      %shift_right_arithmetic3A_1503 = arith.shrsi %squeeze3A_78, %shift_right_arithmetic3A_1502 : i32
      %mul3A_1504 = arith.constant 128 : i32
      %mul3A_1505 = arith.muli %shift_right_arithmetic3A_1503, %mul3A_1504 : i32
      %multiple_of3A_1506 = tpu.assume_multiple %mul3A_1505, 128 : i32
      %dma_start3A_1507 = arith.constant 6 : i32
      %dma_start3A_1508 = arith.constant 0 : i32
      %dma_start3A_1509 = arith.constant 0 : i32
      %dma_start3A_1510 = tpu.memref_slice %arg13[%dma_start3A_1507, %dma_start3A_1508, %dma_start3A_1509] : memref<8x16x128xf32, #tpu.memory_space<vmem>> -> memref<1x16x128xf32, #tpu.memory_space<vmem>>
      %dma_start3A_1511 = tpu.memref_squeeze %dma_start3A_1510 : memref<1x16x128xf32, #tpu.memory_space<vmem>> -> memref<16x128xf32, #tpu.memory_space<vmem>>
      %dma_start3A_1512 = arith.constant 0 : i32
      %dma_start3A_1513 = tpu.memref_slice %arg6[%dma_start3A_1512, %multiple_of3A_1506] : memref<16x1000000xf32, #tpu.memory_space<hbm>> -> memref<16x128xf32, #tpu.memory_space<hbm>>
      %dma_start3A_1514 = arith.constant 0 : i32
      %dma_start3A_1515 = arith.constant 0 : i32
      %dma_start3A_1516 = tpu.memref_slice %arg13[%dma_start3A_1507, %dma_start3A_1514, %dma_start3A_1515] : memref<8x16x128xf32, #tpu.memory_space<vmem>> -> memref<1x16x128xf32, #tpu.memory_space<vmem>>
      %dma_start3A_1517 = tpu.memref_squeeze %dma_start3A_1516 : memref<1x16x128xf32, #tpu.memory_space<vmem>> -> memref<16x128xf32, #tpu.memory_space<vmem>>
      %dma_start3A_1518 = arith.constant 0 : i32
      %dma_start3A_1519 = tpu.memref_slice %arg6[%dma_start3A_1518, %multiple_of3A_1506] : memref<16x1000000xf32, #tpu.memory_space<hbm>> -> memref<16x128xf32, #tpu.memory_space<hbm>>
      tpu.enqueue_dma source(%dma_start3A_1519 : memref<16x128xf32, #tpu.memory_space<hbm>>) target(%dma_start3A_1517 : memref<16x128xf32, #tpu.memory_space<vmem>>) target_semaphore(%arg23 : memref<!tpu.dma_semaphore, #tpu.memory_space<semaphore_mem>>)
      %shift_right_arithmetic3A_1520 = arith.constant 7 : i32
      %shift_right_arithmetic3A_1521 = arith.shrsi %squeeze3A_110, %shift_right_arithmetic3A_1520 : i32
      %mul3A_1522 = arith.constant 128 : i32
      %mul3A_1523 = arith.muli %shift_right_arithmetic3A_1521, %mul3A_1522 : i32
      %multiple_of3A_1524 = tpu.assume_multiple %mul3A_1523, 128 : i32
      %dma_start3A_1525 = arith.constant 6 : i32
      %dma_start3A_1526 = arith.constant 0 : i32
      %dma_start3A_1527 = arith.constant 0 : i32
      %dma_start3A_1528 = tpu.memref_slice %arg14[%dma_start3A_1525, %dma_start3A_1526, %dma_start3A_1527] : memref<8x16x128xf32, #tpu.memory_space<vmem>> -> memref<1x16x128xf32, #tpu.memory_space<vmem>>
      %dma_start3A_1529 = tpu.memref_squeeze %dma_start3A_1528 : memref<1x16x128xf32, #tpu.memory_space<vmem>> -> memref<16x128xf32, #tpu.memory_space<vmem>>
      %dma_start3A_1530 = arith.constant 0 : i32
      %dma_start3A_1531 = tpu.memref_slice %arg6[%dma_start3A_1530, %multiple_of3A_1524] : memref<16x1000000xf32, #tpu.memory_space<hbm>> -> memref<16x128xf32, #tpu.memory_space<hbm>>
      %dma_start3A_1532 = arith.constant 0 : i32
      %dma_start3A_1533 = arith.constant 0 : i32
      %dma_start3A_1534 = tpu.memref_slice %arg14[%dma_start3A_1525, %dma_start3A_1532, %dma_start3A_1533] : memref<8x16x128xf32, #tpu.memory_space<vmem>> -> memref<1x16x128xf32, #tpu.memory_space<vmem>>
      %dma_start3A_1535 = tpu.memref_squeeze %dma_start3A_1534 : memref<1x16x128xf32, #tpu.memory_space<vmem>> -> memref<16x128xf32, #tpu.memory_space<vmem>>
      %dma_start3A_1536 = arith.constant 0 : i32
      %dma_start3A_1537 = tpu.memref_slice %arg6[%dma_start3A_1536, %multiple_of3A_1524] : memref<16x1000000xf32, #tpu.memory_space<hbm>> -> memref<16x128xf32, #tpu.memory_space<hbm>>
      tpu.enqueue_dma source(%dma_start3A_1537 : memref<16x128xf32, #tpu.memory_space<hbm>>) target(%dma_start3A_1535 : memref<16x128xf32, #tpu.memory_space<vmem>>) target_semaphore(%arg23 : memref<!tpu.dma_semaphore, #tpu.memory_space<semaphore_mem>>)
      %dma_wait3A_1538 = arith.constant 7 : i32
      %dma_wait3A_1539 = arith.constant 0 : i32
      %dma_wait3A_1540 = arith.constant 0 : i32
      %dma_wait3A_1541 = tpu.memref_slice %arg12[%dma_wait3A_1538, %dma_wait3A_1539, %dma_wait3A_1540] : memref<8x16x128xf32, #tpu.memory_space<vmem>> -> memref<1x16x128xf32, #tpu.memory_space<vmem>>
      %dma_wait3A_1542 = tpu.memref_squeeze %dma_wait3A_1541 : memref<1x16x128xf32, #tpu.memory_space<vmem>> -> memref<16x128xf32, #tpu.memory_space<vmem>>
      %dma_wait3A_1543 = arith.constant 0 : i32
      %dma_wait3A_1544 = arith.constant 0 : i32
      %dma_wait3A_1545 = tpu.memref_slice %arg5[%dma_wait3A_1543, %dma_wait3A_1544] : memref<16x1000000xf32, #tpu.memory_space<hbm>> -> memref<16x128xf32, #tpu.memory_space<hbm>>
      %dma_wait3A_1546 = arith.constant 0 : i32
      %dma_wait3A_1547 = arith.constant 0 : i32
      %dma_wait3A_1548 = tpu.memref_slice %arg12[%dma_wait3A_1538, %dma_wait3A_1546, %dma_wait3A_1547] : memref<8x16x128xf32, #tpu.memory_space<vmem>> -> memref<1x16x128xf32, #tpu.memory_space<vmem>>
      %dma_wait3A_1549 = tpu.memref_squeeze %dma_wait3A_1548 : memref<1x16x128xf32, #tpu.memory_space<vmem>> -> memref<16x128xf32, #tpu.memory_space<vmem>>
      %dma_wait3A_1550 = arith.constant 0 : i32
      %dma_wait3A_1551 = arith.constant 0 : i32
      %dma_wait3A_1552 = tpu.memref_slice %arg5[%dma_wait3A_1550, %dma_wait3A_1551] : memref<16x1000000xf32, #tpu.memory_space<hbm>> -> memref<16x128xf32, #tpu.memory_space<hbm>>
      tpu.wait_dma2 semaphore(%arg24 : memref<!tpu.dma_semaphore, #tpu.memory_space<semaphore_mem>>) src(%dma_wait3A_1552 : memref<16x128xf32, #tpu.memory_space<hbm>>) dst(%dma_wait3A_1549 : memref<16x128xf32, #tpu.memory_space<vmem>>)
      %dma_wait3A_1553 = arith.constant 7 : i32
      %dma_wait3A_1554 = arith.constant 0 : i32
      %dma_wait3A_1555 = arith.constant 0 : i32
      %dma_wait3A_1556 = tpu.memref_slice %arg13[%dma_wait3A_1553, %dma_wait3A_1554, %dma_wait3A_1555] : memref<8x16x128xf32, #tpu.memory_space<vmem>> -> memref<1x16x128xf32, #tpu.memory_space<vmem>>
      %dma_wait3A_1557 = tpu.memref_squeeze %dma_wait3A_1556 : memref<1x16x128xf32, #tpu.memory_space<vmem>> -> memref<16x128xf32, #tpu.memory_space<vmem>>
      %dma_wait3A_1558 = arith.constant 0 : i32
      %dma_wait3A_1559 = arith.constant 0 : i32
      %dma_wait3A_1560 = tpu.memref_slice %arg6[%dma_wait3A_1558, %dma_wait3A_1559] : memref<16x1000000xf32, #tpu.memory_space<hbm>> -> memref<16x128xf32, #tpu.memory_space<hbm>>
      %dma_wait3A_1561 = arith.constant 0 : i32
      %dma_wait3A_1562 = arith.constant 0 : i32
      %dma_wait3A_1563 = tpu.memref_slice %arg13[%dma_wait3A_1553, %dma_wait3A_1561, %dma_wait3A_1562] : memref<8x16x128xf32, #tpu.memory_space<vmem>> -> memref<1x16x128xf32, #tpu.memory_space<vmem>>
      %dma_wait3A_1564 = tpu.memref_squeeze %dma_wait3A_1563 : memref<1x16x128xf32, #tpu.memory_space<vmem>> -> memref<16x128xf32, #tpu.memory_space<vmem>>
      %dma_wait3A_1565 = arith.constant 0 : i32
      %dma_wait3A_1566 = arith.constant 0 : i32
      %dma_wait3A_1567 = tpu.memref_slice %arg6[%dma_wait3A_1565, %dma_wait3A_1566] : memref<16x1000000xf32, #tpu.memory_space<hbm>> -> memref<16x128xf32, #tpu.memory_space<hbm>>
      tpu.wait_dma2 semaphore(%arg24 : memref<!tpu.dma_semaphore, #tpu.memory_space<semaphore_mem>>) src(%dma_wait3A_1567 : memref<16x128xf32, #tpu.memory_space<hbm>>) dst(%dma_wait3A_1564 : memref<16x128xf32, #tpu.memory_space<vmem>>)
      %dma_wait3A_1568 = arith.constant 7 : i32
      %dma_wait3A_1569 = arith.constant 0 : i32
      %dma_wait3A_1570 = arith.constant 0 : i32
      %dma_wait3A_1571 = tpu.memref_slice %arg14[%dma_wait3A_1568, %dma_wait3A_1569, %dma_wait3A_1570] : memref<8x16x128xf32, #tpu.memory_space<vmem>> -> memref<1x16x128xf32, #tpu.memory_space<vmem>>
      %dma_wait3A_1572 = tpu.memref_squeeze %dma_wait3A_1571 : memref<1x16x128xf32, #tpu.memory_space<vmem>> -> memref<16x128xf32, #tpu.memory_space<vmem>>
      %dma_wait3A_1573 = arith.constant 0 : i32
      %dma_wait3A_1574 = arith.constant 0 : i32
      %dma_wait3A_1575 = tpu.memref_slice %arg6[%dma_wait3A_1573, %dma_wait3A_1574] : memref<16x1000000xf32, #tpu.memory_space<hbm>> -> memref<16x128xf32, #tpu.memory_space<hbm>>
      %dma_wait3A_1576 = arith.constant 0 : i32
      %dma_wait3A_1577 = arith.constant 0 : i32
      %dma_wait3A_1578 = tpu.memref_slice %arg14[%dma_wait3A_1568, %dma_wait3A_1576, %dma_wait3A_1577] : memref<8x16x128xf32, #tpu.memory_space<vmem>> -> memref<1x16x128xf32, #tpu.memory_space<vmem>>
      %dma_wait3A_1579 = tpu.memref_squeeze %dma_wait3A_1578 : memref<1x16x128xf32, #tpu.memory_space<vmem>> -> memref<16x128xf32, #tpu.memory_space<vmem>>
      %dma_wait3A_1580 = arith.constant 0 : i32
      %dma_wait3A_1581 = arith.constant 0 : i32
      %dma_wait3A_1582 = tpu.memref_slice %arg6[%dma_wait3A_1580, %dma_wait3A_1581] : memref<16x1000000xf32, #tpu.memory_space<hbm>> -> memref<16x128xf32, #tpu.memory_space<hbm>>
      tpu.wait_dma2 semaphore(%arg24 : memref<!tpu.dma_semaphore, #tpu.memory_space<semaphore_mem>>) src(%dma_wait3A_1582 : memref<16x128xf32, #tpu.memory_space<hbm>>) dst(%dma_wait3A_1579 : memref<16x128xf32, #tpu.memory_space<vmem>>)
      %mul3A_1583 = arith.constant 16 : i32
      %mul3A_1584 = arith.muli %scan3A_11, %mul3A_1583 : i32
      %add3A_1585 = arith.constant 7 : i32
      %add3A_1586 = arith.addi %mul3A_1584, %add3A_1585 : i32
      %and3A_1587 = arith.constant 127 : i32
      %and3A_1588 = arith.andi %squeeze3A_32, %and3A_1587 : i32
      %broadcast_in_dim3A_1589 = vector.broadcast %and3A_1588 : i32 to vector<16xi32>
      %gather3A_1590 = arith.constant 7 : i32
      %gather3A_1591 = arith.constant 0 : i32
      %gather3A_1592 = arith.constant 0 : i32
      %gather3A_1593 = tpu.memref_slice %arg12[%gather3A_1590, %gather3A_1591, %gather3A_1592] : memref<8x16x128xf32, #tpu.memory_space<vmem>> -> memref<1x16x128xf32, #tpu.memory_space<vmem>>
      %gather3A_1594 = tpu.memref_squeeze %gather3A_1593 : memref<1x16x128xf32, #tpu.memory_space<vmem>> -> memref<16x128xf32, #tpu.memory_space<vmem>>
      %gather3A_1595 = tpu.vector_load_idx %gather3A_1594[%iota3A_5, %broadcast_in_dim3A_1589] : memref<16x128xf32, #tpu.memory_space<vmem>>[vector<16xi32>, vector<16xi32>], vector<16xf32>,
      %and3A_1596 = arith.constant 127 : i32
      %and3A_1597 = arith.andi %squeeze3A_64, %and3A_1596 : i32
      %broadcast_in_dim3A_1598 = vector.broadcast %and3A_1597 : i32 to vector<16xi32>
      %gather3A_1599 = arith.constant 7 : i32
      %gather3A_1600 = arith.constant 0 : i32
      %gather3A_1601 = arith.constant 0 : i32
      %gather3A_1602 = tpu.memref_slice %arg13[%gather3A_1599, %gather3A_1600, %gather3A_1601] : memref<8x16x128xf32, #tpu.memory_space<vmem>> -> memref<1x16x128xf32, #tpu.memory_space<vmem>>
      %gather3A_1603 = tpu.memref_squeeze %gather3A_1602 : memref<1x16x128xf32, #tpu.memory_space<vmem>> -> memref<16x128xf32, #tpu.memory_space<vmem>>
      %gather3A_1604 = tpu.vector_load_idx %gather3A_1603[%iota3A_5, %broadcast_in_dim3A_1598] : memref<16x128xf32, #tpu.memory_space<vmem>>[vector<16xi32>, vector<16xi32>], vector<16xf32>,
      %and3A_1605 = arith.constant 127 : i32
      %and3A_1606 = arith.andi %squeeze3A_96, %and3A_1605 : i32
      %broadcast_in_dim3A_1607 = vector.broadcast %and3A_1606 : i32 to vector<16xi32>
      %gather3A_1608 = arith.constant 7 : i32
      %gather3A_1609 = arith.constant 0 : i32
      %gather3A_1610 = arith.constant 0 : i32
      %gather3A_1611 = tpu.memref_slice %arg14[%gather3A_1608, %gather3A_1609, %gather3A_1610] : memref<8x16x128xf32, #tpu.memory_space<vmem>> -> memref<1x16x128xf32, #tpu.memory_space<vmem>>
      %gather3A_1612 = tpu.memref_squeeze %gather3A_1611 : memref<1x16x128xf32, #tpu.memory_space<vmem>> -> memref<16x128xf32, #tpu.memory_space<vmem>>
      %gather3A_1613 = tpu.vector_load_idx %gather3A_1612[%iota3A_5, %broadcast_in_dim3A_1607] : memref<16x128xf32, #tpu.memory_space<vmem>>[vector<16xi32>, vector<16xi32>], vector<16xf32>,
      %mul3A_1614 = arith.mulf %gather3A_1595, %gather3A_1604 : vector<16xf32>
      %reduce_sum3A_1615 = arith.constant true
      %reduce_sum3A_1616 = vector.broadcast %reduce_sum3A_1615 : i1 to vector<16xi1>
      %reduce_sum3A_1617 = tpu.scan <sum>, %mul3A_1614 masked %reduce_sum3A_1616 : vector<16xf32>, vector<16xi1> -> vector<16xf32>
      %reduce_sum3A_1618 = vector.extract %reduce_sum3A_1617[15] : f32 from vector<16xf32>
      %mul3A_1619 = arith.mulf %gather3A_1595, %gather3A_1613 : vector<16xf32>
      %reduce_sum3A_1620 = arith.constant true
      %reduce_sum3A_1621 = vector.broadcast %reduce_sum3A_1620 : i1 to vector<16xi1>
      %reduce_sum3A_1622 = tpu.scan <sum>, %mul3A_1619 masked %reduce_sum3A_1621 : vector<16xf32>, vector<16xi1> -> vector<16xf32>
      %reduce_sum3A_1623 = vector.extract %reduce_sum3A_1622[15] : f32 from vector<16xf32>
      %broadcast_in_dim3A_1624 = vector.broadcast %add3A_1586 : i32 to vector<16xi32>
      %broadcast_in_dim3A_1625 = vector.broadcast %reduce_sum3A_1618 : f32 to vector<16xf32>
      tpu.vector_store_idx %arg15[%broadcast_in_dim3A_1624], %broadcast_in_dim3A_1625 masked %eq3A_4 : memref<512xf32, #tpu.memory_space<vmem>>[vector<16xi32>], vector<16xf32>, vector<16xi1>
      %broadcast_in_dim3A_1626 = vector.broadcast %reduce_sum3A_1623 : f32 to vector<16xf32>
      tpu.vector_store_idx %arg16[%broadcast_in_dim3A_1624], %broadcast_in_dim3A_1626 masked %eq3A_4 : memref<512xf32, #tpu.memory_space<vmem>>[vector<16xi32>], vector<16xf32>, vector<16xi1>
      %shift_right_arithmetic3A_1627 = arith.constant 7 : i32
      %shift_right_arithmetic3A_1628 = arith.shrsi %squeeze3A_48, %shift_right_arithmetic3A_1627 : i32
      %mul3A_1629 = arith.constant 128 : i32
      %mul3A_1630 = arith.muli %shift_right_arithmetic3A_1628, %mul3A_1629 : i32
      %multiple_of3A_1631 = tpu.assume_multiple %mul3A_1630, 128 : i32
      %dma_start3A_1632 = arith.constant 7 : i32
      %dma_start3A_1633 = arith.constant 0 : i32
      %dma_start3A_1634 = arith.constant 0 : i32
      %dma_start3A_1635 = tpu.memref_slice %arg12[%dma_start3A_1632, %dma_start3A_1633, %dma_start3A_1634] : memref<8x16x128xf32, #tpu.memory_space<vmem>> -> memref<1x16x128xf32, #tpu.memory_space<vmem>>
      %dma_start3A_1636 = tpu.memref_squeeze %dma_start3A_1635 : memref<1x16x128xf32, #tpu.memory_space<vmem>> -> memref<16x128xf32, #tpu.memory_space<vmem>>
      %dma_start3A_1637 = arith.constant 0 : i32
      %dma_start3A_1638 = tpu.memref_slice %arg5[%dma_start3A_1637, %multiple_of3A_1631] : memref<16x1000000xf32, #tpu.memory_space<hbm>> -> memref<16x128xf32, #tpu.memory_space<hbm>>
      %dma_start3A_1639 = arith.constant 0 : i32
      %dma_start3A_1640 = arith.constant 0 : i32
      %dma_start3A_1641 = tpu.memref_slice %arg12[%dma_start3A_1632, %dma_start3A_1639, %dma_start3A_1640] : memref<8x16x128xf32, #tpu.memory_space<vmem>> -> memref<1x16x128xf32, #tpu.memory_space<vmem>>
      %dma_start3A_1642 = tpu.memref_squeeze %dma_start3A_1641 : memref<1x16x128xf32, #tpu.memory_space<vmem>> -> memref<16x128xf32, #tpu.memory_space<vmem>>
      %dma_start3A_1643 = arith.constant 0 : i32
      %dma_start3A_1644 = tpu.memref_slice %arg5[%dma_start3A_1643, %multiple_of3A_1631] : memref<16x1000000xf32, #tpu.memory_space<hbm>> -> memref<16x128xf32, #tpu.memory_space<hbm>>
      tpu.enqueue_dma source(%dma_start3A_1644 : memref<16x128xf32, #tpu.memory_space<hbm>>) target(%dma_start3A_1642 : memref<16x128xf32, #tpu.memory_space<vmem>>) target_semaphore(%arg24 : memref<!tpu.dma_semaphore, #tpu.memory_space<semaphore_mem>>)
      %shift_right_arithmetic3A_1645 = arith.constant 7 : i32
      %shift_right_arithmetic3A_1646 = arith.shrsi %squeeze3A_80, %shift_right_arithmetic3A_1645 : i32
      %mul3A_1647 = arith.constant 128 : i32
      %mul3A_1648 = arith.muli %shift_right_arithmetic3A_1646, %mul3A_1647 : i32
      %multiple_of3A_1649 = tpu.assume_multiple %mul3A_1648, 128 : i32
      %dma_start3A_1650 = arith.constant 7 : i32
      %dma_start3A_1651 = arith.constant 0 : i32
      %dma_start3A_1652 = arith.constant 0 : i32
      %dma_start3A_1653 = tpu.memref_slice %arg13[%dma_start3A_1650, %dma_start3A_1651, %dma_start3A_1652] : memref<8x16x128xf32, #tpu.memory_space<vmem>> -> memref<1x16x128xf32, #tpu.memory_space<vmem>>
      %dma_start3A_1654 = tpu.memref_squeeze %dma_start3A_1653 : memref<1x16x128xf32, #tpu.memory_space<vmem>> -> memref<16x128xf32, #tpu.memory_space<vmem>>
      %dma_start3A_1655 = arith.constant 0 : i32
      %dma_start3A_1656 = tpu.memref_slice %arg6[%dma_start3A_1655, %multiple_of3A_1649] : memref<16x1000000xf32, #tpu.memory_space<hbm>> -> memref<16x128xf32, #tpu.memory_space<hbm>>
      %dma_start3A_1657 = arith.constant 0 : i32
      %dma_start3A_1658 = arith.constant 0 : i32
      %dma_start3A_1659 = tpu.memref_slice %arg13[%dma_start3A_1650, %dma_start3A_1657, %dma_start3A_1658] : memref<8x16x128xf32, #tpu.memory_space<vmem>> -> memref<1x16x128xf32, #tpu.memory_space<vmem>>
      %dma_start3A_1660 = tpu.memref_squeeze %dma_start3A_1659 : memref<1x16x128xf32, #tpu.memory_space<vmem>> -> memref<16x128xf32, #tpu.memory_space<vmem>>
      %dma_start3A_1661 = arith.constant 0 : i32
      %dma_start3A_1662 = tpu.memref_slice %arg6[%dma_start3A_1661, %multiple_of3A_1649] : memref<16x1000000xf32, #tpu.memory_space<hbm>> -> memref<16x128xf32, #tpu.memory_space<hbm>>
      tpu.enqueue_dma source(%dma_start3A_1662 : memref<16x128xf32, #tpu.memory_space<hbm>>) target(%dma_start3A_1660 : memref<16x128xf32, #tpu.memory_space<vmem>>) target_semaphore(%arg24 : memref<!tpu.dma_semaphore, #tpu.memory_space<semaphore_mem>>)
      %shift_right_arithmetic3A_1663 = arith.constant 7 : i32
      %shift_right_arithmetic3A_1664 = arith.shrsi %squeeze3A_112, %shift_right_arithmetic3A_1663 : i32
      %mul3A_1665 = arith.constant 128 : i32
      %mul3A_1666 = arith.muli %shift_right_arithmetic3A_1664, %mul3A_1665 : i32
      %multiple_of3A_1667 = tpu.assume_multiple %mul3A_1666, 128 : i32
      %dma_start3A_1668 = arith.constant 7 : i32
      %dma_start3A_1669 = arith.constant 0 : i32
      %dma_start3A_1670 = arith.constant 0 : i32
      %dma_start3A_1671 = tpu.memref_slice %arg14[%dma_start3A_1668, %dma_start3A_1669, %dma_start3A_1670] : memref<8x16x128xf32, #tpu.memory_space<vmem>> -> memref<1x16x128xf32, #tpu.memory_space<vmem>>
      %dma_start3A_1672 = tpu.memref_squeeze %dma_start3A_1671 : memref<1x16x128xf32, #tpu.memory_space<vmem>> -> memref<16x128xf32, #tpu.memory_space<vmem>>
      %dma_start3A_1673 = arith.constant 0 : i32
      %dma_start3A_1674 = tpu.memref_slice %arg6[%dma_start3A_1673, %multiple_of3A_1667] : memref<16x1000000xf32, #tpu.memory_space<hbm>> -> memref<16x128xf32, #tpu.memory_space<hbm>>
      %dma_start3A_1675 = arith.constant 0 : i32
      %dma_start3A_1676 = arith.constant 0 : i32
      %dma_start3A_1677 = tpu.memref_slice %arg14[%dma_start3A_1668, %dma_start3A_1675, %dma_start3A_1676] : memref<8x16x128xf32, #tpu.memory_space<vmem>> -> memref<1x16x128xf32, #tpu.memory_space<vmem>>
      %dma_start3A_1678 = tpu.memref_squeeze %dma_start3A_1677 : memref<1x16x128xf32, #tpu.memory_space<vmem>> -> memref<16x128xf32, #tpu.memory_space<vmem>>
      %dma_start3A_1679 = arith.constant 0 : i32
      %dma_start3A_1680 = tpu.memref_slice %arg6[%dma_start3A_1679, %multiple_of3A_1667] : memref<16x1000000xf32, #tpu.memory_space<hbm>> -> memref<16x128xf32, #tpu.memory_space<hbm>>
      tpu.enqueue_dma source(%dma_start3A_1680 : memref<16x128xf32, #tpu.memory_space<hbm>>) target(%dma_start3A_1678 : memref<16x128xf32, #tpu.memory_space<vmem>>) target_semaphore(%arg24 : memref<!tpu.dma_semaphore, #tpu.memory_space<semaphore_mem>>)
      %dma_wait3A_1681 = arith.constant 0 : i32
      %dma_wait3A_1682 = arith.constant 0 : i32
      %dma_wait3A_1683 = arith.constant 0 : i32
      %dma_wait3A_1684 = tpu.memref_slice %arg12[%dma_wait3A_1681, %dma_wait3A_1682, %dma_wait3A_1683] : memref<8x16x128xf32, #tpu.memory_space<vmem>> -> memref<1x16x128xf32, #tpu.memory_space<vmem>>
      %dma_wait3A_1685 = tpu.memref_squeeze %dma_wait3A_1684 : memref<1x16x128xf32, #tpu.memory_space<vmem>> -> memref<16x128xf32, #tpu.memory_space<vmem>>
      %dma_wait3A_1686 = arith.constant 0 : i32
      %dma_wait3A_1687 = arith.constant 0 : i32
      %dma_wait3A_1688 = tpu.memref_slice %arg5[%dma_wait3A_1686, %dma_wait3A_1687] : memref<16x1000000xf32, #tpu.memory_space<hbm>> -> memref<16x128xf32, #tpu.memory_space<hbm>>
      %dma_wait3A_1689 = arith.constant 0 : i32
      %dma_wait3A_1690 = arith.constant 0 : i32
      %dma_wait3A_1691 = tpu.memref_slice %arg12[%dma_wait3A_1681, %dma_wait3A_1689, %dma_wait3A_1690] : memref<8x16x128xf32, #tpu.memory_space<vmem>> -> memref<1x16x128xf32, #tpu.memory_space<vmem>>
      %dma_wait3A_1692 = tpu.memref_squeeze %dma_wait3A_1691 : memref<1x16x128xf32, #tpu.memory_space<vmem>> -> memref<16x128xf32, #tpu.memory_space<vmem>>
      %dma_wait3A_1693 = arith.constant 0 : i32
      %dma_wait3A_1694 = arith.constant 0 : i32
      %dma_wait3A_1695 = tpu.memref_slice %arg5[%dma_wait3A_1693, %dma_wait3A_1694] : memref<16x1000000xf32, #tpu.memory_space<hbm>> -> memref<16x128xf32, #tpu.memory_space<hbm>>
      tpu.wait_dma2 semaphore(%arg17 : memref<!tpu.dma_semaphore, #tpu.memory_space<semaphore_mem>>) src(%dma_wait3A_1695 : memref<16x128xf32, #tpu.memory_space<hbm>>) dst(%dma_wait3A_1692 : memref<16x128xf32, #tpu.memory_space<vmem>>)
      %dma_wait3A_1696 = arith.constant 0 : i32
      %dma_wait3A_1697 = arith.constant 0 : i32
      %dma_wait3A_1698 = arith.constant 0 : i32
      %dma_wait3A_1699 = tpu.memref_slice %arg13[%dma_wait3A_1696, %dma_wait3A_1697, %dma_wait3A_1698] : memref<8x16x128xf32, #tpu.memory_space<vmem>> -> memref<1x16x128xf32, #tpu.memory_space<vmem>>
      %dma_wait3A_1700 = tpu.memref_squeeze %dma_wait3A_1699 : memref<1x16x128xf32, #tpu.memory_space<vmem>> -> memref<16x128xf32, #tpu.memory_space<vmem>>
      %dma_wait3A_1701 = arith.constant 0 : i32
      %dma_wait3A_1702 = arith.constant 0 : i32
      %dma_wait3A_1703 = tpu.memref_slice %arg6[%dma_wait3A_1701, %dma_wait3A_1702] : memref<16x1000000xf32, #tpu.memory_space<hbm>> -> memref<16x128xf32, #tpu.memory_space<hbm>>
      %dma_wait3A_1704 = arith.constant 0 : i32
      %dma_wait3A_1705 = arith.constant 0 : i32
      %dma_wait3A_1706 = tpu.memref_slice %arg13[%dma_wait3A_1696, %dma_wait3A_1704, %dma_wait3A_1705] : memref<8x16x128xf32, #tpu.memory_space<vmem>> -> memref<1x16x128xf32, #tpu.memory_space<vmem>>
      %dma_wait3A_1707 = tpu.memref_squeeze %dma_wait3A_1706 : memref<1x16x128xf32, #tpu.memory_space<vmem>> -> memref<16x128xf32, #tpu.memory_space<vmem>>
      %dma_wait3A_1708 = arith.constant 0 : i32
      %dma_wait3A_1709 = arith.constant 0 : i32
      %dma_wait3A_1710 = tpu.memref_slice %arg6[%dma_wait3A_1708, %dma_wait3A_1709] : memref<16x1000000xf32, #tpu.memory_space<hbm>> -> memref<16x128xf32, #tpu.memory_space<hbm>>
      tpu.wait_dma2 semaphore(%arg17 : memref<!tpu.dma_semaphore, #tpu.memory_space<semaphore_mem>>) src(%dma_wait3A_1710 : memref<16x128xf32, #tpu.memory_space<hbm>>) dst(%dma_wait3A_1707 : memref<16x128xf32, #tpu.memory_space<vmem>>)
      %dma_wait3A_1711 = arith.constant 0 : i32
      %dma_wait3A_1712 = arith.constant 0 : i32
      %dma_wait3A_1713 = arith.constant 0 : i32
      %dma_wait3A_1714 = tpu.memref_slice %arg14[%dma_wait3A_1711, %dma_wait3A_1712, %dma_wait3A_1713] : memref<8x16x128xf32, #tpu.memory_space<vmem>> -> memref<1x16x128xf32, #tpu.memory_space<vmem>>
      %dma_wait3A_1715 = tpu.memref_squeeze %dma_wait3A_1714 : memref<1x16x128xf32, #tpu.memory_space<vmem>> -> memref<16x128xf32, #tpu.memory_space<vmem>>
      %dma_wait3A_1716 = arith.constant 0 : i32
      %dma_wait3A_1717 = arith.constant 0 : i32
      %dma_wait3A_1718 = tpu.memref_slice %arg6[%dma_wait3A_1716, %dma_wait3A_1717] : memref<16x1000000xf32, #tpu.memory_space<hbm>> -> memref<16x128xf32, #tpu.memory_space<hbm>>
      %dma_wait3A_1719 = arith.constant 0 : i32
      %dma_wait3A_1720 = arith.constant 0 : i32
      %dma_wait3A_1721 = tpu.memref_slice %arg14[%dma_wait3A_1711, %dma_wait3A_1719, %dma_wait3A_1720] : memref<8x16x128xf32, #tpu.memory_space<vmem>> -> memref<1x16x128xf32, #tpu.memory_space<vmem>>
      %dma_wait3A_1722 = tpu.memref_squeeze %dma_wait3A_1721 : memref<1x16x128xf32, #tpu.memory_space<vmem>> -> memref<16x128xf32, #tpu.memory_space<vmem>>
      %dma_wait3A_1723 = arith.constant 0 : i32
      %dma_wait3A_1724 = arith.constant 0 : i32
      %dma_wait3A_1725 = tpu.memref_slice %arg6[%dma_wait3A_1723, %dma_wait3A_1724] : memref<16x1000000xf32, #tpu.memory_space<hbm>> -> memref<16x128xf32, #tpu.memory_space<hbm>>
      tpu.wait_dma2 semaphore(%arg17 : memref<!tpu.dma_semaphore, #tpu.memory_space<semaphore_mem>>) src(%dma_wait3A_1725 : memref<16x128xf32, #tpu.memory_space<hbm>>) dst(%dma_wait3A_1722 : memref<16x128xf32, #tpu.memory_space<vmem>>)
      %mul3A_1726 = arith.constant 16 : i32
      %mul3A_1727 = arith.muli %scan3A_11, %mul3A_1726 : i32
      %add3A_1728 = arith.constant 8 : i32
      %add3A_1729 = arith.addi %mul3A_1727, %add3A_1728 : i32
      %and3A_1730 = arith.constant 127 : i32
      %and3A_1731 = arith.andi %squeeze3A_34, %and3A_1730 : i32
      %broadcast_in_dim3A_1732 = vector.broadcast %and3A_1731 : i32 to vector<16xi32>
      %gather3A_1733 = arith.constant 0 : i32
      %gather3A_1734 = arith.constant 0 : i32
      %gather3A_1735 = arith.constant 0 : i32
      %gather3A_1736 = tpu.memref_slice %arg12[%gather3A_1733, %gather3A_1734, %gather3A_1735] : memref<8x16x128xf32, #tpu.memory_space<vmem>> -> memref<1x16x128xf32, #tpu.memory_space<vmem>>
      %gather3A_1737 = tpu.memref_squeeze %gather3A_1736 : memref<1x16x128xf32, #tpu.memory_space<vmem>> -> memref<16x128xf32, #tpu.memory_space<vmem>>
      %gather3A_1738 = tpu.vector_load_idx %gather3A_1737[%iota3A_5, %broadcast_in_dim3A_1732] : memref<16x128xf32, #tpu.memory_space<vmem>>[vector<16xi32>, vector<16xi32>], vector<16xf32>,
      %and3A_1739 = arith.constant 127 : i32
      %and3A_1740 = arith.andi %squeeze3A_66, %and3A_1739 : i32
      %broadcast_in_dim3A_1741 = vector.broadcast %and3A_1740 : i32 to vector<16xi32>
      %gather3A_1742 = arith.constant 0 : i32
      %gather3A_1743 = arith.constant 0 : i32
      %gather3A_1744 = arith.constant 0 : i32
      %gather3A_1745 = tpu.memref_slice %arg13[%gather3A_1742, %gather3A_1743, %gather3A_1744] : memref<8x16x128xf32, #tpu.memory_space<vmem>> -> memref<1x16x128xf32, #tpu.memory_space<vmem>>
      %gather3A_1746 = tpu.memref_squeeze %gather3A_1745 : memref<1x16x128xf32, #tpu.memory_space<vmem>> -> memref<16x128xf32, #tpu.memory_space<vmem>>
      %gather3A_1747 = tpu.vector_load_idx %gather3A_1746[%iota3A_5, %broadcast_in_dim3A_1741] : memref<16x128xf32, #tpu.memory_space<vmem>>[vector<16xi32>, vector<16xi32>], vector<16xf32>,
      %and3A_1748 = arith.constant 127 : i32
      %and3A_1749 = arith.andi %squeeze3A_98, %and3A_1748 : i32
      %broadcast_in_dim3A_1750 = vector.broadcast %and3A_1749 : i32 to vector<16xi32>
      %gather3A_1751 = arith.constant 0 : i32
      %gather3A_1752 = arith.constant 0 : i32
      %gather3A_1753 = arith.constant 0 : i32
      %gather3A_1754 = tpu.memref_slice %arg14[%gather3A_1751, %gather3A_1752, %gather3A_1753] : memref<8x16x128xf32, #tpu.memory_space<vmem>> -> memref<1x16x128xf32, #tpu.memory_space<vmem>>
      %gather3A_1755 = tpu.memref_squeeze %gather3A_1754 : memref<1x16x128xf32, #tpu.memory_space<vmem>> -> memref<16x128xf32, #tpu.memory_space<vmem>>
      %gather3A_1756 = tpu.vector_load_idx %gather3A_1755[%iota3A_5, %broadcast_in_dim3A_1750] : memref<16x128xf32, #tpu.memory_space<vmem>>[vector<16xi32>, vector<16xi32>], vector<16xf32>,
      %mul3A_1757 = arith.mulf %gather3A_1738, %gather3A_1747 : vector<16xf32>
      %reduce_sum3A_1758 = arith.constant true
      %reduce_sum3A_1759 = vector.broadcast %reduce_sum3A_1758 : i1 to vector<16xi1>
      %reduce_sum3A_1760 = tpu.scan <sum>, %mul3A_1757 masked %reduce_sum3A_1759 : vector<16xf32>, vector<16xi1> -> vector<16xf32>
      %reduce_sum3A_1761 = vector.extract %reduce_sum3A_1760[15] : f32 from vector<16xf32>
      %mul3A_1762 = arith.mulf %gather3A_1738, %gather3A_1756 : vector<16xf32>
      %reduce_sum3A_1763 = arith.constant true
      %reduce_sum3A_1764 = vector.broadcast %reduce_sum3A_1763 : i1 to vector<16xi1>
      %reduce_sum3A_1765 = tpu.scan <sum>, %mul3A_1762 masked %reduce_sum3A_1764 : vector<16xf32>, vector<16xi1> -> vector<16xf32>
      %reduce_sum3A_1766 = vector.extract %reduce_sum3A_1765[15] : f32 from vector<16xf32>
      %broadcast_in_dim3A_1767 = vector.broadcast %add3A_1729 : i32 to vector<16xi32>
      %broadcast_in_dim3A_1768 = vector.broadcast %reduce_sum3A_1761 : f32 to vector<16xf32>
      tpu.vector_store_idx %arg15[%broadcast_in_dim3A_1767], %broadcast_in_dim3A_1768 masked %eq3A_4 : memref<512xf32, #tpu.memory_space<vmem>>[vector<16xi32>], vector<16xf32>, vector<16xi1>
      %broadcast_in_dim3A_1769 = vector.broadcast %reduce_sum3A_1766 : f32 to vector<16xf32>
      tpu.vector_store_idx %arg16[%broadcast_in_dim3A_1767], %broadcast_in_dim3A_1769 masked %eq3A_4 : memref<512xf32, #tpu.memory_space<vmem>>[vector<16xi32>], vector<16xf32>, vector<16xi1>
      %dma_wait3A_1770 = arith.constant 1 : i32
      %dma_wait3A_1771 = arith.constant 0 : i32
      %dma_wait3A_1772 = arith.constant 0 : i32
      %dma_wait3A_1773 = tpu.memref_slice %arg12[%dma_wait3A_1770, %dma_wait3A_1771, %dma_wait3A_1772] : memref<8x16x128xf32, #tpu.memory_space<vmem>> -> memref<1x16x128xf32, #tpu.memory_space<vmem>>
      %dma_wait3A_1774 = tpu.memref_squeeze %dma_wait3A_1773 : memref<1x16x128xf32, #tpu.memory_space<vmem>> -> memref<16x128xf32, #tpu.memory_space<vmem>>
      %dma_wait3A_1775 = arith.constant 0 : i32
      %dma_wait3A_1776 = arith.constant 0 : i32
      %dma_wait3A_1777 = tpu.memref_slice %arg5[%dma_wait3A_1775, %dma_wait3A_1776] : memref<16x1000000xf32, #tpu.memory_space<hbm>> -> memref<16x128xf32, #tpu.memory_space<hbm>>
      %dma_wait3A_1778 = arith.constant 0 : i32
      %dma_wait3A_1779 = arith.constant 0 : i32
      %dma_wait3A_1780 = tpu.memref_slice %arg12[%dma_wait3A_1770, %dma_wait3A_1778, %dma_wait3A_1779] : memref<8x16x128xf32, #tpu.memory_space<vmem>> -> memref<1x16x128xf32, #tpu.memory_space<vmem>>
      %dma_wait3A_1781 = tpu.memref_squeeze %dma_wait3A_1780 : memref<1x16x128xf32, #tpu.memory_space<vmem>> -> memref<16x128xf32, #tpu.memory_space<vmem>>
      %dma_wait3A_1782 = arith.constant 0 : i32
      %dma_wait3A_1783 = arith.constant 0 : i32
      %dma_wait3A_1784 = tpu.memref_slice %arg5[%dma_wait3A_1782, %dma_wait3A_1783] : memref<16x1000000xf32, #tpu.memory_space<hbm>> -> memref<16x128xf32, #tpu.memory_space<hbm>>
      tpu.wait_dma2 semaphore(%arg18 : memref<!tpu.dma_semaphore, #tpu.memory_space<semaphore_mem>>) src(%dma_wait3A_1784 : memref<16x128xf32, #tpu.memory_space<hbm>>) dst(%dma_wait3A_1781 : memref<16x128xf32, #tpu.memory_space<vmem>>)
      %dma_wait3A_1785 = arith.constant 1 : i32
      %dma_wait3A_1786 = arith.constant 0 : i32
      %dma_wait3A_1787 = arith.constant 0 : i32
      %dma_wait3A_1788 = tpu.memref_slice %arg13[%dma_wait3A_1785, %dma_wait3A_1786, %dma_wait3A_1787] : memref<8x16x128xf32, #tpu.memory_space<vmem>> -> memref<1x16x128xf32, #tpu.memory_space<vmem>>
      %dma_wait3A_1789 = tpu.memref_squeeze %dma_wait3A_1788 : memref<1x16x128xf32, #tpu.memory_space<vmem>> -> memref<16x128xf32, #tpu.memory_space<vmem>>
      %dma_wait3A_1790 = arith.constant 0 : i32
      %dma_wait3A_1791 = arith.constant 0 : i32
      %dma_wait3A_1792 = tpu.memref_slice %arg6[%dma_wait3A_1790, %dma_wait3A_1791] : memref<16x1000000xf32, #tpu.memory_space<hbm>> -> memref<16x128xf32, #tpu.memory_space<hbm>>
      %dma_wait3A_1793 = arith.constant 0 : i32
      %dma_wait3A_1794 = arith.constant 0 : i32
      %dma_wait3A_1795 = tpu.memref_slice %arg13[%dma_wait3A_1785, %dma_wait3A_1793, %dma_wait3A_1794] : memref<8x16x128xf32, #tpu.memory_space<vmem>> -> memref<1x16x128xf32, #tpu.memory_space<vmem>>
      %dma_wait3A_1796 = tpu.memref_squeeze %dma_wait3A_1795 : memref<1x16x128xf32, #tpu.memory_space<vmem>> -> memref<16x128xf32, #tpu.memory_space<vmem>>
      %dma_wait3A_1797 = arith.constant 0 : i32
      %dma_wait3A_1798 = arith.constant 0 : i32
      %dma_wait3A_1799 = tpu.memref_slice %arg6[%dma_wait3A_1797, %dma_wait3A_1798] : memref<16x1000000xf32, #tpu.memory_space<hbm>> -> memref<16x128xf32, #tpu.memory_space<hbm>>
      tpu.wait_dma2 semaphore(%arg18 : memref<!tpu.dma_semaphore, #tpu.memory_space<semaphore_mem>>) src(%dma_wait3A_1799 : memref<16x128xf32, #tpu.memory_space<hbm>>) dst(%dma_wait3A_1796 : memref<16x128xf32, #tpu.memory_space<vmem>>)
      %dma_wait3A_1800 = arith.constant 1 : i32
      %dma_wait3A_1801 = arith.constant 0 : i32
      %dma_wait3A_1802 = arith.constant 0 : i32
      %dma_wait3A_1803 = tpu.memref_slice %arg14[%dma_wait3A_1800, %dma_wait3A_1801, %dma_wait3A_1802] : memref<8x16x128xf32, #tpu.memory_space<vmem>> -> memref<1x16x128xf32, #tpu.memory_space<vmem>>
      %dma_wait3A_1804 = tpu.memref_squeeze %dma_wait3A_1803 : memref<1x16x128xf32, #tpu.memory_space<vmem>> -> memref<16x128xf32, #tpu.memory_space<vmem>>
      %dma_wait3A_1805 = arith.constant 0 : i32
      %dma_wait3A_1806 = arith.constant 0 : i32
      %dma_wait3A_1807 = tpu.memref_slice %arg6[%dma_wait3A_1805, %dma_wait3A_1806] : memref<16x1000000xf32, #tpu.memory_space<hbm>> -> memref<16x128xf32, #tpu.memory_space<hbm>>
      %dma_wait3A_1808 = arith.constant 0 : i32
      %dma_wait3A_1809 = arith.constant 0 : i32
      %dma_wait3A_1810 = tpu.memref_slice %arg14[%dma_wait3A_1800, %dma_wait3A_1808, %dma_wait3A_1809] : memref<8x16x128xf32, #tpu.memory_space<vmem>> -> memref<1x16x128xf32, #tpu.memory_space<vmem>>
      %dma_wait3A_1811 = tpu.memref_squeeze %dma_wait3A_1810 : memref<1x16x128xf32, #tpu.memory_space<vmem>> -> memref<16x128xf32, #tpu.memory_space<vmem>>
      %dma_wait3A_1812 = arith.constant 0 : i32
      %dma_wait3A_1813 = arith.constant 0 : i32
      %dma_wait3A_1814 = tpu.memref_slice %arg6[%dma_wait3A_1812, %dma_wait3A_1813] : memref<16x1000000xf32, #tpu.memory_space<hbm>> -> memref<16x128xf32, #tpu.memory_space<hbm>>
      tpu.wait_dma2 semaphore(%arg18 : memref<!tpu.dma_semaphore, #tpu.memory_space<semaphore_mem>>) src(%dma_wait3A_1814 : memref<16x128xf32, #tpu.memory_space<hbm>>) dst(%dma_wait3A_1811 : memref<16x128xf32, #tpu.memory_space<vmem>>)
      %mul3A_1815 = arith.constant 16 : i32
      %mul3A_1816 = arith.muli %scan3A_11, %mul3A_1815 : i32
      %add3A_1817 = arith.constant 9 : i32
      %add3A_1818 = arith.addi %mul3A_1816, %add3A_1817 : i32
      %and3A_1819 = arith.constant 127 : i32
      %and3A_1820 = arith.andi %squeeze3A_36, %and3A_1819 : i32
      %broadcast_in_dim3A_1821 = vector.broadcast %and3A_1820 : i32 to vector<16xi32>
      %gather3A_1822 = arith.constant 1 : i32
      %gather3A_1823 = arith.constant 0 : i32
      %gather3A_1824 = arith.constant 0 : i32
      %gather3A_1825 = tpu.memref_slice %arg12[%gather3A_1822, %gather3A_1823, %gather3A_1824] : memref<8x16x128xf32, #tpu.memory_space<vmem>> -> memref<1x16x128xf32, #tpu.memory_space<vmem>>
      %gather3A_1826 = tpu.memref_squeeze %gather3A_1825 : memref<1x16x128xf32, #tpu.memory_space<vmem>> -> memref<16x128xf32, #tpu.memory_space<vmem>>
      %gather3A_1827 = tpu.vector_load_idx %gather3A_1826[%iota3A_5, %broadcast_in_dim3A_1821] : memref<16x128xf32, #tpu.memory_space<vmem>>[vector<16xi32>, vector<16xi32>], vector<16xf32>,
      %and3A_1828 = arith.constant 127 : i32
      %and3A_1829 = arith.andi %squeeze3A_68, %and3A_1828 : i32
      %broadcast_in_dim3A_1830 = vector.broadcast %and3A_1829 : i32 to vector<16xi32>
      %gather3A_1831 = arith.constant 1 : i32
      %gather3A_1832 = arith.constant 0 : i32
      %gather3A_1833 = arith.constant 0 : i32
      %gather3A_1834 = tpu.memref_slice %arg13[%gather3A_1831, %gather3A_1832, %gather3A_1833] : memref<8x16x128xf32, #tpu.memory_space<vmem>> -> memref<1x16x128xf32, #tpu.memory_space<vmem>>
      %gather3A_1835 = tpu.memref_squeeze %gather3A_1834 : memref<1x16x128xf32, #tpu.memory_space<vmem>> -> memref<16x128xf32, #tpu.memory_space<vmem>>
      %gather3A_1836 = tpu.vector_load_idx %gather3A_1835[%iota3A_5, %broadcast_in_dim3A_1830] : memref<16x128xf32, #tpu.memory_space<vmem>>[vector<16xi32>, vector<16xi32>], vector<16xf32>,
      %and3A_1837 = arith.constant 127 : i32
      %and3A_1838 = arith.andi %squeeze3A_100, %and3A_1837 : i32
      %broadcast_in_dim3A_1839 = vector.broadcast %and3A_1838 : i32 to vector<16xi32>
      %gather3A_1840 = arith.constant 1 : i32
      %gather3A_1841 = arith.constant 0 : i32
      %gather3A_1842 = arith.constant 0 : i32
      %gather3A_1843 = tpu.memref_slice %arg14[%gather3A_1840, %gather3A_1841, %gather3A_1842] : memref<8x16x128xf32, #tpu.memory_space<vmem>> -> memref<1x16x128xf32, #tpu.memory_space<vmem>>
      %gather3A_1844 = tpu.memref_squeeze %gather3A_1843 : memref<1x16x128xf32, #tpu.memory_space<vmem>> -> memref<16x128xf32, #tpu.memory_space<vmem>>
      %gather3A_1845 = tpu.vector_load_idx %gather3A_1844[%iota3A_5, %broadcast_in_dim3A_1839] : memref<16x128xf32, #tpu.memory_space<vmem>>[vector<16xi32>, vector<16xi32>], vector<16xf32>,
      %mul3A_1846 = arith.mulf %gather3A_1827, %gather3A_1836 : vector<16xf32>
      %reduce_sum3A_1847 = arith.constant true
      %reduce_sum3A_1848 = vector.broadcast %reduce_sum3A_1847 : i1 to vector<16xi1>
      %reduce_sum3A_1849 = tpu.scan <sum>, %mul3A_1846 masked %reduce_sum3A_1848 : vector<16xf32>, vector<16xi1> -> vector<16xf32>
      %reduce_sum3A_1850 = vector.extract %reduce_sum3A_1849[15] : f32 from vector<16xf32>
      %mul3A_1851 = arith.mulf %gather3A_1827, %gather3A_1845 : vector<16xf32>
      %reduce_sum3A_1852 = arith.constant true
      %reduce_sum3A_1853 = vector.broadcast %reduce_sum3A_1852 : i1 to vector<16xi1>
      %reduce_sum3A_1854 = tpu.scan <sum>, %mul3A_1851 masked %reduce_sum3A_1853 : vector<16xf32>, vector<16xi1> -> vector<16xf32>
      %reduce_sum3A_1855 = vector.extract %reduce_sum3A_1854[15] : f32 from vector<16xf32>
      %broadcast_in_dim3A_1856 = vector.broadcast %add3A_1818 : i32 to vector<16xi32>
      %broadcast_in_dim3A_1857 = vector.broadcast %reduce_sum3A_1850 : f32 to vector<16xf32>
      tpu.vector_store_idx %arg15[%broadcast_in_dim3A_1856], %broadcast_in_dim3A_1857 masked %eq3A_4 : memref<512xf32, #tpu.memory_space<vmem>>[vector<16xi32>], vector<16xf32>, vector<16xi1>
      %broadcast_in_dim3A_1858 = vector.broadcast %reduce_sum3A_1855 : f32 to vector<16xf32>
      tpu.vector_store_idx %arg16[%broadcast_in_dim3A_1856], %broadcast_in_dim3A_1858 masked %eq3A_4 : memref<512xf32, #tpu.memory_space<vmem>>[vector<16xi32>], vector<16xf32>, vector<16xi1>
      %dma_wait3A_1859 = arith.constant 2 : i32
      %dma_wait3A_1860 = arith.constant 0 : i32
      %dma_wait3A_1861 = arith.constant 0 : i32
      %dma_wait3A_1862 = tpu.memref_slice %arg12[%dma_wait3A_1859, %dma_wait3A_1860, %dma_wait3A_1861] : memref<8x16x128xf32, #tpu.memory_space<vmem>> -> memref<1x16x128xf32, #tpu.memory_space<vmem>>
      %dma_wait3A_1863 = tpu.memref_squeeze %dma_wait3A_1862 : memref<1x16x128xf32, #tpu.memory_space<vmem>> -> memref<16x128xf32, #tpu.memory_space<vmem>>
      %dma_wait3A_1864 = arith.constant 0 : i32
      %dma_wait3A_1865 = arith.constant 0 : i32
      %dma_wait3A_1866 = tpu.memref_slice %arg5[%dma_wait3A_1864, %dma_wait3A_1865] : memref<16x1000000xf32, #tpu.memory_space<hbm>> -> memref<16x128xf32, #tpu.memory_space<hbm>>
      %dma_wait3A_1867 = arith.constant 0 : i32
      %dma_wait3A_1868 = arith.constant 0 : i32
      %dma_wait3A_1869 = tpu.memref_slice %arg12[%dma_wait3A_1859, %dma_wait3A_1867, %dma_wait3A_1868] : memref<8x16x128xf32, #tpu.memory_space<vmem>> -> memref<1x16x128xf32, #tpu.memory_space<vmem>>
      %dma_wait3A_1870 = tpu.memref_squeeze %dma_wait3A_1869 : memref<1x16x128xf32, #tpu.memory_space<vmem>> -> memref<16x128xf32, #tpu.memory_space<vmem>>
      %dma_wait3A_1871 = arith.constant 0 : i32
      %dma_wait3A_1872 = arith.constant 0 : i32
      %dma_wait3A_1873 = tpu.memref_slice %arg5[%dma_wait3A_1871, %dma_wait3A_1872] : memref<16x1000000xf32, #tpu.memory_space<hbm>> -> memref<16x128xf32, #tpu.memory_space<hbm>>
      tpu.wait_dma2 semaphore(%arg19 : memref<!tpu.dma_semaphore, #tpu.memory_space<semaphore_mem>>) src(%dma_wait3A_1873 : memref<16x128xf32, #tpu.memory_space<hbm>>) dst(%dma_wait3A_1870 : memref<16x128xf32, #tpu.memory_space<vmem>>)
      %dma_wait3A_1874 = arith.constant 2 : i32
      %dma_wait3A_1875 = arith.constant 0 : i32
      %dma_wait3A_1876 = arith.constant 0 : i32
      %dma_wait3A_1877 = tpu.memref_slice %arg13[%dma_wait3A_1874, %dma_wait3A_1875, %dma_wait3A_1876] : memref<8x16x128xf32, #tpu.memory_space<vmem>> -> memref<1x16x128xf32, #tpu.memory_space<vmem>>
      %dma_wait3A_1878 = tpu.memref_squeeze %dma_wait3A_1877 : memref<1x16x128xf32, #tpu.memory_space<vmem>> -> memref<16x128xf32, #tpu.memory_space<vmem>>
      %dma_wait3A_1879 = arith.constant 0 : i32
      %dma_wait3A_1880 = arith.constant 0 : i32
      %dma_wait3A_1881 = tpu.memref_slice %arg6[%dma_wait3A_1879, %dma_wait3A_1880] : memref<16x1000000xf32, #tpu.memory_space<hbm>> -> memref<16x128xf32, #tpu.memory_space<hbm>>
      %dma_wait3A_1882 = arith.constant 0 : i32
      %dma_wait3A_1883 = arith.constant 0 : i32
      %dma_wait3A_1884 = tpu.memref_slice %arg13[%dma_wait3A_1874, %dma_wait3A_1882, %dma_wait3A_1883] : memref<8x16x128xf32, #tpu.memory_space<vmem>> -> memref<1x16x128xf32, #tpu.memory_space<vmem>>
      %dma_wait3A_1885 = tpu.memref_squeeze %dma_wait3A_1884 : memref<1x16x128xf32, #tpu.memory_space<vmem>> -> memref<16x128xf32, #tpu.memory_space<vmem>>
      %dma_wait3A_1886 = arith.constant 0 : i32
      %dma_wait3A_1887 = arith.constant 0 : i32
      %dma_wait3A_1888 = tpu.memref_slice %arg6[%dma_wait3A_1886, %dma_wait3A_1887] : memref<16x1000000xf32, #tpu.memory_space<hbm>> -> memref<16x128xf32, #tpu.memory_space<hbm>>
      tpu.wait_dma2 semaphore(%arg19 : memref<!tpu.dma_semaphore, #tpu.memory_space<semaphore_mem>>) src(%dma_wait3A_1888 : memref<16x128xf32, #tpu.memory_space<hbm>>) dst(%dma_wait3A_1885 : memref<16x128xf32, #tpu.memory_space<vmem>>)
      %dma_wait3A_1889 = arith.constant 2 : i32
      %dma_wait3A_1890 = arith.constant 0 : i32
      %dma_wait3A_1891 = arith.constant 0 : i32
      %dma_wait3A_1892 = tpu.memref_slice %arg14[%dma_wait3A_1889, %dma_wait3A_1890, %dma_wait3A_1891] : memref<8x16x128xf32, #tpu.memory_space<vmem>> -> memref<1x16x128xf32, #tpu.memory_space<vmem>>
      %dma_wait3A_1893 = tpu.memref_squeeze %dma_wait3A_1892 : memref<1x16x128xf32, #tpu.memory_space<vmem>> -> memref<16x128xf32, #tpu.memory_space<vmem>>
      %dma_wait3A_1894 = arith.constant 0 : i32
      %dma_wait3A_1895 = arith.constant 0 : i32
      %dma_wait3A_1896 = tpu.memref_slice %arg6[%dma_wait3A_1894, %dma_wait3A_1895] : memref<16x1000000xf32, #tpu.memory_space<hbm>> -> memref<16x128xf32, #tpu.memory_space<hbm>>
      %dma_wait3A_1897 = arith.constant 0 : i32
      %dma_wait3A_1898 = arith.constant 0 : i32
      %dma_wait3A_1899 = tpu.memref_slice %arg14[%dma_wait3A_1889, %dma_wait3A_1897, %dma_wait3A_1898] : memref<8x16x128xf32, #tpu.memory_space<vmem>> -> memref<1x16x128xf32, #tpu.memory_space<vmem>>
      %dma_wait3A_1900 = tpu.memref_squeeze %dma_wait3A_1899 : memref<1x16x128xf32, #tpu.memory_space<vmem>> -> memref<16x128xf32, #tpu.memory_space<vmem>>
      %dma_wait3A_1901 = arith.constant 0 : i32
      %dma_wait3A_1902 = arith.constant 0 : i32
      %dma_wait3A_1903 = tpu.memref_slice %arg6[%dma_wait3A_1901, %dma_wait3A_1902] : memref<16x1000000xf32, #tpu.memory_space<hbm>> -> memref<16x128xf32, #tpu.memory_space<hbm>>
      tpu.wait_dma2 semaphore(%arg19 : memref<!tpu.dma_semaphore, #tpu.memory_space<semaphore_mem>>) src(%dma_wait3A_1903 : memref<16x128xf32, #tpu.memory_space<hbm>>) dst(%dma_wait3A_1900 : memref<16x128xf32, #tpu.memory_space<vmem>>)
      %mul3A_1904 = arith.constant 16 : i32
      %mul3A_1905 = arith.muli %scan3A_11, %mul3A_1904 : i32
      %add3A_1906 = arith.constant 10 : i32
      %add3A_1907 = arith.addi %mul3A_1905, %add3A_1906 : i32
      %and3A_1908 = arith.constant 127 : i32
      %and3A_1909 = arith.andi %squeeze3A_38, %and3A_1908 : i32
      %broadcast_in_dim3A_1910 = vector.broadcast %and3A_1909 : i32 to vector<16xi32>
      %gather3A_1911 = arith.constant 2 : i32
      %gather3A_1912 = arith.constant 0 : i32
      %gather3A_1913 = arith.constant 0 : i32
      %gather3A_1914 = tpu.memref_slice %arg12[%gather3A_1911, %gather3A_1912, %gather3A_1913] : memref<8x16x128xf32, #tpu.memory_space<vmem>> -> memref<1x16x128xf32, #tpu.memory_space<vmem>>
      %gather3A_1915 = tpu.memref_squeeze %gather3A_1914 : memref<1x16x128xf32, #tpu.memory_space<vmem>> -> memref<16x128xf32, #tpu.memory_space<vmem>>
      %gather3A_1916 = tpu.vector_load_idx %gather3A_1915[%iota3A_5, %broadcast_in_dim3A_1910] : memref<16x128xf32, #tpu.memory_space<vmem>>[vector<16xi32>, vector<16xi32>], vector<16xf32>,
      %and3A_1917 = arith.constant 127 : i32
      %and3A_1918 = arith.andi %squeeze3A_70, %and3A_1917 : i32
      %broadcast_in_dim3A_1919 = vector.broadcast %and3A_1918 : i32 to vector<16xi32>
      %gather3A_1920 = arith.constant 2 : i32
      %gather3A_1921 = arith.constant 0 : i32
      %gather3A_1922 = arith.constant 0 : i32
      %gather3A_1923 = tpu.memref_slice %arg13[%gather3A_1920, %gather3A_1921, %gather3A_1922] : memref<8x16x128xf32, #tpu.memory_space<vmem>> -> memref<1x16x128xf32, #tpu.memory_space<vmem>>
      %gather3A_1924 = tpu.memref_squeeze %gather3A_1923 : memref<1x16x128xf32, #tpu.memory_space<vmem>> -> memref<16x128xf32, #tpu.memory_space<vmem>>
      %gather3A_1925 = tpu.vector_load_idx %gather3A_1924[%iota3A_5, %broadcast_in_dim3A_1919] : memref<16x128xf32, #tpu.memory_space<vmem>>[vector<16xi32>, vector<16xi32>], vector<16xf32>,
      %and3A_1926 = arith.constant 127 : i32
      %and3A_1927 = arith.andi %squeeze3A_102, %and3A_1926 : i32
      %broadcast_in_dim3A_1928 = vector.broadcast %and3A_1927 : i32 to vector<16xi32>
      %gather3A_1929 = arith.constant 2 : i32
      %gather3A_1930 = arith.constant 0 : i32
      %gather3A_1931 = arith.constant 0 : i32
      %gather3A_1932 = tpu.memref_slice %arg14[%gather3A_1929, %gather3A_1930, %gather3A_1931] : memref<8x16x128xf32, #tpu.memory_space<vmem>> -> memref<1x16x128xf32, #tpu.memory_space<vmem>>
      %gather3A_1933 = tpu.memref_squeeze %gather3A_1932 : memref<1x16x128xf32, #tpu.memory_space<vmem>> -> memref<16x128xf32, #tpu.memory_space<vmem>>
      %gather3A_1934 = tpu.vector_load_idx %gather3A_1933[%iota3A_5, %broadcast_in_dim3A_1928] : memref<16x128xf32, #tpu.memory_space<vmem>>[vector<16xi32>, vector<16xi32>], vector<16xf32>,
      %mul3A_1935 = arith.mulf %gather3A_1916, %gather3A_1925 : vector<16xf32>
      %reduce_sum3A_1936 = arith.constant true
      %reduce_sum3A_1937 = vector.broadcast %reduce_sum3A_1936 : i1 to vector<16xi1>
      %reduce_sum3A_1938 = tpu.scan <sum>, %mul3A_1935 masked %reduce_sum3A_1937 : vector<16xf32>, vector<16xi1> -> vector<16xf32>
      %reduce_sum3A_1939 = vector.extract %reduce_sum3A_1938[15] : f32 from vector<16xf32>
      %mul3A_1940 = arith.mulf %gather3A_1916, %gather3A_1934 : vector<16xf32>
      %reduce_sum3A_1941 = arith.constant true
      %reduce_sum3A_1942 = vector.broadcast %reduce_sum3A_1941 : i1 to vector<16xi1>
      %reduce_sum3A_1943 = tpu.scan <sum>, %mul3A_1940 masked %reduce_sum3A_1942 : vector<16xf32>, vector<16xi1> -> vector<16xf32>
      %reduce_sum3A_1944 = vector.extract %reduce_sum3A_1943[15] : f32 from vector<16xf32>
      %broadcast_in_dim3A_1945 = vector.broadcast %add3A_1907 : i32 to vector<16xi32>
      %broadcast_in_dim3A_1946 = vector.broadcast %reduce_sum3A_1939 : f32 to vector<16xf32>
      tpu.vector_store_idx %arg15[%broadcast_in_dim3A_1945], %broadcast_in_dim3A_1946 masked %eq3A_4 : memref<512xf32, #tpu.memory_space<vmem>>[vector<16xi32>], vector<16xf32>, vector<16xi1>
      %broadcast_in_dim3A_1947 = vector.broadcast %reduce_sum3A_1944 : f32 to vector<16xf32>
      tpu.vector_store_idx %arg16[%broadcast_in_dim3A_1945], %broadcast_in_dim3A_1947 masked %eq3A_4 : memref<512xf32, #tpu.memory_space<vmem>>[vector<16xi32>], vector<16xf32>, vector<16xi1>
      %dma_wait3A_1948 = arith.constant 3 : i32
      %dma_wait3A_1949 = arith.constant 0 : i32
      %dma_wait3A_1950 = arith.constant 0 : i32
      %dma_wait3A_1951 = tpu.memref_slice %arg12[%dma_wait3A_1948, %dma_wait3A_1949, %dma_wait3A_1950] : memref<8x16x128xf32, #tpu.memory_space<vmem>> -> memref<1x16x128xf32, #tpu.memory_space<vmem>>
      %dma_wait3A_1952 = tpu.memref_squeeze %dma_wait3A_1951 : memref<1x16x128xf32, #tpu.memory_space<vmem>> -> memref<16x128xf32, #tpu.memory_space<vmem>>
      %dma_wait3A_1953 = arith.constant 0 : i32
      %dma_wait3A_1954 = arith.constant 0 : i32
      %dma_wait3A_1955 = tpu.memref_slice %arg5[%dma_wait3A_1953, %dma_wait3A_1954] : memref<16x1000000xf32, #tpu.memory_space<hbm>> -> memref<16x128xf32, #tpu.memory_space<hbm>>
      %dma_wait3A_1956 = arith.constant 0 : i32
      %dma_wait3A_1957 = arith.constant 0 : i32
      %dma_wait3A_1958 = tpu.memref_slice %arg12[%dma_wait3A_1948, %dma_wait3A_1956, %dma_wait3A_1957] : memref<8x16x128xf32, #tpu.memory_space<vmem>> -> memref<1x16x128xf32, #tpu.memory_space<vmem>>
      %dma_wait3A_1959 = tpu.memref_squeeze %dma_wait3A_1958 : memref<1x16x128xf32, #tpu.memory_space<vmem>> -> memref<16x128xf32, #tpu.memory_space<vmem>>
      %dma_wait3A_1960 = arith.constant 0 : i32
      %dma_wait3A_1961 = arith.constant 0 : i32
      %dma_wait3A_1962 = tpu.memref_slice %arg5[%dma_wait3A_1960, %dma_wait3A_1961] : memref<16x1000000xf32, #tpu.memory_space<hbm>> -> memref<16x128xf32, #tpu.memory_space<hbm>>
      tpu.wait_dma2 semaphore(%arg20 : memref<!tpu.dma_semaphore, #tpu.memory_space<semaphore_mem>>) src(%dma_wait3A_1962 : memref<16x128xf32, #tpu.memory_space<hbm>>) dst(%dma_wait3A_1959 : memref<16x128xf32, #tpu.memory_space<vmem>>)
      %dma_wait3A_1963 = arith.constant 3 : i32
      %dma_wait3A_1964 = arith.constant 0 : i32
      %dma_wait3A_1965 = arith.constant 0 : i32
      %dma_wait3A_1966 = tpu.memref_slice %arg13[%dma_wait3A_1963, %dma_wait3A_1964, %dma_wait3A_1965] : memref<8x16x128xf32, #tpu.memory_space<vmem>> -> memref<1x16x128xf32, #tpu.memory_space<vmem>>
      %dma_wait3A_1967 = tpu.memref_squeeze %dma_wait3A_1966 : memref<1x16x128xf32, #tpu.memory_space<vmem>> -> memref<16x128xf32, #tpu.memory_space<vmem>>
      %dma_wait3A_1968 = arith.constant 0 : i32
      %dma_wait3A_1969 = arith.constant 0 : i32
      %dma_wait3A_1970 = tpu.memref_slice %arg6[%dma_wait3A_1968, %dma_wait3A_1969] : memref<16x1000000xf32, #tpu.memory_space<hbm>> -> memref<16x128xf32, #tpu.memory_space<hbm>>
      %dma_wait3A_1971 = arith.constant 0 : i32
      %dma_wait3A_1972 = arith.constant 0 : i32
      %dma_wait3A_1973 = tpu.memref_slice %arg13[%dma_wait3A_1963, %dma_wait3A_1971, %dma_wait3A_1972] : memref<8x16x128xf32, #tpu.memory_space<vmem>> -> memref<1x16x128xf32, #tpu.memory_space<vmem>>
      %dma_wait3A_1974 = tpu.memref_squeeze %dma_wait3A_1973 : memref<1x16x128xf32, #tpu.memory_space<vmem>> -> memref<16x128xf32, #tpu.memory_space<vmem>>
      %dma_wait3A_1975 = arith.constant 0 : i32
      %dma_wait3A_1976 = arith.constant 0 : i32
      %dma_wait3A_1977 = tpu.memref_slice %arg6[%dma_wait3A_1975, %dma_wait3A_1976] : memref<16x1000000xf32, #tpu.memory_space<hbm>> -> memref<16x128xf32, #tpu.memory_space<hbm>>
      tpu.wait_dma2 semaphore(%arg20 : memref<!tpu.dma_semaphore, #tpu.memory_space<semaphore_mem>>) src(%dma_wait3A_1977 : memref<16x128xf32, #tpu.memory_space<hbm>>) dst(%dma_wait3A_1974 : memref<16x128xf32, #tpu.memory_space<vmem>>)
      %dma_wait3A_1978 = arith.constant 3 : i32
      %dma_wait3A_1979 = arith.constant 0 : i32
      %dma_wait3A_1980 = arith.constant 0 : i32
      %dma_wait3A_1981 = tpu.memref_slice %arg14[%dma_wait3A_1978, %dma_wait3A_1979, %dma_wait3A_1980] : memref<8x16x128xf32, #tpu.memory_space<vmem>> -> memref<1x16x128xf32, #tpu.memory_space<vmem>>
      %dma_wait3A_1982 = tpu.memref_squeeze %dma_wait3A_1981 : memref<1x16x128xf32, #tpu.memory_space<vmem>> -> memref<16x128xf32, #tpu.memory_space<vmem>>
      %dma_wait3A_1983 = arith.constant 0 : i32
      %dma_wait3A_1984 = arith.constant 0 : i32
      %dma_wait3A_1985 = tpu.memref_slice %arg6[%dma_wait3A_1983, %dma_wait3A_1984] : memref<16x1000000xf32, #tpu.memory_space<hbm>> -> memref<16x128xf32, #tpu.memory_space<hbm>>
      %dma_wait3A_1986 = arith.constant 0 : i32
      %dma_wait3A_1987 = arith.constant 0 : i32
      %dma_wait3A_1988 = tpu.memref_slice %arg14[%dma_wait3A_1978, %dma_wait3A_1986, %dma_wait3A_1987] : memref<8x16x128xf32, #tpu.memory_space<vmem>> -> memref<1x16x128xf32, #tpu.memory_space<vmem>>
      %dma_wait3A_1989 = tpu.memref_squeeze %dma_wait3A_1988 : memref<1x16x128xf32, #tpu.memory_space<vmem>> -> memref<16x128xf32, #tpu.memory_space<vmem>>
      %dma_wait3A_1990 = arith.constant 0 : i32
      %dma_wait3A_1991 = arith.constant 0 : i32
      %dma_wait3A_1992 = tpu.memref_slice %arg6[%dma_wait3A_1990, %dma_wait3A_1991] : memref<16x1000000xf32, #tpu.memory_space<hbm>> -> memref<16x128xf32, #tpu.memory_space<hbm>>
      tpu.wait_dma2 semaphore(%arg20 : memref<!tpu.dma_semaphore, #tpu.memory_space<semaphore_mem>>) src(%dma_wait3A_1992 : memref<16x128xf32, #tpu.memory_space<hbm>>) dst(%dma_wait3A_1989 : memref<16x128xf32, #tpu.memory_space<vmem>>)
      %mul3A_1993 = arith.constant 16 : i32
      %mul3A_1994 = arith.muli %scan3A_11, %mul3A_1993 : i32
      %add3A_1995 = arith.constant 11 : i32
      %add3A_1996 = arith.addi %mul3A_1994, %add3A_1995 : i32
      %and3A_1997 = arith.constant 127 : i32
      %and3A_1998 = arith.andi %squeeze3A_40, %and3A_1997 : i32
      %broadcast_in_dim3A_1999 = vector.broadcast %and3A_1998 : i32 to vector<16xi32>
      %gather3A_2000 = arith.constant 3 : i32
      %gather3A_2001 = arith.constant 0 : i32
      %gather3A_2002 = arith.constant 0 : i32
      %gather3A_2003 = tpu.memref_slice %arg12[%gather3A_2000, %gather3A_2001, %gather3A_2002] : memref<8x16x128xf32, #tpu.memory_space<vmem>> -> memref<1x16x128xf32, #tpu.memory_space<vmem>>
      %gather3A_2004 = tpu.memref_squeeze %gather3A_2003 : memref<1x16x128xf32, #tpu.memory_space<vmem>> -> memref<16x128xf32, #tpu.memory_space<vmem>>
      %gather3A_2005 = tpu.vector_load_idx %gather3A_2004[%iota3A_5, %broadcast_in_dim3A_1999] : memref<16x128xf32, #tpu.memory_space<vmem>>[vector<16xi32>, vector<16xi32>], vector<16xf32>,
      %and3A_2006 = arith.constant 127 : i32
      %and3A_2007 = arith.andi %squeeze3A_72, %and3A_2006 : i32
      %broadcast_in_dim3A_2008 = vector.broadcast %and3A_2007 : i32 to vector<16xi32>
      %gather3A_2009 = arith.constant 3 : i32
      %gather3A_2010 = arith.constant 0 : i32
      %gather3A_2011 = arith.constant 0 : i32
      %gather3A_2012 = tpu.memref_slice %arg13[%gather3A_2009, %gather3A_2010, %gather3A_2011] : memref<8x16x128xf32, #tpu.memory_space<vmem>> -> memref<1x16x128xf32, #tpu.memory_space<vmem>>
      %gather3A_2013 = tpu.memref_squeeze %gather3A_2012 : memref<1x16x128xf32, #tpu.memory_space<vmem>> -> memref<16x128xf32, #tpu.memory_space<vmem>>
      %gather3A_2014 = tpu.vector_load_idx %gather3A_2013[%iota3A_5, %broadcast_in_dim3A_2008] : memref<16x128xf32, #tpu.memory_space<vmem>>[vector<16xi32>, vector<16xi32>], vector<16xf32>,
      %and3A_2015 = arith.constant 127 : i32
      %and3A_2016 = arith.andi %squeeze3A_104, %and3A_2015 : i32
      %broadcast_in_dim3A_2017 = vector.broadcast %and3A_2016 : i32 to vector<16xi32>
      %gather3A_2018 = arith.constant 3 : i32
      %gather3A_2019 = arith.constant 0 : i32
      %gather3A_2020 = arith.constant 0 : i32
      %gather3A_2021 = tpu.memref_slice %arg14[%gather3A_2018, %gather3A_2019, %gather3A_2020] : memref<8x16x128xf32, #tpu.memory_space<vmem>> -> memref<1x16x128xf32, #tpu.memory_space<vmem>>
      %gather3A_2022 = tpu.memref_squeeze %gather3A_2021 : memref<1x16x128xf32, #tpu.memory_space<vmem>> -> memref<16x128xf32, #tpu.memory_space<vmem>>
      %gather3A_2023 = tpu.vector_load_idx %gather3A_2022[%iota3A_5, %broadcast_in_dim3A_2017] : memref<16x128xf32, #tpu.memory_space<vmem>>[vector<16xi32>, vector<16xi32>], vector<16xf32>,
      %mul3A_2024 = arith.mulf %gather3A_2005, %gather3A_2014 : vector<16xf32>
      %reduce_sum3A_2025 = arith.constant true
      %reduce_sum3A_2026 = vector.broadcast %reduce_sum3A_2025 : i1 to vector<16xi1>
      %reduce_sum3A_2027 = tpu.scan <sum>, %mul3A_2024 masked %reduce_sum3A_2026 : vector<16xf32>, vector<16xi1> -> vector<16xf32>
      %reduce_sum3A_2028 = vector.extract %reduce_sum3A_2027[15] : f32 from vector<16xf32>
      %mul3A_2029 = arith.mulf %gather3A_2005, %gather3A_2023 : vector<16xf32>
      %reduce_sum3A_2030 = arith.constant true
      %reduce_sum3A_2031 = vector.broadcast %reduce_sum3A_2030 : i1 to vector<16xi1>
      %reduce_sum3A_2032 = tpu.scan <sum>, %mul3A_2029 masked %reduce_sum3A_2031 : vector<16xf32>, vector<16xi1> -> vector<16xf32>
      %reduce_sum3A_2033 = vector.extract %reduce_sum3A_2032[15] : f32 from vector<16xf32>
      %broadcast_in_dim3A_2034 = vector.broadcast %add3A_1996 : i32 to vector<16xi32>
      %broadcast_in_dim3A_2035 = vector.broadcast %reduce_sum3A_2028 : f32 to vector<16xf32>
      tpu.vector_store_idx %arg15[%broadcast_in_dim3A_2034], %broadcast_in_dim3A_2035 masked %eq3A_4 : memref<512xf32, #tpu.memory_space<vmem>>[vector<16xi32>], vector<16xf32>, vector<16xi1>
      %broadcast_in_dim3A_2036 = vector.broadcast %reduce_sum3A_2033 : f32 to vector<16xf32>
      tpu.vector_store_idx %arg16[%broadcast_in_dim3A_2034], %broadcast_in_dim3A_2036 masked %eq3A_4 : memref<512xf32, #tpu.memory_space<vmem>>[vector<16xi32>], vector<16xf32>, vector<16xi1>
      %dma_wait3A_2037 = arith.constant 4 : i32
      %dma_wait3A_2038 = arith.constant 0 : i32
      %dma_wait3A_2039 = arith.constant 0 : i32
      %dma_wait3A_2040 = tpu.memref_slice %arg12[%dma_wait3A_2037, %dma_wait3A_2038, %dma_wait3A_2039] : memref<8x16x128xf32, #tpu.memory_space<vmem>> -> memref<1x16x128xf32, #tpu.memory_space<vmem>>
      %dma_wait3A_2041 = tpu.memref_squeeze %dma_wait3A_2040 : memref<1x16x128xf32, #tpu.memory_space<vmem>> -> memref<16x128xf32, #tpu.memory_space<vmem>>
      %dma_wait3A_2042 = arith.constant 0 : i32
      %dma_wait3A_2043 = arith.constant 0 : i32
      %dma_wait3A_2044 = tpu.memref_slice %arg5[%dma_wait3A_2042, %dma_wait3A_2043] : memref<16x1000000xf32, #tpu.memory_space<hbm>> -> memref<16x128xf32, #tpu.memory_space<hbm>>
      %dma_wait3A_2045 = arith.constant 0 : i32
      %dma_wait3A_2046 = arith.constant 0 : i32
      %dma_wait3A_2047 = tpu.memref_slice %arg12[%dma_wait3A_2037, %dma_wait3A_2045, %dma_wait3A_2046] : memref<8x16x128xf32, #tpu.memory_space<vmem>> -> memref<1x16x128xf32, #tpu.memory_space<vmem>>
      %dma_wait3A_2048 = tpu.memref_squeeze %dma_wait3A_2047 : memref<1x16x128xf32, #tpu.memory_space<vmem>> -> memref<16x128xf32, #tpu.memory_space<vmem>>
      %dma_wait3A_2049 = arith.constant 0 : i32
      %dma_wait3A_2050 = arith.constant 0 : i32
      %dma_wait3A_2051 = tpu.memref_slice %arg5[%dma_wait3A_2049, %dma_wait3A_2050] : memref<16x1000000xf32, #tpu.memory_space<hbm>> -> memref<16x128xf32, #tpu.memory_space<hbm>>
      tpu.wait_dma2 semaphore(%arg21 : memref<!tpu.dma_semaphore, #tpu.memory_space<semaphore_mem>>) src(%dma_wait3A_2051 : memref<16x128xf32, #tpu.memory_space<hbm>>) dst(%dma_wait3A_2048 : memref<16x128xf32, #tpu.memory_space<vmem>>)
      %dma_wait3A_2052 = arith.constant 4 : i32
      %dma_wait3A_2053 = arith.constant 0 : i32
      %dma_wait3A_2054 = arith.constant 0 : i32
      %dma_wait3A_2055 = tpu.memref_slice %arg13[%dma_wait3A_2052, %dma_wait3A_2053, %dma_wait3A_2054] : memref<8x16x128xf32, #tpu.memory_space<vmem>> -> memref<1x16x128xf32, #tpu.memory_space<vmem>>
      %dma_wait3A_2056 = tpu.memref_squeeze %dma_wait3A_2055 : memref<1x16x128xf32, #tpu.memory_space<vmem>> -> memref<16x128xf32, #tpu.memory_space<vmem>>
      %dma_wait3A_2057 = arith.constant 0 : i32
      %dma_wait3A_2058 = arith.constant 0 : i32
      %dma_wait3A_2059 = tpu.memref_slice %arg6[%dma_wait3A_2057, %dma_wait3A_2058] : memref<16x1000000xf32, #tpu.memory_space<hbm>> -> memref<16x128xf32, #tpu.memory_space<hbm>>
      %dma_wait3A_2060 = arith.constant 0 : i32
      %dma_wait3A_2061 = arith.constant 0 : i32
      %dma_wait3A_2062 = tpu.memref_slice %arg13[%dma_wait3A_2052, %dma_wait3A_2060, %dma_wait3A_2061] : memref<8x16x128xf32, #tpu.memory_space<vmem>> -> memref<1x16x128xf32, #tpu.memory_space<vmem>>
      %dma_wait3A_2063 = tpu.memref_squeeze %dma_wait3A_2062 : memref<1x16x128xf32, #tpu.memory_space<vmem>> -> memref<16x128xf32, #tpu.memory_space<vmem>>
      %dma_wait3A_2064 = arith.constant 0 : i32
      %dma_wait3A_2065 = arith.constant 0 : i32
      %dma_wait3A_2066 = tpu.memref_slice %arg6[%dma_wait3A_2064, %dma_wait3A_2065] : memref<16x1000000xf32, #tpu.memory_space<hbm>> -> memref<16x128xf32, #tpu.memory_space<hbm>>
      tpu.wait_dma2 semaphore(%arg21 : memref<!tpu.dma_semaphore, #tpu.memory_space<semaphore_mem>>) src(%dma_wait3A_2066 : memref<16x128xf32, #tpu.memory_space<hbm>>) dst(%dma_wait3A_2063 : memref<16x128xf32, #tpu.memory_space<vmem>>)
      %dma_wait3A_2067 = arith.constant 4 : i32
      %dma_wait3A_2068 = arith.constant 0 : i32
      %dma_wait3A_2069 = arith.constant 0 : i32
      %dma_wait3A_2070 = tpu.memref_slice %arg14[%dma_wait3A_2067, %dma_wait3A_2068, %dma_wait3A_2069] : memref<8x16x128xf32, #tpu.memory_space<vmem>> -> memref<1x16x128xf32, #tpu.memory_space<vmem>>
      %dma_wait3A_2071 = tpu.memref_squeeze %dma_wait3A_2070 : memref<1x16x128xf32, #tpu.memory_space<vmem>> -> memref<16x128xf32, #tpu.memory_space<vmem>>
      %dma_wait3A_2072 = arith.constant 0 : i32
      %dma_wait3A_2073 = arith.constant 0 : i32
      %dma_wait3A_2074 = tpu.memref_slice %arg6[%dma_wait3A_2072, %dma_wait3A_2073] : memref<16x1000000xf32, #tpu.memory_space<hbm>> -> memref<16x128xf32, #tpu.memory_space<hbm>>
      %dma_wait3A_2075 = arith.constant 0 : i32
      %dma_wait3A_2076 = arith.constant 0 : i32
      %dma_wait3A_2077 = tpu.memref_slice %arg14[%dma_wait3A_2067, %dma_wait3A_2075, %dma_wait3A_2076] : memref<8x16x128xf32, #tpu.memory_space<vmem>> -> memref<1x16x128xf32, #tpu.memory_space<vmem>>
      %dma_wait3A_2078 = tpu.memref_squeeze %dma_wait3A_2077 : memref<1x16x128xf32, #tpu.memory_space<vmem>> -> memref<16x128xf32, #tpu.memory_space<vmem>>
      %dma_wait3A_2079 = arith.constant 0 : i32
      %dma_wait3A_2080 = arith.constant 0 : i32
      %dma_wait3A_2081 = tpu.memref_slice %arg6[%dma_wait3A_2079, %dma_wait3A_2080] : memref<16x1000000xf32, #tpu.memory_space<hbm>> -> memref<16x128xf32, #tpu.memory_space<hbm>>
      tpu.wait_dma2 semaphore(%arg21 : memref<!tpu.dma_semaphore, #tpu.memory_space<semaphore_mem>>) src(%dma_wait3A_2081 : memref<16x128xf32, #tpu.memory_space<hbm>>) dst(%dma_wait3A_2078 : memref<16x128xf32, #tpu.memory_space<vmem>>)
      %mul3A_2082 = arith.constant 16 : i32
      %mul3A_2083 = arith.muli %scan3A_11, %mul3A_2082 : i32
      %add3A_2084 = arith.constant 12 : i32
      %add3A_2085 = arith.addi %mul3A_2083, %add3A_2084 : i32
      %and3A_2086 = arith.constant 127 : i32
      %and3A_2087 = arith.andi %squeeze3A_42, %and3A_2086 : i32
      %broadcast_in_dim3A_2088 = vector.broadcast %and3A_2087 : i32 to vector<16xi32>
      %gather3A_2089 = arith.constant 4 : i32
      %gather3A_2090 = arith.constant 0 : i32
      %gather3A_2091 = arith.constant 0 : i32
      %gather3A_2092 = tpu.memref_slice %arg12[%gather3A_2089, %gather3A_2090, %gather3A_2091] : memref<8x16x128xf32, #tpu.memory_space<vmem>> -> memref<1x16x128xf32, #tpu.memory_space<vmem>>
      %gather3A_2093 = tpu.memref_squeeze %gather3A_2092 : memref<1x16x128xf32, #tpu.memory_space<vmem>> -> memref<16x128xf32, #tpu.memory_space<vmem>>
      %gather3A_2094 = tpu.vector_load_idx %gather3A_2093[%iota3A_5, %broadcast_in_dim3A_2088] : memref<16x128xf32, #tpu.memory_space<vmem>>[vector<16xi32>, vector<16xi32>], vector<16xf32>,
      %and3A_2095 = arith.constant 127 : i32
      %and3A_2096 = arith.andi %squeeze3A_74, %and3A_2095 : i32
      %broadcast_in_dim3A_2097 = vector.broadcast %and3A_2096 : i32 to vector<16xi32>
      %gather3A_2098 = arith.constant 4 : i32
      %gather3A_2099 = arith.constant 0 : i32
      %gather3A_2100 = arith.constant 0 : i32
      %gather3A_2101 = tpu.memref_slice %arg13[%gather3A_2098, %gather3A_2099, %gather3A_2100] : memref<8x16x128xf32, #tpu.memory_space<vmem>> -> memref<1x16x128xf32, #tpu.memory_space<vmem>>
      %gather3A_2102 = tpu.memref_squeeze %gather3A_2101 : memref<1x16x128xf32, #tpu.memory_space<vmem>> -> memref<16x128xf32, #tpu.memory_space<vmem>>
      %gather3A_2103 = tpu.vector_load_idx %gather3A_2102[%iota3A_5, %broadcast_in_dim3A_2097] : memref<16x128xf32, #tpu.memory_space<vmem>>[vector<16xi32>, vector<16xi32>], vector<16xf32>,
      %and3A_2104 = arith.constant 127 : i32
      %and3A_2105 = arith.andi %squeeze3A_106, %and3A_2104 : i32
      %broadcast_in_dim3A_2106 = vector.broadcast %and3A_2105 : i32 to vector<16xi32>
      %gather3A_2107 = arith.constant 4 : i32
      %gather3A_2108 = arith.constant 0 : i32
      %gather3A_2109 = arith.constant 0 : i32
      %gather3A_2110 = tpu.memref_slice %arg14[%gather3A_2107, %gather3A_2108, %gather3A_2109] : memref<8x16x128xf32, #tpu.memory_space<vmem>> -> memref<1x16x128xf32, #tpu.memory_space<vmem>>
      %gather3A_2111 = tpu.memref_squeeze %gather3A_2110 : memref<1x16x128xf32, #tpu.memory_space<vmem>> -> memref<16x128xf32, #tpu.memory_space<vmem>>
      %gather3A_2112 = tpu.vector_load_idx %gather3A_2111[%iota3A_5, %broadcast_in_dim3A_2106] : memref<16x128xf32, #tpu.memory_space<vmem>>[vector<16xi32>, vector<16xi32>], vector<16xf32>,
      %mul3A_2113 = arith.mulf %gather3A_2094, %gather3A_2103 : vector<16xf32>
      %reduce_sum3A_2114 = arith.constant true
      %reduce_sum3A_2115 = vector.broadcast %reduce_sum3A_2114 : i1 to vector<16xi1>
      %reduce_sum3A_2116 = tpu.scan <sum>, %mul3A_2113 masked %reduce_sum3A_2115 : vector<16xf32>, vector<16xi1> -> vector<16xf32>
      %reduce_sum3A_2117 = vector.extract %reduce_sum3A_2116[15] : f32 from vector<16xf32>
      %mul3A_2118 = arith.mulf %gather3A_2094, %gather3A_2112 : vector<16xf32>
      %reduce_sum3A_2119 = arith.constant true
      %reduce_sum3A_2120 = vector.broadcast %reduce_sum3A_2119 : i1 to vector<16xi1>
      %reduce_sum3A_2121 = tpu.scan <sum>, %mul3A_2118 masked %reduce_sum3A_2120 : vector<16xf32>, vector<16xi1> -> vector<16xf32>
      %reduce_sum3A_2122 = vector.extract %reduce_sum3A_2121[15] : f32 from vector<16xf32>
      %broadcast_in_dim3A_2123 = vector.broadcast %add3A_2085 : i32 to vector<16xi32>
      %broadcast_in_dim3A_2124 = vector.broadcast %reduce_sum3A_2117 : f32 to vector<16xf32>
      tpu.vector_store_idx %arg15[%broadcast_in_dim3A_2123], %broadcast_in_dim3A_2124 masked %eq3A_4 : memref<512xf32, #tpu.memory_space<vmem>>[vector<16xi32>], vector<16xf32>, vector<16xi1>
      %broadcast_in_dim3A_2125 = vector.broadcast %reduce_sum3A_2122 : f32 to vector<16xf32>
      tpu.vector_store_idx %arg16[%broadcast_in_dim3A_2123], %broadcast_in_dim3A_2125 masked %eq3A_4 : memref<512xf32, #tpu.memory_space<vmem>>[vector<16xi32>], vector<16xf32>, vector<16xi1>
      %dma_wait3A_2126 = arith.constant 5 : i32
      %dma_wait3A_2127 = arith.constant 0 : i32
      %dma_wait3A_2128 = arith.constant 0 : i32
      %dma_wait3A_2129 = tpu.memref_slice %arg12[%dma_wait3A_2126, %dma_wait3A_2127, %dma_wait3A_2128] : memref<8x16x128xf32, #tpu.memory_space<vmem>> -> memref<1x16x128xf32, #tpu.memory_space<vmem>>
      %dma_wait3A_2130 = tpu.memref_squeeze %dma_wait3A_2129 : memref<1x16x128xf32, #tpu.memory_space<vmem>> -> memref<16x128xf32, #tpu.memory_space<vmem>>
      %dma_wait3A_2131 = arith.constant 0 : i32
      %dma_wait3A_2132 = arith.constant 0 : i32
      %dma_wait3A_2133 = tpu.memref_slice %arg5[%dma_wait3A_2131, %dma_wait3A_2132] : memref<16x1000000xf32, #tpu.memory_space<hbm>> -> memref<16x128xf32, #tpu.memory_space<hbm>>
      %dma_wait3A_2134 = arith.constant 0 : i32
      %dma_wait3A_2135 = arith.constant 0 : i32
      %dma_wait3A_2136 = tpu.memref_slice %arg12[%dma_wait3A_2126, %dma_wait3A_2134, %dma_wait3A_2135] : memref<8x16x128xf32, #tpu.memory_space<vmem>> -> memref<1x16x128xf32, #tpu.memory_space<vmem>>
      %dma_wait3A_2137 = tpu.memref_squeeze %dma_wait3A_2136 : memref<1x16x128xf32, #tpu.memory_space<vmem>> -> memref<16x128xf32, #tpu.memory_space<vmem>>
      %dma_wait3A_2138 = arith.constant 0 : i32
      %dma_wait3A_2139 = arith.constant 0 : i32
      %dma_wait3A_2140 = tpu.memref_slice %arg5[%dma_wait3A_2138, %dma_wait3A_2139] : memref<16x1000000xf32, #tpu.memory_space<hbm>> -> memref<16x128xf32, #tpu.memory_space<hbm>>
      tpu.wait_dma2 semaphore(%arg22 : memref<!tpu.dma_semaphore, #tpu.memory_space<semaphore_mem>>) src(%dma_wait3A_2140 : memref<16x128xf32, #tpu.memory_space<hbm>>) dst(%dma_wait3A_2137 : memref<16x128xf32, #tpu.memory_space<vmem>>)
      %dma_wait3A_2141 = arith.constant 5 : i32
      %dma_wait3A_2142 = arith.constant 0 : i32
      %dma_wait3A_2143 = arith.constant 0 : i32
      %dma_wait3A_2144 = tpu.memref_slice %arg13[%dma_wait3A_2141, %dma_wait3A_2142, %dma_wait3A_2143] : memref<8x16x128xf32, #tpu.memory_space<vmem>> -> memref<1x16x128xf32, #tpu.memory_space<vmem>>
      %dma_wait3A_2145 = tpu.memref_squeeze %dma_wait3A_2144 : memref<1x16x128xf32, #tpu.memory_space<vmem>> -> memref<16x128xf32, #tpu.memory_space<vmem>>
      %dma_wait3A_2146 = arith.constant 0 : i32
      %dma_wait3A_2147 = arith.constant 0 : i32
      %dma_wait3A_2148 = tpu.memref_slice %arg6[%dma_wait3A_2146, %dma_wait3A_2147] : memref<16x1000000xf32, #tpu.memory_space<hbm>> -> memref<16x128xf32, #tpu.memory_space<hbm>>
      %dma_wait3A_2149 = arith.constant 0 : i32
      %dma_wait3A_2150 = arith.constant 0 : i32
      %dma_wait3A_2151 = tpu.memref_slice %arg13[%dma_wait3A_2141, %dma_wait3A_2149, %dma_wait3A_2150] : memref<8x16x128xf32, #tpu.memory_space<vmem>> -> memref<1x16x128xf32, #tpu.memory_space<vmem>>
      %dma_wait3A_2152 = tpu.memref_squeeze %dma_wait3A_2151 : memref<1x16x128xf32, #tpu.memory_space<vmem>> -> memref<16x128xf32, #tpu.memory_space<vmem>>
      %dma_wait3A_2153 = arith.constant 0 : i32
      %dma_wait3A_2154 = arith.constant 0 : i32
      %dma_wait3A_2155 = tpu.memref_slice %arg6[%dma_wait3A_2153, %dma_wait3A_2154] : memref<16x1000000xf32, #tpu.memory_space<hbm>> -> memref<16x128xf32, #tpu.memory_space<hbm>>
      tpu.wait_dma2 semaphore(%arg22 : memref<!tpu.dma_semaphore, #tpu.memory_space<semaphore_mem>>) src(%dma_wait3A_2155 : memref<16x128xf32, #tpu.memory_space<hbm>>) dst(%dma_wait3A_2152 : memref<16x128xf32, #tpu.memory_space<vmem>>)
      %dma_wait3A_2156 = arith.constant 5 : i32
      %dma_wait3A_2157 = arith.constant 0 : i32
      %dma_wait3A_2158 = arith.constant 0 : i32
      %dma_wait3A_2159 = tpu.memref_slice %arg14[%dma_wait3A_2156, %dma_wait3A_2157, %dma_wait3A_2158] : memref<8x16x128xf32, #tpu.memory_space<vmem>> -> memref<1x16x128xf32, #tpu.memory_space<vmem>>
      %dma_wait3A_2160 = tpu.memref_squeeze %dma_wait3A_2159 : memref<1x16x128xf32, #tpu.memory_space<vmem>> -> memref<16x128xf32, #tpu.memory_space<vmem>>
      %dma_wait3A_2161 = arith.constant 0 : i32
      %dma_wait3A_2162 = arith.constant 0 : i32
      %dma_wait3A_2163 = tpu.memref_slice %arg6[%dma_wait3A_2161, %dma_wait3A_2162] : memref<16x1000000xf32, #tpu.memory_space<hbm>> -> memref<16x128xf32, #tpu.memory_space<hbm>>
      %dma_wait3A_2164 = arith.constant 0 : i32
      %dma_wait3A_2165 = arith.constant 0 : i32
      %dma_wait3A_2166 = tpu.memref_slice %arg14[%dma_wait3A_2156, %dma_wait3A_2164, %dma_wait3A_2165] : memref<8x16x128xf32, #tpu.memory_space<vmem>> -> memref<1x16x128xf32, #tpu.memory_space<vmem>>
      %dma_wait3A_2167 = tpu.memref_squeeze %dma_wait3A_2166 : memref<1x16x128xf32, #tpu.memory_space<vmem>> -> memref<16x128xf32, #tpu.memory_space<vmem>>
      %dma_wait3A_2168 = arith.constant 0 : i32
      %dma_wait3A_2169 = arith.constant 0 : i32
      %dma_wait3A_2170 = tpu.memref_slice %arg6[%dma_wait3A_2168, %dma_wait3A_2169] : memref<16x1000000xf32, #tpu.memory_space<hbm>> -> memref<16x128xf32, #tpu.memory_space<hbm>>
      tpu.wait_dma2 semaphore(%arg22 : memref<!tpu.dma_semaphore, #tpu.memory_space<semaphore_mem>>) src(%dma_wait3A_2170 : memref<16x128xf32, #tpu.memory_space<hbm>>) dst(%dma_wait3A_2167 : memref<16x128xf32, #tpu.memory_space<vmem>>)
      %mul3A_2171 = arith.constant 16 : i32
      %mul3A_2172 = arith.muli %scan3A_11, %mul3A_2171 : i32
      %add3A_2173 = arith.constant 13 : i32
      %add3A_2174 = arith.addi %mul3A_2172, %add3A_2173 : i32
      %and3A_2175 = arith.constant 127 : i32
      %and3A_2176 = arith.andi %squeeze3A_44, %and3A_2175 : i32
      %broadcast_in_dim3A_2177 = vector.broadcast %and3A_2176 : i32 to vector<16xi32>
      %gather3A_2178 = arith.constant 5 : i32
      %gather3A_2179 = arith.constant 0 : i32
      %gather3A_2180 = arith.constant 0 : i32
      %gather3A_2181 = tpu.memref_slice %arg12[%gather3A_2178, %gather3A_2179, %gather3A_2180] : memref<8x16x128xf32, #tpu.memory_space<vmem>> -> memref<1x16x128xf32, #tpu.memory_space<vmem>>
      %gather3A_2182 = tpu.memref_squeeze %gather3A_2181 : memref<1x16x128xf32, #tpu.memory_space<vmem>> -> memref<16x128xf32, #tpu.memory_space<vmem>>
      %gather3A_2183 = tpu.vector_load_idx %gather3A_2182[%iota3A_5, %broadcast_in_dim3A_2177] : memref<16x128xf32, #tpu.memory_space<vmem>>[vector<16xi32>, vector<16xi32>], vector<16xf32>,
      %and3A_2184 = arith.constant 127 : i32
      %and3A_2185 = arith.andi %squeeze3A_76, %and3A_2184 : i32
      %broadcast_in_dim3A_2186 = vector.broadcast %and3A_2185 : i32 to vector<16xi32>
      %gather3A_2187 = arith.constant 5 : i32
      %gather3A_2188 = arith.constant 0 : i32
      %gather3A_2189 = arith.constant 0 : i32
      %gather3A_2190 = tpu.memref_slice %arg13[%gather3A_2187, %gather3A_2188, %gather3A_2189] : memref<8x16x128xf32, #tpu.memory_space<vmem>> -> memref<1x16x128xf32, #tpu.memory_space<vmem>>
      %gather3A_2191 = tpu.memref_squeeze %gather3A_2190 : memref<1x16x128xf32, #tpu.memory_space<vmem>> -> memref<16x128xf32, #tpu.memory_space<vmem>>
      %gather3A_2192 = tpu.vector_load_idx %gather3A_2191[%iota3A_5, %broadcast_in_dim3A_2186] : memref<16x128xf32, #tpu.memory_space<vmem>>[vector<16xi32>, vector<16xi32>], vector<16xf32>,
      %and3A_2193 = arith.constant 127 : i32
      %and3A_2194 = arith.andi %squeeze3A_108, %and3A_2193 : i32
      %broadcast_in_dim3A_2195 = vector.broadcast %and3A_2194 : i32 to vector<16xi32>
      %gather3A_2196 = arith.constant 5 : i32
      %gather3A_2197 = arith.constant 0 : i32
      %gather3A_2198 = arith.constant 0 : i32
      %gather3A_2199 = tpu.memref_slice %arg14[%gather3A_2196, %gather3A_2197, %gather3A_2198] : memref<8x16x128xf32, #tpu.memory_space<vmem>> -> memref<1x16x128xf32, #tpu.memory_space<vmem>>
      %gather3A_2200 = tpu.memref_squeeze %gather3A_2199 : memref<1x16x128xf32, #tpu.memory_space<vmem>> -> memref<16x128xf32, #tpu.memory_space<vmem>>
      %gather3A_2201 = tpu.vector_load_idx %gather3A_2200[%iota3A_5, %broadcast_in_dim3A_2195] : memref<16x128xf32, #tpu.memory_space<vmem>>[vector<16xi32>, vector<16xi32>], vector<16xf32>,
      %mul3A_2202 = arith.mulf %gather3A_2183, %gather3A_2192 : vector<16xf32>
      %reduce_sum3A_2203 = arith.constant true
      %reduce_sum3A_2204 = vector.broadcast %reduce_sum3A_2203 : i1 to vector<16xi1>
      %reduce_sum3A_2205 = tpu.scan <sum>, %mul3A_2202 masked %reduce_sum3A_2204 : vector<16xf32>, vector<16xi1> -> vector<16xf32>
      %reduce_sum3A_2206 = vector.extract %reduce_sum3A_2205[15] : f32 from vector<16xf32>
      %mul3A_2207 = arith.mulf %gather3A_2183, %gather3A_2201 : vector<16xf32>
      %reduce_sum3A_2208 = arith.constant true
      %reduce_sum3A_2209 = vector.broadcast %reduce_sum3A_2208 : i1 to vector<16xi1>
      %reduce_sum3A_2210 = tpu.scan <sum>, %mul3A_2207 masked %reduce_sum3A_2209 : vector<16xf32>, vector<16xi1> -> vector<16xf32>
      %reduce_sum3A_2211 = vector.extract %reduce_sum3A_2210[15] : f32 from vector<16xf32>
      %broadcast_in_dim3A_2212 = vector.broadcast %add3A_2174 : i32 to vector<16xi32>
      %broadcast_in_dim3A_2213 = vector.broadcast %reduce_sum3A_2206 : f32 to vector<16xf32>
      tpu.vector_store_idx %arg15[%broadcast_in_dim3A_2212], %broadcast_in_dim3A_2213 masked %eq3A_4 : memref<512xf32, #tpu.memory_space<vmem>>[vector<16xi32>], vector<16xf32>, vector<16xi1>
      %broadcast_in_dim3A_2214 = vector.broadcast %reduce_sum3A_2211 : f32 to vector<16xf32>
      tpu.vector_store_idx %arg16[%broadcast_in_dim3A_2212], %broadcast_in_dim3A_2214 masked %eq3A_4 : memref<512xf32, #tpu.memory_space<vmem>>[vector<16xi32>], vector<16xf32>, vector<16xi1>
      %dma_wait3A_2215 = arith.constant 6 : i32
      %dma_wait3A_2216 = arith.constant 0 : i32
      %dma_wait3A_2217 = arith.constant 0 : i32
      %dma_wait3A_2218 = tpu.memref_slice %arg12[%dma_wait3A_2215, %dma_wait3A_2216, %dma_wait3A_2217] : memref<8x16x128xf32, #tpu.memory_space<vmem>> -> memref<1x16x128xf32, #tpu.memory_space<vmem>>
      %dma_wait3A_2219 = tpu.memref_squeeze %dma_wait3A_2218 : memref<1x16x128xf32, #tpu.memory_space<vmem>> -> memref<16x128xf32, #tpu.memory_space<vmem>>
      %dma_wait3A_2220 = arith.constant 0 : i32
      %dma_wait3A_2221 = arith.constant 0 : i32
      %dma_wait3A_2222 = tpu.memref_slice %arg5[%dma_wait3A_2220, %dma_wait3A_2221] : memref<16x1000000xf32, #tpu.memory_space<hbm>> -> memref<16x128xf32, #tpu.memory_space<hbm>>
      %dma_wait3A_2223 = arith.constant 0 : i32
      %dma_wait3A_2224 = arith.constant 0 : i32
      %dma_wait3A_2225 = tpu.memref_slice %arg12[%dma_wait3A_2215, %dma_wait3A_2223, %dma_wait3A_2224] : memref<8x16x128xf32, #tpu.memory_space<vmem>> -> memref<1x16x128xf32, #tpu.memory_space<vmem>>
      %dma_wait3A_2226 = tpu.memref_squeeze %dma_wait3A_2225 : memref<1x16x128xf32, #tpu.memory_space<vmem>> -> memref<16x128xf32, #tpu.memory_space<vmem>>
      %dma_wait3A_2227 = arith.constant 0 : i32
      %dma_wait3A_2228 = arith.constant 0 : i32
      %dma_wait3A_2229 = tpu.memref_slice %arg5[%dma_wait3A_2227, %dma_wait3A_2228] : memref<16x1000000xf32, #tpu.memory_space<hbm>> -> memref<16x128xf32, #tpu.memory_space<hbm>>
      tpu.wait_dma2 semaphore(%arg23 : memref<!tpu.dma_semaphore, #tpu.memory_space<semaphore_mem>>) src(%dma_wait3A_2229 : memref<16x128xf32, #tpu.memory_space<hbm>>) dst(%dma_wait3A_2226 : memref<16x128xf32, #tpu.memory_space<vmem>>)
      %dma_wait3A_2230 = arith.constant 6 : i32
      %dma_wait3A_2231 = arith.constant 0 : i32
      %dma_wait3A_2232 = arith.constant 0 : i32
      %dma_wait3A_2233 = tpu.memref_slice %arg13[%dma_wait3A_2230, %dma_wait3A_2231, %dma_wait3A_2232] : memref<8x16x128xf32, #tpu.memory_space<vmem>> -> memref<1x16x128xf32, #tpu.memory_space<vmem>>
      %dma_wait3A_2234 = tpu.memref_squeeze %dma_wait3A_2233 : memref<1x16x128xf32, #tpu.memory_space<vmem>> -> memref<16x128xf32, #tpu.memory_space<vmem>>
      %dma_wait3A_2235 = arith.constant 0 : i32
      %dma_wait3A_2236 = arith.constant 0 : i32
      %dma_wait3A_2237 = tpu.memref_slice %arg6[%dma_wait3A_2235, %dma_wait3A_2236] : memref<16x1000000xf32, #tpu.memory_space<hbm>> -> memref<16x128xf32, #tpu.memory_space<hbm>>
      %dma_wait3A_2238 = arith.constant 0 : i32
      %dma_wait3A_2239 = arith.constant 0 : i32
      %dma_wait3A_2240 = tpu.memref_slice %arg13[%dma_wait3A_2230, %dma_wait3A_2238, %dma_wait3A_2239] : memref<8x16x128xf32, #tpu.memory_space<vmem>> -> memref<1x16x128xf32, #tpu.memory_space<vmem>>
      %dma_wait3A_2241 = tpu.memref_squeeze %dma_wait3A_2240 : memref<1x16x128xf32, #tpu.memory_space<vmem>> -> memref<16x128xf32, #tpu.memory_space<vmem>>
      %dma_wait3A_2242 = arith.constant 0 : i32
      %dma_wait3A_2243 = arith.constant 0 : i32
      %dma_wait3A_2244 = tpu.memref_slice %arg6[%dma_wait3A_2242, %dma_wait3A_2243] : memref<16x1000000xf32, #tpu.memory_space<hbm>> -> memref<16x128xf32, #tpu.memory_space<hbm>>
      tpu.wait_dma2 semaphore(%arg23 : memref<!tpu.dma_semaphore, #tpu.memory_space<semaphore_mem>>) src(%dma_wait3A_2244 : memref<16x128xf32, #tpu.memory_space<hbm>>) dst(%dma_wait3A_2241 : memref<16x128xf32, #tpu.memory_space<vmem>>)
      %dma_wait3A_2245 = arith.constant 6 : i32
      %dma_wait3A_2246 = arith.constant 0 : i32
      %dma_wait3A_2247 = arith.constant 0 : i32
      %dma_wait3A_2248 = tpu.memref_slice %arg14[%dma_wait3A_2245, %dma_wait3A_2246, %dma_wait3A_2247] : memref<8x16x128xf32, #tpu.memory_space<vmem>> -> memref<1x16x128xf32, #tpu.memory_space<vmem>>
      %dma_wait3A_2249 = tpu.memref_squeeze %dma_wait3A_2248 : memref<1x16x128xf32, #tpu.memory_space<vmem>> -> memref<16x128xf32, #tpu.memory_space<vmem>>
      %dma_wait3A_2250 = arith.constant 0 : i32
      %dma_wait3A_2251 = arith.constant 0 : i32
      %dma_wait3A_2252 = tpu.memref_slice %arg6[%dma_wait3A_2250, %dma_wait3A_2251] : memref<16x1000000xf32, #tpu.memory_space<hbm>> -> memref<16x128xf32, #tpu.memory_space<hbm>>
      %dma_wait3A_2253 = arith.constant 0 : i32
      %dma_wait3A_2254 = arith.constant 0 : i32
      %dma_wait3A_2255 = tpu.memref_slice %arg14[%dma_wait3A_2245, %dma_wait3A_2253, %dma_wait3A_2254] : memref<8x16x128xf32, #tpu.memory_space<vmem>> -> memref<1x16x128xf32, #tpu.memory_space<vmem>>
      %dma_wait3A_2256 = tpu.memref_squeeze %dma_wait3A_2255 : memref<1x16x128xf32, #tpu.memory_space<vmem>> -> memref<16x128xf32, #tpu.memory_space<vmem>>
      %dma_wait3A_2257 = arith.constant 0 : i32
      %dma_wait3A_2258 = arith.constant 0 : i32
      %dma_wait3A_2259 = tpu.memref_slice %arg6[%dma_wait3A_2257, %dma_wait3A_2258] : memref<16x1000000xf32, #tpu.memory_space<hbm>> -> memref<16x128xf32, #tpu.memory_space<hbm>>
      tpu.wait_dma2 semaphore(%arg23 : memref<!tpu.dma_semaphore, #tpu.memory_space<semaphore_mem>>) src(%dma_wait3A_2259 : memref<16x128xf32, #tpu.memory_space<hbm>>) dst(%dma_wait3A_2256 : memref<16x128xf32, #tpu.memory_space<vmem>>)
      %mul3A_2260 = arith.constant 16 : i32
      %mul3A_2261 = arith.muli %scan3A_11, %mul3A_2260 : i32
      %add3A_2262 = arith.constant 14 : i32
      %add3A_2263 = arith.addi %mul3A_2261, %add3A_2262 : i32
      %and3A_2264 = arith.constant 127 : i32
      %and3A_2265 = arith.andi %squeeze3A_46, %and3A_2264 : i32
      %broadcast_in_dim3A_2266 = vector.broadcast %and3A_2265 : i32 to vector<16xi32>
      %gather3A_2267 = arith.constant 6 : i32
      %gather3A_2268 = arith.constant 0 : i32
      %gather3A_2269 = arith.constant 0 : i32
      %gather3A_2270 = tpu.memref_slice %arg12[%gather3A_2267, %gather3A_2268, %gather3A_2269] : memref<8x16x128xf32, #tpu.memory_space<vmem>> -> memref<1x16x128xf32, #tpu.memory_space<vmem>>
      %gather3A_2271 = tpu.memref_squeeze %gather3A_2270 : memref<1x16x128xf32, #tpu.memory_space<vmem>> -> memref<16x128xf32, #tpu.memory_space<vmem>>
      %gather3A_2272 = tpu.vector_load_idx %gather3A_2271[%iota3A_5, %broadcast_in_dim3A_2266] : memref<16x128xf32, #tpu.memory_space<vmem>>[vector<16xi32>, vector<16xi32>], vector<16xf32>,
      %and3A_2273 = arith.constant 127 : i32
      %and3A_2274 = arith.andi %squeeze3A_78, %and3A_2273 : i32
      %broadcast_in_dim3A_2275 = vector.broadcast %and3A_2274 : i32 to vector<16xi32>
      %gather3A_2276 = arith.constant 6 : i32
      %gather3A_2277 = arith.constant 0 : i32
      %gather3A_2278 = arith.constant 0 : i32
      %gather3A_2279 = tpu.memref_slice %arg13[%gather3A_2276, %gather3A_2277, %gather3A_2278] : memref<8x16x128xf32, #tpu.memory_space<vmem>> -> memref<1x16x128xf32, #tpu.memory_space<vmem>>
      %gather3A_2280 = tpu.memref_squeeze %gather3A_2279 : memref<1x16x128xf32, #tpu.memory_space<vmem>> -> memref<16x128xf32, #tpu.memory_space<vmem>>
      %gather3A_2281 = tpu.vector_load_idx %gather3A_2280[%iota3A_5, %broadcast_in_dim3A_2275] : memref<16x128xf32, #tpu.memory_space<vmem>>[vector<16xi32>, vector<16xi32>], vector<16xf32>,
      %and3A_2282 = arith.constant 127 : i32
      %and3A_2283 = arith.andi %squeeze3A_110, %and3A_2282 : i32
      %broadcast_in_dim3A_2284 = vector.broadcast %and3A_2283 : i32 to vector<16xi32>
      %gather3A_2285 = arith.constant 6 : i32
      %gather3A_2286 = arith.constant 0 : i32
      %gather3A_2287 = arith.constant 0 : i32
      %gather3A_2288 = tpu.memref_slice %arg14[%gather3A_2285, %gather3A_2286, %gather3A_2287] : memref<8x16x128xf32, #tpu.memory_space<vmem>> -> memref<1x16x128xf32, #tpu.memory_space<vmem>>
      %gather3A_2289 = tpu.memref_squeeze %gather3A_2288 : memref<1x16x128xf32, #tpu.memory_space<vmem>> -> memref<16x128xf32, #tpu.memory_space<vmem>>
      %gather3A_2290 = tpu.vector_load_idx %gather3A_2289[%iota3A_5, %broadcast_in_dim3A_2284] : memref<16x128xf32, #tpu.memory_space<vmem>>[vector<16xi32>, vector<16xi32>], vector<16xf32>,
      %mul3A_2291 = arith.mulf %gather3A_2272, %gather3A_2281 : vector<16xf32>
      %reduce_sum3A_2292 = arith.constant true
      %reduce_sum3A_2293 = vector.broadcast %reduce_sum3A_2292 : i1 to vector<16xi1>
      %reduce_sum3A_2294 = tpu.scan <sum>, %mul3A_2291 masked %reduce_sum3A_2293 : vector<16xf32>, vector<16xi1> -> vector<16xf32>
      %reduce_sum3A_2295 = vector.extract %reduce_sum3A_2294[15] : f32 from vector<16xf32>
      %mul3A_2296 = arith.mulf %gather3A_2272, %gather3A_2290 : vector<16xf32>
      %reduce_sum3A_2297 = arith.constant true
      %reduce_sum3A_2298 = vector.broadcast %reduce_sum3A_2297 : i1 to vector<16xi1>
      %reduce_sum3A_2299 = tpu.scan <sum>, %mul3A_2296 masked %reduce_sum3A_2298 : vector<16xf32>, vector<16xi1> -> vector<16xf32>
      %reduce_sum3A_2300 = vector.extract %reduce_sum3A_2299[15] : f32 from vector<16xf32>
      %broadcast_in_dim3A_2301 = vector.broadcast %add3A_2263 : i32 to vector<16xi32>
      %broadcast_in_dim3A_2302 = vector.broadcast %reduce_sum3A_2295 : f32 to vector<16xf32>
      tpu.vector_store_idx %arg15[%broadcast_in_dim3A_2301], %broadcast_in_dim3A_2302 masked %eq3A_4 : memref<512xf32, #tpu.memory_space<vmem>>[vector<16xi32>], vector<16xf32>, vector<16xi1>
      %broadcast_in_dim3A_2303 = vector.broadcast %reduce_sum3A_2300 : f32 to vector<16xf32>
      tpu.vector_store_idx %arg16[%broadcast_in_dim3A_2301], %broadcast_in_dim3A_2303 masked %eq3A_4 : memref<512xf32, #tpu.memory_space<vmem>>[vector<16xi32>], vector<16xf32>, vector<16xi1>
      %dma_wait3A_2304 = arith.constant 7 : i32
      %dma_wait3A_2305 = arith.constant 0 : i32
      %dma_wait3A_2306 = arith.constant 0 : i32
      %dma_wait3A_2307 = tpu.memref_slice %arg12[%dma_wait3A_2304, %dma_wait3A_2305, %dma_wait3A_2306] : memref<8x16x128xf32, #tpu.memory_space<vmem>> -> memref<1x16x128xf32, #tpu.memory_space<vmem>>
      %dma_wait3A_2308 = tpu.memref_squeeze %dma_wait3A_2307 : memref<1x16x128xf32, #tpu.memory_space<vmem>> -> memref<16x128xf32, #tpu.memory_space<vmem>>
      %dma_wait3A_2309 = arith.constant 0 : i32
      %dma_wait3A_2310 = arith.constant 0 : i32
      %dma_wait3A_2311 = tpu.memref_slice %arg5[%dma_wait3A_2309, %dma_wait3A_2310] : memref<16x1000000xf32, #tpu.memory_space<hbm>> -> memref<16x128xf32, #tpu.memory_space<hbm>>
      %dma_wait3A_2312 = arith.constant 0 : i32
      %dma_wait3A_2313 = arith.constant 0 : i32
      %dma_wait3A_2314 = tpu.memref_slice %arg12[%dma_wait3A_2304, %dma_wait3A_2312, %dma_wait3A_2313] : memref<8x16x128xf32, #tpu.memory_space<vmem>> -> memref<1x16x128xf32, #tpu.memory_space<vmem>>
      %dma_wait3A_2315 = tpu.memref_squeeze %dma_wait3A_2314 : memref<1x16x128xf32, #tpu.memory_space<vmem>> -> memref<16x128xf32, #tpu.memory_space<vmem>>
      %dma_wait3A_2316 = arith.constant 0 : i32
      %dma_wait3A_2317 = arith.constant 0 : i32
      %dma_wait3A_2318 = tpu.memref_slice %arg5[%dma_wait3A_2316, %dma_wait3A_2317] : memref<16x1000000xf32, #tpu.memory_space<hbm>> -> memref<16x128xf32, #tpu.memory_space<hbm>>
      tpu.wait_dma2 semaphore(%arg24 : memref<!tpu.dma_semaphore, #tpu.memory_space<semaphore_mem>>) src(%dma_wait3A_2318 : memref<16x128xf32, #tpu.memory_space<hbm>>) dst(%dma_wait3A_2315 : memref<16x128xf32, #tpu.memory_space<vmem>>)
      %dma_wait3A_2319 = arith.constant 7 : i32
      %dma_wait3A_2320 = arith.constant 0 : i32
      %dma_wait3A_2321 = arith.constant 0 : i32
      %dma_wait3A_2322 = tpu.memref_slice %arg13[%dma_wait3A_2319, %dma_wait3A_2320, %dma_wait3A_2321] : memref<8x16x128xf32, #tpu.memory_space<vmem>> -> memref<1x16x128xf32, #tpu.memory_space<vmem>>
      %dma_wait3A_2323 = tpu.memref_squeeze %dma_wait3A_2322 : memref<1x16x128xf32, #tpu.memory_space<vmem>> -> memref<16x128xf32, #tpu.memory_space<vmem>>
      %dma_wait3A_2324 = arith.constant 0 : i32
      %dma_wait3A_2325 = arith.constant 0 : i32
      %dma_wait3A_2326 = tpu.memref_slice %arg6[%dma_wait3A_2324, %dma_wait3A_2325] : memref<16x1000000xf32, #tpu.memory_space<hbm>> -> memref<16x128xf32, #tpu.memory_space<hbm>>
      %dma_wait3A_2327 = arith.constant 0 : i32
      %dma_wait3A_2328 = arith.constant 0 : i32
      %dma_wait3A_2329 = tpu.memref_slice %arg13[%dma_wait3A_2319, %dma_wait3A_2327, %dma_wait3A_2328] : memref<8x16x128xf32, #tpu.memory_space<vmem>> -> memref<1x16x128xf32, #tpu.memory_space<vmem>>
      %dma_wait3A_2330 = tpu.memref_squeeze %dma_wait3A_2329 : memref<1x16x128xf32, #tpu.memory_space<vmem>> -> memref<16x128xf32, #tpu.memory_space<vmem>>
      %dma_wait3A_2331 = arith.constant 0 : i32
      %dma_wait3A_2332 = arith.constant 0 : i32
      %dma_wait3A_2333 = tpu.memref_slice %arg6[%dma_wait3A_2331, %dma_wait3A_2332] : memref<16x1000000xf32, #tpu.memory_space<hbm>> -> memref<16x128xf32, #tpu.memory_space<hbm>>
      tpu.wait_dma2 semaphore(%arg24 : memref<!tpu.dma_semaphore, #tpu.memory_space<semaphore_mem>>) src(%dma_wait3A_2333 : memref<16x128xf32, #tpu.memory_space<hbm>>) dst(%dma_wait3A_2330 : memref<16x128xf32, #tpu.memory_space<vmem>>)
      %dma_wait3A_2334 = arith.constant 7 : i32
      %dma_wait3A_2335 = arith.constant 0 : i32
      %dma_wait3A_2336 = arith.constant 0 : i32
      %dma_wait3A_2337 = tpu.memref_slice %arg14[%dma_wait3A_2334, %dma_wait3A_2335, %dma_wait3A_2336] : memref<8x16x128xf32, #tpu.memory_space<vmem>> -> memref<1x16x128xf32, #tpu.memory_space<vmem>>
      %dma_wait3A_2338 = tpu.memref_squeeze %dma_wait3A_2337 : memref<1x16x128xf32, #tpu.memory_space<vmem>> -> memref<16x128xf32, #tpu.memory_space<vmem>>
      %dma_wait3A_2339 = arith.constant 0 : i32
      %dma_wait3A_2340 = arith.constant 0 : i32
      %dma_wait3A_2341 = tpu.memref_slice %arg6[%dma_wait3A_2339, %dma_wait3A_2340] : memref<16x1000000xf32, #tpu.memory_space<hbm>> -> memref<16x128xf32, #tpu.memory_space<hbm>>
      %dma_wait3A_2342 = arith.constant 0 : i32
      %dma_wait3A_2343 = arith.constant 0 : i32
      %dma_wait3A_2344 = tpu.memref_slice %arg14[%dma_wait3A_2334, %dma_wait3A_2342, %dma_wait3A_2343] : memref<8x16x128xf32, #tpu.memory_space<vmem>> -> memref<1x16x128xf32, #tpu.memory_space<vmem>>
      %dma_wait3A_2345 = tpu.memref_squeeze %dma_wait3A_2344 : memref<1x16x128xf32, #tpu.memory_space<vmem>> -> memref<16x128xf32, #tpu.memory_space<vmem>>
      %dma_wait3A_2346 = arith.constant 0 : i32
      %dma_wait3A_2347 = arith.constant 0 : i32
      %dma_wait3A_2348 = tpu.memref_slice %arg6[%dma_wait3A_2346, %dma_wait3A_2347] : memref<16x1000000xf32, #tpu.memory_space<hbm>> -> memref<16x128xf32, #tpu.memory_space<hbm>>
      tpu.wait_dma2 semaphore(%arg24 : memref<!tpu.dma_semaphore, #tpu.memory_space<semaphore_mem>>) src(%dma_wait3A_2348 : memref<16x128xf32, #tpu.memory_space<hbm>>) dst(%dma_wait3A_2345 : memref<16x128xf32, #tpu.memory_space<vmem>>)
      %mul3A_2349 = arith.constant 16 : i32
      %mul3A_2350 = arith.muli %scan3A_11, %mul3A_2349 : i32
      %add3A_2351 = arith.constant 15 : i32
      %add3A_2352 = arith.addi %mul3A_2350, %add3A_2351 : i32
      %and3A_2353 = arith.constant 127 : i32
      %and3A_2354 = arith.andi %squeeze3A_48, %and3A_2353 : i32
      %broadcast_in_dim3A_2355 = vector.broadcast %and3A_2354 : i32 to vector<16xi32>
      %gather3A_2356 = arith.constant 7 : i32
      %gather3A_2357 = arith.constant 0 : i32
      %gather3A_2358 = arith.constant 0 : i32
      %gather3A_2359 = tpu.memref_slice %arg12[%gather3A_2356, %gather3A_2357, %gather3A_2358] : memref<8x16x128xf32, #tpu.memory_space<vmem>> -> memref<1x16x128xf32, #tpu.memory_space<vmem>>
      %gather3A_2360 = tpu.memref_squeeze %gather3A_2359 : memref<1x16x128xf32, #tpu.memory_space<vmem>> -> memref<16x128xf32, #tpu.memory_space<vmem>>
      %gather3A_2361 = tpu.vector_load_idx %gather3A_2360[%iota3A_5, %broadcast_in_dim3A_2355] : memref<16x128xf32, #tpu.memory_space<vmem>>[vector<16xi32>, vector<16xi32>], vector<16xf32>,
      %and3A_2362 = arith.constant 127 : i32
      %and3A_2363 = arith.andi %squeeze3A_80, %and3A_2362 : i32
      %broadcast_in_dim3A_2364 = vector.broadcast %and3A_2363 : i32 to vector<16xi32>
      %gather3A_2365 = arith.constant 7 : i32
      %gather3A_2366 = arith.constant 0 : i32
      %gather3A_2367 = arith.constant 0 : i32
      %gather3A_2368 = tpu.memref_slice %arg13[%gather3A_2365, %gather3A_2366, %gather3A_2367] : memref<8x16x128xf32, #tpu.memory_space<vmem>> -> memref<1x16x128xf32, #tpu.memory_space<vmem>>
      %gather3A_2369 = tpu.memref_squeeze %gather3A_2368 : memref<1x16x128xf32, #tpu.memory_space<vmem>> -> memref<16x128xf32, #tpu.memory_space<vmem>>
      %gather3A_2370 = tpu.vector_load_idx %gather3A_2369[%iota3A_5, %broadcast_in_dim3A_2364] : memref<16x128xf32, #tpu.memory_space<vmem>>[vector<16xi32>, vector<16xi32>], vector<16xf32>,
      %and3A_2371 = arith.constant 127 : i32
      %and3A_2372 = arith.andi %squeeze3A_112, %and3A_2371 : i32
      %broadcast_in_dim3A_2373 = vector.broadcast %and3A_2372 : i32 to vector<16xi32>
      %gather3A_2374 = arith.constant 7 : i32
      %gather3A_2375 = arith.constant 0 : i32
      %gather3A_2376 = arith.constant 0 : i32
      %gather3A_2377 = tpu.memref_slice %arg14[%gather3A_2374, %gather3A_2375, %gather3A_2376] : memref<8x16x128xf32, #tpu.memory_space<vmem>> -> memref<1x16x128xf32, #tpu.memory_space<vmem>>
      %gather3A_2378 = tpu.memref_squeeze %gather3A_2377 : memref<1x16x128xf32, #tpu.memory_space<vmem>> -> memref<16x128xf32, #tpu.memory_space<vmem>>
      %gather3A_2379 = tpu.vector_load_idx %gather3A_2378[%iota3A_5, %broadcast_in_dim3A_2373] : memref<16x128xf32, #tpu.memory_space<vmem>>[vector<16xi32>, vector<16xi32>], vector<16xf32>,
      %mul3A_2380 = arith.mulf %gather3A_2361, %gather3A_2370 : vector<16xf32>
      %reduce_sum3A_2381 = arith.constant true
      %reduce_sum3A_2382 = vector.broadcast %reduce_sum3A_2381 : i1 to vector<16xi1>
      %reduce_sum3A_2383 = tpu.scan <sum>, %mul3A_2380 masked %reduce_sum3A_2382 : vector<16xf32>, vector<16xi1> -> vector<16xf32>
      %reduce_sum3A_2384 = vector.extract %reduce_sum3A_2383[15] : f32 from vector<16xf32>
      %mul3A_2385 = arith.mulf %gather3A_2361, %gather3A_2379 : vector<16xf32>
      %reduce_sum3A_2386 = arith.constant true
      %reduce_sum3A_2387 = vector.broadcast %reduce_sum3A_2386 : i1 to vector<16xi1>
      %reduce_sum3A_2388 = tpu.scan <sum>, %mul3A_2385 masked %reduce_sum3A_2387 : vector<16xf32>, vector<16xi1> -> vector<16xf32>
      %reduce_sum3A_2389 = vector.extract %reduce_sum3A_2388[15] : f32 from vector<16xf32>
      %broadcast_in_dim3A_2390 = vector.broadcast %add3A_2352 : i32 to vector<16xi32>
      %broadcast_in_dim3A_2391 = vector.broadcast %reduce_sum3A_2384 : f32 to vector<16xf32>
      tpu.vector_store_idx %arg15[%broadcast_in_dim3A_2390], %broadcast_in_dim3A_2391 masked %eq3A_4 : memref<512xf32, #tpu.memory_space<vmem>>[vector<16xi32>], vector<16xf32>, vector<16xi1>
      %broadcast_in_dim3A_2392 = vector.broadcast %reduce_sum3A_2389 : f32 to vector<16xf32>
      tpu.vector_store_idx %arg16[%broadcast_in_dim3A_2390], %broadcast_in_dim3A_2392 masked %eq3A_4 : memref<512xf32, #tpu.memory_space<vmem>>[vector<16xi32>], vector<16xf32>, vector<16xi1>
    }
    %scan3A_10 = arith.constant 32 : i32
    "tpu.region"() ({
      %run_scoped3A = tpu.sem_alloc : memref<!tpu.dma_semaphore, #tpu.memory_space<semaphore_mem>>
      %dma_start3A = tpu.memref_slice %arg7[%mul3A_2] : memref<16384xf32, #tpu.memory_space<hbm>> -> memref<512xf32, #tpu.memory_space<hbm>>
      %dma_start3A_11 = tpu.memref_slice %arg7[%mul3A_2] : memref<16384xf32, #tpu.memory_space<hbm>> -> memref<512xf32, #tpu.memory_space<hbm>>
      tpu.enqueue_dma source(%arg15 : memref<512xf32, #tpu.memory_space<vmem>>) target(%dma_start3A_11 : memref<512xf32, #tpu.memory_space<hbm>>) target_semaphore(%run_scoped3A : memref<!tpu.dma_semaphore, #tpu.memory_space<semaphore_mem>>)
      %dma_wait3A = tpu.memref_slice %arg7[%mul3A_2] : memref<16384xf32, #tpu.memory_space<hbm>> -> memref<512xf32, #tpu.memory_space<hbm>>
      %dma_wait3A_12 = tpu.memref_slice %arg7[%mul3A_2] : memref<16384xf32, #tpu.memory_space<hbm>> -> memref<512xf32, #tpu.memory_space<hbm>>
      tpu.wait_dma2 semaphore(%run_scoped3A : memref<!tpu.dma_semaphore, #tpu.memory_space<semaphore_mem>>) src(%arg15 : memref<512xf32, #tpu.memory_space<vmem>>) dst(%dma_wait3A_12 : memref<512xf32, #tpu.memory_space<hbm>>)
      tpu.yield
    }) : () -> ()
    "tpu.region"() ({
      %run_scoped3A = tpu.sem_alloc : memref<!tpu.dma_semaphore, #tpu.memory_space<semaphore_mem>>
      %dma_start3A = tpu.memref_slice %arg8[%mul3A_2] : memref<16384xf32, #tpu.memory_space<hbm>> -> memref<512xf32, #tpu.memory_space<hbm>>
      %dma_start3A_11 = tpu.memref_slice %arg8[%mul3A_2] : memref<16384xf32, #tpu.memory_space<hbm>> -> memref<512xf32, #tpu.memory_space<hbm>>
      tpu.enqueue_dma source(%arg16 : memref<512xf32, #tpu.memory_space<vmem>>) target(%dma_start3A_11 : memref<512xf32, #tpu.memory_space<hbm>>) target_semaphore(%run_scoped3A : memref<!tpu.dma_semaphore, #tpu.memory_space<semaphore_mem>>)
      %dma_wait3A = tpu.memref_slice %arg8[%mul3A_2] : memref<16384xf32, #tpu.memory_space<hbm>> -> memref<512xf32, #tpu.memory_space<hbm>>
      %dma_wait3A_12 = tpu.memref_slice %arg8[%mul3A_2] : memref<16384xf32, #tpu.memory_space<hbm>> -> memref<512xf32, #tpu.memory_space<hbm>>
      tpu.wait_dma2 semaphore(%run_scoped3A : memref<!tpu.dma_semaphore, #tpu.memory_space<semaphore_mem>>) src(%arg16 : memref<512xf32, #tpu.memory_space<vmem>>) dst(%dma_wait3A_12 : memref<512xf32, #tpu.memory_space<hbm>>)
      tpu.yield
    }) : () -> ()
    return
  }
}

</mosaic_0001>

<sc_bundles>
// kernel: kernel.3.cloned.1.call-start
scs
__scs_entry_jumppad:
0x0: {  	(pc) =	sbr.rel $0x88, $3  }
0x1: {  	(tag) =	ssettag $0x0;
	lr =	simm.s32 $0x1  }
0x2: {  	[smem:$0x3F9C] =	sst lr;
	_ =	strace $0xD0000000  }
0x3: {  	_ = 	snop  }
0x4: {  	_ = 	snop  }
0x5: {  	_ = 	snop  }
0x6: {  	_ = 	snop  }
0x7: {  	_ = 	snop  }
__scs_overlays_trampoline_lowered:
0x8: {  	[smem:$0x3FAB] =	sst s0  }
0x9: {  	[smem:$0x3FAC] =	sst s1  }
0xa: {  	[smem:$0x3FAD] =	sst s2  }
0xb: {  	[smem:$0x3FAE] =	sst s3  }
0xc: {  	[smem:$0x3FAF] =	sst s4  }
0xd: {  	[smem:$0x3FB0] =	sst s5  }
0xe: {  	[smem:$0x3FB1] =	sst s6  }
0xf: {  	[smem:$0x3FB2] =	sst s7  }
0x10: {  	[smem:$0x3FB3] =	sst s8  }
0x11: {  	[smem:$0x3FB4] =	sst s9;
	s0 =	simm.s32 @!p0 $0x0  }
0x12: {  	s1 =	sld [smem:$0x3F9A];
	s0 =	simm.s32 @p0 $0x1  }
0x13: {  	[smem:$0x3FB5] =	sst s0;
	s0 =	simm.s32 @!p1 $0x0  }
0x14: {  	s2 =	sld [smem:$0x3F99];
	s0 =	simm.s32 @p1 $0x1  }
0x15: {  	[smem:$0x3FB6] =	sst s0;
	s0 =	simm.s32 @!p2 $0x0  }
0x16: {  	s3 =	sld [smem:$0x3FDB];
	s0 =	simm.s32 @p2 $0x1  }
0x17: {  	s4 =	simm.s32 $0x1BF5;
	[smem:$0x3FB8] =	sst s0  }
0x18: {  	s0 =	sld [smem:$0x3F9B];
	_ =	swait.ge [sflag:s4], $0x0  }
0x19: {  	s7 =	sld [smem:$0x3F9C]  }
0x1a: {  	s8 =	sadd.s32 $0xFFFFE003, lr  }
0x1b: {  	s9 =	sadd.s32 $0xFFFFFEF7, lr;
	s5 =	simm.s32 $0xFFFFFFFF;
	p2 =	slt.u32 s8, $0xFFFFF086  }
0x1c: {  	p1 =	slt.u32 s9, $0xF7A;
	s5 =	simm.s32 @!p2 $0x0  }
0x1d: {  	s5 =	simm.s32 @p1 $0x1;
	p0 =	seq.s32 s7, s2  }
0x1e: {  	s7 =	smul.u32 @!p0 $0xF7A, s2;
	p2 =	seq.s32 @!p0 s5, $0x0  }
0x1f: {  	s9 =	smul.u32 $0xF7A, s1;
	s8 =	simm.s32 @!p0 $0x1BF5;
	p2 =	por !p2, p0  }
0x20: {  	[sflag:s8] =	ssyncset.s32 @!p0 $0xFFFFF086;
	s6 =	sadd.s32 @!p0 s3, s7;
	s7 =	simm.s32 @!p0 $0x108  }
0x21: {  	s3 =	sadd.s32 s3, s9;
	s6 =	sadd.s32 @!p0 $0x88, s6;
	s7 =	simm.s32 @p2 $0x1082  }
0x22: {  	[simem:s7], [sflag:s8] =	dma.local @!p0 [hbm:s6], $0xF7A  }
0x23: {  	s9 =	sor.u32 $0xD0000000, s2;
	s6 =	simm.s32 $0x108;
	_ =	swait.ge @!p0 [sflag:s8], $0x0  }
0x24: {  	s3 =	sadd.s32 $0x88, s3;
	s6 =	simm.s32 @!p1 $0x1082;
	[sflag:s4] =	ssyncset.s32 $0xFFFFF086  }
0x25: {  	[simem:s6], [sflag:s4] =	dma.local [hbm:s3], $0xF7A  }
0x26: {  	[smem:$0x3F9C] =	sst s1;
	(tag) =	ssettag s2;
	_ =	strace s9  }
0x27: {  	s1 =	sld [smem:$0x3FAC]  }
0x28: {  	s2 =	sld [smem:$0x3FAD]  }
0x29: {  	s4 =	sld [smem:$0x3FAF]  }
0x2a: {  	p0 =	seq.s32 s5, $0x0;
	s5 =	sld [smem:$0x3FB0]  }
0x2b: {  	s6 =	sld [smem:$0x3FB1]  }
0x2c: {  	s7 =	sld [smem:$0x3FB2]  }
0x2d: {  	s3 =	simm.s32 $0x108;
	s8 =	sld [smem:$0x3FB3]  }
0x2e: {  	s3 =	simm.s32 @!p0 $0x1082;
	s9 =	sld [smem:$0x3FB4]  }
0x2f: {  	lr =	sadd.s32 s0, s3;
	s0 =	sld [smem:$0x3FAB]  }
0x30: {  	s3 =	sld [smem:$0x3FAE]  }
0x31: {  	[smem:$0x3FB7] =	sst s10  }
0x32: {  	s10 =	sld [smem:$0x3FB5];
	_ =	sdelay $0x3  }
0x33: {  	p0 =	seq.s32 s10, $0x1;
	s10 =	sld [smem:$0x3FB7];
	_ =	sdelay $0x3  }
0x34: {  	[smem:$0x3FB7] =	sst s10  }
0x35: {  	s10 =	sld [smem:$0x3FB6];
	_ =	sdelay $0x3  }
0x36: {  	p1 =	seq.s32 s10, $0x1;
	s10 =	sld [smem:$0x3FB7];
	_ =	sdelay $0x3  }
0x37: {  	[smem:$0x3FB7] =	sst s10  }
0x38: {  	s10 =	sld [smem:$0x3FB8]  }
0x39: {  	_ = 	snop;
	(pc) =	sbr.ind lr, $3  }
0x3a: {  	_ = 	snop  }
0x3b: {  	_ = 	snop  }
0x3c: {  	p2 =	seq.s32 s10, $0x1;
	s10 =	sld [smem:$0x3FB7]  }
0x3d: {  	_ =	shalt  }
0x3e: {  	_ =	shalt  }
0x3f: {  	_ =	shalt  }
0x40: {  	_ =	shalt  }
0x41: {  	_ =	shalt  }
0x42: {  	_ =	shalt  }
0x43: {  	_ =	shalt  }
0x44: {  	_ =	shalt  }
0x45: {  	_ =	shalt  }
0x46: {  	_ =	shalt  }
0x47: {  	_ =	shalt  }
0x48: {  	_ =	shalt  }
0x49: {  	_ =	shalt  }
0x4a: {  	_ =	shalt  }
0x4b: {  	_ =	shalt  }
0x4c: {  	_ =	shalt  }
0x4d: {  	_ =	shalt  }
0x4e: {  	_ =	shalt  }
0x4f: {  	_ =	shalt  }
0x50: {  	_ =	shalt  }
0x51: {  	_ =	shalt  }
0x52: {  	_ =	shalt  }
0x53: {  	_ =	shalt  }
0x54: {  	_ =	shalt  }
0x55: {  	_ =	shalt  }
0x56: {  	_ =	shalt  }
0x57: {  	_ =	shalt  }
0x58: {  	_ =	shalt  }
0x59: {  	_ =	shalt  }
0x5a: {  	_ =	shalt  }
0x5b: {  	_ =	shalt  }
0x5c: {  	_ =	shalt  }
0x5d: {  	_ =	shalt  }
0x5e: {  	_ =	shalt  }
0x5f: {  	_ =	shalt  }
0x60: {  	_ =	shalt  }
0x61: {  	_ =	shalt  }
0x62: {  	_ =	shalt  }
0x63: {  	_ =	shalt  }
0x64: {  	_ =	shalt  }
0x65: {  	_ =	shalt  }
0x66: {  	_ =	shalt  }
0x67: {  	_ =	shalt  }
0x68: {  	_ =	shalt  }
0x69: {  	_ =	shalt  }
0x6a: {  	_ =	shalt  }
0x6b: {  	_ =	shalt  }
0x6c: {  	_ =	shalt  }
0x6d: {  	_ =	shalt  }
0x6e: {  	_ =	shalt  }
0x6f: {  	_ =	shalt  }
0x70: {  	_ =	shalt  }
0x71: {  	_ =	shalt  }
0x72: {  	_ =	shalt  }
0x73: {  	_ =	shalt  }
0x74: {  	_ =	shalt  }
0x75: {  	_ =	shalt  }
0x76: {  	_ =	shalt  }
0x77: {  	_ =	shalt  }
0x78: {  	_ =	shalt  }
0x79: {  	_ =	shalt  }
0x7a: {  	_ =	shalt  }
0x7b: {  	_ =	shalt  }
0x7c: {  	_ =	shalt  }
0x7d: {  	_ =	shalt  }
0x7e: {  	_ =	shalt  }
0x7f: {  	_ =	shalt  }
0x80: {  	_ =	shalt  }
0x81: {  	_ =	shalt  }
0x82: {  	_ =	shalt  }
0x83: {  	_ =	shalt  }
0x84: {  	_ =	shalt  }
0x85: {  	_ =	shalt  }
0x86: {  	_ =	shalt  }
0x87: {  	_ =	shalt  }
.Lfunc_end0:
.L_simem_size_0:
called_computation_lowered:
.L_overlay_start_0:
0x88: {  	s2 =	sld [smem:$0x3FD9]  }
0x89: {  	s3 =	sld [smem:$0x3FFE];
	_ =	sdelay $0x1  }
0x8a: {  	s1 =	srdreg.scid  }
0x8b: {  	s0 =	sand.u32 $0x1, s1  }
0x8c: {  	s15 =	sshll.u32 s0, $0xA;
	s2 =	sadd.s32 s3, s2  }
0x8d: {  	s2 =	sadd.s32 s2, s15  }
0x8e: {  	[smem:$0x3FC3] =	sst s2  }
0x8f: {  	_ = 	snop  }
0x90: {  	s2 =	sld [smem:$0x3FC9]  }
0x91: {  	s16 =	sld [smem:$0x3FC8]  }
0x92: {  	s4 =	sld [smem:$0x3FD0]  }
0x93: {  	s5 =	sld [smem:$0x3FC7]  }
0x94: {  	s6 =	sld [smem:$0x3FC6]  }
0x95: {  	s8 =	simm.s32 $0xA;
	s9 =	simm.s32 $0x10;
	s7 =	sld [smem:$0x3FC5]  }
0x96: {  	[smem:s9], [sflag:s8] =	dma.local [hbm:s4], $0x1  }
0x97: {  	_ =	swait.eq [sflag:s8], $0x1  }
0x98: {  	[sflag:s8] =	ssyncset.done $0x0  }
0x99: {  	s17 =	sld [smem:$0x10];
	[sflag:s8] =	ssyncadd.s32 $0xFFFFFFFF  }
0x9a: {  	s18 =	sld [smem:$0x11];
	(tm) =	ssettm $0x1  }
0x9b: {  	s19 =	sld [smem:$0x3FFB];
	_ =	sdelay $0x3  }
0x9c: {  	_ =	strace s19  }
0x9d: {  	s9 =	sld [smem:$0x3FFC];
	_ =	sdelay $0x3  }
0x9e: {  	_ =	strace s9  }
0x9f: {  	s9 =	sld [smem:$0x3FFD];
	_ =	sdelay $0x3  }
0xa0: {  	_ =	strace s9  }
0xa1: {  	_ =	strace $0x8FFFFFFF  }
0xa2: {  	s20 =	sld [smem:$0x3FDB];
	_ =	sdelay $0x1  }
0xa3: {  	s10 =	simm.s32 $_scs_section_size  }
0xa4: {  	s11 =	simm.s32 $_size__tile_overlayer_lowered;
	s12 =	simm.s32 $_tile_overlayer_lowered  }
0xa5: {  	s23 =	simm.s32 $0x1BFF;
	s22 =	sshll.u32 s12, $0x1;
	s9 =	sadd.s32 s10, s20  }
0xa6: {  	s13 =	simm.s32 $0x0;
	s21 =	sshll.u32 s11, $0x1;
	s11 =	sadd.s32 s22, s9  }
0xa7: {  	[timem:s13], [sflag:s23] =	dma.local [hbm:s11], s21  }
0xa8: {  	_ =	swait.ge [sflag:s23], s21  }
0xa9: {  	s10 =	ssub.s32 $0x0, s21;
	[sflag:s23] =	ssyncset.done $0x0  }
0xaa: {  	[sflag:s23] =	ssyncadd.s32 s10;
	_ =	sdelay $0x1  }
0xab: {  	s24 =	simm.s32 $0x1B8B  }
0xac: {  	_ =	swait.ge [sflag:s24], $0x1  }
0xad: {  	[sflag:s24] =	ssyncset.done $0x0  }
0xae: {  	s25 =	simm.s32 $0x1B8E;
	[sflag:s24] =	ssyncadd.s32 $0xFFFFFFFF  }
0xaf: {  	s26 =	simm.s32 $execute0_lowered;
	[smem:$0x3FD2] =	sst s25  }
0xb0: {  	s10 =	sshll.u32 s26, $0x1;
	_ =	strace $0x80000046;
	[dreg:$0x1] =	wrdreg $0xFFFFFFFF  }
0xb1: {  	s28 =	simm.s32 $_size_execute0_lowered;
	s9 =	sadd.s32 s9, s10;
	[dreg:$0x0] =	wrdreg $0x0  }
0xb2: {  	s10 =	sshll.u32 s28, $0x1;
	[dreg:$0x2] =	wrdreg s9  }
0xb3: {  	[dreg:$0x3] =	wrdreg s10  }
0xb4: {  	[dreg:$0x4] =	wrdreg $0xC0  }
0xb5: {  	_ =	task [dreg:s13], $0x5FFFF  }
0xb6: {  	[dreg:$0x1] =	wrdreg $0xFFFFFFFF  }
0xb7: {  	[dreg:$0x0] =	wrdreg $0x60  }
0xb8: {  	[dreg:$0x2] =	wrdreg s2  }
0xb9: {  	[dreg:$0x3] =	wrdreg s16  }
0xba: {  	[dreg:$0x4] =	wrdreg s5  }
0xbb: {  	[dreg:$0x5] =	wrdreg s6  }
0xbc: {  	[dreg:$0x6] =	wrdreg s7  }
0xbd: {  	[dreg:$0x7] =	wrdreg s17  }
0xbe: {  	[dreg:$0x8] =	wrdreg s18  }
0xbf: {  	[dreg:$0x9] =	wrdreg $0x9  }
0xc0: {  	_ =	task.clear_ibuf [dreg:s13], $0xAFFFF;
	_ =	strace $0x90000046  }
0xc1: {  	s29 =	simm.s32 $0x9;
	_ =	strace $0x80000048  }
0xc2: {  	_ =	swait.ge [sflag:s29], $0x1  }
0xc3: {  	[sflag:s29] =	ssyncadd.s32 $0xFFFFFFFF  }
0xc4: {  	_ =	strace $0x90000048  }
0xc5: {  	_ =	sfence  }
0xc6: {  	s30 =	sld [smem:$0x0];
	_ =	sdelay $0x2  }
0xc7: {  	s31 =	sshll.u32 s1, $0xD;
	s1 =	sshrl.u32 s1, $0x2  }
0xc8: {  	s3 =	sand.u32 $0x4000, s31;
	s1 =	sadd.s32 s1, s30  }
0xc9: {  	s0 =	sor.u32 s3, s0;
	s1 =	sshll.u32 s1, $0x11  }
0xca: {  	s0 =	sor.u32 s1, s0  }
0xcb: {  	s0 =	sadd.s32 $0x8F2B, s0  }
0xcc: {  	[sflag:s0] =	ssyncadd.remote.s32 $0x1  }
0xcd: {  	_ =	sfence.sel $0xFFFF  }
0xce: {  	[dreg:$0x0] =	wrdreg $0xFFFFFFFF;
	(pc) =	sbr.abs _section_cstart, $3  }
0xcf: {  	[dreg:$0x1] =	wrdreg $0xFFFFFFFF  }
0xd0: {  	_ =	task.clear_ibuf [dreg:s13], $0x2FFFF;
	_ =	strace $0x9FFFFFFF  }
0xd1: {  	(tm) =	ssettm $0x7FFFFFFF  }
tec
execute0_lowered:
.L_overlay_start_1:
0x0: {  	(tag) =	ssettag $0x1  }
0x1: {  	s0 =	rddreg [dreg:$0x0]  }
0x2: {  	s3 =	rddreg [dreg:$0x1]  }
0x3: {  	s4 =	rddreg [dreg:$0x2]  }
0x4: {  	s1 =	rddreg [dreg:$0x3]  }
0x5: {  	s16 =	rddreg [dreg:$0x4]  }
0x6: {  	s5 =	rddreg [dreg:$0x5];
	s7 =	srdreg.scid  }
0x7: {  	s6 =	rddreg [dreg:$0x6];
	s9 =	stileid.u32;
	s7 =	sand.u32 $0x1, s7  }
0x8: {  	s9 =	sshll.u32 s9, $0x7;
	s8 =	ssub.s32 $0x2, s7;
	s7 =	sshll.u32 s7, $0x6  }
0x9: {  	s22 =	simm.s32 $0x0;
	s12 =	simm.s32 $0x400;
	s7 =	sor.u32 s7, s9  }
0xa: {  	s13 =	simm.s32 $0x7A1400;
	[smem:$0x7FF] =	sst s22;
	s0 =	sadd.s32 s0, s7  }
0xb: {  	_ =	strace $0x80000047;
	s25 =	sadd.s32 s3, s7;
	[dreg:$0x8] =	wrdreg s0  }
0xc: {  	s30 =	simm.s32 $0x1;
	s26 =	sadd.s32 s4, s7;
	[dreg:$0x9] =	wrdreg s25  }
0xd: {  	s2 =	sshrl.u32 s8, $0x1;
	s28 =	sadd.s32 s5, s7;
	[dreg:$0xa] =	wrdreg s26  }
0xe: {  	s8 =	ssub.s32 s8, s2;
	s29 =	sadd.s32 s6, s7;
	[dreg:$0xb] =	wrdreg s28  }
0xf: {  	s14 =	simm.s32 $0x2;
	v0 =	vlaneseq.u32;
	[dreg:$0xc] =	wrdreg s29;
	s31 =	smax.u32 s8, $0x1  }
0x10: {  	v0 =	vmul.u32 $0x80, v0;
	s3 =	simm.s32 $0x9;
	s6 =	simm.s32 $0x0;
	[dreg:$0xd] =	wrdreg s31  }
.LBB2_1:
0x11: {  	[dreg:$0xe] =	wrdreg s6  }
0x12: {  	s0 =	rddreg [dreg:$0x8]  }
0x13: {  	[tilespmem:s22], [sflag:$0x9] =	stream.linear.gather [hbm4b:s0+s22], $0x200, $0x38;
	[tilespmem:$0xCA00] =	vst v63  }
0x14: {  	_ =	swait.ge [sflag:s3], $0x200  }
0x15: {  	[sflag:s3] =	ssyncset.done $0x0  }
0x16: {  	s8 =	simm.s32 $0x200;
	s29 =	rddreg [dreg:$0x9];
	[sflag:s3] =	ssyncadd.s32 $0xFFFFFE00  }
0x17: {  	[tilespmem:s8], [sflag:$0x9] =	stream.linear.gather [hbm4b:s29+s22], $0x200, $0x38;
	[tilespmem:$0xCA00] =	vst v63  }
0x18: {  	_ =	swait.ge [sflag:s3], $0x200  }
0x19: {  	[sflag:s3] =	ssyncset.done $0x0  }
0x1a: {  	s31 =	rddreg [dreg:$0xa];
	[sflag:s3] =	ssyncadd.s32 $0xFFFFFE00  }
0x1b: {  	[tilespmem:s12], [sflag:$0x9] =	stream.linear.gather [hbm4b:s31+s22], $0x200, $0x38;
	[tilespmem:$0xCA00] =	vst v63  }
0x1c: {  	_ =	swait.ge [sflag:s3], $0x200  }
0x1d: {  	s0 =	simm.s32 $0x400;
	[sflag:s3] =	ssyncset.done $0x0  }
0x1e: {  	s22 =	simm.s32 $0xF;
	[sflag:s3] =	ssyncadd.s32 $0xFFFFFE00;
	s3 =	simm.s32 $0x0  }
.LBB2_2:
0x1f: {  	v1 =	vld [tilespmem:s3+$0x0];
	_ =	sdelay $0x4  }
0x20: {  	(v2sf) =	vpush v1, $0x0  }
0x21: {  	(v2sf) =	vpush v1, $0x1  }
0x22: {  	(v2sf) =	vpush v1, $0x2  }
0x23: {  	(v2sf) =	vpush v1, $0x3  }
0x24: {  	(v2sf) =	vpush v1, $0x4  }
0x25: {  	(v2sf) =	vpush v1, $0x5  }
0x26: {  	(v2sf) =	vpush v1, $0x6  }
0x27: {  	(v2sf) =	vpush v1, $0x7  }
0x28: {  	(v2sf) =	vpush v1, $0x8  }
0x29: {  	(v2sf) =	vpush v1, $0x9  }
0x2a: {  	(v2sf) =	vpush v1, $0xA  }
0x2b: {  	(v2sf) =	vpush v1, $0xB  }
0x2c: {  	v2 =	vld [tilespmem:s8+$0x0];
	(v2sf) =	vpush v1, $0xC;
	_ =	sdelay $0x1  }
0x2d: {  	(v2sf) =	vpush v1, $0xD  }
0x2e: {  	[dreg:$0xf] =	wrdreg s8;
	(v2sf) =	vpush v1, $0xE;
	s8 =	spop (v2sf)  }
0x2f: {  	(v2sf) =	vpush v1, $0xF;
	s15 =	spop (v2sf)  }
0x30: {  	(v2sf) =	vpush v2, $0x0;
	s4 =	spop (v2sf)  }
0x31: {  	(v2sf) =	vpush v2, $0x1;
	s28 =	spop (v2sf)  }
0x32: {  	(v2sf) =	vpush v2, $0x2;
	s31 =	spop (v2sf)  }
0x33: {  	(v2sf) =	vpush v2, $0x3;
	s21 =	spop (v2sf)  }
0x34: {  	s11 =	spop (v2sf)  }
0x35: {  	s18 =	spop (v2sf)  }
0x36: {  	(v2sf) =	vpush v2, $0x4;
	s17 =	spop (v2sf)  }
0x37: {  	[dreg:$0x11] =	wrdreg s3;
	(v2sf) =	vpush v2, $0x5;
	s2 =	spop (v2sf)  }
0x38: {  	[dreg:$0x10] =	wrdreg s0;
	(v2sf) =	vpush v2, $0x6;
	s23 =	spop (v2sf)  }
0x39: {  	(v2sf) =	vpush v2, $0x7;
	[smem:$0x7F8] =	sst s2;
	s2 =	sand.u32 $0xFFFFF80, s8;
	s5 =	spop (v2sf)  }
0x3a: {  	s3 =	simm.s32 $0x600;
	v1 =	vld [tilespmem:s0+$0x0];
	(v2sf) =	vpush v2, $0x8;
	s0 =	sadd.s32 s1, s2;
	s24 =	spop (v2sf)  }
0x3b: {  	(v2sf) =	vpush v2, $0x9;
	[tilespmem:s3], [sflag:$0x1] =	stream.strided.gather [hbm4b:s0+s12], $0x800, s13, s12, $0x38;
	[tilespmem:$0xCA00] =	vst v63  }
0x3c: {  	(v2sf) =	vpush v2, $0xA;
	s25 =	spop (v2sf)  }
0x3d: {  	(v2sf) =	vpush v2, $0xB;
	s26 =	spop (v2sf)  }
0x3e: {  	s29 =	spop (v2sf);
	(v2sf) =	vpush v2, $0xC  }
0x3f: {  	[dreg:$0x1a] =	wrdreg s24;
	s24 =	spop (v2sf);
	(v2sf) =	vpush v2, $0xD  }
0x40: {  	s9 =	spop (v2sf);
	(v2sf) =	vpush v2, $0xE  }
0x41: {  	[dreg:$0x12] =	wrdreg s5;
	s19 =	spop (v2sf);
	(v2sf) =	vpush v2, $0xF  }
0x42: {  	[dreg:$0x16] =	wrdreg s26;
	s5 =	sand.u32 $0xFFFFF80, s24;
	s26 =	spop (v2sf);
	(v2sf) =	vpush v1, $0x0  }
0x43: {  	s7 =	simm.s32 $0x4600;
	s0 =	sadd.s32 s16, s5  }
0x44: {  	[tilespmem:s7], [sflag:$0x1] =	stream.strided.gather [hbm4b:s0+s12], $0x800, s13, s12, $0x38;
	[tilespmem:$0xCA00] =	vst v63  }
0x45: {  	[dreg:$0x14] =	wrdreg s29;
	s29 =	spop (v2sf)  }
0x46: {  	s10 =	spop (v2sf)  }
0x47: {  	s20 =	spop (v2sf)  }
0x48: {  	s3 =	spop (v2sf)  }
0x49: {  	s6 =	spop (v2sf)  }
0x4a: {  	s2 =	smov.u32 s16;
	s16 =	spop (v2sf)  }
0x4b: {  	[smem:$0x7EB] =	sst s23;
	(v2sf) =	vpush v1, $0x1;
	s23 =	spop (v2sf)  }
0x4c: {  	s5 =	spop (v2sf)  }
0x4d: {  	s7 =	spop (v2sf)  }
0x4e: {  	[smem:$0x7EC] =	sst s23;
	s23 =	spop (v2sf)  }
0x4f: {  	[dreg:$0x13] =	wrdreg s5;
	s5 =	spop (v2sf)  }
0x50: {  	[smem:$0x7F0] =	sst s7;
	s7 =	spop (v2sf)  }
0x51: {  	[dreg:$0x19] =	wrdreg s23;
	s0 =	spop (v2sf)  }
0x52: {  	[dreg:$0x17] =	wrdreg s5;
	s23 =	sand.u32 $0xFFFFF80, s0  }
0x53: {  	[dreg:$0x15] =	wrdreg s7;
	s7 =	simm.s32 $0x8600;
	(v2sf) =	vpush v1, $0x2;
	s5 =	sadd.s32 s2, s23  }
0x54: {  	[tilespmem:s7], [sflag:$0x1] =	stream.strided.gather [hbm4b:s5+s12], $0x800, s13, s12, $0x38;
	[tilespmem:$0xCA00] =	vst v63  }
0x55: {  	s7 =	sand.u32 $0xFFFFF80, s15  }
0x56: {  	s23 =	simm.s32 $0xE00;
	s5 =	sadd.s32 s1, s7;
	s7 =	sand.u32 $0xFFFFF80, s9  }
0x57: {  	[tilespmem:s23], [sflag:$0x2] =	stream.strided.gather [hbm4b:s5+s12], $0x800, s13, s12, $0x38;
	[tilespmem:$0xCA00] =	vst v63  }
0x58: {  	s5 =	sadd.s32 s2, s7;
	s23 =	simm.s32 $0x4E00  }
0x59: {  	[tilespmem:s23], [sflag:$0x2] =	stream.strided.gather [hbm4b:s5+s12], $0x800, s13, s12, $0x38;
	[tilespmem:$0xCA00] =	vst v63  }
0x5a: {  	s23 =	spop (v2sf)  }
0x5b: {  	[smem:$0x7E9] =	sst s4;
	(v2sf) =	vpush v1, $0x3;
	s7 =	sand.u32 $0xFFFFF80, s23  }
0x5c: {  	s4 =	sand.u32 $0xFFFFF80, s4;
	s5 =	sadd.s32 s2, s7;
	s7 =	simm.s32 $0x8E00  }
0x5d: {  	[tilespmem:s7], [sflag:$0x2] =	stream.strided.gather [hbm4b:s5+s12], $0x800, s13, s12, $0x38;
	[tilespmem:$0xCA00] =	vst v63  }
0x5e: {  	s5 =	sadd.s32 s1, s4;
	s7 =	simm.s32 $0x1600;
	s4 =	sand.u32 $0xFFFFF80, s19  }
0x5f: {  	[tilespmem:s7], [sflag:$0x3] =	stream.strided.gather [hbm4b:s5+s12], $0x800, s13, s12, $0x38;
	[tilespmem:$0xCA00] =	vst v63  }
0x60: {  	[smem:$0x7ED] =	sst s28;
	s5 =	sadd.s32 s2, s4;
	s7 =	simm.s32 $0x5600  }
0x61: {  	[tilespmem:s7], [sflag:$0x3] =	stream.strided.gather [hbm4b:s5+s12], $0x800, s13, s12, $0x38;
	[tilespmem:$0xCA00] =	vst v63  }
0x62: {  	[dreg:$0x18] =	wrdreg s25;
	s5 =	spop (v2sf)  }
0x63: {  	[smem:$0x7EA] =	sst s19;
	(v2sf) =	vpush v1, $0x4;
	s19 =	sand.u32 $0xFFFFF80, s5  }
0x64: {  	s25 =	simm.s32 $0x9600;
	s4 =	sand.u32 $0xFFFFF80, s28;
	s7 =	sadd.s32 s2, s19  }
0x65: {  	[tilespmem:s25], [sflag:$0x3] =	stream.strided.gather [hbm4b:s7+s12], $0x800, s13, s12, $0x38;
	[tilespmem:$0xCA00] =	vst v63  }
0x66: {  	s19 =	simm.s32 $0x1E00;
	s7 =	sadd.s32 s1, s4;
	s25 =	sand.u32 $0xFFFFF80, s26  }
0x67: {  	[tilespmem:s19], [sflag:$0x4] =	stream.strided.gather [hbm4b:s7+s12], $0x800, s13, s12, $0x38;
	[tilespmem:$0xCA00] =	vst v63  }
0x68: {  	[smem:$0x7EE] =	sst s31;
	s28 =	simm.s32 $0x5E00;
	s7 =	sadd.s32 s2, s25  }
0x69: {  	[tilespmem:s28], [sflag:$0x4] =	stream.strided.gather [hbm4b:s7+s12], $0x800, s13, s12, $0x38;
	[tilespmem:$0xCA00] =	vst v63  }
0x6a: {  	[smem:$0x7F1] =	sst s21;
	s7 =	spop (v2sf)  }
0x6b: {  	[smem:$0x7EF] =	sst s29;
	(v2sf) =	vpush v1, $0x5;
	s19 =	sand.u32 $0xFFFFF80, s7  }
0x6c: {  	s28 =	simm.s32 $0x9E00;
	s25 =	sadd.s32 s2, s19;
	s19 =	sand.u32 $0xFFFFF80, s31  }
0x6d: {  	[tilespmem:s28], [sflag:$0x4] =	stream.strided.gather [hbm4b:s25+s12], $0x800, s13, s12, $0x38;
	[tilespmem:$0xCA00] =	vst v63  }
0x6e: {  	s29 =	sand.u32 $0xFFFFF80, s29;
	s25 =	sadd.s32 s1, s19;
	s28 =	simm.s32 $0x2600  }
0x6f: {  	[tilespmem:s28], [sflag:$0x5] =	stream.strided.gather [hbm4b:s25+s12], $0x800, s13, s12, $0x38;
	[tilespmem:$0xCA00] =	vst v63  }
0x70: {  	[smem:$0x7F3] =	sst s11;
	s31 =	simm.s32 $0x6600;
	s25 =	sadd.s32 s2, s29  }
0x71: {  	[tilespmem:s31], [sflag:$0x5] =	stream.strided.gather [hbm4b:s25+s12], $0x800, s13, s12, $0x38;
	[tilespmem:$0xCA00] =	vst v63  }
0x72: {  	[dreg:$0x1c] =	wrdreg s18;
	s25 =	spop (v2sf)  }
0x73: {  	[smem:$0x7F2] =	sst s10;
	(v2sf) =	vpush v1, $0x6;
	s4 =	sand.u32 $0xFFFFF80, s25  }
0x74: {  	s19 =	simm.s32 $0xA600;
	s28 =	sand.u32 $0xFFFFF80, s21;
	s29 =	sadd.s32 s2, s4  }
0x75: {  	[tilespmem:s19], [sflag:$0x5] =	stream.strided.gather [hbm4b:s29+s12], $0x800, s13, s12, $0x38;
	[tilespmem:$0xCA00] =	vst v63  }
0x76: {  	s10 =	sand.u32 $0xFFFFF80, s10;
	s31 =	simm.s32 $0x2E00;
	s29 =	sadd.s32 s1, s28  }
0x77: {  	(v2sf) =	vpush v1, $0x7;
	[tilespmem:s31], [sflag:$0x6] =	stream.strided.gather [hbm4b:s29+s12], $0x800, s13, s12, $0x38;
	[tilespmem:$0xCA00] =	vst v63  }
0x78: {  	[dreg:$0x1f] =	wrdreg s17;
	s19 =	simm.s32 $0x6E00;
	s29 =	sadd.s32 s2, s10  }
0x79: {  	(v2sf) =	vpush v1, $0x8;
	[tilespmem:s19], [sflag:$0x6] =	stream.strided.gather [hbm4b:s29+s12], $0x800, s13, s12, $0x38;
	[tilespmem:$0xCA00] =	vst v63  }
0x7a: {  	[smem:$0x7F4] =	sst s20;
	s29 =	spop (v2sf)  }
0x7b: {  	[dreg:$0x1d] =	wrdreg s3;
	(v2sf) =	vpush v1, $0x9;
	s21 =	sand.u32 $0xFFFFF80, s29  }
0x7c: {  	(v2sf) =	vpush v1, $0xA;
	s4 =	sand.u32 $0xFFFFF80, s11;
	s28 =	simm.s32 $0xAE00;
	s31 =	sadd.s32 s2, s21  }
0x7d: {  	[tilespmem:s28], [sflag:$0x6] =	stream.strided.gather [hbm4b:s31+s12], $0x800, s13, s12, $0x38;
	[tilespmem:$0xCA00] =	vst v63  }
0x7e: {  	(v2sf) =	vpush v1, $0xB;
	s11 =	sand.u32 $0xFFFFF80, s20;
	s10 =	simm.s32 $0x3600;
	s31 =	sadd.s32 s1, s4  }
0x7f: {  	(v2sf) =	vpush v1, $0xC;
	[tilespmem:s10], [sflag:$0x7] =	stream.strided.gather [hbm4b:s31+s12], $0x800, s13, s12, $0x38;
	[tilespmem:$0xCA00] =	vst v63  }
0x80: {  	[smem:$0x7F6] =	sst s6;
	(v2sf) =	vpush v1, $0xD;
	s19 =	simm.s32 $0x7600;
	s31 =	sadd.s32 s2, s11  }
0x81: {  	(v2sf) =	vpush v1, $0xE;
	[tilespmem:s19], [sflag:$0x7] =	stream.strided.gather [hbm4b:s31+s12], $0x800, s13, s12, $0x38;
	[tilespmem:$0xCA00] =	vst v63  }
0x82: {  	[smem:$0x7F9] =	sst s16;
	s21 =	simm.s32 $0xB600;
	s31 =	spop (v2sf);
	(v2sf) =	vpush v1, $0xF  }
0x83: {  	s4 =	smov.u32 s1;
	s28 =	simm.s32 $0x3E00;
	s20 =	sand.u32 $0xFFFFF80, s31  }
0x84: {  	s10 =	sand.u32 $0xFFFFF80, s18;
	s18 =	sand.u32 $0xFFFFF80, s3;
	s1 =	sadd.s32 s2, s20  }
0x85: {  	[tilespmem:s21], [sflag:$0x7] =	stream.strided.gather [hbm4b:s1+s12], $0x800, s13, s12, $0x38;
	[tilespmem:$0xCA00] =	vst v63  }
0x86: {  	s19 =	simm.s32 $0x7E00;
	s1 =	sadd.s32 s4, s10;
	s21 =	spop (v2sf)  }
0x87: {  	[tilespmem:s28], [sflag:$0x8] =	stream.strided.gather [hbm4b:s1+s12], $0x800, s13, s12, $0x38;
	[tilespmem:$0xCA00] =	vst v63  }
0x88: {  	s20 =	simm.s32 $0xBE00;
	s10 =	spop (v2sf);
	s1 =	sadd.s32 s2, s18  }
0x89: {  	[tilespmem:s19], [sflag:$0x8] =	stream.strided.gather [hbm4b:s1+s12], $0x800, s13, s12, $0x38;
	[tilespmem:$0xCA00] =	vst v63  }
0x8a: {  	[dreg:$0x1e] =	wrdreg s21;
	s1 =	sand.u32 $0xFFFFF80, s21;
	s21 =	spop (v2sf)  }
0x8b: {  	[smem:$0x7F7] =	sst s10;
	s1 =	sadd.s32 s2, s1;
	s19 =	spop (v2sf)  }
0x8c: {  	[tilespmem:s20], [sflag:$0x8] =	stream.strided.gather [hbm4b:s1+s12], $0x800, s13, s12, $0x38;
	[tilespmem:$0xCA00] =	vst v63  }
0x8d: {  	[smem:$0x7FA] =	sst s21;
	s20 =	spop (v2sf)  }
0x8e: {  	[smem:$0x7FB] =	sst s20;
	s18 =	spop (v2sf)  }
0x8f: {  	[smem:$0x7FC] =	sst s18;
	s11 =	spop (v2sf)  }
0x90: {  	[smem:$0x7FD] =	sst s11;
	s28 =	spop (v2sf)  }
0x91: {  	[smem:$0x7F5] =	sst s28;
	s3 =	spop (v2sf)  }
0x92: {  	[dreg:$0x1b] =	wrdreg s3  }
0x93: {  	_ =	swait.ge [sflag:s30], $0x800  }
0x94: {  	[sflag:s30] =	ssyncset.done $0x0  }
0x95: {  	[sflag:s30] =	ssyncadd.s32 $0xFFFFF800  }
0x96: {  	s28 =	sand.u32 $0x7F, s8;
	_ =	swait.ge [sflag:s30], $0x800  }
0x97: {  	v1 =	vor.u32 s28, v0;
	s3 =	sand.u32 $0x7F, s24;
	[sflag:s30] =	ssyncset.done $0x0  }
0x98: {  	s0 =	sand.u32 $0x7F, s0;
	v2 =	vor.u32 s3, v0;
	[sflag:s30] =	ssyncadd.s32 $0xFFFFF800  }
0x99: {  	v3 =	vor.u32 s0, v0;
	_ =	swait.ge [sflag:s30], $0x800  }
0x9a: {  	[sflag:s30] =	ssyncset.done $0x0  }
0x9b: {  	s8 =	simm.s32 $0x600;
	[sflag:s30] =	ssyncadd.s32 $0xFFFFF800  }
0x9c: {  	s24 =	simm.s32 $0x4600;
	v1 =	vld.idx.msk [tilespmem:v1+s8+$0x0], $0xffff  }
0x9d: {  	s28 =	simm.s32 $0x8600;
	v2 =	vld.idx.msk [tilespmem:v2+s24+$0x0], $0xffff  }
0x9e: {  	v3 =	vld.idx.msk [tilespmem:v3+s28+$0x0], $0xffff;
	_ =	sdelay $0x3  }
0x9f: {  	v2 =	vmul.f32 v2, v1  }
0xa0: {  	v1 =	vmul.f32 v3, v1  }
0xa1: {  	(xrf2) =	vadd.scan.msk.f32 $0xffff, v2  }
0xa2: {  	(xrf2) =	vadd.scan.msk.f32 $0xffff, v1;
	_ =	sdelay $0x2  }
0xa3: {  	s8 =	sadd.s32 $0xFFFFFFF1, s22  }
0xa4: {  	v1 =	vmov s8  }
0xa5: {  	v1 =	vand.u32 $0xFFFFFFF0, v1  }
0xa6: {  	v1 =	vbroadcast v1, $0x0;
	_ =	sdelay $0x2  }
0xa7: {  	v2, _, _ =	vpop (xrf2)  }
0xa8: {  	v3, _, _ =	vpop (xrf2);
	v2 =	vbroadcast v2, $0xF  }
0xa9: {  	s24 =	simm.s32 $0xC600;
	v3 =	vbroadcast v3, $0xF  }
0xaa: {  	s28 =	sand.u32 $0xFFFFF80, s17;
	[tilespmem:v1+s24+$0x0] =	vst.idx.msk $0x1, v2;
	s24 =	simm.s32 $0xC800  }
0xab: {  	s6 =	sand.u32 $0xFFFFF80, s6;
	s3 =	simm.s32 $0x600;
	s0 =	sadd.s32 s4, s28;
	[tilespmem:v1+s24+$0x0] =	vst.idx.msk $0x1, v3  }
0xac: {  	[tilespmem:s3], [sflag:$0x1] =	stream.strided.gather [hbm4b:s0+s12], $0x800, s13, s12, $0x38;
	[tilespmem:$0xCA00] =	vst v63  }
0xad: {  	s8 =	simm.s32 $0x4600;
	s0 =	sadd.s32 s2, s6;
	s3 =	sand.u32 $0xFFFFF80, s10  }
0xae: {  	[tilespmem:s8], [sflag:$0x1] =	stream.strided.gather [hbm4b:s0+s12], $0x800, s13, s12, $0x38;
	[tilespmem:$0xCA00] =	vst v63  }
0xaf: {  	s1 =	smov.u32 s4;
	s4 =	simm.s32 $0x8600;
	s0 =	sadd.s32 s2, s3  }
0xb0: {  	[tilespmem:s4], [sflag:$0x1] =	stream.strided.gather [hbm4b:s0+s12], $0x800, s13, s12, $0x38;
	[tilespmem:$0xCA00] =	vst v63  }
0xb1: {  	_ =	swait.ge [sflag:s14], $0x800  }
0xb2: {  	[sflag:s14] =	ssyncset.done $0x0  }
0xb3: {  	[sflag:s14] =	ssyncadd.s32 $0xFFFFF800  }
0xb4: {  	s8 =	sand.u32 $0x7F, s15;
	_ =	swait.ge [sflag:s14], $0x800  }
0xb5: {  	s10 =	sand.u32 $0x7F, s9;
	v1 =	vor.u32 s8, v0;
	[sflag:s14] =	ssyncset.done $0x0  }
0xb6: {  	v2 =	vor.u32 s10, v0;
	s15 =	sand.u32 $0x7F, s23;
	[sflag:s14] =	ssyncadd.s32 $0xFFFFF800  }
0xb7: {  	v3 =	vor.u32 s15, v0;
	_ =	swait.ge [sflag:s14], $0x800  }
0xb8: {  	[sflag:s14] =	ssyncset.done $0x0  }
0xb9: {  	s6 =	simm.s32 $0xE00;
	[sflag:s14] =	ssyncadd.s32 $0xFFFFF800  }
0xba: {  	s23 =	simm.s32 $0x4E00;
	v1 =	vld.idx.msk [tilespmem:v1+s6+$0x0], $0xffff  }
0xbb: {  	s9 =	simm.s32 $0x8E00;
	v2 =	vld.idx.msk [tilespmem:v2+s23+$0x0], $0xffff  }
0xbc: {  	v3 =	vld.idx.msk [tilespmem:v3+s9+$0x0], $0xffff;
	_ =	sdelay $0x3  }
0xbd: {  	v2 =	vmul.f32 v2, v1  }
0xbe: {  	v1 =	vmul.f32 v3, v1  }
0xbf: {  	(xrf2) =	vadd.scan.msk.f32 $0xffff, v2  }
0xc0: {  	(xrf2) =	vadd.scan.msk.f32 $0xffff, v1;
	_ =	sdelay $0x2  }
0xc1: {  	s10 =	sadd.s32 $0xFFFFFFF2, s22  }
0xc2: {  	v1 =	vmov s10  }
0xc3: {  	v1 =	vand.u32 $0xFFFFFFF1, v1  }
0xc4: {  	v1 =	vbroadcast v1, $0x0;
	_ =	sdelay $0x2  }
0xc5: {  	s15 =	sld [smem:$0x7F8];
	v2, _, _ =	vpop (xrf2)  }
0xc6: {  	v3, _, _ =	vpop (xrf2);
	v2 =	vbroadcast v2, $0xF  }
0xc7: {  	s14 =	simm.s32 $0xC600;
	v3 =	vbroadcast v3, $0xF  }
0xc8: {  	s0 =	sand.u32 $0xFFFFF80, s15;
	[tilespmem:v1+s14+$0x0] =	vst.idx.msk $0x1, v2  }
0xc9: {  	s3 =	simm.s32 $0xE00;
	s23 =	sand.u32 $0xFFFFF80, s16;
	s0 =	sadd.s32 s1, s0;
	[tilespmem:v1+s24+$0x0] =	vst.idx.msk $0x1, v3  }
0xca: {  	[tilespmem:s3], [sflag:$0x2] =	stream.strided.gather [hbm4b:s0+s12], $0x800, s13, s12, $0x38;
	[tilespmem:$0xCA00] =	vst v63  }
0xcb: {  	s8 =	simm.s32 $0x4E00;
	s4 =	sand.u32 $0xFFFFF80, s21;
	s0 =	sadd.s32 s2, s23  }
0xcc: {  	[tilespmem:s8], [sflag:$0x2] =	stream.strided.gather [hbm4b:s0+s12], $0x800, s13, s12, $0x38;
	[tilespmem:$0xCA00] =	vst v63  }
0xcd: {  	s6 =	simm.s32 $0x8E00;
	s15 =	simm.s32 $0x3;
	s0 =	sadd.s32 s2, s4  }
0xce: {  	[tilespmem:s6], [sflag:$0x2] =	stream.strided.gather [hbm4b:s0+s12], $0x800, s13, s12, $0x38;
	[tilespmem:$0xCA00] =	vst v63  }
0xcf: {  	_ =	swait.ge [sflag:s15], $0x800  }
0xd0: {  	[sflag:s15] =	ssyncset.done $0x0  }
0xd1: {  	[sflag:s15] =	ssyncadd.s32 $0xFFFFF800  }
0xd2: {  	_ =	swait.ge [sflag:s15], $0x800  }
0xd3: {  	s8 =	sld [smem:$0x7E9]  }
0xd4: {  	s9 =	sld [smem:$0x7EA];
	_ =	sdelay $0x1  }
0xd5: {  	s0 =	sand.u32 $0x7F, s8  }
0xd6: {  	[sflag:s15] =	ssyncset.done $0x0;
	v1 =	vor.u32 s0, v0;
	s0 =	sand.u32 $0x7F, s9  }
0xd7: {  	s10 =	sand.u32 $0x7F, s5;
	[sflag:s15] =	ssyncadd.s32 $0xFFFFF800;
	v2 =	vor.u32 s0, v0  }
0xd8: {  	v3 =	vor.u32 s10, v0;
	_ =	swait.ge [sflag:s15], $0x800  }
0xd9: {  	[sflag:s15] =	ssyncset.done $0x0  }
0xda: {  	s14 =	simm.s32 $0x1600;
	[sflag:s15] =	ssyncadd.s32 $0xFFFFF800  }
0xdb: {  	s21 =	simm.s32 $0x5600;
	v1 =	vld.idx.msk [tilespmem:v1+s14+$0x0], $0xffff  }
0xdc: {  	s5 =	simm.s32 $0x9600;
	v2 =	vld.idx.msk [tilespmem:v2+s21+$0x0], $0xffff  }
0xdd: {  	v3 =	vld.idx.msk [tilespmem:v3+s5+$0x0], $0xffff;
	_ =	sdelay $0x3  }
0xde: {  	v2 =	vmul.f32 v2, v1  }
0xdf: {  	v1 =	vmul.f32 v3, v1  }
0xe0: {  	(xrf2) =	vadd.scan.msk.f32 $0xffff, v2  }
0xe1: {  	(xrf2) =	vadd.scan.msk.f32 $0xffff, v1;
	_ =	sdelay $0x2  }
0xe2: {  	s23 =	sadd.s32 $0xFFFFFFF3, s22  }
0xe3: {  	v1 =	vmov s23  }
0xe4: {  	v1 =	vand.u32 $0xFFFFFFF2, v1  }
0xe5: {  	s6 =	sld [smem:$0x7EB];
	v1 =	vbroadcast v1, $0x0;
	_ =	sdelay $0x2  }
0xe6: {  	s4 =	sand.u32 $0xFFFFF80, s6;
	v2, _, _ =	vpop (xrf2)  }
0xe7: {  	s0 =	sadd.s32 s1, s4;
	s4 =	sld [smem:$0x7EC];
	v3, _, _ =	vpop (xrf2);
	v2 =	vbroadcast v2, $0xF  }
0xe8: {  	s3 =	simm.s32 $0xC600;
	v3 =	vbroadcast v3, $0xF  }
0xe9: {  	[tilespmem:v1+s3+$0x0] =	vst.idx.msk $0x1, v2  }
0xea: {  	s9 =	simm.s32 $0x1600;
	s10 =	sand.u32 $0xFFFFF80, s4;
	[tilespmem:v1+s24+$0x0] =	vst.idx.msk $0x1, v3  }
0xeb: {  	[tilespmem:s9], [sflag:$0x3] =	stream.strided.gather [hbm4b:s0+s12], $0x800, s13, s12, $0x38;
	[tilespmem:$0xCA00] =	vst v63  }
0xec: {  	s14 =	simm.s32 $0x5600;
	s21 =	sand.u32 $0xFFFFF80, s19;
	s0 =	sadd.s32 s2, s10  }
0xed: {  	[tilespmem:s14], [sflag:$0x3] =	stream.strided.gather [hbm4b:s0+s12], $0x800, s13, s12, $0x38;
	[tilespmem:$0xCA00] =	vst v63  }
0xee: {  	s16 =	simm.s32 $0x4;
	s0 =	sadd.s32 s2, s21  }
0xef: {  	[tilespmem:s5], [sflag:$0x3] =	stream.strided.gather [hbm4b:s0+s12], $0x800, s13, s12, $0x38;
	[tilespmem:$0xCA00] =	vst v63  }
0xf0: {  	_ =	swait.ge [sflag:s16], $0x800  }
0xf1: {  	[sflag:s16] =	ssyncset.done $0x0  }
0xf2: {  	[sflag:s16] =	ssyncadd.s32 $0xFFFFF800  }
0xf3: {  	_ =	swait.ge [sflag:s16], $0x800  }
0xf4: {  	s23 =	sld [smem:$0x7ED];
	_ =	sdelay $0x1  }
0xf5: {  	s26 =	sand.u32 $0x7F, s26  }
0xf6: {  	v2 =	vor.u32 s26, v0;
	[sflag:s16] =	ssyncset.done $0x0;
	s0 =	sand.u32 $0x7F, s23  }
0xf7: {  	s5 =	sand.u32 $0x7F, s7;
	[sflag:s16] =	ssyncadd.s32 $0xFFFFF800;
	v1 =	vor.u32 s0, v0  }
0xf8: {  	v3 =	vor.u32 s5, v0;
	_ =	swait.ge [sflag:s16], $0x800  }
0xf9: {  	[sflag:s16] =	ssyncset.done $0x0  }
0xfa: {  	s9 =	simm.s32 $0x5E00;
	[sflag:s16] =	ssyncadd.s32 $0xFFFFF800  }
0xfb: {  	s7 =	simm.s32 $0x1E00;
	v2 =	vld.idx.msk [tilespmem:v2+s9+$0x0], $0xffff  }
0xfc: {  	s10 =	simm.s32 $0x9E00;
	v1 =	vld.idx.msk [tilespmem:v1+s7+$0x0], $0xffff  }
0xfd: {  	v3 =	vld.idx.msk [tilespmem:v3+s10+$0x0], $0xffff;
	_ =	sdelay $0x3  }
0xfe: {  	v2 =	vmul.f32 v2, v1  }
0xff: {  	v1 =	vmul.f32 v3, v1  }
0x100: {  	(xrf2) =	vadd.scan.msk.f32 $0xffff, v2  }
0x101: {  	(xrf2) =	vadd.scan.msk.f32 $0xffff, v1;
	_ =	sdelay $0x2  }
0x102: {  	s14 =	sadd.s32 $0xFFFFFFF4, s22  }
0x103: {  	v1 =	vmov s14  }
0x104: {  	v1 =	vand.u32 $0xFFFFFFF3, v1  }
0x105: {  	v1 =	vbroadcast v1, $0x0;
	_ =	sdelay $0x2  }
0x106: {  	v2, _, _ =	vpop (xrf2)  }
0x107: {  	v3, _, _ =	vpop (xrf2);
	v2 =	vbroadcast v2, $0xF  }
0x108: {  	s3 =	smov.u32 s19;
	s19 =	simm.s32 $0xC600;
	s23 =	rddreg [dreg:$0x12];
	v3 =	vbroadcast v3, $0xF  }
0x109: {  	s0 =	sand.u32 $0xFFFFF80, s23;
	[tilespmem:v1+s19+$0x0] =	vst.idx.msk $0x1, v2  }
0x10a: {  	s26 =	simm.s32 $0x1E00;
	s0 =	sadd.s32 s1, s0;
	s7 =	rddreg [dreg:$0x13];
	[tilespmem:v1+s24+$0x0] =	vst.idx.msk $0x1, v3  }
0x10b: {  	[tilespmem:s26], [sflag:$0x4] =	stream.strided.gather [hbm4b:s0+s12], $0x800, s13, s12, $0x38;
	[tilespmem:$0xCA00] =	vst v63  }
0x10c: {  	s0 =	sand.u32 $0xFFFFF80, s7  }
0x10d: {  	s9 =	simm.s32 $0x5E00;
	s10 =	sand.u32 $0xFFFFF80, s20;
	s0 =	sadd.s32 s2, s0  }
0x10e: {  	[tilespmem:s9], [sflag:$0x4] =	stream.strided.gather [hbm4b:s0+s12], $0x800, s13, s12, $0x38;
	[tilespmem:$0xCA00] =	vst v63  }
0x10f: {  	s17 =	simm.s32 $0x5;
	s14 =	simm.s32 $0x9E00;
	s0 =	sadd.s32 s2, s10  }
0x110: {  	[tilespmem:s14], [sflag:$0x4] =	stream.strided.gather [hbm4b:s0+s12], $0x800, s13, s12, $0x38;
	[tilespmem:$0xCA00] =	vst v63  }
0x111: {  	_ =	swait.ge [sflag:s17], $0x800  }
0x112: {  	[sflag:s17] =	ssyncset.done $0x0  }
0x113: {  	[sflag:s17] =	ssyncadd.s32 $0xFFFFF800  }
0x114: {  	_ =	swait.ge [sflag:s17], $0x800  }
0x115: {  	s19 =	sld [smem:$0x7EE]  }
0x116: {  	s23 =	sld [smem:$0x7EF];
	_ =	sdelay $0x1  }
0x117: {  	s0 =	sand.u32 $0x7F, s19  }
0x118: {  	[sflag:s17] =	ssyncset.done $0x0;
	v1 =	vor.u32 s0, v0;
	s0 =	sand.u32 $0x7F, s23  }
0x119: {  	s26 =	sand.u32 $0x7F, s25;
	[sflag:s17] =	ssyncadd.s32 $0xFFFFF800;
	v2 =	vor.u32 s0, v0  }
0x11a: {  	v3 =	vor.u32 s26, v0;
	_ =	swait.ge [sflag:s17], $0x800  }
0x11b: {  	[sflag:s17] =	ssyncset.done $0x0  }
0x11c: {  	s5 =	simm.s32 $0x2600;
	[sflag:s17] =	ssyncadd.s32 $0xFFFFF800  }
0x11d: {  	s7 =	simm.s32 $0x6600;
	v1 =	vld.idx.msk [tilespmem:v1+s5+$0x0], $0xffff  }
0x11e: {  	s9 =	simm.s32 $0xA600;
	v2 =	vld.idx.msk [tilespmem:v2+s7+$0x0], $0xffff  }
0x11f: {  	v3 =	vld.idx.msk [tilespmem:v3+s9+$0x0], $0xffff;
	_ =	sdelay $0x3  }
0x120: {  	v2 =	vmul.f32 v2, v1  }
0x121: {  	v1 =	vmul.f32 v3, v1  }
0x122: {  	(xrf2) =	vadd.scan.msk.f32 $0xffff, v2  }
0x123: {  	(xrf2) =	vadd.scan.msk.f32 $0xffff, v1;
	_ =	sdelay $0x2  }
0x124: {  	s10 =	sadd.s32 $0xFFFFFFF5, s22  }
0x125: {  	v1 =	vmov s10  }
0x126: {  	v1 =	vand.u32 $0xFFFFFFF4, v1  }
0x127: {  	v1 =	vbroadcast v1, $0x0;
	_ =	sdelay $0x2  }
0x128: {  	v2, _, _ =	vpop (xrf2)  }
0x129: {  	s7 =	sld [smem:$0x7F0];
	v3, _, _ =	vpop (xrf2);
	v2 =	vbroadcast v2, $0xF  }
0x12a: {  	s14 =	simm.s32 $0xC600;
	s9 =	rddreg [dreg:$0x1a];
	v3 =	vbroadcast v3, $0xF  }
0x12b: {  	s19 =	sand.u32 $0xFFFFF80, s9;
	[tilespmem:v1+s14+$0x0] =	vst.idx.msk $0x1, v2  }
0x12c: {  	s23 =	simm.s32 $0x2600;
	s0 =	sadd.s32 s1, s19;
	s25 =	sand.u32 $0xFFFFF80, s7;
	[tilespmem:v1+s24+$0x0] =	vst.idx.msk $0x1, v3  }
0x12d: {  	[tilespmem:s23], [sflag:$0x5] =	stream.strided.gather [hbm4b:s0+s12], $0x800, s13, s12, $0x38;
	[tilespmem:$0xCA00] =	vst v63  }
0x12e: {  	s26 =	simm.s32 $0x6600;
	s10 =	sand.u32 $0xFFFFF80, s18;
	s0 =	sadd.s32 s2, s25  }
0x12f: {  	[tilespmem:s26], [sflag:$0x5] =	stream.strided.gather [hbm4b:s0+s12], $0x800, s13, s12, $0x38;
	[tilespmem:$0xCA00] =	vst v63  }
0x130: {  	s18 =	simm.s32 $0x6;
	s14 =	simm.s32 $0xA600;
	s0 =	sadd.s32 s2, s10  }
0x131: {  	[tilespmem:s14], [sflag:$0x5] =	stream.strided.gather [hbm4b:s0+s12], $0x800, s13, s12, $0x38;
	[tilespmem:$0xCA00] =	vst v63  }
0x132: {  	_ =	swait.ge [sflag:s18], $0x800  }
0x133: {  	[sflag:s18] =	ssyncset.done $0x0  }
0x134: {  	[sflag:s18] =	ssyncadd.s32 $0xFFFFF800  }
0x135: {  	_ =	swait.ge [sflag:s18], $0x800  }
0x136: {  	s19 =	sld [smem:$0x7F1]  }
0x137: {  	s23 =	sld [smem:$0x7F2];
	_ =	sdelay $0x1  }
0x138: {  	s0 =	sand.u32 $0x7F, s19  }
0x139: {  	[sflag:s18] =	ssyncset.done $0x0;
	v1 =	vor.u32 s0, v0;
	s0 =	sand.u32 $0x7F, s23  }
0x13a: {  	s25 =	sand.u32 $0x7F, s29;
	[sflag:s18] =	ssyncadd.s32 $0xFFFFF800;
	v2 =	vor.u32 s0, v0  }
0x13b: {  	v3 =	vor.u32 s25, v0;
	_ =	swait.ge [sflag:s18], $0x800  }
0x13c: {  	[sflag:s18] =	ssyncset.done $0x0  }
0x13d: {  	s26 =	simm.s32 $0x2E00;
	[sflag:s18] =	ssyncadd.s32 $0xFFFFF800  }
0x13e: {  	s5 =	simm.s32 $0x6E00;
	v1 =	vld.idx.msk [tilespmem:v1+s26+$0x0], $0xffff  }
0x13f: {  	s10 =	simm.s32 $0xAE00;
	v2 =	vld.idx.msk [tilespmem:v2+s5+$0x0], $0xffff  }
0x140: {  	v3 =	vld.idx.msk [tilespmem:v3+s10+$0x0], $0xffff;
	_ =	sdelay $0x3  }
0x141: {  	v2 =	vmul.f32 v2, v1  }
0x142: {  	v1 =	vmul.f32 v3, v1  }
0x143: {  	(xrf2) =	vadd.scan.msk.f32 $0xffff, v2  }
0x144: {  	(xrf2) =	vadd.scan.msk.f32 $0xffff, v1;
	_ =	sdelay $0x2  }
0x145: {  	s14 =	sadd.s32 $0xFFFFFFF6, s22  }
0x146: {  	v1 =	vmov s14  }
0x147: {  	v1 =	vand.u32 $0xFFFFFFF5, v1  }
0x148: {  	v1 =	vbroadcast v1, $0x0;
	_ =	sdelay $0x2  }
0x149: {  	v2, _, _ =	vpop (xrf2)  }
0x14a: {  	s25 =	rddreg [dreg:$0x18];
	v3, _, _ =	vpop (xrf2);
	v2 =	vbroadcast v2, $0xF  }
0x14b: {  	s19 =	simm.s32 $0xC600;
	s23 =	sand.u32 $0xFFFFF80, s25;
	v3 =	vbroadcast v3, $0xF  }
0x14c: {  	s0 =	sadd.s32 s1, s23;
	s23 =	rddreg [dreg:$0x19];
	[tilespmem:v1+s19+$0x0] =	vst.idx.msk $0x1, v2  }
0x14d: {  	s10 =	sand.u32 $0xFFFFF80, s23;
	s26 =	simm.s32 $0x2E00;
	[tilespmem:v1+s24+$0x0] =	vst.idx.msk $0x1, v3  }
0x14e: {  	[tilespmem:s26], [sflag:$0x6] =	stream.strided.gather [hbm4b:s0+s12], $0x800, s13, s12, $0x38;
	[tilespmem:$0xCA00] =	vst v63  }
0x14f: {  	s14 =	simm.s32 $0x6E00;
	s19 =	sand.u32 $0xFFFFF80, s11;
	s0 =	sadd.s32 s2, s10  }
0x150: {  	[tilespmem:s14], [sflag:$0x6] =	stream.strided.gather [hbm4b:s0+s12], $0x800, s13, s12, $0x38;
	[tilespmem:$0xCA00] =	vst v63  }
0x151: {  	s28 =	simm.s32 $0x7;
	s26 =	simm.s32 $0xAE00;
	s0 =	sadd.s32 s2, s19  }
0x152: {  	[tilespmem:s26], [sflag:$0x6] =	stream.strided.gather [hbm4b:s0+s12], $0x800, s13, s12, $0x38;
	[tilespmem:$0xCA00] =	vst v63  }
0x153: {  	_ =	swait.ge [sflag:s28], $0x800  }
0x154: {  	[sflag:s28] =	ssyncset.done $0x0  }
0x155: {  	[sflag:s28] =	ssyncadd.s32 $0xFFFFF800  }
0x156: {  	_ =	swait.ge [sflag:s28], $0x800  }
0x157: {  	s10 =	sld [smem:$0x7F3]  }
0x158: {  	s11 =	sld [smem:$0x7F4];
	_ =	sdelay $0x1  }
0x159: {  	s0 =	sand.u32 $0x7F, s10  }
0x15a: {  	[sflag:s28] =	ssyncset.done $0x0;
	v1 =	vor.u32 s0, v0;
	s0 =	sand.u32 $0x7F, s11  }
0x15b: {  	s14 =	sand.u32 $0x7F, s31;
	[sflag:s28] =	ssyncadd.s32 $0xFFFFF800;
	v2 =	vor.u32 s0, v0  }
0x15c: {  	v3 =	vor.u32 s14, v0;
	_ =	swait.ge [sflag:s28], $0x800  }
0x15d: {  	[sflag:s28] =	ssyncset.done $0x0  }
0x15e: {  	s19 =	simm.s32 $0x3600;
	[sflag:s28] =	ssyncadd.s32 $0xFFFFF800  }
0x15f: {  	s26 =	simm.s32 $0x7600;
	v1 =	vld.idx.msk [tilespmem:v1+s19+$0x0], $0xffff  }
0x160: {  	s31 =	simm.s32 $0xB600;
	v2 =	vld.idx.msk [tilespmem:v2+s26+$0x0], $0xffff  }
0x161: {  	v3 =	vld.idx.msk [tilespmem:v3+s31+$0x0], $0xffff;
	_ =	sdelay $0x3  }
0x162: {  	v2 =	vmul.f32 v2, v1  }
0x163: {  	v1 =	vmul.f32 v3, v1  }
0x164: {  	(xrf2) =	vadd.scan.msk.f32 $0xffff, v2  }
0x165: {  	(xrf2) =	vadd.scan.msk.f32 $0xffff, v1;
	_ =	sdelay $0x2  }
0x166: {  	s5 =	sadd.s32 $0xFFFFFFF7, s22  }
0x167: {  	v1 =	vmov s5  }
0x168: {  	v1 =	vand.u32 $0xFFFFFFF6, v1  }
0x169: {  	v1 =	vbroadcast v1, $0x0;
	_ =	sdelay $0x2  }
0x16a: {  	v2, _, _ =	vpop (xrf2)  }
0x16b: {  	s19 =	rddreg [dreg:$0x16];
	v3, _, _ =	vpop (xrf2);
	v2 =	vbroadcast v2, $0xF  }
0x16c: {  	s10 =	simm.s32 $0xC600;
	s30 =	sld [smem:$0x7F5];
	s11 =	sand.u32 $0xFFFFF80, s19;
	v3 =	vbroadcast v3, $0xF  }
0x16d: {  	s0 =	sadd.s32 s1, s11;
	s11 =	rddreg [dreg:$0x17];
	[tilespmem:v1+s10+$0x0] =	vst.idx.msk $0x1, v2  }
0x16e: {  	s14 =	simm.s32 $0x3600;
	s26 =	sand.u32 $0xFFFFF80, s11;
	[tilespmem:v1+s24+$0x0] =	vst.idx.msk $0x1, v3  }
0x16f: {  	[tilespmem:s14], [sflag:$0x7] =	stream.strided.gather [hbm4b:s0+s12], $0x800, s13, s12, $0x38;
	[tilespmem:$0xCA00] =	vst v63  }
0x170: {  	s31 =	simm.s32 $0x7600;
	s5 =	sand.u32 $0xFFFFF80, s30;
	s0 =	sadd.s32 s2, s26  }
0x171: {  	[tilespmem:s31], [sflag:$0x7] =	stream.strided.gather [hbm4b:s0+s12], $0x800, s13, s12, $0x38;
	[tilespmem:$0xCA00] =	vst v63  }
0x172: {  	s20 =	simm.s32 $0x8;
	s10 =	simm.s32 $0xB600;
	s0 =	sadd.s32 s2, s5  }
0x173: {  	[tilespmem:s10], [sflag:$0x7] =	stream.strided.gather [hbm4b:s0+s12], $0x800, s13, s12, $0x38;
	[tilespmem:$0xCA00] =	vst v63  }
0x174: {  	_ =	swait.ge [sflag:s20], $0x800  }
0x175: {  	[sflag:s20] =	ssyncset.done $0x0  }
0x176: {  	[sflag:s20] =	ssyncadd.s32 $0xFFFFF800  }
0x177: {  	_ =	swait.ge [sflag:s20], $0x800  }
0x178: {  	s26 =	rddreg [dreg:$0x1c]  }
0x179: {  	s31 =	rddreg [dreg:$0x1d];
	s0 =	sand.u32 $0x7F, s26  }
0x17a: {  	[sflag:s20] =	ssyncset.done $0x0;
	v1 =	vor.u32 s0, v0;
	s0 =	sand.u32 $0x7F, s31  }
0x17b: {  	s5 =	rddreg [dreg:$0x1e];
	[sflag:s20] =	ssyncadd.s32 $0xFFFFF800;
	v2 =	vor.u32 s0, v0  }
0x17c: {  	_ =	swait.ge [sflag:s20], $0x800;
	s0 =	sand.u32 $0x7F, s5  }
0x17d: {  	[sflag:s20] =	ssyncset.done $0x0;
	v3 =	vor.u32 s0, v0  }
0x17e: {  	s5 =	simm.s32 $0x3E00;
	[sflag:s20] =	ssyncadd.s32 $0xFFFFF800  }
0x17f: {  	s10 =	simm.s32 $0x7E00;
	v1 =	vld.idx.msk [tilespmem:v1+s5+$0x0], $0xffff  }
0x180: {  	v2 =	vld.idx.msk [tilespmem:v2+s10+$0x0], $0xffff  }
0x181: {  	s31 =	simm.s32 $0xBE00  }
0x182: {  	v3 =	vld.idx.msk [tilespmem:v3+s31+$0x0], $0xffff;
	_ =	sdelay $0x2  }
0x183: {  	v2 =	vmul.f32 v2, v1;
	_ =	sdelay $0x1  }
0x184: {  	v1 =	vmul.f32 v3, v1;
	(xrf2) =	vadd.scan.msk.f32 $0xffff, v2;
	_ =	sdelay $0x1  }
0x185: {  	(xrf2) =	vadd.scan.msk.f32 $0xffff, v1;
	_ =	sdelay $0x1  }
0x186: {  	s26 =	sadd.s32 $0xFFFFFFF8, s22  }
0x187: {  	v1 =	vmov s26  }
0x188: {  	v1 =	vand.u32 $0xFFFFFFF7, v1  }
0x189: {  	v1 =	vbroadcast v1, $0x0;
	_ =	sdelay $0x2  }
0x18a: {  	v2, _, _ =	vpop (xrf2)  }
0x18b: {  	v2 =	vbroadcast v2, $0xF  }
0x18c: {  	s10 =	simm.s32 $0xC600;
	v3, _, _ =	vpop (xrf2)  }
0x18d: {  	v3 =	vbroadcast v3, $0xF;
	[tilespmem:v1+s10+$0x0] =	vst.idx.msk $0x1, v2;
	s10 =	rddreg [dreg:$0x14]  }
0x18e: {  	s26 =	sand.u32 $0xFFFFF80, s10  }
0x18f: {  	[tilespmem:v1+s24+$0x0] =	vst.idx.msk $0x1, v3;
	s0 =	sadd.s32 s1, s26;
	s26 =	rddreg [dreg:$0x15]  }
0x190: {  	[tilespmem:s5], [sflag:$0x8] =	stream.strided.gather [hbm4b:s0+s12], $0x800, s13, s12, $0x38;
	[tilespmem:$0xCA00] =	vst v63  }
0x191: {  	s5 =	sand.u32 $0xFFFFF80, s26  }
0x192: {  	s0 =	sadd.s32 s2, s5;
	s5 =	simm.s32 $0x7E00  }
0x193: {  	[tilespmem:s5], [sflag:$0x8] =	stream.strided.gather [hbm4b:s0+s12], $0x800, s13, s12, $0x38;
	[tilespmem:$0xCA00] =	vst v63  }
0x194: {  	s5 =	rddreg [dreg:$0x1b]  }
0x195: {  	s0 =	sand.u32 $0xFFFFF80, s5  }
0x196: {  	s14 =	simm.s32 $0x1;
	s0 =	sadd.s32 s2, s0  }
0x197: {  	[tilespmem:s31], [sflag:$0x8] =	stream.strided.gather [hbm4b:s0+s12], $0x800, s13, s12, $0x38;
	[tilespmem:$0xCA00] =	vst v63  }
0x198: {  	_ =	swait.ge [sflag:s14], $0x800  }
0x199: {  	[sflag:s14] =	ssyncset.done $0x0  }
0x19a: {  	[sflag:s14] =	ssyncadd.s32 $0xFFFFF800  }
0x19b: {  	_ =	swait.ge [sflag:s14], $0x800  }
0x19c: {  	s0 =	rddreg [dreg:$0x1f]  }
0x19d: {  	s0 =	sand.u32 $0x7F, s0  }
0x19e: {  	v1 =	vor.u32 s0, v0;
	s0 =	sld [smem:$0x7F6];
	_ =	sdelay $0x2  }
0x19f: {  	s0 =	sand.u32 $0x7F, s0  }
0x1a0: {  	v2 =	vor.u32 s0, v0;
	s0 =	sld [smem:$0x7F7];
	_ =	sdelay $0x1  }
0x1a1: {  	[sflag:s14] =	ssyncset.done $0x0  }
0x1a2: {  	[sflag:s14] =	ssyncadd.s32 $0xFFFFF800;
	s0 =	sand.u32 $0x7F, s0  }
0x1a3: {  	_ =	swait.ge [sflag:s14], $0x800;
	v3 =	vor.u32 s0, v0  }
0x1a4: {  	[sflag:s14] =	ssyncset.done $0x0  }
0x1a5: {  	[sflag:s14] =	ssyncadd.s32 $0xFFFFF800;
	s0 =	simm.s32 $0x600  }
0x1a6: {  	s8 =	simm.s32 $0x4600;
	v1 =	vld.idx.msk [tilespmem:v1+s0+$0x0], $0xffff  }
0x1a7: {  	v2 =	vld.idx.msk [tilespmem:v2+s8+$0x0], $0xffff;
	s0 =	simm.s32 $0x8600  }
0x1a8: {  	v3 =	vld.idx.msk [tilespmem:v3+s0+$0x0], $0xffff;
	_ =	sdelay $0x3  }
0x1a9: {  	v2 =	vmul.f32 v2, v1  }
0x1aa: {  	v1 =	vmul.f32 v3, v1  }
0x1ab: {  	(xrf2) =	vadd.scan.msk.f32 $0xffff, v2  }
0x1ac: {  	(xrf2) =	vadd.scan.msk.f32 $0xffff, v1;
	_ =	sdelay $0x2  }
0x1ad: {  	s0 =	sadd.s32 $0xFFFFFFF9, s22  }
0x1ae: {  	v1 =	vmov s0  }
0x1af: {  	v1 =	vand.u32 $0xFFFFFFF8, v1  }
0x1b0: {  	v1 =	vbroadcast v1, $0x0;
	_ =	sdelay $0x2  }
0x1b1: {  	v2, _, _ =	vpop (xrf2)  }
0x1b2: {  	v2 =	vbroadcast v2, $0xF;
	v3, _, _ =	vpop (xrf2)  }
0x1b3: {  	s0 =	simm.s32 $0xC600;
	v3 =	vbroadcast v3, $0xF  }
0x1b4: {  	[tilespmem:v1+s0+$0x0] =	vst.idx.msk $0x1, v2  }
0x1b5: {  	s14 =	simm.s32 $0x2;
	[tilespmem:v1+s24+$0x0] =	vst.idx.msk $0x1, v3  }
0x1b6: {  	s8 =	rddreg [dreg:$0xf];
	_ =	swait.ge [sflag:s14], $0x800  }
0x1b7: {  	[sflag:s14] =	ssyncset.done $0x0  }
0x1b8: {  	[sflag:s14] =	ssyncadd.s32 $0xFFFFF800  }
0x1b9: {  	_ =	swait.ge [sflag:s14], $0x800  }
0x1ba: {  	s0 =	sld [smem:$0x7F8];
	_ =	sdelay $0x2  }
0x1bb: {  	s0 =	sand.u32 $0x7F, s0  }
0x1bc: {  	v1 =	vor.u32 s0, v0;
	s0 =	sld [smem:$0x7F9];
	_ =	sdelay $0x2  }
0x1bd: {  	s0 =	sand.u32 $0x7F, s0  }
0x1be: {  	v2 =	vor.u32 s0, v0;
	s0 =	sld [smem:$0x7FA];
	_ =	sdelay $0x1  }
0x1bf: {  	[sflag:s14] =	ssyncset.done $0x0  }
0x1c0: {  	[sflag:s14] =	ssyncadd.s32 $0xFFFFF800;
	s0 =	sand.u32 $0x7F, s0  }
0x1c1: {  	_ =	swait.ge [sflag:s14], $0x800;
	v3 =	vor.u32 s0, v0  }
0x1c2: {  	[sflag:s14] =	ssyncset.done $0x0  }
0x1c3: {  	[sflag:s14] =	ssyncadd.s32 $0xFFFFF800;
	s0 =	simm.s32 $0xE00  }
0x1c4: {  	v1 =	vld.idx.msk [tilespmem:v1+s0+$0x0], $0xffff;
	s0 =	simm.s32 $0x4E00  }
0x1c5: {  	v2 =	vld.idx.msk [tilespmem:v2+s0+$0x0], $0xffff;
	s0 =	simm.s32 $0x8E00  }
0x1c6: {  	v3 =	vld.idx.msk [tilespmem:v3+s0+$0x0], $0xffff;
	_ =	sdelay $0x3  }
0x1c7: {  	v2 =	vmul.f32 v2, v1  }
0x1c8: {  	v1 =	vmul.f32 v3, v1  }
0x1c9: {  	(xrf2) =	vadd.scan.msk.f32 $0xffff, v2  }
0x1ca: {  	(xrf2) =	vadd.scan.msk.f32 $0xffff, v1;
	_ =	sdelay $0x2  }
0x1cb: {  	s0 =	sadd.s32 $0xFFFFFFFA, s22  }
0x1cc: {  	v1 =	vmov s0  }
0x1cd: {  	v1 =	vand.u32 $0xFFFFFFF9, v1  }
0x1ce: {  	v1 =	vbroadcast v1, $0x0;
	_ =	sdelay $0x2  }
0x1cf: {  	v2, _, _ =	vpop (xrf2)  }
0x1d0: {  	v2 =	vbroadcast v2, $0xF;
	v3, _, _ =	vpop (xrf2)  }
0x1d1: {  	s0 =	simm.s32 $0xC600;
	v3 =	vbroadcast v3, $0xF  }
0x1d2: {  	[tilespmem:v1+s0+$0x0] =	vst.idx.msk $0x1, v2  }
0x1d3: {  	[tilespmem:v1+s24+$0x0] =	vst.idx.msk $0x1, v3  }
0x1d4: {  	_ =	swait.ge [sflag:s15], $0x800  }
0x1d5: {  	[sflag:s15] =	ssyncset.done $0x0  }
0x1d6: {  	[sflag:s15] =	ssyncadd.s32 $0xFFFFF800  }
0x1d7: {  	s6 =	sand.u32 $0x7F, s6;
	_ =	swait.ge [sflag:s15], $0x800  }
0x1d8: {  	s4 =	sand.u32 $0x7F, s4;
	v1 =	vor.u32 s6, v0;
	[sflag:s15] =	ssyncset.done $0x0  }
0x1d9: {  	v2 =	vor.u32 s4, v0;
	s6 =	sand.u32 $0x7F, s3;
	[sflag:s15] =	ssyncadd.s32 $0xFFFFF800  }
0x1da: {  	v3 =	vor.u32 s6, v0;
	_ =	swait.ge [sflag:s15], $0x800  }
0x1db: {  	[sflag:s15] =	ssyncset.done $0x0  }
0x1dc: {  	s29 =	simm.s32 $0x1600;
	[sflag:s15] =	ssyncadd.s32 $0xFFFFF800  }
0x1dd: {  	s15 =	simm.s32 $0x5600;
	v1 =	vld.idx.msk [tilespmem:v1+s29+$0x0], $0xffff  }
0x1de: {  	s21 =	simm.s32 $0x9600;
	v2 =	vld.idx.msk [tilespmem:v2+s15+$0x0], $0xffff  }
0x1df: {  	v3 =	vld.idx.msk [tilespmem:v3+s21+$0x0], $0xffff;
	_ =	sdelay $0x3  }
0x1e0: {  	v2 =	vmul.f32 v2, v1  }
0x1e1: {  	v1 =	vmul.f32 v3, v1  }
0x1e2: {  	(xrf2) =	vadd.scan.msk.f32 $0xffff, v2  }
0x1e3: {  	(xrf2) =	vadd.scan.msk.f32 $0xffff, v1;
	_ =	sdelay $0x2  }
0x1e4: {  	s21 =	sadd.s32 $0xFFFFFFFB, s22  }
0x1e5: {  	v1 =	vmov s21  }
0x1e6: {  	v1 =	vand.u32 $0xFFFFFFFA, v1  }
0x1e7: {  	v1 =	vbroadcast v1, $0x0;
	_ =	sdelay $0x2  }
0x1e8: {  	v2, _, _ =	vpop (xrf2)  }
0x1e9: {  	v3, _, _ =	vpop (xrf2);
	v2 =	vbroadcast v2, $0xF  }
0x1ea: {  	s29 =	simm.s32 $0xC600;
	v3 =	vbroadcast v3, $0xF  }
0x1eb: {  	[tilespmem:v1+s29+$0x0] =	vst.idx.msk $0x1, v2  }
0x1ec: {  	[tilespmem:v1+s24+$0x0] =	vst.idx.msk $0x1, v3  }
0x1ed: {  	_ =	swait.ge [sflag:s16], $0x800  }
0x1ee: {  	[sflag:s16] =	ssyncset.done $0x0  }
0x1ef: {  	[sflag:s16] =	ssyncadd.s32 $0xFFFFF800  }
0x1f0: {  	_ =	swait.ge [sflag:s16], $0x800  }
0x1f1: {  	s4 =	rddreg [dreg:$0x12]  }
0x1f2: {  	s21 =	sld [smem:$0x7FB]  }
0x1f3: {  	s15 =	rddreg [dreg:$0x13];
	s0 =	sand.u32 $0x7F, s4  }
0x1f4: {  	[sflag:s16] =	ssyncset.done $0x0;
	v1 =	vor.u32 s0, v0;
	s0 =	sand.u32 $0x7F, s15  }
0x1f5: {  	[sflag:s16] =	ssyncadd.s32 $0xFFFFF800;
	v2 =	vor.u32 s0, v0;
	s0 =	sand.u32 $0x7F, s21  }
0x1f6: {  	_ =	swait.ge [sflag:s16], $0x800;
	v3 =	vor.u32 s0, v0  }
0x1f7: {  	[sflag:s16] =	ssyncset.done $0x0  }
0x1f8: {  	s3 =	simm.s32 $0x1E00;
	[sflag:s16] =	ssyncadd.s32 $0xFFFFF800  }
0x1f9: {  	s6 =	simm.s32 $0x5E00;
	v1 =	vld.idx.msk [tilespmem:v1+s3+$0x0], $0xffff  }
0x1fa: {  	s29 =	simm.s32 $0x9E00;
	v2 =	vld.idx.msk [tilespmem:v2+s6+$0x0], $0xffff  }
0x1fb: {  	v3 =	vld.idx.msk [tilespmem:v3+s29+$0x0], $0xffff;
	_ =	sdelay $0x3  }
0x1fc: {  	v2 =	vmul.f32 v2, v1  }
0x1fd: {  	v1 =	vmul.f32 v3, v1  }
0x1fe: {  	(xrf2) =	vadd.scan.msk.f32 $0xffff, v2  }
0x1ff: {  	(xrf2) =	vadd.scan.msk.f32 $0xffff, v1;
	_ =	sdelay $0x2  }
0x200: {  	s16 =	smov.u32 s2;
	s2 =	sadd.s32 $0xFFFFFFFC, s22  }
0x201: {  	v1 =	vmov s2  }
0x202: {  	v1 =	vand.u32 $0xFFFFFFFB, v1  }
0x203: {  	v1 =	vbroadcast v1, $0x0;
	_ =	sdelay $0x2  }
0x204: {  	v2, _, _ =	vpop (xrf2)  }
0x205: {  	v3, _, _ =	vpop (xrf2);
	v2 =	vbroadcast v2, $0xF  }
0x206: {  	s4 =	simm.s32 $0xC600;
	v3 =	vbroadcast v3, $0xF  }
0x207: {  	[tilespmem:v1+s4+$0x0] =	vst.idx.msk $0x1, v2  }
0x208: {  	[tilespmem:v1+s24+$0x0] =	vst.idx.msk $0x1, v3  }
0x209: {  	_ =	swait.ge [sflag:s17], $0x800  }
0x20a: {  	[sflag:s17] =	ssyncset.done $0x0  }
0x20b: {  	[sflag:s17] =	ssyncadd.s32 $0xFFFFF800  }
0x20c: {  	_ =	swait.ge [sflag:s17], $0x800  }
0x20d: {  	s29 =	sld [smem:$0x7FC]  }
0x20e: {  	s15 =	sand.u32 $0x7F, s9  }
0x20f: {  	s21 =	sand.u32 $0x7F, s7;
	v1 =	vor.u32 s15, v0;
	[sflag:s17] =	ssyncset.done $0x0  }
0x210: {  	v2 =	vor.u32 s21, v0;
	[sflag:s17] =	ssyncadd.s32 $0xFFFFF800;
	s0 =	sand.u32 $0x7F, s29  }
0x211: {  	_ =	swait.ge [sflag:s17], $0x800;
	v3 =	vor.u32 s0, v0  }
0x212: {  	[sflag:s17] =	ssyncset.done $0x0  }
0x213: {  	s3 =	simm.s32 $0x2600;
	[sflag:s17] =	ssyncadd.s32 $0xFFFFF800  }
0x214: {  	s6 =	simm.s32 $0x6600;
	v1 =	vld.idx.msk [tilespmem:v1+s3+$0x0], $0xffff  }
0x215: {  	s7 =	simm.s32 $0xA600;
	v2 =	vld.idx.msk [tilespmem:v2+s6+$0x0], $0xffff  }
0x216: {  	v3 =	vld.idx.msk [tilespmem:v3+s7+$0x0], $0xffff;
	_ =	sdelay $0x3  }
0x217: {  	v2 =	vmul.f32 v2, v1  }
0x218: {  	v1 =	vmul.f32 v3, v1  }
0x219: {  	(xrf2) =	vadd.scan.msk.f32 $0xffff, v2  }
0x21a: {  	(xrf2) =	vadd.scan.msk.f32 $0xffff, v1;
	_ =	sdelay $0x2  }
0x21b: {  	s9 =	sadd.s32 $0xFFFFFFFD, s22  }
0x21c: {  	v1 =	vmov s9  }
0x21d: {  	v1 =	vand.u32 $0xFFFFFFFC, v1  }
0x21e: {  	v1 =	vbroadcast v1, $0x0;
	_ =	sdelay $0x2  }
0x21f: {  	v2, _, _ =	vpop (xrf2)  }
0x220: {  	v2 =	vbroadcast v2, $0xF;
	v3, _, _ =	vpop (xrf2)  }
0x221: {  	s15 =	simm.s32 $0xC600;
	v3 =	vbroadcast v3, $0xF  }
0x222: {  	[tilespmem:v1+s15+$0x0] =	vst.idx.msk $0x1, v2  }
0x223: {  	[tilespmem:v1+s24+$0x0] =	vst.idx.msk $0x1, v3  }
0x224: {  	_ =	swait.ge [sflag:s18], $0x800  }
0x225: {  	[sflag:s18] =	ssyncset.done $0x0  }
0x226: {  	[sflag:s18] =	ssyncadd.s32 $0xFFFFF800  }
0x227: {  	_ =	swait.ge [sflag:s18], $0x800  }
0x228: {  	s21 =	sand.u32 $0x7F, s23;
	s23 =	sld [smem:$0x7FD]  }
0x229: {  	s17 =	sand.u32 $0x7F, s25  }
0x22a: {  	v1 =	vor.u32 s17, v0;
	[sflag:s18] =	ssyncset.done $0x0  }
0x22b: {  	v2 =	vor.u32 s21, v0;
	[sflag:s18] =	ssyncadd.s32 $0xFFFFF800;
	s0 =	sand.u32 $0x7F, s23  }
0x22c: {  	_ =	swait.ge [sflag:s18], $0x800;
	v3 =	vor.u32 s0, v0  }
0x22d: {  	[sflag:s18] =	ssyncset.done $0x0  }
0x22e: {  	s4 =	simm.s32 $0x2E00;
	[sflag:s18] =	ssyncadd.s32 $0xFFFFF800  }
0x22f: {  	s2 =	simm.s32 $0x6E00;
	v1 =	vld.idx.msk [tilespmem:v1+s4+$0x0], $0xffff  }
0x230: {  	v2 =	vld.idx.msk [tilespmem:v2+s2+$0x0], $0xffff;
	s2 =	simm.s32 $0xAE00  }
0x231: {  	v3 =	vld.idx.msk [tilespmem:v3+s2+$0x0], $0xffff;
	_ =	sdelay $0x3  }
0x232: {  	v2 =	vmul.f32 v2, v1  }
0x233: {  	v1 =	vmul.f32 v3, v1  }
0x234: {  	(xrf2) =	vadd.scan.msk.f32 $0xffff, v2  }
0x235: {  	(xrf2) =	vadd.scan.msk.f32 $0xffff, v1;
	_ =	sdelay $0x2  }
0x236: {  	s4 =	sadd.s32 $0xFFFFFFFE, s22  }
0x237: {  	v1 =	vmov s4  }
0x238: {  	v1 =	vand.u32 $0xFFFFFFFD, v1  }
0x239: {  	v1 =	vbroadcast v1, $0x0;
	_ =	sdelay $0x2  }
0x23a: {  	v2, _, _ =	vpop (xrf2)  }
0x23b: {  	v2 =	vbroadcast v2, $0xF;
	v3, _, _ =	vpop (xrf2)  }
0x23c: {  	s7 =	simm.s32 $0xC600;
	v3 =	vbroadcast v3, $0xF  }
0x23d: {  	[tilespmem:v1+s7+$0x0] =	vst.idx.msk $0x1, v2  }
0x23e: {  	[tilespmem:v1+s24+$0x0] =	vst.idx.msk $0x1, v3  }
0x23f: {  	_ =	swait.ge [sflag:s28], $0x800  }
0x240: {  	[sflag:s28] =	ssyncset.done $0x0  }
0x241: {  	[sflag:s28] =	ssyncadd.s32 $0xFFFFF800  }
0x242: {  	s9 =	sand.u32 $0x7F, s19;
	_ =	swait.ge [sflag:s28], $0x800  }
0x243: {  	s11 =	sand.u32 $0x7F, s11;
	v1 =	vor.u32 s9, v0;
	[sflag:s28] =	ssyncset.done $0x0  }
0x244: {  	s15 =	sand.u32 $0x7F, s30;
	v2 =	vor.u32 s11, v0;
	[sflag:s28] =	ssyncadd.s32 $0xFFFFF800  }
0x245: {  	v3 =	vor.u32 s15, v0;
	_ =	swait.ge [sflag:s28], $0x800  }
0x246: {  	[sflag:s28] =	ssyncset.done $0x0  }
0x247: {  	s29 =	simm.s32 $0x3600;
	[sflag:s28] =	ssyncadd.s32 $0xFFFFF800  }
0x248: {  	s25 =	simm.s32 $0x7600;
	v1 =	vld.idx.msk [tilespmem:v1+s29+$0x0], $0xffff  }
0x249: {  	s18 =	simm.s32 $0xB600;
	v2 =	vld.idx.msk [tilespmem:v2+s25+$0x0], $0xffff  }
0x24a: {  	v3 =	vld.idx.msk [tilespmem:v3+s18+$0x0], $0xffff;
	_ =	sdelay $0x3  }
0x24b: {  	v2 =	vmul.f32 v2, v1  }
0x24c: {  	v1 =	vmul.f32 v3, v1  }
0x24d: {  	(xrf2) =	vadd.scan.msk.f32 $0xffff, v2  }
0x24e: {  	(xrf2) =	vadd.scan.msk.f32 $0xffff, v1;
	_ =	sdelay $0x2  }
0x24f: {  	s19 =	sadd.s32 $0xFFFFFFFF, s22  }
0x250: {  	v1 =	vmov s19  }
0x251: {  	v1 =	vand.u32 $0xFFFFFFFE, v1  }
0x252: {  	v1 =	vbroadcast v1, $0x0;
	_ =	sdelay $0x2  }
0x253: {  	v2, _, _ =	vpop (xrf2)  }
0x254: {  	v3, _, _ =	vpop (xrf2);
	v2 =	vbroadcast v2, $0xF  }
0x255: {  	s6 =	simm.s32 $0xC600;
	v3 =	vbroadcast v3, $0xF  }
0x256: {  	[tilespmem:v1+s6+$0x0] =	vst.idx.msk $0x1, v2  }
0x257: {  	[tilespmem:v1+s24+$0x0] =	vst.idx.msk $0x1, v3  }
0x258: {  	_ =	swait.ge [sflag:s20], $0x800  }
0x259: {  	[sflag:s20] =	ssyncset.done $0x0  }
0x25a: {  	[sflag:s20] =	ssyncadd.s32 $0xFFFFF800  }
0x25b: {  	s21 =	sand.u32 $0x7F, s10;
	_ =	swait.ge [sflag:s20], $0x800  }
0x25c: {  	s23 =	sand.u32 $0x7F, s26;
	v1 =	vor.u32 s21, v0;
	[sflag:s20] =	ssyncset.done $0x0  }
0x25d: {  	s25 =	sand.u32 $0x7F, s5;
	v2 =	vor.u32 s23, v0;
	[sflag:s20] =	ssyncadd.s32 $0xFFFFF800  }
0x25e: {  	v3 =	vor.u32 s25, v0;
	s26 =	rddreg [dreg:$0x10];
	_ =	swait.ge [sflag:s20], $0x800  }
0x25f: {  	[sflag:s20] =	ssyncset.done $0x0  }
0x260: {  	s28 =	simm.s32 $0x3E00;
	[sflag:s20] =	ssyncadd.s32 $0xFFFFF800  }
0x261: {  	s17 =	simm.s32 $0x7E00;
	v1 =	vld.idx.msk [tilespmem:v1+s28+$0x0], $0xffff  }
0x262: {  	s31 =	simm.s32 $0xBE00;
	v2 =	vld.idx.msk [tilespmem:v2+s17+$0x0], $0xffff  }
0x263: {  	v3 =	vld.idx.msk [tilespmem:v3+s31+$0x0], $0xffff;
	_ =	sdelay $0x3  }
0x264: {  	v2 =	vmul.f32 v2, v1  }
0x265: {  	v1 =	vmul.f32 v3, v1  }
0x266: {  	(xrf2) =	vadd.scan.msk.f32 $0xffff, v2  }
0x267: {  	(xrf2) =	vadd.scan.msk.f32 $0xffff, v1;
	_ =	sdelay $0x6  }
0x268: {  	v1 =	vmov s22  }
0x269: {  	p0 =	sne.s32 s22, $0x1FF  }
.Ltmp0:
0x26a: {  	v2, _, _ =	vpop (xrf2);
	(pc) =	sbr.rel @p0 .LBB2_2-.Ltmp0, $4  }
0x26b: {  	v3, _, _ =	vpop (xrf2);
	v2 =	vbroadcast v2, $0xF  }
0x26c: {  	s8 =	sadd.s32 $0x10, s8;
	v3 =	vbroadcast v3, $0xF  }
0x26d: {  	s30 =	simm.s32 $0x1;
	s9 =	simm.s32 $0xC800;
	s29 =	rddreg [dreg:$0x11];
	[tilespmem:v1+s6+$0x0] =	vst.idx.msk $0x1, v2  }
0x26e: {  	s0 =	sadd.s32 $0x10, s26;
	s3 =	sadd.s32 $0x10, s29;
	s22 =	sadd.s32 $0x10, s22;
	[tilespmem:v1+s24+$0x0] =	vst.idx.msk $0x1, v3  }
0x26f: {  	s22 =	simm.s32 $0x0;
	s0 =	rddreg [dreg:$0xb];
	s3 =	simm.s32 $0x9  }
0x270: {  	[hbm4b:s0+s22] =	stream.linear.scatter [tilespmem:s6], [sflag:$0x9], $0x200, $0x38;
	[tilespmem:$0xCA00] =	vst v63  }
0x271: {  	_ =	swait.ge [sflag:s3], $0x200  }
0x272: {  	[sflag:s3] =	ssyncset.done $0x0  }
0x273: {  	s28 =	rddreg [dreg:$0xc];
	[sflag:s3] =	ssyncadd.s32 $0xFFFFFE00  }
0x274: {  	[hbm4b:s28+s22] =	stream.linear.scatter [tilespmem:s9], [sflag:$0x9], $0x200, $0x38;
	[tilespmem:$0xCA00] =	vst v63  }
0x275: {  	_ =	swait.ge [sflag:s3], $0x200  }
0x276: {  	s29 =	rddreg [dreg:$0xe]  }
0x277: {  	s31 =	rddreg [dreg:$0xd];
	s6 =	sadd.s32 $0x1, s29  }
0x278: {  	p0 =	sne.s32 s6, s31  }
.Ltmp1:
0x279: {  	_ = 	snop;
	(pc) =	sbr.rel @p0 .LBB2_1-.Ltmp1, $3  }
0x27a: {  	_ =	sdelay $0x1  }
0x27b: {  	[sflag:s3] =	ssyncset.done $0x0  }
0x27c: {  	[sflag:s3] =	ssyncadd.s32 $0xFFFFFE00  }
0x27d: {  	_ =	sfence.sel $0x180000  }
0x27e: {  	[bflag:$0x0] =	sbarrier.arrive $0xFFFF  }
0x27f: {  	_ =	strace $0x90000047  }
0x280: {  	s0 =	stileid.u32;
	[bflag:$0x2] =	sbarrier.arrive $0xFFFF  }
0x281: {  	p0 =	sne.s32 s0, $0x0;
	s0 =	rddreg [dreg:$0x7]  }
0x282: {  	s0 =	sadd.s32 @!p0 $0x100000, s0  }
0x283: {  	[sflag:s0] =	ssyncadd.tile.s32 @!p0 $0x1;
	_ =	shalt  }
.Lfunc_end2:
_tile_overlayer_lowered:
.L_overlay_start_2:
0x284: {  	(tag) =	ssettag $0x2  }
0x285: {  	s0 =	rddreg [dreg:$0x0];
	s2 =	stileid.u32  }
0x286: {  	s1 =	rddreg [dreg:$0x1];
	p0 =	sne.s32 s2, $0x0  }
0x287: {  	s3 =	rddreg [dreg:$0x2];
	[bflag:$0x3] =	sbarrier.arrive $0xFFFF;
	s2 =	simm.s32 @!p0 $0x1C09  }
0x288: {  	[timem:s3], [sflag:s2] =	dma.local @!p0 [hbm:s0], s1  }
0x289: {  	s0 =	simm.s32 @!p0 $0x9  }
0x28a: {  	_ =	swait.ge @!p0 [sflag:s0], s1  }
0x28b: {  	s1 =	ssub.s32 @!p0 $0x0, s1;
	[sflag:s0] =	ssyncset.done @!p0 $0x0  }
0x28c: {  	[sflag:s0] =	ssyncadd.s32 @!p0 s1  }
0x28d: {  	[bflag:$0x3] =	sbarrier.arrive $0xFFFF  }
0x28e: {  	_ =	shalt  }

</sc_bundles>
